<compile_context>
chip_gen: v7x
topology: tpu7x:2x2x1
jax: 0.10.2.dev20260603
libtpu: 0.0.44.dev20260713+nightly
codegen_flags: <defaults>
</compile_context>

<pallas_src>
import functools

import jax
import jax.numpy as jnp
from jax import lax
from jax.experimental import pallas as pl
from jax.experimental.pallas import tpu as pltpu
from jax.experimental.pallas import tpu_sc as plsc

_NC, _NS, _LANES = 2, 16, 16
_NW = _NC * _NS

_B, _N = 2, 131072
_HWV = 512 * 512
_HWR = 256 * 256

_KB2 = 192
_KBC = 256
_CH = 24576
_ZROWS = 128
_NZ = 198
_CHP = _NZ * _ZROWS



def _dense_body(x_ref, wk_ref, wv_ref, w_ref, valp_ref):
    g, w = x_ref.shape[2], x_ref.shape[3]
    c = x_ref.shape[1]
    for i in range(g):
        x = x_ref[pl.ds(0, 1), :, pl.ds(i, 1), :].reshape(c, w)
        kt = lax.dot_general(x, wk_ref[...], (((0,), (1,)), ((), ())),
                             preferred_element_type=jnp.float32)
        s = lax.dot_general(jnp.tanh(kt), w_ref[...],
                            (((1,), (0,)), ((), ())),
                            preferred_element_type=jnp.float32)
        vt = lax.dot_general(x, wv_ref[...], (((0,), (1,)), ((), ())),
                             preferred_element_type=jnp.float32)
        pad = jnp.zeros((w, 63), jnp.float32)
        row = jnp.concatenate([vt, s, pad], axis=1)
        valp_ref[pl.ds(0, 1), pl.ds(i, 1), :, :] = row.reshape(1, 1, w, 128)


def _dense_stage(x, wk, wv, w_col, g):
    b, c, h, w = x.shape
    grid = (b, h // g)
    return pl.pallas_call(
        _dense_body,
        grid=grid,
        in_specs=[
            pl.BlockSpec((1, c, g, w), lambda i, j: (i, 0, j, 0)),
            pl.BlockSpec((64, c), lambda i, j: (0, 0)),
            pl.BlockSpec((64, c), lambda i, j: (0, 0)),
            pl.BlockSpec((64, 1), lambda i, j: (0, 0)),
        ],
        out_specs=pl.BlockSpec((1, g, w, 128), lambda i, j: (i, j, 0, 0)),
        out_shape=jax.ShapeDtypeStruct((b, h, w, 128), jnp.float32),
    )(x, wk, wv, w_col)



def _sc_gather_body(val0_hbm, val1_hbm, gv_hbm, gr_hbm,
                    fused_hbm,
                    idxva, idxra, idxvb, idxrb,
                    rows0a, rows1a, rows0b, rows1b,
                    coefa, fblk, sema, semb):
    wid = lax.axis_index("c") * _NS + lax.axis_index("s")
    npts = (_B * _N) // _NW
    nblk = npts // _KB2
    base = wid * npts
    iota = lax.iota(jnp.int32, _LANES)
    c64 = jnp.full((_LANES,), 64, jnp.int32)

    def fire(off, n, iv, ir, r0, r1, sem):
        pltpu.sync_copy(gv_hbm.at[pl.ds(off, n)], iv.at[pl.ds(0, n)])
        pltpu.sync_copy(gr_hbm.at[pl.ds(off, n)], ir.at[pl.ds(0, n)])
        for j0 in range(0, n, 128):
            m = min(128, n - j0)
            pltpu.async_copy(val0_hbm.at[iv.at[pl.ds(j0, m)]],
                             r0.at[pl.ds(j0, m)], sem)
            pltpu.async_copy(val1_hbm.at[ir.at[pl.ds(j0, m)]],
                             r1.at[pl.ds(j0, m)], sem)

    def drain(n, r0, r1, sem):
        pltpu.make_async_copy(val0_hbm.at[pl.ds(0, n)],
                              r0.at[pl.ds(0, n)], sem).wait()
        pltpu.make_async_copy(val0_hbm.at[pl.ds(0, n)],
                              r1.at[pl.ds(0, n)], sem).wait()

    def compute(off, n, r0, r1):
        def coef(g, c2):
            row = g * _LANES + iota
            s0 = plsc.load_gather(r0, [row, c64])
            s1 = plsc.load_gather(r1, [row, c64])
            coefa[pl.ds(g * _LANES, _LANES)] = 1.0 / (1.0 + jnp.exp(s1 - s0))
            return c2
        lax.fori_loop(0, n // _LANES, coef, 0)

        def pt(p, c3):
            a = coefa[pl.ds(p, _LANES)][0]
            av = jnp.full((_LANES,), a, jnp.float32)
            for c4 in range(4):
                sl = pl.ds(c4 * _LANES, _LANES)
                v0 = r0[p, sl]
                v1 = r1[p, sl]
                fblk[p, sl] = v1 + v1 + (v0 - v1) * av
            return c3
        lax.fori_loop(0, n, pt, 0)
        pltpu.sync_copy(fblk.at[pl.ds(0, n)], fused_hbm.at[pl.ds(off, n)])

    def boff(i):
        return pl.multiple_of(base + i * _KB2, 64)

    npair = (npts // _KB2) // 2
    ntail = npts - 2 * npair * _KB2

    fire(boff(0), _KB2, idxva, idxra, rows0a, rows1a, sema)

    def pair(k, carry):
        i0 = k * 2
        fire(boff(i0 + 1), _KB2, idxvb, idxrb, rows0b, rows1b, semb)
        drain(_KB2, rows0a, rows1a, sema)
        compute(boff(i0), _KB2, rows0a, rows1a)

        @pl.when(k < npair - 1)
        def _():
            fire(boff(i0 + 2), _KB2, idxva, idxra, rows0a, rows1a, sema)
        drain(_KB2, rows0b, rows1b, semb)
        compute(boff(i0 + 1), _KB2, rows0b, rows1b)
        return carry

    lax.fori_loop(0, npair, pair, 0)

    toff = pl.multiple_of(base + 2 * npair * _KB2, 64)
    fire(toff, ntail, idxva, idxra, rows0a, rows1a, sema)
    drain(ntail, rows0a, rows1a, sema)
    compute(toff, ntail, rows0a, rows1a)


def _sc_gather(val0_tbl, val1_tbl, gv1, gr1):
    mesh = plsc.VectorSubcoreMesh(core_axis_name="c", subcore_axis_name="s")
    fn = functools.partial(
        pl.kernel,
        out_type=jax.ShapeDtypeStruct((_B * _N, 64), jnp.float32),
        mesh=mesh,
        compiler_params=pltpu.CompilerParams(use_tc_tiling_on_sc=False,
                                             needs_layout_passes=False),
        scratch_types=[
            pltpu.VMEM((_KB2,), jnp.int32),
            pltpu.VMEM((_KB2,), jnp.int32),
            pltpu.VMEM((_KB2,), jnp.int32),
            pltpu.VMEM((_KB2,), jnp.int32),
            pltpu.VMEM((_KB2, 128), jnp.float32),
            pltpu.VMEM((_KB2, 128), jnp.float32),
            pltpu.VMEM((_KB2, 128), jnp.float32),
            pltpu.VMEM((_KB2, 128), jnp.float32),
            pltpu.VMEM((_KB2 + _LANES,), jnp.float32),
            pltpu.VMEM((_KB2, 64), jnp.float32),
            pltpu.SemaphoreType.DMA,
            pltpu.SemaphoreType.DMA,
        ],
    )(_sc_gather_body)
    return fn(val0_tbl, val1_tbl, gv1, gr1)



def _sc_scatter_body(fused_hbm, oidx_hbm, outt_hbm,
                     oidxb, adj0, adj1, fblk, zbuf, chunk):
    b = lax.axis_index("c")
    s = lax.axis_index("s")
    adjs = [adj0, adj1]

    def zr(r, c0):
        for c4 in range(4):
            zbuf[r, pl.ds(c4 * _LANES, _LANES)] = jnp.zeros((_LANES,),
                                                            jnp.float32)
        return c0
    lax.fori_loop(0, _ZROWS, zr, 0)

    nblk = (_N // _NS) // _KBC
    for c in range(3):
        cbase = c * _CH
        csize = _CH if c < 2 else _HWR - 2 * _CH

        for k in range(13):
            m = k * _NS + s

            @pl.when(m < _NZ)
            def _():
                zoff = pl.multiple_of(m * _ZROWS, _ZROWS)
                pltpu.sync_copy(zbuf, chunk.at[pl.ds(zoff, _ZROWS)])
        plsc.subcore_barrier()

        def blk(i, c1):
            off = pl.multiple_of(
                b * _N + s * (_N // _NS) + i * _KBC, _KBC)
            pltpu.sync_copy(oidx_hbm.at[pl.ds(off, _KBC)], oidxb)
            pltpu.sync_copy(fused_hbm.at[pl.ds(off, _KBC)], fblk)
            for j in range(_KBC // 128):
                for g in range(128 // _LANES):
                    sl = pl.ds(g * _LANES, _LANES)
                    oi = oidxb[pl.ds(j * 128 + g * _LANES, _LANES)]
                    rel = oi - cbase
                    msk = jnp.logical_and(rel >= 0, rel < csize)
                    trash = _CH + (oi & 127)
                    adjs[j][sl] = jnp.where(msk, rel, trash)
            for j in range(_KBC // 128):
                pltpu.sync_copy(fblk.at[pl.ds(j * 128, 128)],
                                chunk.at[adjs[j]], add=True)
            return c1
        lax.fori_loop(0, nblk, blk, 0)
        plsc.subcore_barrier()

        share = csize // _NS
        pltpu.sync_copy(
            chunk.at[pl.ds(pl.multiple_of(s * share, share), share)],
            outt_hbm.at[pl.ds(
                pl.multiple_of(b * _HWR + cbase + s * share, share), share)])
        plsc.subcore_barrier()


def _sc_scatter(fused, oidx1):
    mesh = plsc.VectorSubcoreMesh(core_axis_name="c", subcore_axis_name="s")
    fn = functools.partial(
        pl.kernel,
        out_type=jax.ShapeDtypeStruct((_B * _HWR, 64), jnp.float32),
        mesh=mesh,
        compiler_params=pltpu.CompilerParams(use_tc_tiling_on_sc=False),
        scratch_types=[
            pltpu.VMEM((_KBC,), jnp.int32),
            pltpu.VMEM((128,), jnp.int32),
            pltpu.VMEM((128,), jnp.int32),
            pltpu.VMEM((_KBC, 64), jnp.float32),
            pltpu.VMEM((_ZROWS, 64), jnp.float32),
            pltpu.VMEM_SHARED((_CHP, 64), jnp.float32),
        ],
    )(_sc_scatter_body)
    return fn(fused, oidx1)



def _trans_body(x_ref, o_ref):
    x = x_ref[0]
    r = lax.broadcasted_iota(jnp.int32, (64, 64), 0)
    cc = lax.broadcasted_iota(jnp.int32, (64, 64), 1)
    eye = (r == cc).astype(jnp.float32)
    o_ref[0] = lax.dot_general(eye, x, (((1,), (1,)), ((), ())),
                               preferred_element_type=jnp.float32)


def _trans_stage(x, tile):
    b, hw, c = x.shape
    grid = (b, hw // tile)
    return pl.pallas_call(
        _trans_body,
        grid=grid,
        in_specs=[pl.BlockSpec((1, tile, c), lambda i, j: (i, j, 0))],
        out_specs=pl.BlockSpec((1, c, tile), lambda i, j: (i, 0, j)),
        out_shape=jax.ShapeDtypeStruct((b, c, hw), jnp.float32),
    )(x)



def kernel(v_feat, r_feat, v2p_ind, r2p_ind, Wk0, Wv0, w0, Wk1, Wv1, w1):
    B = v_feat.shape[0]

    val0p = _dense_stage(v_feat, Wk0, Wv0, w0.reshape(64, 1), 8)
    val1p = _dense_stage(r_feat, Wk1, Wv1, w1.reshape(64, 1), 8)

    boffv = (jnp.arange(B, dtype=jnp.int32) * _HWV)[:, None]
    boffr = (jnp.arange(B, dtype=jnp.int32) * _HWR)[:, None]
    gv = (v2p_ind[..., 0] * 512 + v2p_ind[..., 1] + boffv).reshape(-1)
    gr = (r2p_ind[..., 0] * 256 + r2p_ind[..., 1] + boffr).reshape(-1)
    oidx = (r2p_ind[..., 0] * 256 + r2p_ind[..., 1]).reshape(-1)

    fused = _sc_gather(val0p.reshape(_B * _HWV, 128),
                       val1p.reshape(_B * _HWR, 128), gv, gr)

    outt = _sc_scatter(fused, oidx)

    out = _trans_stage(outt.reshape(B, _HWR, 64), 2048)
    return out.reshape(B, 64, 256, 256)

# --- scband reference (transcript-rebuilt; emitter-appended) ---
"""Pipeline reference for scband-attention-block2-14345190768932 (READ-ONLY COPY).

The authoritative reference and input builder live on the scoring server;
editing this copy changes nothing except your own understanding.
"""

import jax, jax.numpy as jnp
import numpy as np


def c2p_map(feat, ind):
    # feat: [B, C, H, W]; ind: [B, N, 2] (h, w) coords -> [B, C, N]
    B, C, H, W = feat.shape
    flat = feat.reshape(B, C, H * W)
    idx = ind[..., 0] * W + ind[..., 1]
    return jax.vmap(lambda f, i: jnp.take(f, i, axis=1))(flat, idx)


def p2c_map(x, ind, ref):
    # x: [B, C, N]; ind: [B, N, 2]; ref gives spatial shape -> [B, C, H, W]
    B, C, N = x.shape
    H, W = ref.shape[2], ref.shape[3]
    idx = ind[..., 0] * W + ind[..., 1]
    def scat(xb, ib):
        return jnp.zeros((C, H * W), xb.dtype).at[:, ib].add(xb)
    out = jax.vmap(scat)(x, idx)
    return out.reshape(B, C, H, W)


def attent1d(feats, Wks, Wvs, ws):
    n = len(feats)
    embs = [jnp.einsum('ec,bcn->ben', Wks[i], feats[i]) for i in range(n)]
    scores = jnp.stack([jnp.einsum('e,ben->bn', ws[i], jnp.tanh(embs[i])) for i in range(n)], axis=0)
    alpha = jax.nn.softmax(scores, axis=0)
    vals = [jnp.einsum('ec,bcn->ben', Wvs[i], feats[i]) for i in range(n)]
    fused = sum(alpha[i][:, None, :] * vals[i] for i in range(n))
    return [fused + vals[i] for i in range(n)]


def setup_inputs(seed: int = 0):
    key = jax.random.key(seed)
    ks = jax.random.split(key, 10)
    B, N = 2, 131072
    v_feat = jax.random.normal(ks[0], (B, 64, 512, 512), jnp.float32)
    r_feat = jax.random.normal(ks[1], (B, 20, 256, 256), jnp.float32)
    v2p_ind = jax.random.randint(ks[2], (B, N, 2), 0, 512, jnp.int32)
    r2p_ind = jax.random.randint(ks[3], (B, N, 2), 0, 256, jnp.int32)
    Wk0 = jax.random.normal(ks[4], (64, 64), jnp.float32) * (1.0 / np.sqrt(64.0))
    Wv0 = jax.random.normal(ks[5], (64, 64), jnp.float32) * (1.0 / np.sqrt(64.0))
    w0 = jax.random.normal(ks[6], (64,), jnp.float32) * (1.0 / np.sqrt(64.0))
    Wk1 = jax.random.normal(ks[7], (64, 20), jnp.float32) * (1.0 / np.sqrt(20.0))
    Wv1 = jax.random.normal(ks[8], (64, 20), jnp.float32) * (1.0 / np.sqrt(20.0))
    w1 = jax.random.normal(ks[9], (64,), jnp.float32) * (1.0 / np.sqrt(64.0))
    return {"v_feat": v_feat, "r_feat": r_feat, "v2p_ind": v2p_ind, "r2p_ind": r2p_ind,
            "Wk0": Wk0, "Wv0": Wv0, "w0": w0, "Wk1": Wk1, "Wv1": Wv1, "w1": w1}


def reference(v_feat, r_feat, v2p_ind, r2p_ind, Wk0, Wv0, w0, Wk1, Wv1, w1):
    # forward(feat_list=[v_feat, r_feat], v2p_ind, r2p_ind, os=1, unique_indices=None)
    # os=1 -> bundle_size = max(1, 0) = 1 -> v_feat_nodes == [v_feat_per_pt]
    v_pp = c2p_map(jax.lax.stop_gradient(v_feat), v2p_ind)  # .detach()
    r_pp = c2p_map(jax.lax.stop_gradient(r_feat), r2p_ind)  # .detach()
    outs = attent1d([v_pp, r_pp], [Wk0, Wk1], [Wv0, Wv1], [w0, w1])
    xr = outs[-1]
    xr_mapped = p2c_map(xr, r2p_ind, r_feat)
    # original returns [None, xr_mapped]; return the tensor output
    return xr_mapped

if __name__ == "__main__":
    import jax
    _d = setup_inputs()
    print(jax.jit(kernel)(*tuple(_d.values())))

</pallas_src>

<mosaic_0001>
#map = affine_map<(d0, d1) -> (0, 0)>
#map1 = affine_map<(d0, d1) -> (0)>
module attributes {stable_mosaic.version = 14 : i64} {
  func.func @_sc_scatter_body(%arg0: i32, %arg1: i32, %arg2: memref<262144x64xf32, #tpu.memory_space<hbm>>, %arg3: memref<262144xi32, #tpu.memory_space<hbm>>, %arg4: memref<131072x64xf32, #tpu.memory_space<hbm>>, %arg5: memref<256xi32, #tpu.memory_space<vmem>>, %arg6: memref<128xi32, #tpu.memory_space<vmem>>, %arg7: memref<128xi32, #tpu.memory_space<vmem>>, %arg8: memref<256x64xf32, #tpu.memory_space<vmem>>, %arg9: memref<128x64xf32, #tpu.memory_space<vmem>>, %arg10: memref<25344x64xf32, #tpu.memory_space<vmem_shared>>) attributes {dimension_semantics = [#tpu.dimension_semantics<core_parallel>, #tpu.dimension_semantics<subcore_parallel>], iteration_bounds = array<i64: 2, 16>, scalar_prefetch = 0 : i64, scratch_operands = 6 : i64, tpu.core_type = #tpu.core_type<sc_vector_subcore>, window_params = [{transform_indices = #map}, {transform_indices = #map1}, {transform_indices = #map}]} {
    %scan3A = arith.constant 0 : i32
    %scan3A_0 = arith.constant 0 : i32
    %scan3A_1 = arith.constant 128 : i32
    %scan3A_2 = arith.addi %scan3A_0, %scan3A_1 : i32
    %scan3A_3 = arith.constant 1 : i32
    scf.for %scan3A_331 = %scan3A_0 to %scan3A_2 step %scan3A_3  : i32 {
      %broadcast_in_dim3A = arith.constant 0.000000e+00 : f32
      %broadcast_in_dim3A_332 = vector.broadcast %broadcast_in_dim3A : f32 to vector<16xf32>
      %swap3A = arith.index_cast %scan3A_331 : i32 to index
      %swap3A_333 = arith.constant 0 : index
      %swap3A_334 = tpu.vector_load %arg9[%swap3A, %swap3A_333] {strides = array<i32>} : memref<128x64xf32, #tpu.memory_space<vmem>>, vector<1x16xf32>,
      %swap3A_335 = vector.shape_cast %swap3A_334 : vector<1x16xf32> to vector<16xf32>
      %swap3A_336 = vector.shape_cast %broadcast_in_dim3A_332 : vector<16xf32> to vector<1x16xf32>
      tpu.vector_store %arg9[%swap3A, %swap3A_333], %swap3A_336 {strides = array<i32>} : memref<128x64xf32, #tpu.memory_space<vmem>>, vector<1x16xf32>,
      %broadcast_in_dim3A_337 = arith.constant 0.000000e+00 : f32
      %broadcast_in_dim3A_338 = vector.broadcast %broadcast_in_dim3A_337 : f32 to vector<16xf32>
      %swap3A_339 = arith.index_cast %scan3A_331 : i32 to index
      %swap3A_340 = arith.constant 16 : index
      %swap3A_341 = tpu.vector_load %arg9[%swap3A_339, %swap3A_340] {strides = array<i32>} : memref<128x64xf32, #tpu.memory_space<vmem>>, vector<1x16xf32>,
      %swap3A_342 = vector.shape_cast %swap3A_341 : vector<1x16xf32> to vector<16xf32>
      %swap3A_343 = vector.shape_cast %broadcast_in_dim3A_338 : vector<16xf32> to vector<1x16xf32>
      tpu.vector_store %arg9[%swap3A_339, %swap3A_340], %swap3A_343 {strides = array<i32>} : memref<128x64xf32, #tpu.memory_space<vmem>>, vector<1x16xf32>,
      %broadcast_in_dim3A_344 = arith.constant 0.000000e+00 : f32
      %broadcast_in_dim3A_345 = vector.broadcast %broadcast_in_dim3A_344 : f32 to vector<16xf32>
      %swap3A_346 = arith.index_cast %scan3A_331 : i32 to index
      %swap3A_347 = arith.constant 32 : index
      %swap3A_348 = tpu.vector_load %arg9[%swap3A_346, %swap3A_347] {strides = array<i32>} : memref<128x64xf32, #tpu.memory_space<vmem>>, vector<1x16xf32>,
      %swap3A_349 = vector.shape_cast %swap3A_348 : vector<1x16xf32> to vector<16xf32>
      %swap3A_350 = vector.shape_cast %broadcast_in_dim3A_345 : vector<16xf32> to vector<1x16xf32>
      tpu.vector_store %arg9[%swap3A_346, %swap3A_347], %swap3A_350 {strides = array<i32>} : memref<128x64xf32, #tpu.memory_space<vmem>>, vector<1x16xf32>,
      %broadcast_in_dim3A_351 = arith.constant 0.000000e+00 : f32
      %broadcast_in_dim3A_352 = vector.broadcast %broadcast_in_dim3A_351 : f32 to vector<16xf32>
      %swap3A_353 = arith.index_cast %scan3A_331 : i32 to index
      %swap3A_354 = arith.constant 48 : index
      %swap3A_355 = tpu.vector_load %arg9[%swap3A_353, %swap3A_354] {strides = array<i32>} : memref<128x64xf32, #tpu.memory_space<vmem>>, vector<1x16xf32>,
      %swap3A_356 = vector.shape_cast %swap3A_355 : vector<1x16xf32> to vector<16xf32>
      %swap3A_357 = vector.shape_cast %broadcast_in_dim3A_352 : vector<16xf32> to vector<1x16xf32>
      tpu.vector_store %arg9[%swap3A_353, %swap3A_354], %swap3A_357 {strides = array<i32>} : memref<128x64xf32, #tpu.memory_space<vmem>>, vector<1x16xf32>,
    }
    %scan3A_4 = arith.constant 128 : i32
    %add3A = arith.constant 0 : i32
    %add3A_5 = arith.addi %add3A, %arg1 : i32
    %lt3A = arith.constant 198 : i32
    %lt3A_6 = arith.cmpi slt, %add3A_5, %lt3A : i32
    %convert_element_type3A = arith.extui %lt3A_6 : i1 to i32
    %cond3A = arith.constant 0 : i32
    %cond3A_7 = arith.cmpi ne, %convert_element_type3A, %cond3A : i32
    scf.if %cond3A_7 {
      %mul3A_331 = arith.constant 128 : i32
      %mul3A_332 = arith.muli %add3A_5, %mul3A_331 : i32
      %multiple_of3A_333 = tpu.assume_multiple %mul3A_332, 128 : i32
      "tpu.region"() ({
        %run_scoped3A = tpu.sem_alloc : memref<!tpu.dma_semaphore, #tpu.memory_space<semaphore_mem>>
        %dma_start3A = arith.constant 0 : i32
        %dma_start3A_334 = tpu.memref_slice %arg10[%multiple_of3A_333, %dma_start3A] : memref<25344x64xf32, #tpu.memory_space<vmem_shared>> -> memref<128x64xf32, #tpu.memory_space<vmem_shared>>
        %dma_start3A_335 = arith.constant 0 : i32
        %dma_start3A_336 = tpu.memref_slice %arg10[%multiple_of3A_333, %dma_start3A_335] : memref<25344x64xf32, #tpu.memory_space<vmem_shared>> -> memref<128x64xf32, #tpu.memory_space<vmem_shared>>
        tpu.enqueue_dma source(%arg9 : memref<128x64xf32, #tpu.memory_space<vmem>>) target(%dma_start3A_336 : memref<128x64xf32, #tpu.memory_space<vmem_shared>>) target_semaphore(%run_scoped3A : memref<!tpu.dma_semaphore, #tpu.memory_space<semaphore_mem>>)
        %dma_wait3A = arith.constant 0 : i32
        %dma_wait3A_337 = tpu.memref_slice %arg10[%multiple_of3A_333, %dma_wait3A] : memref<25344x64xf32, #tpu.memory_space<vmem_shared>> -> memref<128x64xf32, #tpu.memory_space<vmem_shared>>
        %dma_wait3A_338 = arith.constant 0 : i32
        %dma_wait3A_339 = tpu.memref_slice %arg10[%multiple_of3A_333, %dma_wait3A_338] : memref<25344x64xf32, #tpu.memory_space<vmem_shared>> -> memref<128x64xf32, #tpu.memory_space<vmem_shared>>
        tpu.wait_dma2 semaphore(%run_scoped3A : memref<!tpu.dma_semaphore, #tpu.memory_space<semaphore_mem>>) src(%arg9 : memref<128x64xf32, #tpu.memory_space<vmem>>) dst(%dma_wait3A_339 : memref<128x64xf32, #tpu.memory_space<vmem_shared>>)
        tpu.yield
      }) : () -> ()
    } else {
    }
    %add3A_8 = arith.constant 16 : i32
    %add3A_9 = arith.addi %add3A_8, %arg1 : i32
    %lt3A_10 = arith.constant 198 : i32
    %lt3A_11 = arith.cmpi slt, %add3A_9, %lt3A_10 : i32
    %convert_element_type3A_12 = arith.extui %lt3A_11 : i1 to i32
    %cond3A_13 = arith.constant 0 : i32
    %cond3A_14 = arith.cmpi ne, %convert_element_type3A_12, %cond3A_13 : i32
    scf.if %cond3A_14 {
      %mul3A_331 = arith.constant 128 : i32
      %mul3A_332 = arith.muli %add3A_9, %mul3A_331 : i32
      %multiple_of3A_333 = tpu.assume_multiple %mul3A_332, 128 : i32
      "tpu.region"() ({
        %run_scoped3A = tpu.sem_alloc : memref<!tpu.dma_semaphore, #tpu.memory_space<semaphore_mem>>
        %dma_start3A = arith.constant 0 : i32
        %dma_start3A_334 = tpu.memref_slice %arg10[%multiple_of3A_333, %dma_start3A] : memref<25344x64xf32, #tpu.memory_space<vmem_shared>> -> memref<128x64xf32, #tpu.memory_space<vmem_shared>>
        %dma_start3A_335 = arith.constant 0 : i32
        %dma_start3A_336 = tpu.memref_slice %arg10[%multiple_of3A_333, %dma_start3A_335] : memref<25344x64xf32, #tpu.memory_space<vmem_shared>> -> memref<128x64xf32, #tpu.memory_space<vmem_shared>>
        tpu.enqueue_dma source(%arg9 : memref<128x64xf32, #tpu.memory_space<vmem>>) target(%dma_start3A_336 : memref<128x64xf32, #tpu.memory_space<vmem_shared>>) target_semaphore(%run_scoped3A : memref<!tpu.dma_semaphore, #tpu.memory_space<semaphore_mem>>)
        %dma_wait3A = arith.constant 0 : i32
        %dma_wait3A_337 = tpu.memref_slice %arg10[%multiple_of3A_333, %dma_wait3A] : memref<25344x64xf32, #tpu.memory_space<vmem_shared>> -> memref<128x64xf32, #tpu.memory_space<vmem_shared>>
        %dma_wait3A_338 = arith.constant 0 : i32
        %dma_wait3A_339 = tpu.memref_slice %arg10[%multiple_of3A_333, %dma_wait3A_338] : memref<25344x64xf32, #tpu.memory_space<vmem_shared>> -> memref<128x64xf32, #tpu.memory_space<vmem_shared>>
        tpu.wait_dma2 semaphore(%run_scoped3A : memref<!tpu.dma_semaphore, #tpu.memory_space<semaphore_mem>>) src(%arg9 : memref<128x64xf32, #tpu.memory_space<vmem>>) dst(%dma_wait3A_339 : memref<128x64xf32, #tpu.memory_space<vmem_shared>>)
        tpu.yield
      }) : () -> ()
    } else {
    }
    %add3A_15 = arith.constant 32 : i32
    %add3A_16 = arith.addi %add3A_15, %arg1 : i32
    %lt3A_17 = arith.constant 198 : i32
    %lt3A_18 = arith.cmpi slt, %add3A_16, %lt3A_17 : i32
    %convert_element_type3A_19 = arith.extui %lt3A_18 : i1 to i32
    %cond3A_20 = arith.constant 0 : i32
    %cond3A_21 = arith.cmpi ne, %convert_element_type3A_19, %cond3A_20 : i32
    scf.if %cond3A_21 {
      %mul3A_331 = arith.constant 128 : i32
      %mul3A_332 = arith.muli %add3A_16, %mul3A_331 : i32
      %multiple_of3A_333 = tpu.assume_multiple %mul3A_332, 128 : i32
      "tpu.region"() ({
        %run_scoped3A = tpu.sem_alloc : memref<!tpu.dma_semaphore, #tpu.memory_space<semaphore_mem>>
        %dma_start3A = arith.constant 0 : i32
        %dma_start3A_334 = tpu.memref_slice %arg10[%multiple_of3A_333, %dma_start3A] : memref<25344x64xf32, #tpu.memory_space<vmem_shared>> -> memref<128x64xf32, #tpu.memory_space<vmem_shared>>
        %dma_start3A_335 = arith.constant 0 : i32
        %dma_start3A_336 = tpu.memref_slice %arg10[%multiple_of3A_333, %dma_start3A_335] : memref<25344x64xf32, #tpu.memory_space<vmem_shared>> -> memref<128x64xf32, #tpu.memory_space<vmem_shared>>
        tpu.enqueue_dma source(%arg9 : memref<128x64xf32, #tpu.memory_space<vmem>>) target(%dma_start3A_336 : memref<128x64xf32, #tpu.memory_space<vmem_shared>>) target_semaphore(%run_scoped3A : memref<!tpu.dma_semaphore, #tpu.memory_space<semaphore_mem>>)
        %dma_wait3A = arith.constant 0 : i32
        %dma_wait3A_337 = tpu.memref_slice %arg10[%multiple_of3A_333, %dma_wait3A] : memref<25344x64xf32, #tpu.memory_space<vmem_shared>> -> memref<128x64xf32, #tpu.memory_space<vmem_shared>>
        %dma_wait3A_338 = arith.constant 0 : i32
        %dma_wait3A_339 = tpu.memref_slice %arg10[%multiple_of3A_333, %dma_wait3A_338] : memref<25344x64xf32, #tpu.memory_space<vmem_shared>> -> memref<128x64xf32, #tpu.memory_space<vmem_shared>>
        tpu.wait_dma2 semaphore(%run_scoped3A : memref<!tpu.dma_semaphore, #tpu.memory_space<semaphore_mem>>) src(%arg9 : memref<128x64xf32, #tpu.memory_space<vmem>>) dst(%dma_wait3A_339 : memref<128x64xf32, #tpu.memory_space<vmem_shared>>)
        tpu.yield
      }) : () -> ()
    } else {
    }
    %add3A_22 = arith.constant 48 : i32
    %add3A_23 = arith.addi %add3A_22, %arg1 : i32
    %lt3A_24 = arith.constant 198 : i32
    %lt3A_25 = arith.cmpi slt, %add3A_23, %lt3A_24 : i32
    %convert_element_type3A_26 = arith.extui %lt3A_25 : i1 to i32
    %cond3A_27 = arith.constant 0 : i32
    %cond3A_28 = arith.cmpi ne, %convert_element_type3A_26, %cond3A_27 : i32
    scf.if %cond3A_28 {
      %mul3A_331 = arith.constant 128 : i32
      %mul3A_332 = arith.muli %add3A_23, %mul3A_331 : i32
      %multiple_of3A_333 = tpu.assume_multiple %mul3A_332, 128 : i32
      "tpu.region"() ({
        %run_scoped3A = tpu.sem_alloc : memref<!tpu.dma_semaphore, #tpu.memory_space<semaphore_mem>>
        %dma_start3A = arith.constant 0 : i32
        %dma_start3A_334 = tpu.memref_slice %arg10[%multiple_of3A_333, %dma_start3A] : memref<25344x64xf32, #tpu.memory_space<vmem_shared>> -> memref<128x64xf32, #tpu.memory_space<vmem_shared>>
        %dma_start3A_335 = arith.constant 0 : i32
        %dma_start3A_336 = tpu.memref_slice %arg10[%multiple_of3A_333, %dma_start3A_335] : memref<25344x64xf32, #tpu.memory_space<vmem_shared>> -> memref<128x64xf32, #tpu.memory_space<vmem_shared>>
        tpu.enqueue_dma source(%arg9 : memref<128x64xf32, #tpu.memory_space<vmem>>) target(%dma_start3A_336 : memref<128x64xf32, #tpu.memory_space<vmem_shared>>) target_semaphore(%run_scoped3A : memref<!tpu.dma_semaphore, #tpu.memory_space<semaphore_mem>>)
        %dma_wait3A = arith.constant 0 : i32
        %dma_wait3A_337 = tpu.memref_slice %arg10[%multiple_of3A_333, %dma_wait3A] : memref<25344x64xf32, #tpu.memory_space<vmem_shared>> -> memref<128x64xf32, #tpu.memory_space<vmem_shared>>
        %dma_wait3A_338 = arith.constant 0 : i32
        %dma_wait3A_339 = tpu.memref_slice %arg10[%multiple_of3A_333, %dma_wait3A_338] : memref<25344x64xf32, #tpu.memory_space<vmem_shared>> -> memref<128x64xf32, #tpu.memory_space<vmem_shared>>
        tpu.wait_dma2 semaphore(%run_scoped3A : memref<!tpu.dma_semaphore, #tpu.memory_space<semaphore_mem>>) src(%arg9 : memref<128x64xf32, #tpu.memory_space<vmem>>) dst(%dma_wait3A_339 : memref<128x64xf32, #tpu.memory_space<vmem_shared>>)
        tpu.yield
      }) : () -> ()
    } else {
    }
    %add3A_29 = arith.constant 64 : i32
    %add3A_30 = arith.addi %add3A_29, %arg1 : i32
    %lt3A_31 = arith.constant 198 : i32
    %lt3A_32 = arith.cmpi slt, %add3A_30, %lt3A_31 : i32
    %convert_element_type3A_33 = arith.extui %lt3A_32 : i1 to i32
    %cond3A_34 = arith.constant 0 : i32
    %cond3A_35 = arith.cmpi ne, %convert_element_type3A_33, %cond3A_34 : i32
    scf.if %cond3A_35 {
      %mul3A_331 = arith.constant 128 : i32
      %mul3A_332 = arith.muli %add3A_30, %mul3A_331 : i32
      %multiple_of3A_333 = tpu.assume_multiple %mul3A_332, 128 : i32
      "tpu.region"() ({
        %run_scoped3A = tpu.sem_alloc : memref<!tpu.dma_semaphore, #tpu.memory_space<semaphore_mem>>
        %dma_start3A = arith.constant 0 : i32
        %dma_start3A_334 = tpu.memref_slice %arg10[%multiple_of3A_333, %dma_start3A] : memref<25344x64xf32, #tpu.memory_space<vmem_shared>> -> memref<128x64xf32, #tpu.memory_space<vmem_shared>>
        %dma_start3A_335 = arith.constant 0 : i32
        %dma_start3A_336 = tpu.memref_slice %arg10[%multiple_of3A_333, %dma_start3A_335] : memref<25344x64xf32, #tpu.memory_space<vmem_shared>> -> memref<128x64xf32, #tpu.memory_space<vmem_shared>>
        tpu.enqueue_dma source(%arg9 : memref<128x64xf32, #tpu.memory_space<vmem>>) target(%dma_start3A_336 : memref<128x64xf32, #tpu.memory_space<vmem_shared>>) target_semaphore(%run_scoped3A : memref<!tpu.dma_semaphore, #tpu.memory_space<semaphore_mem>>)
        %dma_wait3A = arith.constant 0 : i32
        %dma_wait3A_337 = tpu.memref_slice %arg10[%multiple_of3A_333, %dma_wait3A] : memref<25344x64xf32, #tpu.memory_space<vmem_shared>> -> memref<128x64xf32, #tpu.memory_space<vmem_shared>>
        %dma_wait3A_338 = arith.constant 0 : i32
        %dma_wait3A_339 = tpu.memref_slice %arg10[%multiple_of3A_333, %dma_wait3A_338] : memref<25344x64xf32, #tpu.memory_space<vmem_shared>> -> memref<128x64xf32, #tpu.memory_space<vmem_shared>>
        tpu.wait_dma2 semaphore(%run_scoped3A : memref<!tpu.dma_semaphore, #tpu.memory_space<semaphore_mem>>) src(%arg9 : memref<128x64xf32, #tpu.memory_space<vmem>>) dst(%dma_wait3A_339 : memref<128x64xf32, #tpu.memory_space<vmem_shared>>)
        tpu.yield
      }) : () -> ()
    } else {
    }
    %add3A_36 = arith.constant 80 : i32
    %add3A_37 = arith.addi %add3A_36, %arg1 : i32
    %lt3A_38 = arith.constant 198 : i32
    %lt3A_39 = arith.cmpi slt, %add3A_37, %lt3A_38 : i32
    %convert_element_type3A_40 = arith.extui %lt3A_39 : i1 to i32
    %cond3A_41 = arith.constant 0 : i32
    %cond3A_42 = arith.cmpi ne, %convert_element_type3A_40, %cond3A_41 : i32
    scf.if %cond3A_42 {
      %mul3A_331 = arith.constant 128 : i32
      %mul3A_332 = arith.muli %add3A_37, %mul3A_331 : i32
      %multiple_of3A_333 = tpu.assume_multiple %mul3A_332, 128 : i32
      "tpu.region"() ({
        %run_scoped3A = tpu.sem_alloc : memref<!tpu.dma_semaphore, #tpu.memory_space<semaphore_mem>>
        %dma_start3A = arith.constant 0 : i32
        %dma_start3A_334 = tpu.memref_slice %arg10[%multiple_of3A_333, %dma_start3A] : memref<25344x64xf32, #tpu.memory_space<vmem_shared>> -> memref<128x64xf32, #tpu.memory_space<vmem_shared>>
        %dma_start3A_335 = arith.constant 0 : i32
        %dma_start3A_336 = tpu.memref_slice %arg10[%multiple_of3A_333, %dma_start3A_335] : memref<25344x64xf32, #tpu.memory_space<vmem_shared>> -> memref<128x64xf32, #tpu.memory_space<vmem_shared>>
        tpu.enqueue_dma source(%arg9 : memref<128x64xf32, #tpu.memory_space<vmem>>) target(%dma_start3A_336 : memref<128x64xf32, #tpu.memory_space<vmem_shared>>) target_semaphore(%run_scoped3A : memref<!tpu.dma_semaphore, #tpu.memory_space<semaphore_mem>>)
        %dma_wait3A = arith.constant 0 : i32
        %dma_wait3A_337 = tpu.memref_slice %arg10[%multiple_of3A_333, %dma_wait3A] : memref<25344x64xf32, #tpu.memory_space<vmem_shared>> -> memref<128x64xf32, #tpu.memory_space<vmem_shared>>
        %dma_wait3A_338 = arith.constant 0 : i32
        %dma_wait3A_339 = tpu.memref_slice %arg10[%multiple_of3A_333, %dma_wait3A_338] : memref<25344x64xf32, #tpu.memory_space<vmem_shared>> -> memref<128x64xf32, #tpu.memory_space<vmem_shared>>
        tpu.wait_dma2 semaphore(%run_scoped3A : memref<!tpu.dma_semaphore, #tpu.memory_space<semaphore_mem>>) src(%arg9 : memref<128x64xf32, #tpu.memory_space<vmem>>) dst(%dma_wait3A_339 : memref<128x64xf32, #tpu.memory_space<vmem_shared>>)
        tpu.yield
      }) : () -> ()
    } else {
    }
    %add3A_43 = arith.constant 96 : i32
    %add3A_44 = arith.addi %add3A_43, %arg1 : i32
    %lt3A_45 = arith.constant 198 : i32
    %lt3A_46 = arith.cmpi slt, %add3A_44, %lt3A_45 : i32
    %convert_element_type3A_47 = arith.extui %lt3A_46 : i1 to i32
    %cond3A_48 = arith.constant 0 : i32
    %cond3A_49 = arith.cmpi ne, %convert_element_type3A_47, %cond3A_48 : i32
    scf.if %cond3A_49 {
      %mul3A_331 = arith.constant 128 : i32
      %mul3A_332 = arith.muli %add3A_44, %mul3A_331 : i32
      %multiple_of3A_333 = tpu.assume_multiple %mul3A_332, 128 : i32
      "tpu.region"() ({
        %run_scoped3A = tpu.sem_alloc : memref<!tpu.dma_semaphore, #tpu.memory_space<semaphore_mem>>
        %dma_start3A = arith.constant 0 : i32
        %dma_start3A_334 = tpu.memref_slice %arg10[%multiple_of3A_333, %dma_start3A] : memref<25344x64xf32, #tpu.memory_space<vmem_shared>> -> memref<128x64xf32, #tpu.memory_space<vmem_shared>>
        %dma_start3A_335 = arith.constant 0 : i32
        %dma_start3A_336 = tpu.memref_slice %arg10[%multiple_of3A_333, %dma_start3A_335] : memref<25344x64xf32, #tpu.memory_space<vmem_shared>> -> memref<128x64xf32, #tpu.memory_space<vmem_shared>>
        tpu.enqueue_dma source(%arg9 : memref<128x64xf32, #tpu.memory_space<vmem>>) target(%dma_start3A_336 : memref<128x64xf32, #tpu.memory_space<vmem_shared>>) target_semaphore(%run_scoped3A : memref<!tpu.dma_semaphore, #tpu.memory_space<semaphore_mem>>)
        %dma_wait3A = arith.constant 0 : i32
        %dma_wait3A_337 = tpu.memref_slice %arg10[%multiple_of3A_333, %dma_wait3A] : memref<25344x64xf32, #tpu.memory_space<vmem_shared>> -> memref<128x64xf32, #tpu.memory_space<vmem_shared>>
        %dma_wait3A_338 = arith.constant 0 : i32
        %dma_wait3A_339 = tpu.memref_slice %arg10[%multiple_of3A_333, %dma_wait3A_338] : memref<25344x64xf32, #tpu.memory_space<vmem_shared>> -> memref<128x64xf32, #tpu.memory_space<vmem_shared>>
        tpu.wait_dma2 semaphore(%run_scoped3A : memref<!tpu.dma_semaphore, #tpu.memory_space<semaphore_mem>>) src(%arg9 : memref<128x64xf32, #tpu.memory_space<vmem>>) dst(%dma_wait3A_339 : memref<128x64xf32, #tpu.memory_space<vmem_shared>>)
        tpu.yield
      }) : () -> ()
    } else {
    }
    %add3A_50 = arith.constant 112 : i32
    %add3A_51 = arith.addi %add3A_50, %arg1 : i32
    %lt3A_52 = arith.constant 198 : i32
    %lt3A_53 = arith.cmpi slt, %add3A_51, %lt3A_52 : i32
    %convert_element_type3A_54 = arith.extui %lt3A_53 : i1 to i32
    %cond3A_55 = arith.constant 0 : i32
    %cond3A_56 = arith.cmpi ne, %convert_element_type3A_54, %cond3A_55 : i32
    scf.if %cond3A_56 {
      %mul3A_331 = arith.constant 128 : i32
      %mul3A_332 = arith.muli %add3A_51, %mul3A_331 : i32
      %multiple_of3A_333 = tpu.assume_multiple %mul3A_332, 128 : i32
      "tpu.region"() ({
        %run_scoped3A = tpu.sem_alloc : memref<!tpu.dma_semaphore, #tpu.memory_space<semaphore_mem>>
        %dma_start3A = arith.constant 0 : i32
        %dma_start3A_334 = tpu.memref_slice %arg10[%multiple_of3A_333, %dma_start3A] : memref<25344x64xf32, #tpu.memory_space<vmem_shared>> -> memref<128x64xf32, #tpu.memory_space<vmem_shared>>
        %dma_start3A_335 = arith.constant 0 : i32
        %dma_start3A_336 = tpu.memref_slice %arg10[%multiple_of3A_333, %dma_start3A_335] : memref<25344x64xf32, #tpu.memory_space<vmem_shared>> -> memref<128x64xf32, #tpu.memory_space<vmem_shared>>
        tpu.enqueue_dma source(%arg9 : memref<128x64xf32, #tpu.memory_space<vmem>>) target(%dma_start3A_336 : memref<128x64xf32, #tpu.memory_space<vmem_shared>>) target_semaphore(%run_scoped3A : memref<!tpu.dma_semaphore, #tpu.memory_space<semaphore_mem>>)
        %dma_wait3A = arith.constant 0 : i32
        %dma_wait3A_337 = tpu.memref_slice %arg10[%multiple_of3A_333, %dma_wait3A] : memref<25344x64xf32, #tpu.memory_space<vmem_shared>> -> memref<128x64xf32, #tpu.memory_space<vmem_shared>>
        %dma_wait3A_338 = arith.constant 0 : i32
        %dma_wait3A_339 = tpu.memref_slice %arg10[%multiple_of3A_333, %dma_wait3A_338] : memref<25344x64xf32, #tpu.memory_space<vmem_shared>> -> memref<128x64xf32, #tpu.memory_space<vmem_shared>>
        tpu.wait_dma2 semaphore(%run_scoped3A : memref<!tpu.dma_semaphore, #tpu.memory_space<semaphore_mem>>) src(%arg9 : memref<128x64xf32, #tpu.memory_space<vmem>>) dst(%dma_wait3A_339 : memref<128x64xf32, #tpu.memory_space<vmem_shared>>)
        tpu.yield
      }) : () -> ()
    } else {
    }
    %add3A_57 = arith.constant 128 : i32
    %add3A_58 = arith.addi %add3A_57, %arg1 : i32
    %lt3A_59 = arith.constant 198 : i32
    %lt3A_60 = arith.cmpi slt, %add3A_58, %lt3A_59 : i32
    %convert_element_type3A_61 = arith.extui %lt3A_60 : i1 to i32
    %cond3A_62 = arith.constant 0 : i32
    %cond3A_63 = arith.cmpi ne, %convert_element_type3A_61, %cond3A_62 : i32
    scf.if %cond3A_63 {
      %mul3A_331 = arith.constant 128 : i32
      %mul3A_332 = arith.muli %add3A_58, %mul3A_331 : i32
      %multiple_of3A_333 = tpu.assume_multiple %mul3A_332, 128 : i32
      "tpu.region"() ({
        %run_scoped3A = tpu.sem_alloc : memref<!tpu.dma_semaphore, #tpu.memory_space<semaphore_mem>>
        %dma_start3A = arith.constant 0 : i32
        %dma_start3A_334 = tpu.memref_slice %arg10[%multiple_of3A_333, %dma_start3A] : memref<25344x64xf32, #tpu.memory_space<vmem_shared>> -> memref<128x64xf32, #tpu.memory_space<vmem_shared>>
        %dma_start3A_335 = arith.constant 0 : i32
        %dma_start3A_336 = tpu.memref_slice %arg10[%multiple_of3A_333, %dma_start3A_335] : memref<25344x64xf32, #tpu.memory_space<vmem_shared>> -> memref<128x64xf32, #tpu.memory_space<vmem_shared>>
        tpu.enqueue_dma source(%arg9 : memref<128x64xf32, #tpu.memory_space<vmem>>) target(%dma_start3A_336 : memref<128x64xf32, #tpu.memory_space<vmem_shared>>) target_semaphore(%run_scoped3A : memref<!tpu.dma_semaphore, #tpu.memory_space<semaphore_mem>>)
        %dma_wait3A = arith.constant 0 : i32
        %dma_wait3A_337 = tpu.memref_slice %arg10[%multiple_of3A_333, %dma_wait3A] : memref<25344x64xf32, #tpu.memory_space<vmem_shared>> -> memref<128x64xf32, #tpu.memory_space<vmem_shared>>
        %dma_wait3A_338 = arith.constant 0 : i32
        %dma_wait3A_339 = tpu.memref_slice %arg10[%multiple_of3A_333, %dma_wait3A_338] : memref<25344x64xf32, #tpu.memory_space<vmem_shared>> -> memref<128x64xf32, #tpu.memory_space<vmem_shared>>
        tpu.wait_dma2 semaphore(%run_scoped3A : memref<!tpu.dma_semaphore, #tpu.memory_space<semaphore_mem>>) src(%arg9 : memref<128x64xf32, #tpu.memory_space<vmem>>) dst(%dma_wait3A_339 : memref<128x64xf32, #tpu.memory_space<vmem_shared>>)
        tpu.yield
      }) : () -> ()
    } else {
    }
    %add3A_64 = arith.constant 144 : i32
    %add3A_65 = arith.addi %add3A_64, %arg1 : i32
    %lt3A_66 = arith.constant 198 : i32
    %lt3A_67 = arith.cmpi slt, %add3A_65, %lt3A_66 : i32
    %convert_element_type3A_68 = arith.extui %lt3A_67 : i1 to i32
    %cond3A_69 = arith.constant 0 : i32
    %cond3A_70 = arith.cmpi ne, %convert_element_type3A_68, %cond3A_69 : i32
    scf.if %cond3A_70 {
      %mul3A_331 = arith.constant 128 : i32
      %mul3A_332 = arith.muli %add3A_65, %mul3A_331 : i32
      %multiple_of3A_333 = tpu.assume_multiple %mul3A_332, 128 : i32
      "tpu.region"() ({
        %run_scoped3A = tpu.sem_alloc : memref<!tpu.dma_semaphore, #tpu.memory_space<semaphore_mem>>
        %dma_start3A = arith.constant 0 : i32
        %dma_start3A_334 = tpu.memref_slice %arg10[%multiple_of3A_333, %dma_start3A] : memref<25344x64xf32, #tpu.memory_space<vmem_shared>> -> memref<128x64xf32, #tpu.memory_space<vmem_shared>>
        %dma_start3A_335 = arith.constant 0 : i32
        %dma_start3A_336 = tpu.memref_slice %arg10[%multiple_of3A_333, %dma_start3A_335] : memref<25344x64xf32, #tpu.memory_space<vmem_shared>> -> memref<128x64xf32, #tpu.memory_space<vmem_shared>>
        tpu.enqueue_dma source(%arg9 : memref<128x64xf32, #tpu.memory_space<vmem>>) target(%dma_start3A_336 : memref<128x64xf32, #tpu.memory_space<vmem_shared>>) target_semaphore(%run_scoped3A : memref<!tpu.dma_semaphore, #tpu.memory_space<semaphore_mem>>)
        %dma_wait3A = arith.constant 0 : i32
        %dma_wait3A_337 = tpu.memref_slice %arg10[%multiple_of3A_333, %dma_wait3A] : memref<25344x64xf32, #tpu.memory_space<vmem_shared>> -> memref<128x64xf32, #tpu.memory_space<vmem_shared>>
        %dma_wait3A_338 = arith.constant 0 : i32
        %dma_wait3A_339 = tpu.memref_slice %arg10[%multiple_of3A_333, %dma_wait3A_338] : memref<25344x64xf32, #tpu.memory_space<vmem_shared>> -> memref<128x64xf32, #tpu.memory_space<vmem_shared>>
        tpu.wait_dma2 semaphore(%run_scoped3A : memref<!tpu.dma_semaphore, #tpu.memory_space<semaphore_mem>>) src(%arg9 : memref<128x64xf32, #tpu.memory_space<vmem>>) dst(%dma_wait3A_339 : memref<128x64xf32, #tpu.memory_space<vmem_shared>>)
        tpu.yield
      }) : () -> ()
    } else {
    }
    %add3A_71 = arith.constant 160 : i32
    %add3A_72 = arith.addi %add3A_71, %arg1 : i32
    %lt3A_73 = arith.constant 198 : i32
    %lt3A_74 = arith.cmpi slt, %add3A_72, %lt3A_73 : i32
    %convert_element_type3A_75 = arith.extui %lt3A_74 : i1 to i32
    %cond3A_76 = arith.constant 0 : i32
    %cond3A_77 = arith.cmpi ne, %convert_element_type3A_75, %cond3A_76 : i32
    scf.if %cond3A_77 {
      %mul3A_331 = arith.constant 128 : i32
      %mul3A_332 = arith.muli %add3A_72, %mul3A_331 : i32
      %multiple_of3A_333 = tpu.assume_multiple %mul3A_332, 128 : i32
      "tpu.region"() ({
        %run_scoped3A = tpu.sem_alloc : memref<!tpu.dma_semaphore, #tpu.memory_space<semaphore_mem>>
        %dma_start3A = arith.constant 0 : i32
        %dma_start3A_334 = tpu.memref_slice %arg10[%multiple_of3A_333, %dma_start3A] : memref<25344x64xf32, #tpu.memory_space<vmem_shared>> -> memref<128x64xf32, #tpu.memory_space<vmem_shared>>
        %dma_start3A_335 = arith.constant 0 : i32
        %dma_start3A_336 = tpu.memref_slice %arg10[%multiple_of3A_333, %dma_start3A_335] : memref<25344x64xf32, #tpu.memory_space<vmem_shared>> -> memref<128x64xf32, #tpu.memory_space<vmem_shared>>
        tpu.enqueue_dma source(%arg9 : memref<128x64xf32, #tpu.memory_space<vmem>>) target(%dma_start3A_336 : memref<128x64xf32, #tpu.memory_space<vmem_shared>>) target_semaphore(%run_scoped3A : memref<!tpu.dma_semaphore, #tpu.memory_space<semaphore_mem>>)
        %dma_wait3A = arith.constant 0 : i32
        %dma_wait3A_337 = tpu.memref_slice %arg10[%multiple_of3A_333, %dma_wait3A] : memref<25344x64xf32, #tpu.memory_space<vmem_shared>> -> memref<128x64xf32, #tpu.memory_space<vmem_shared>>
        %dma_wait3A_338 = arith.constant 0 : i32
        %dma_wait3A_339 = tpu.memref_slice %arg10[%multiple_of3A_333, %dma_wait3A_338] : memref<25344x64xf32, #tpu.memory_space<vmem_shared>> -> memref<128x64xf32, #tpu.memory_space<vmem_shared>>
        tpu.wait_dma2 semaphore(%run_scoped3A : memref<!tpu.dma_semaphore, #tpu.memory_space<semaphore_mem>>) src(%arg9 : memref<128x64xf32, #tpu.memory_space<vmem>>) dst(%dma_wait3A_339 : memref<128x64xf32, #tpu.memory_space<vmem_shared>>)
        tpu.yield
      }) : () -> ()
    } else {
    }
    %add3A_78 = arith.constant 176 : i32
    %add3A_79 = arith.addi %add3A_78, %arg1 : i32
    %lt3A_80 = arith.constant 198 : i32
    %lt3A_81 = arith.cmpi slt, %add3A_79, %lt3A_80 : i32
    %convert_element_type3A_82 = arith.extui %lt3A_81 : i1 to i32
    %cond3A_83 = arith.constant 0 : i32
    %cond3A_84 = arith.cmpi ne, %convert_element_type3A_82, %cond3A_83 : i32
    scf.if %cond3A_84 {
      %mul3A_331 = arith.constant 128 : i32
      %mul3A_332 = arith.muli %add3A_79, %mul3A_331 : i32
      %multiple_of3A_333 = tpu.assume_multiple %mul3A_332, 128 : i32
      "tpu.region"() ({
        %run_scoped3A = tpu.sem_alloc : memref<!tpu.dma_semaphore, #tpu.memory_space<semaphore_mem>>
        %dma_start3A = arith.constant 0 : i32
        %dma_start3A_334 = tpu.memref_slice %arg10[%multiple_of3A_333, %dma_start3A] : memref<25344x64xf32, #tpu.memory_space<vmem_shared>> -> memref<128x64xf32, #tpu.memory_space<vmem_shared>>
        %dma_start3A_335 = arith.constant 0 : i32
        %dma_start3A_336 = tpu.memref_slice %arg10[%multiple_of3A_333, %dma_start3A_335] : memref<25344x64xf32, #tpu.memory_space<vmem_shared>> -> memref<128x64xf32, #tpu.memory_space<vmem_shared>>
        tpu.enqueue_dma source(%arg9 : memref<128x64xf32, #tpu.memory_space<vmem>>) target(%dma_start3A_336 : memref<128x64xf32, #tpu.memory_space<vmem_shared>>) target_semaphore(%run_scoped3A : memref<!tpu.dma_semaphore, #tpu.memory_space<semaphore_mem>>)
        %dma_wait3A = arith.constant 0 : i32
        %dma_wait3A_337 = tpu.memref_slice %arg10[%multiple_of3A_333, %dma_wait3A] : memref<25344x64xf32, #tpu.memory_space<vmem_shared>> -> memref<128x64xf32, #tpu.memory_space<vmem_shared>>
        %dma_wait3A_338 = arith.constant 0 : i32
        %dma_wait3A_339 = tpu.memref_slice %arg10[%multiple_of3A_333, %dma_wait3A_338] : memref<25344x64xf32, #tpu.memory_space<vmem_shared>> -> memref<128x64xf32, #tpu.memory_space<vmem_shared>>
        tpu.wait_dma2 semaphore(%run_scoped3A : memref<!tpu.dma_semaphore, #tpu.memory_space<semaphore_mem>>) src(%arg9 : memref<128x64xf32, #tpu.memory_space<vmem>>) dst(%dma_wait3A_339 : memref<128x64xf32, #tpu.memory_space<vmem_shared>>)
        tpu.yield
      }) : () -> ()
    } else {
    }
    %add3A_85 = arith.constant 192 : i32
    %add3A_86 = arith.addi %add3A_85, %arg1 : i32
    %lt3A_87 = arith.constant 198 : i32
    %lt3A_88 = arith.cmpi slt, %add3A_86, %lt3A_87 : i32
    %convert_element_type3A_89 = arith.extui %lt3A_88 : i1 to i32
    %cond3A_90 = arith.constant 0 : i32
    %cond3A_91 = arith.cmpi ne, %convert_element_type3A_89, %cond3A_90 : i32
    scf.if %cond3A_91 {
      %mul3A_331 = arith.constant 128 : i32
      %mul3A_332 = arith.muli %add3A_86, %mul3A_331 : i32
      %multiple_of3A_333 = tpu.assume_multiple %mul3A_332, 128 : i32
      "tpu.region"() ({
        %run_scoped3A = tpu.sem_alloc : memref<!tpu.dma_semaphore, #tpu.memory_space<semaphore_mem>>
        %dma_start3A = arith.constant 0 : i32
        %dma_start3A_334 = tpu.memref_slice %arg10[%multiple_of3A_333, %dma_start3A] : memref<25344x64xf32, #tpu.memory_space<vmem_shared>> -> memref<128x64xf32, #tpu.memory_space<vmem_shared>>
        %dma_start3A_335 = arith.constant 0 : i32
        %dma_start3A_336 = tpu.memref_slice %arg10[%multiple_of3A_333, %dma_start3A_335] : memref<25344x64xf32, #tpu.memory_space<vmem_shared>> -> memref<128x64xf32, #tpu.memory_space<vmem_shared>>
        tpu.enqueue_dma source(%arg9 : memref<128x64xf32, #tpu.memory_space<vmem>>) target(%dma_start3A_336 : memref<128x64xf32, #tpu.memory_space<vmem_shared>>) target_semaphore(%run_scoped3A : memref<!tpu.dma_semaphore, #tpu.memory_space<semaphore_mem>>)
        %dma_wait3A = arith.constant 0 : i32
        %dma_wait3A_337 = tpu.memref_slice %arg10[%multiple_of3A_333, %dma_wait3A] : memref<25344x64xf32, #tpu.memory_space<vmem_shared>> -> memref<128x64xf32, #tpu.memory_space<vmem_shared>>
        %dma_wait3A_338 = arith.constant 0 : i32
        %dma_wait3A_339 = tpu.memref_slice %arg10[%multiple_of3A_333, %dma_wait3A_338] : memref<25344x64xf32, #tpu.memory_space<vmem_shared>> -> memref<128x64xf32, #tpu.memory_space<vmem_shared>>
        tpu.wait_dma2 semaphore(%run_scoped3A : memref<!tpu.dma_semaphore, #tpu.memory_space<semaphore_mem>>) src(%arg9 : memref<128x64xf32, #tpu.memory_space<vmem>>) dst(%dma_wait3A_339 : memref<128x64xf32, #tpu.memory_space<vmem_shared>>)
        tpu.yield
      }) : () -> ()
    } else {
    }
    %barrier3A = arith.constant 0 : index
    tpu.barrier barrier_id(%barrier3A)
    %scan3A_92 = arith.constant 0 : i32
    %scan3A_93 = arith.constant 0 : i32
    %scan3A_94 = arith.constant 32 : i32
    %scan3A_95 = arith.addi %scan3A_93, %scan3A_94 : i32
    %scan3A_96 = arith.constant 1 : i32
    scf.for %scan3A_331 = %scan3A_93 to %scan3A_95 step %scan3A_96  : i32 {
      %mul3A_332 = arith.constant 131072 : i32
      %mul3A_333 = arith.muli %arg0, %mul3A_332 : i32
      %mul3A_334 = arith.constant 8192 : i32
      %mul3A_335 = arith.muli %arg1, %mul3A_334 : i32
      %add3A_336 = arith.addi %mul3A_333, %mul3A_335 : i32
      %mul3A_337 = arith.constant 256 : i32
      %mul3A_338 = arith.muli %scan3A_331, %mul3A_337 : i32
      %add3A_339 = arith.addi %add3A_336, %mul3A_338 : i32
      %multiple_of3A_340 = tpu.assume_multiple %add3A_339, 256 : i32
      "tpu.region"() ({
        %run_scoped3A = tpu.sem_alloc : memref<!tpu.dma_semaphore, #tpu.memory_space<semaphore_mem>>
        %dma_start3A = tpu.memref_slice %arg3[%multiple_of3A_340] : memref<262144xi32, #tpu.memory_space<hbm>> -> memref<256xi32, #tpu.memory_space<hbm>>
        %dma_start3A_719 = tpu.memref_slice %arg3[%multiple_of3A_340] : memref<262144xi32, #tpu.memory_space<hbm>> -> memref<256xi32, #tpu.memory_space<hbm>>
        tpu.enqueue_dma source(%dma_start3A_719 : memref<256xi32, #tpu.memory_space<hbm>>) target(%arg5 : memref<256xi32, #tpu.memory_space<vmem>>) target_semaphore(%run_scoped3A : memref<!tpu.dma_semaphore, #tpu.memory_space<semaphore_mem>>)
        %dma_wait3A = tpu.memref_slice %arg3[%multiple_of3A_340] : memref<262144xi32, #tpu.memory_space<hbm>> -> memref<256xi32, #tpu.memory_space<hbm>>
        %dma_wait3A_720 = tpu.memref_slice %arg3[%multiple_of3A_340] : memref<262144xi32, #tpu.memory_space<hbm>> -> memref<256xi32, #tpu.memory_space<hbm>>
        tpu.wait_dma2 semaphore(%run_scoped3A : memref<!tpu.dma_semaphore, #tpu.memory_space<semaphore_mem>>) src(%dma_wait3A_720 : memref<256xi32, #tpu.memory_space<hbm>>) dst(%arg5 : memref<256xi32, #tpu.memory_space<vmem>>)
        tpu.yield
      }) : () -> ()
      "tpu.region"() ({
        %run_scoped3A = tpu.sem_alloc : memref<!tpu.dma_semaphore, #tpu.memory_space<semaphore_mem>>
        %dma_start3A = arith.constant 0 : i32
        %dma_start3A_719 = tpu.memref_slice %arg2[%multiple_of3A_340, %dma_start3A] : memref<262144x64xf32, #tpu.memory_space<hbm>> -> memref<256x64xf32, #tpu.memory_space<hbm>>
        %dma_start3A_720 = arith.constant 0 : i32
        %dma_start3A_721 = tpu.memref_slice %arg2[%multiple_of3A_340, %dma_start3A_720] : memref<262144x64xf32, #tpu.memory_space<hbm>> -> memref<256x64xf32, #tpu.memory_space<hbm>>
        tpu.enqueue_dma source(%dma_start3A_721 : memref<256x64xf32, #tpu.memory_space<hbm>>) target(%arg8 : memref<256x64xf32, #tpu.memory_space<vmem>>) target_semaphore(%run_scoped3A : memref<!tpu.dma_semaphore, #tpu.memory_space<semaphore_mem>>)
        %dma_wait3A = arith.constant 0 : i32
        %dma_wait3A_722 = tpu.memref_slice %arg2[%multiple_of3A_340, %dma_wait3A] : memref<262144x64xf32, #tpu.memory_space<hbm>> -> memref<256x64xf32, #tpu.memory_space<hbm>>
        %dma_wait3A_723 = arith.constant 0 : i32
        %dma_wait3A_724 = tpu.memref_slice %arg2[%multiple_of3A_340, %dma_wait3A_723] : memref<262144x64xf32, #tpu.memory_space<hbm>> -> memref<256x64xf32, #tpu.memory_space<hbm>>
        tpu.wait_dma2 semaphore(%run_scoped3A : memref<!tpu.dma_semaphore, #tpu.memory_space<semaphore_mem>>) src(%dma_wait3A_724 : memref<256x64xf32, #tpu.memory_space<hbm>>) dst(%arg8 : memref<256x64xf32, #tpu.memory_space<vmem>>)
        tpu.yield
      }) : () -> ()
      %get3A = arith.constant 0 : index
      %get3A_341 = tpu.vector_load %arg5[%get3A] {strides = array<i32>} : memref<256xi32, #tpu.memory_space<vmem>>, vector<16xi32>,
      %get3A_342 = vector.shape_cast %get3A_341 : vector<16xi32> to vector<16xi32>
      %sub3A = arith.constant 0 : i32
      %sub3A_343 = vector.broadcast %sub3A : i32 to vector<16xi32>
      %sub3A_344 = arith.subi %get3A_342, %sub3A_343 : vector<16xi32>
      %ge3A = arith.constant 0 : i32
      %ge3A_345 = vector.broadcast %ge3A : i32 to vector<16xi32>
      %ge3A_346 = arith.cmpi sge, %sub3A_344, %ge3A_345 : vector<16xi32>
      %lt3A_347 = arith.constant 24576 : i32
      %lt3A_348 = vector.broadcast %lt3A_347 : i32 to vector<16xi32>
      %lt3A_349 = arith.cmpi slt, %sub3A_344, %lt3A_348 : vector<16xi32>
      %and3A = arith.andi %ge3A_346, %lt3A_349 : vector<16xi1>
      %and3A_350 = arith.constant 127 : i32
      %and3A_351 = vector.broadcast %and3A_350 : i32 to vector<16xi32>
      %and3A_352 = arith.andi %get3A_342, %and3A_351 : vector<16xi32>
      %add3A_353 = arith.constant 24576 : i32
      %add3A_354 = vector.broadcast %add3A_353 : i32 to vector<16xi32>
      %add3A_355 = arith.addi %add3A_354, %and3A_352 : vector<16xi32>
      %select_n3A = arith.select %and3A, %sub3A_344, %add3A_355 : vector<16xi1>, vector<16xi32>
      %swap3A = arith.constant 0 : index
      %swap3A_356 = tpu.vector_load %arg6[%swap3A] {strides = array<i32>} : memref<128xi32, #tpu.memory_space<vmem>>, vector<16xi32>,
      %swap3A_357 = vector.shape_cast %swap3A_356 : vector<16xi32> to vector<16xi32>
      %swap3A_358 = vector.shape_cast %select_n3A : vector<16xi32> to vector<16xi32>
      tpu.vector_store %arg6[%swap3A], %swap3A_358 {strides = array<i32>} : memref<128xi32, #tpu.memory_space<vmem>>, vector<16xi32>,
      %get3A_359 = arith.constant 16 : index
      %get3A_360 = tpu.vector_load %arg5[%get3A_359] {strides = array<i32>} : memref<256xi32, #tpu.memory_space<vmem>>, vector<16xi32>,
      %get3A_361 = vector.shape_cast %get3A_360 : vector<16xi32> to vector<16xi32>
      %sub3A_362 = arith.constant 0 : i32
      %sub3A_363 = vector.broadcast %sub3A_362 : i32 to vector<16xi32>
      %sub3A_364 = arith.subi %get3A_361, %sub3A_363 : vector<16xi32>
      %ge3A_365 = arith.constant 0 : i32
      %ge3A_366 = vector.broadcast %ge3A_365 : i32 to vector<16xi32>
      %ge3A_367 = arith.cmpi sge, %sub3A_364, %ge3A_366 : vector<16xi32>
      %lt3A_368 = arith.constant 24576 : i32
      %lt3A_369 = vector.broadcast %lt3A_368 : i32 to vector<16xi32>
      %lt3A_370 = arith.cmpi slt, %sub3A_364, %lt3A_369 : vector<16xi32>
      %and3A_371 = arith.andi %ge3A_367, %lt3A_370 : vector<16xi1>
      %and3A_372 = arith.constant 127 : i32
      %and3A_373 = vector.broadcast %and3A_372 : i32 to vector<16xi32>
      %and3A_374 = arith.andi %get3A_361, %and3A_373 : vector<16xi32>
      %add3A_375 = arith.constant 24576 : i32
      %add3A_376 = vector.broadcast %add3A_375 : i32 to vector<16xi32>
      %add3A_377 = arith.addi %add3A_376, %and3A_374 : vector<16xi32>
      %select_n3A_378 = arith.select %and3A_371, %sub3A_364, %add3A_377 : vector<16xi1>, vector<16xi32>
      %swap3A_379 = arith.constant 16 : index
      %swap3A_380 = tpu.vector_load %arg6[%swap3A_379] {strides = array<i32>} : memref<128xi32, #tpu.memory_space<vmem>>, vector<16xi32>,
      %swap3A_381 = vector.shape_cast %swap3A_380 : vector<16xi32> to vector<16xi32>
      %swap3A_382 = vector.shape_cast %select_n3A_378 : vector<16xi32> to vector<16xi32>
      tpu.vector_store %arg6[%swap3A_379], %swap3A_382 {strides = array<i32>} : memref<128xi32, #tpu.memory_space<vmem>>, vector<16xi32>,
      %get3A_383 = arith.constant 32 : index
      %get3A_384 = tpu.vector_load %arg5[%get3A_383] {strides = array<i32>} : memref<256xi32, #tpu.memory_space<vmem>>, vector<16xi32>,
      %get3A_385 = vector.shape_cast %get3A_384 : vector<16xi32> to vector<16xi32>
      %sub3A_386 = arith.constant 0 : i32
      %sub3A_387 = vector.broadcast %sub3A_386 : i32 to vector<16xi32>
      %sub3A_388 = arith.subi %get3A_385, %sub3A_387 : vector<16xi32>
      %ge3A_389 = arith.constant 0 : i32
      %ge3A_390 = vector.broadcast %ge3A_389 : i32 to vector<16xi32>
      %ge3A_391 = arith.cmpi sge, %sub3A_388, %ge3A_390 : vector<16xi32>
      %lt3A_392 = arith.constant 24576 : i32
      %lt3A_393 = vector.broadcast %lt3A_392 : i32 to vector<16xi32>
      %lt3A_394 = arith.cmpi slt, %sub3A_388, %lt3A_393 : vector<16xi32>
      %and3A_395 = arith.andi %ge3A_391, %lt3A_394 : vector<16xi1>
      %and3A_396 = arith.constant 127 : i32
      %and3A_397 = vector.broadcast %and3A_396 : i32 to vector<16xi32>
      %and3A_398 = arith.andi %get3A_385, %and3A_397 : vector<16xi32>
      %add3A_399 = arith.constant 24576 : i32
      %add3A_400 = vector.broadcast %add3A_399 : i32 to vector<16xi32>
      %add3A_401 = arith.addi %add3A_400, %and3A_398 : vector<16xi32>
      %select_n3A_402 = arith.select %and3A_395, %sub3A_388, %add3A_401 : vector<16xi1>, vector<16xi32>
      %swap3A_403 = arith.constant 32 : index
      %swap3A_404 = tpu.vector_load %arg6[%swap3A_403] {strides = array<i32>} : memref<128xi32, #tpu.memory_space<vmem>>, vector<16xi32>,
      %swap3A_405 = vector.shape_cast %swap3A_404 : vector<16xi32> to vector<16xi32>
      %swap3A_406 = vector.shape_cast %select_n3A_402 : vector<16xi32> to vector<16xi32>
      tpu.vector_store %arg6[%swap3A_403], %swap3A_406 {strides = array<i32>} : memref<128xi32, #tpu.memory_space<vmem>>, vector<16xi32>,
      %get3A_407 = arith.constant 48 : index
      %get3A_408 = tpu.vector_load %arg5[%get3A_407] {strides = array<i32>} : memref<256xi32, #tpu.memory_space<vmem>>, vector<16xi32>,
      %get3A_409 = vector.shape_cast %get3A_408 : vector<16xi32> to vector<16xi32>
      %sub3A_410 = arith.constant 0 : i32
      %sub3A_411 = vector.broadcast %sub3A_410 : i32 to vector<16xi32>
      %sub3A_412 = arith.subi %get3A_409, %sub3A_411 : vector<16xi32>
      %ge3A_413 = arith.constant 0 : i32
      %ge3A_414 = vector.broadcast %ge3A_413 : i32 to vector<16xi32>
      %ge3A_415 = arith.cmpi sge, %sub3A_412, %ge3A_414 : vector<16xi32>
      %lt3A_416 = arith.constant 24576 : i32
      %lt3A_417 = vector.broadcast %lt3A_416 : i32 to vector<16xi32>
      %lt3A_418 = arith.cmpi slt, %sub3A_412, %lt3A_417 : vector<16xi32>
      %and3A_419 = arith.andi %ge3A_415, %lt3A_418 : vector<16xi1>
      %and3A_420 = arith.constant 127 : i32
      %and3A_421 = vector.broadcast %and3A_420 : i32 to vector<16xi32>
      %and3A_422 = arith.andi %get3A_409, %and3A_421 : vector<16xi32>
      %add3A_423 = arith.constant 24576 : i32
      %add3A_424 = vector.broadcast %add3A_423 : i32 to vector<16xi32>
      %add3A_425 = arith.addi %add3A_424, %and3A_422 : vector<16xi32>
      %select_n3A_426 = arith.select %and3A_419, %sub3A_412, %add3A_425 : vector<16xi1>, vector<16xi32>
      %swap3A_427 = arith.constant 48 : index
      %swap3A_428 = tpu.vector_load %arg6[%swap3A_427] {strides = array<i32>} : memref<128xi32, #tpu.memory_space<vmem>>, vector<16xi32>,
      %swap3A_429 = vector.shape_cast %swap3A_428 : vector<16xi32> to vector<16xi32>
      %swap3A_430 = vector.shape_cast %select_n3A_426 : vector<16xi32> to vector<16xi32>
      tpu.vector_store %arg6[%swap3A_427], %swap3A_430 {strides = array<i32>} : memref<128xi32, #tpu.memory_space<vmem>>, vector<16xi32>,
      %get3A_431 = arith.constant 64 : index
      %get3A_432 = tpu.vector_load %arg5[%get3A_431] {strides = array<i32>} : memref<256xi32, #tpu.memory_space<vmem>>, vector<16xi32>,
      %get3A_433 = vector.shape_cast %get3A_432 : vector<16xi32> to vector<16xi32>
      %sub3A_434 = arith.constant 0 : i32
      %sub3A_435 = vector.broadcast %sub3A_434 : i32 to vector<16xi32>
      %sub3A_436 = arith.subi %get3A_433, %sub3A_435 : vector<16xi32>
      %ge3A_437 = arith.constant 0 : i32
      %ge3A_438 = vector.broadcast %ge3A_437 : i32 to vector<16xi32>
      %ge3A_439 = arith.cmpi sge, %sub3A_436, %ge3A_438 : vector<16xi32>
      %lt3A_440 = arith.constant 24576 : i32
      %lt3A_441 = vector.broadcast %lt3A_440 : i32 to vector<16xi32>
      %lt3A_442 = arith.cmpi slt, %sub3A_436, %lt3A_441 : vector<16xi32>
      %and3A_443 = arith.andi %ge3A_439, %lt3A_442 : vector<16xi1>
      %and3A_444 = arith.constant 127 : i32
      %and3A_445 = vector.broadcast %and3A_444 : i32 to vector<16xi32>
      %and3A_446 = arith.andi %get3A_433, %and3A_445 : vector<16xi32>
      %add3A_447 = arith.constant 24576 : i32
      %add3A_448 = vector.broadcast %add3A_447 : i32 to vector<16xi32>
      %add3A_449 = arith.addi %add3A_448, %and3A_446 : vector<16xi32>
      %select_n3A_450 = arith.select %and3A_443, %sub3A_436, %add3A_449 : vector<16xi1>, vector<16xi32>
      %swap3A_451 = arith.constant 64 : index
      %swap3A_452 = tpu.vector_load %arg6[%swap3A_451] {strides = array<i32>} : memref<128xi32, #tpu.memory_space<vmem>>, vector<16xi32>,
      %swap3A_453 = vector.shape_cast %swap3A_452 : vector<16xi32> to vector<16xi32>
      %swap3A_454 = vector.shape_cast %select_n3A_450 : vector<16xi32> to vector<16xi32>
      tpu.vector_store %arg6[%swap3A_451], %swap3A_454 {strides = array<i32>} : memref<128xi32, #tpu.memory_space<vmem>>, vector<16xi32>,
      %get3A_455 = arith.constant 80 : index
      %get3A_456 = tpu.vector_load %arg5[%get3A_455] {strides = array<i32>} : memref<256xi32, #tpu.memory_space<vmem>>, vector<16xi32>,
      %get3A_457 = vector.shape_cast %get3A_456 : vector<16xi32> to vector<16xi32>
      %sub3A_458 = arith.constant 0 : i32
      %sub3A_459 = vector.broadcast %sub3A_458 : i32 to vector<16xi32>
      %sub3A_460 = arith.subi %get3A_457, %sub3A_459 : vector<16xi32>
      %ge3A_461 = arith.constant 0 : i32
      %ge3A_462 = vector.broadcast %ge3A_461 : i32 to vector<16xi32>
      %ge3A_463 = arith.cmpi sge, %sub3A_460, %ge3A_462 : vector<16xi32>
      %lt3A_464 = arith.constant 24576 : i32
      %lt3A_465 = vector.broadcast %lt3A_464 : i32 to vector<16xi32>
      %lt3A_466 = arith.cmpi slt, %sub3A_460, %lt3A_465 : vector<16xi32>
      %and3A_467 = arith.andi %ge3A_463, %lt3A_466 : vector<16xi1>
      %and3A_468 = arith.constant 127 : i32
      %and3A_469 = vector.broadcast %and3A_468 : i32 to vector<16xi32>
      %and3A_470 = arith.andi %get3A_457, %and3A_469 : vector<16xi32>
      %add3A_471 = arith.constant 24576 : i32
      %add3A_472 = vector.broadcast %add3A_471 : i32 to vector<16xi32>
      %add3A_473 = arith.addi %add3A_472, %and3A_470 : vector<16xi32>
      %select_n3A_474 = arith.select %and3A_467, %sub3A_460, %add3A_473 : vector<16xi1>, vector<16xi32>
      %swap3A_475 = arith.constant 80 : index
      %swap3A_476 = tpu.vector_load %arg6[%swap3A_475] {strides = array<i32>} : memref<128xi32, #tpu.memory_space<vmem>>, vector<16xi32>,
      %swap3A_477 = vector.shape_cast %swap3A_476 : vector<16xi32> to vector<16xi32>
      %swap3A_478 = vector.shape_cast %select_n3A_474 : vector<16xi32> to vector<16xi32>
      tpu.vector_store %arg6[%swap3A_475], %swap3A_478 {strides = array<i32>} : memref<128xi32, #tpu.memory_space<vmem>>, vector<16xi32>,
      %get3A_479 = arith.constant 96 : index
      %get3A_480 = tpu.vector_load %arg5[%get3A_479] {strides = array<i32>} : memref<256xi32, #tpu.memory_space<vmem>>, vector<16xi32>,
      %get3A_481 = vector.shape_cast %get3A_480 : vector<16xi32> to vector<16xi32>
      %sub3A_482 = arith.constant 0 : i32
      %sub3A_483 = vector.broadcast %sub3A_482 : i32 to vector<16xi32>
      %sub3A_484 = arith.subi %get3A_481, %sub3A_483 : vector<16xi32>
      %ge3A_485 = arith.constant 0 : i32
      %ge3A_486 = vector.broadcast %ge3A_485 : i32 to vector<16xi32>
      %ge3A_487 = arith.cmpi sge, %sub3A_484, %ge3A_486 : vector<16xi32>
      %lt3A_488 = arith.constant 24576 : i32
      %lt3A_489 = vector.broadcast %lt3A_488 : i32 to vector<16xi32>
      %lt3A_490 = arith.cmpi slt, %sub3A_484, %lt3A_489 : vector<16xi32>
      %and3A_491 = arith.andi %ge3A_487, %lt3A_490 : vector<16xi1>
      %and3A_492 = arith.constant 127 : i32
      %and3A_493 = vector.broadcast %and3A_492 : i32 to vector<16xi32>
      %and3A_494 = arith.andi %get3A_481, %and3A_493 : vector<16xi32>
      %add3A_495 = arith.constant 24576 : i32
      %add3A_496 = vector.broadcast %add3A_495 : i32 to vector<16xi32>
      %add3A_497 = arith.addi %add3A_496, %and3A_494 : vector<16xi32>
      %select_n3A_498 = arith.select %and3A_491, %sub3A_484, %add3A_497 : vector<16xi1>, vector<16xi32>
      %swap3A_499 = arith.constant 96 : index
      %swap3A_500 = tpu.vector_load %arg6[%swap3A_499] {strides = array<i32>} : memref<128xi32, #tpu.memory_space<vmem>>, vector<16xi32>,
      %swap3A_501 = vector.shape_cast %swap3A_500 : vector<16xi32> to vector<16xi32>
      %swap3A_502 = vector.shape_cast %select_n3A_498 : vector<16xi32> to vector<16xi32>
      tpu.vector_store %arg6[%swap3A_499], %swap3A_502 {strides = array<i32>} : memref<128xi32, #tpu.memory_space<vmem>>, vector<16xi32>,
      %get3A_503 = arith.constant 112 : index
      %get3A_504 = tpu.vector_load %arg5[%get3A_503] {strides = array<i32>} : memref<256xi32, #tpu.memory_space<vmem>>, vector<16xi32>,
      %get3A_505 = vector.shape_cast %get3A_504 : vector<16xi32> to vector<16xi32>
      %sub3A_506 = arith.constant 0 : i32
      %sub3A_507 = vector.broadcast %sub3A_506 : i32 to vector<16xi32>
      %sub3A_508 = arith.subi %get3A_505, %sub3A_507 : vector<16xi32>
      %ge3A_509 = arith.constant 0 : i32
      %ge3A_510 = vector.broadcast %ge3A_509 : i32 to vector<16xi32>
      %ge3A_511 = arith.cmpi sge, %sub3A_508, %ge3A_510 : vector<16xi32>
      %lt3A_512 = arith.constant 24576 : i32
      %lt3A_513 = vector.broadcast %lt3A_512 : i32 to vector<16xi32>
      %lt3A_514 = arith.cmpi slt, %sub3A_508, %lt3A_513 : vector<16xi32>
      %and3A_515 = arith.andi %ge3A_511, %lt3A_514 : vector<16xi1>
      %and3A_516 = arith.constant 127 : i32
      %and3A_517 = vector.broadcast %and3A_516 : i32 to vector<16xi32>
      %and3A_518 = arith.andi %get3A_505, %and3A_517 : vector<16xi32>
      %add3A_519 = arith.constant 24576 : i32
      %add3A_520 = vector.broadcast %add3A_519 : i32 to vector<16xi32>
      %add3A_521 = arith.addi %add3A_520, %and3A_518 : vector<16xi32>
      %select_n3A_522 = arith.select %and3A_515, %sub3A_508, %add3A_521 : vector<16xi1>, vector<16xi32>
      %swap3A_523 = arith.constant 112 : index
      %swap3A_524 = tpu.vector_load %arg6[%swap3A_523] {strides = array<i32>} : memref<128xi32, #tpu.memory_space<vmem>>, vector<16xi32>,
      %swap3A_525 = vector.shape_cast %swap3A_524 : vector<16xi32> to vector<16xi32>
      %swap3A_526 = vector.shape_cast %select_n3A_522 : vector<16xi32> to vector<16xi32>
      tpu.vector_store %arg6[%swap3A_523], %swap3A_526 {strides = array<i32>} : memref<128xi32, #tpu.memory_space<vmem>>, vector<16xi32>,
      %get3A_527 = arith.constant 128 : index
      %get3A_528 = tpu.vector_load %arg5[%get3A_527] {strides = array<i32>} : memref<256xi32, #tpu.memory_space<vmem>>, vector<16xi32>,
      %get3A_529 = vector.shape_cast %get3A_528 : vector<16xi32> to vector<16xi32>
      %sub3A_530 = arith.constant 0 : i32
      %sub3A_531 = vector.broadcast %sub3A_530 : i32 to vector<16xi32>
      %sub3A_532 = arith.subi %get3A_529, %sub3A_531 : vector<16xi32>
      %ge3A_533 = arith.constant 0 : i32
      %ge3A_534 = vector.broadcast %ge3A_533 : i32 to vector<16xi32>
      %ge3A_535 = arith.cmpi sge, %sub3A_532, %ge3A_534 : vector<16xi32>
      %lt3A_536 = arith.constant 24576 : i32
      %lt3A_537 = vector.broadcast %lt3A_536 : i32 to vector<16xi32>
      %lt3A_538 = arith.cmpi slt, %sub3A_532, %lt3A_537 : vector<16xi32>
      %and3A_539 = arith.andi %ge3A_535, %lt3A_538 : vector<16xi1>
      %and3A_540 = arith.constant 127 : i32
      %and3A_541 = vector.broadcast %and3A_540 : i32 to vector<16xi32>
      %and3A_542 = arith.andi %get3A_529, %and3A_541 : vector<16xi32>
      %add3A_543 = arith.constant 24576 : i32
      %add3A_544 = vector.broadcast %add3A_543 : i32 to vector<16xi32>
      %add3A_545 = arith.addi %add3A_544, %and3A_542 : vector<16xi32>
      %select_n3A_546 = arith.select %and3A_539, %sub3A_532, %add3A_545 : vector<16xi1>, vector<16xi32>
      %swap3A_547 = arith.constant 0 : index
      %swap3A_548 = tpu.vector_load %arg7[%swap3A_547] {strides = array<i32>} : memref<128xi32, #tpu.memory_space<vmem>>, vector<16xi32>,
      %swap3A_549 = vector.shape_cast %swap3A_548 : vector<16xi32> to vector<16xi32>
      %swap3A_550 = vector.shape_cast %select_n3A_546 : vector<16xi32> to vector<16xi32>
      tpu.vector_store %arg7[%swap3A_547], %swap3A_550 {strides = array<i32>} : memref<128xi32, #tpu.memory_space<vmem>>, vector<16xi32>,
      %get3A_551 = arith.constant 144 : index
      %get3A_552 = tpu.vector_load %arg5[%get3A_551] {strides = array<i32>} : memref<256xi32, #tpu.memory_space<vmem>>, vector<16xi32>,
      %get3A_553 = vector.shape_cast %get3A_552 : vector<16xi32> to vector<16xi32>
      %sub3A_554 = arith.constant 0 : i32
      %sub3A_555 = vector.broadcast %sub3A_554 : i32 to vector<16xi32>
      %sub3A_556 = arith.subi %get3A_553, %sub3A_555 : vector<16xi32>
      %ge3A_557 = arith.constant 0 : i32
      %ge3A_558 = vector.broadcast %ge3A_557 : i32 to vector<16xi32>
      %ge3A_559 = arith.cmpi sge, %sub3A_556, %ge3A_558 : vector<16xi32>
      %lt3A_560 = arith.constant 24576 : i32
      %lt3A_561 = vector.broadcast %lt3A_560 : i32 to vector<16xi32>
      %lt3A_562 = arith.cmpi slt, %sub3A_556, %lt3A_561 : vector<16xi32>
      %and3A_563 = arith.andi %ge3A_559, %lt3A_562 : vector<16xi1>
      %and3A_564 = arith.constant 127 : i32
      %and3A_565 = vector.broadcast %and3A_564 : i32 to vector<16xi32>
      %and3A_566 = arith.andi %get3A_553, %and3A_565 : vector<16xi32>
      %add3A_567 = arith.constant 24576 : i32
      %add3A_568 = vector.broadcast %add3A_567 : i32 to vector<16xi32>
      %add3A_569 = arith.addi %add3A_568, %and3A_566 : vector<16xi32>
      %select_n3A_570 = arith.select %and3A_563, %sub3A_556, %add3A_569 : vector<16xi1>, vector<16xi32>
      %swap3A_571 = arith.constant 16 : index
      %swap3A_572 = tpu.vector_load %arg7[%swap3A_571] {strides = array<i32>} : memref<128xi32, #tpu.memory_space<vmem>>, vector<16xi32>,
      %swap3A_573 = vector.shape_cast %swap3A_572 : vector<16xi32> to vector<16xi32>
      %swap3A_574 = vector.shape_cast %select_n3A_570 : vector<16xi32> to vector<16xi32>
      tpu.vector_store %arg7[%swap3A_571], %swap3A_574 {strides = array<i32>} : memref<128xi32, #tpu.memory_space<vmem>>, vector<16xi32>,
      %get3A_575 = arith.constant 160 : index
      %get3A_576 = tpu.vector_load %arg5[%get3A_575] {strides = array<i32>} : memref<256xi32, #tpu.memory_space<vmem>>, vector<16xi32>,
      %get3A_577 = vector.shape_cast %get3A_576 : vector<16xi32> to vector<16xi32>
      %sub3A_578 = arith.constant 0 : i32
      %sub3A_579 = vector.broadcast %sub3A_578 : i32 to vector<16xi32>
      %sub3A_580 = arith.subi %get3A_577, %sub3A_579 : vector<16xi32>
      %ge3A_581 = arith.constant 0 : i32
      %ge3A_582 = vector.broadcast %ge3A_581 : i32 to vector<16xi32>
      %ge3A_583 = arith.cmpi sge, %sub3A_580, %ge3A_582 : vector<16xi32>
      %lt3A_584 = arith.constant 24576 : i32
      %lt3A_585 = vector.broadcast %lt3A_584 : i32 to vector<16xi32>
      %lt3A_586 = arith.cmpi slt, %sub3A_580, %lt3A_585 : vector<16xi32>
      %and3A_587 = arith.andi %ge3A_583, %lt3A_586 : vector<16xi1>
      %and3A_588 = arith.constant 127 : i32
      %and3A_589 = vector.broadcast %and3A_588 : i32 to vector<16xi32>
      %and3A_590 = arith.andi %get3A_577, %and3A_589 : vector<16xi32>
      %add3A_591 = arith.constant 24576 : i32
      %add3A_592 = vector.broadcast %add3A_591 : i32 to vector<16xi32>
      %add3A_593 = arith.addi %add3A_592, %and3A_590 : vector<16xi32>
      %select_n3A_594 = arith.select %and3A_587, %sub3A_580, %add3A_593 : vector<16xi1>, vector<16xi32>
      %swap3A_595 = arith.constant 32 : index
      %swap3A_596 = tpu.vector_load %arg7[%swap3A_595] {strides = array<i32>} : memref<128xi32, #tpu.memory_space<vmem>>, vector<16xi32>,
      %swap3A_597 = vector.shape_cast %swap3A_596 : vector<16xi32> to vector<16xi32>
      %swap3A_598 = vector.shape_cast %select_n3A_594 : vector<16xi32> to vector<16xi32>
      tpu.vector_store %arg7[%swap3A_595], %swap3A_598 {strides = array<i32>} : memref<128xi32, #tpu.memory_space<vmem>>, vector<16xi32>,
      %get3A_599 = arith.constant 176 : index
      %get3A_600 = tpu.vector_load %arg5[%get3A_599] {strides = array<i32>} : memref<256xi32, #tpu.memory_space<vmem>>, vector<16xi32>,
      %get3A_601 = vector.shape_cast %get3A_600 : vector<16xi32> to vector<16xi32>
      %sub3A_602 = arith.constant 0 : i32
      %sub3A_603 = vector.broadcast %sub3A_602 : i32 to vector<16xi32>
      %sub3A_604 = arith.subi %get3A_601, %sub3A_603 : vector<16xi32>
      %ge3A_605 = arith.constant 0 : i32
      %ge3A_606 = vector.broadcast %ge3A_605 : i32 to vector<16xi32>
      %ge3A_607 = arith.cmpi sge, %sub3A_604, %ge3A_606 : vector<16xi32>
      %lt3A_608 = arith.constant 24576 : i32
      %lt3A_609 = vector.broadcast %lt3A_608 : i32 to vector<16xi32>
      %lt3A_610 = arith.cmpi slt, %sub3A_604, %lt3A_609 : vector<16xi32>
      %and3A_611 = arith.andi %ge3A_607, %lt3A_610 : vector<16xi1>
      %and3A_612 = arith.constant 127 : i32
      %and3A_613 = vector.broadcast %and3A_612 : i32 to vector<16xi32>
      %and3A_614 = arith.andi %get3A_601, %and3A_613 : vector<16xi32>
      %add3A_615 = arith.constant 24576 : i32
      %add3A_616 = vector.broadcast %add3A_615 : i32 to vector<16xi32>
      %add3A_617 = arith.addi %add3A_616, %and3A_614 : vector<16xi32>
      %select_n3A_618 = arith.select %and3A_611, %sub3A_604, %add3A_617 : vector<16xi1>, vector<16xi32>
      %swap3A_619 = arith.constant 48 : index
      %swap3A_620 = tpu.vector_load %arg7[%swap3A_619] {strides = array<i32>} : memref<128xi32, #tpu.memory_space<vmem>>, vector<16xi32>,
      %swap3A_621 = vector.shape_cast %swap3A_620 : vector<16xi32> to vector<16xi32>
      %swap3A_622 = vector.shape_cast %select_n3A_618 : vector<16xi32> to vector<16xi32>
      tpu.vector_store %arg7[%swap3A_619], %swap3A_622 {strides = array<i32>} : memref<128xi32, #tpu.memory_space<vmem>>, vector<16xi32>,
      %get3A_623 = arith.constant 192 : index
      %get3A_624 = tpu.vector_load %arg5[%get3A_623] {strides = array<i32>} : memref<256xi32, #tpu.memory_space<vmem>>, vector<16xi32>,
      %get3A_625 = vector.shape_cast %get3A_624 : vector<16xi32> to vector<16xi32>
      %sub3A_626 = arith.constant 0 : i32
      %sub3A_627 = vector.broadcast %sub3A_626 : i32 to vector<16xi32>
      %sub3A_628 = arith.subi %get3A_625, %sub3A_627 : vector<16xi32>
      %ge3A_629 = arith.constant 0 : i32
      %ge3A_630 = vector.broadcast %ge3A_629 : i32 to vector<16xi32>
      %ge3A_631 = arith.cmpi sge, %sub3A_628, %ge3A_630 : vector<16xi32>
      %lt3A_632 = arith.constant 24576 : i32
      %lt3A_633 = vector.broadcast %lt3A_632 : i32 to vector<16xi32>
      %lt3A_634 = arith.cmpi slt, %sub3A_628, %lt3A_633 : vector<16xi32>
      %and3A_635 = arith.andi %ge3A_631, %lt3A_634 : vector<16xi1>
      %and3A_636 = arith.constant 127 : i32
      %and3A_637 = vector.broadcast %and3A_636 : i32 to vector<16xi32>
      %and3A_638 = arith.andi %get3A_625, %and3A_637 : vector<16xi32>
      %add3A_639 = arith.constant 24576 : i32
      %add3A_640 = vector.broadcast %add3A_639 : i32 to vector<16xi32>
      %add3A_641 = arith.addi %add3A_640, %and3A_638 : vector<16xi32>
      %select_n3A_642 = arith.select %and3A_635, %sub3A_628, %add3A_641 : vector<16xi1>, vector<16xi32>
      %swap3A_643 = arith.constant 64 : index
      %swap3A_644 = tpu.vector_load %arg7[%swap3A_643] {strides = array<i32>} : memref<128xi32, #tpu.memory_space<vmem>>, vector<16xi32>,
      %swap3A_645 = vector.shape_cast %swap3A_644 : vector<16xi32> to vector<16xi32>
      %swap3A_646 = vector.shape_cast %select_n3A_642 : vector<16xi32> to vector<16xi32>
      tpu.vector_store %arg7[%swap3A_643], %swap3A_646 {strides = array<i32>} : memref<128xi32, #tpu.memory_space<vmem>>, vector<16xi32>,
      %get3A_647 = arith.constant 208 : index
      %get3A_648 = tpu.vector_load %arg5[%get3A_647] {strides = array<i32>} : memref<256xi32, #tpu.memory_space<vmem>>, vector<16xi32>,
      %get3A_649 = vector.shape_cast %get3A_648 : vector<16xi32> to vector<16xi32>
      %sub3A_650 = arith.constant 0 : i32
      %sub3A_651 = vector.broadcast %sub3A_650 : i32 to vector<16xi32>
      %sub3A_652 = arith.subi %get3A_649, %sub3A_651 : vector<16xi32>
      %ge3A_653 = arith.constant 0 : i32
      %ge3A_654 = vector.broadcast %ge3A_653 : i32 to vector<16xi32>
      %ge3A_655 = arith.cmpi sge, %sub3A_652, %ge3A_654 : vector<16xi32>
      %lt3A_656 = arith.constant 24576 : i32
      %lt3A_657 = vector.broadcast %lt3A_656 : i32 to vector<16xi32>
      %lt3A_658 = arith.cmpi slt, %sub3A_652, %lt3A_657 : vector<16xi32>
      %and3A_659 = arith.andi %ge3A_655, %lt3A_658 : vector<16xi1>
      %and3A_660 = arith.constant 127 : i32
      %and3A_661 = vector.broadcast %and3A_660 : i32 to vector<16xi32>
      %and3A_662 = arith.andi %get3A_649, %and3A_661 : vector<16xi32>
      %add3A_663 = arith.constant 24576 : i32
      %add3A_664 = vector.broadcast %add3A_663 : i32 to vector<16xi32>
      %add3A_665 = arith.addi %add3A_664, %and3A_662 : vector<16xi32>
      %select_n3A_666 = arith.select %and3A_659, %sub3A_652, %add3A_665 : vector<16xi1>, vector<16xi32>
      %swap3A_667 = arith.constant 80 : index
      %swap3A_668 = tpu.vector_load %arg7[%swap3A_667] {strides = array<i32>} : memref<128xi32, #tpu.memory_space<vmem>>, vector<16xi32>,
      %swap3A_669 = vector.shape_cast %swap3A_668 : vector<16xi32> to vector<16xi32>
      %swap3A_670 = vector.shape_cast %select_n3A_666 : vector<16xi32> to vector<16xi32>
      tpu.vector_store %arg7[%swap3A_667], %swap3A_670 {strides = array<i32>} : memref<128xi32, #tpu.memory_space<vmem>>, vector<16xi32>,
      %get3A_671 = arith.constant 224 : index
      %get3A_672 = tpu.vector_load %arg5[%get3A_671] {strides = array<i32>} : memref<256xi32, #tpu.memory_space<vmem>>, vector<16xi32>,
      %get3A_673 = vector.shape_cast %get3A_672 : vector<16xi32> to vector<16xi32>
      %sub3A_674 = arith.constant 0 : i32
      %sub3A_675 = vector.broadcast %sub3A_674 : i32 to vector<16xi32>
      %sub3A_676 = arith.subi %get3A_673, %sub3A_675 : vector<16xi32>
      %ge3A_677 = arith.constant 0 : i32
      %ge3A_678 = vector.broadcast %ge3A_677 : i32 to vector<16xi32>
      %ge3A_679 = arith.cmpi sge, %sub3A_676, %ge3A_678 : vector<16xi32>
      %lt3A_680 = arith.constant 24576 : i32
      %lt3A_681 = vector.broadcast %lt3A_680 : i32 to vector<16xi32>
      %lt3A_682 = arith.cmpi slt, %sub3A_676, %lt3A_681 : vector<16xi32>
      %and3A_683 = arith.andi %ge3A_679, %lt3A_682 : vector<16xi1>
      %and3A_684 = arith.constant 127 : i32
      %and3A_685 = vector.broadcast %and3A_684 : i32 to vector<16xi32>
      %and3A_686 = arith.andi %get3A_673, %and3A_685 : vector<16xi32>
      %add3A_687 = arith.constant 24576 : i32
      %add3A_688 = vector.broadcast %add3A_687 : i32 to vector<16xi32>
      %add3A_689 = arith.addi %add3A_688, %and3A_686 : vector<16xi32>
      %select_n3A_690 = arith.select %and3A_683, %sub3A_676, %add3A_689 : vector<16xi1>, vector<16xi32>
      %swap3A_691 = arith.constant 96 : index
      %swap3A_692 = tpu.vector_load %arg7[%swap3A_691] {strides = array<i32>} : memref<128xi32, #tpu.memory_space<vmem>>, vector<16xi32>,
      %swap3A_693 = vector.shape_cast %swap3A_692 : vector<16xi32> to vector<16xi32>
      %swap3A_694 = vector.shape_cast %select_n3A_690 : vector<16xi32> to vector<16xi32>
      tpu.vector_store %arg7[%swap3A_691], %swap3A_694 {strides = array<i32>} : memref<128xi32, #tpu.memory_space<vmem>>, vector<16xi32>,
      %get3A_695 = arith.constant 240 : index
      %get3A_696 = tpu.vector_load %arg5[%get3A_695] {strides = array<i32>} : memref<256xi32, #tpu.memory_space<vmem>>, vector<16xi32>,
      %get3A_697 = vector.shape_cast %get3A_696 : vector<16xi32> to vector<16xi32>
      %sub3A_698 = arith.constant 0 : i32
      %sub3A_699 = vector.broadcast %sub3A_698 : i32 to vector<16xi32>
      %sub3A_700 = arith.subi %get3A_697, %sub3A_699 : vector<16xi32>
      %ge3A_701 = arith.constant 0 : i32
      %ge3A_702 = vector.broadcast %ge3A_701 : i32 to vector<16xi32>
      %ge3A_703 = arith.cmpi sge, %sub3A_700, %ge3A_702 : vector<16xi32>
      %lt3A_704 = arith.constant 24576 : i32
      %lt3A_705 = vector.broadcast %lt3A_704 : i32 to vector<16xi32>
      %lt3A_706 = arith.cmpi slt, %sub3A_700, %lt3A_705 : vector<16xi32>
      %and3A_707 = arith.andi %ge3A_703, %lt3A_706 : vector<16xi1>
      %and3A_708 = arith.constant 127 : i32
      %and3A_709 = vector.broadcast %and3A_708 : i32 to vector<16xi32>
      %and3A_710 = arith.andi %get3A_697, %and3A_709 : vector<16xi32>
      %add3A_711 = arith.constant 24576 : i32
      %add3A_712 = vector.broadcast %add3A_711 : i32 to vector<16xi32>
      %add3A_713 = arith.addi %add3A_712, %and3A_710 : vector<16xi32>
      %select_n3A_714 = arith.select %and3A_707, %sub3A_700, %add3A_713 : vector<16xi1>, vector<16xi32>
      %swap3A_715 = arith.constant 112 : index
      %swap3A_716 = tpu.vector_load %arg7[%swap3A_715] {strides = array<i32>} : memref<128xi32, #tpu.memory_space<vmem>>, vector<16xi32>,
      %swap3A_717 = vector.shape_cast %swap3A_716 : vector<16xi32> to vector<16xi32>
      %swap3A_718 = vector.shape_cast %select_n3A_714 : vector<16xi32> to vector<16xi32>
      tpu.vector_store %arg7[%swap3A_715], %swap3A_718 {strides = array<i32>} : memref<128xi32, #tpu.memory_space<vmem>>, vector<16xi32>,
      "tpu.region"() ({
        %run_scoped3A = tpu.sem_alloc : memref<!tpu.dma_semaphore, #tpu.memory_space<semaphore_mem>>
        %dma_start3A = arith.constant 0 : i32
        %dma_start3A_719 = arith.constant 0 : i32
        %dma_start3A_720 = tpu.memref_slice %arg8[%dma_start3A, %dma_start3A_719] : memref<256x64xf32, #tpu.memory_space<vmem>> -> memref<128x64xf32, #tpu.memory_space<vmem>>
        %dma_start3A_721 = arith.constant 0 : i32
        %dma_start3A_722 = arith.constant 0 : i32
        %dma_start3A_723 = tpu.memref_slice %arg10[%dma_start3A_721, %dma_start3A_722] : memref<25344x64xf32, #tpu.memory_space<vmem_shared>> -> memref<25344x64xf32, #tpu.memory_space<vmem_shared>>
        tpu.enqueue_indirect_dma source(%dma_start3A_720 : memref<128x64xf32, #tpu.memory_space<vmem>>) target(%dma_start3A_723 : memref<25344x64xf32, #tpu.memory_space<vmem_shared>>) offsets(%arg6 : memref<128xi32, #tpu.memory_space<vmem>>) semaphore(%run_scoped3A : memref<!tpu.dma_semaphore, #tpu.memory_space<semaphore_mem>>) {add = true}
        %dma_wait3A = arith.constant 0 : i32
        %dma_wait3A_724 = arith.constant 0 : i32
        %dma_wait3A_725 = tpu.memref_slice %arg8[%dma_wait3A, %dma_wait3A_724] : memref<256x64xf32, #tpu.memory_space<vmem>> -> memref<128x64xf32, #tpu.memory_space<vmem>>
        %dma_wait3A_726 = arith.constant 0 : i32
        %dma_wait3A_727 = arith.constant 0 : i32
        %dma_wait3A_728 = tpu.memref_slice %arg10[%dma_wait3A_726, %dma_wait3A_727] : memref<25344x64xf32, #tpu.memory_space<vmem_shared>> -> memref<25344x64xf32, #tpu.memory_space<vmem_shared>>
        tpu.wait_indirect_dma semaphore(%run_scoped3A : memref<!tpu.dma_semaphore, #tpu.memory_space<semaphore_mem>>) src(%dma_wait3A_725 : memref<128x64xf32, #tpu.memory_space<vmem>>) dst(%dma_wait3A_728 : memref<25344x64xf32, #tpu.memory_space<vmem_shared>>)
        tpu.yield
      }) : () -> ()
      "tpu.region"() ({
        %run_scoped3A = tpu.sem_alloc : memref<!tpu.dma_semaphore, #tpu.memory_space<semaphore_mem>>
        %dma_start3A = arith.constant 128 : i32
        %dma_start3A_719 = arith.constant 0 : i32
        %dma_start3A_720 = tpu.memref_slice %arg8[%dma_start3A, %dma_start3A_719] : memref<256x64xf32, #tpu.memory_space<vmem>> -> memref<128x64xf32, #tpu.memory_space<vmem>>
        %dma_start3A_721 = arith.constant 0 : i32
        %dma_start3A_722 = arith.constant 0 : i32
        %dma_start3A_723 = tpu.memref_slice %arg10[%dma_start3A_721, %dma_start3A_722] : memref<25344x64xf32, #tpu.memory_space<vmem_shared>> -> memref<25344x64xf32, #tpu.memory_space<vmem_shared>>
        tpu.enqueue_indirect_dma source(%dma_start3A_720 : memref<128x64xf32, #tpu.memory_space<vmem>>) target(%dma_start3A_723 : memref<25344x64xf32, #tpu.memory_space<vmem_shared>>) offsets(%arg7 : memref<128xi32, #tpu.memory_space<vmem>>) semaphore(%run_scoped3A : memref<!tpu.dma_semaphore, #tpu.memory_space<semaphore_mem>>) {add = true}
        %dma_wait3A = arith.constant 128 : i32
        %dma_wait3A_724 = arith.constant 0 : i32
        %dma_wait3A_725 = tpu.memref_slice %arg8[%dma_wait3A, %dma_wait3A_724] : memref<256x64xf32, #tpu.memory_space<vmem>> -> memref<128x64xf32, #tpu.memory_space<vmem>>
        %dma_wait3A_726 = arith.constant 0 : i32
        %dma_wait3A_727 = arith.constant 0 : i32
        %dma_wait3A_728 = tpu.memref_slice %arg10[%dma_wait3A_726, %dma_wait3A_727] : memref<25344x64xf32, #tpu.memory_space<vmem_shared>> -> memref<25344x64xf32, #tpu.memory_space<vmem_shared>>
        tpu.wait_indirect_dma semaphore(%run_scoped3A : memref<!tpu.dma_semaphore, #tpu.memory_space<semaphore_mem>>) src(%dma_wait3A_725 : memref<128x64xf32, #tpu.memory_space<vmem>>) dst(%dma_wait3A_728 : memref<25344x64xf32, #tpu.memory_space<vmem_shared>>)
        tpu.yield
      }) : () -> ()
    }
    %scan3A_97 = arith.constant 32 : i32
    %barrier3A_98 = arith.constant 0 : index
    tpu.barrier barrier_id(%barrier3A_98)
    %mul3A = arith.constant 1536 : i32
    %mul3A_99 = arith.muli %arg1, %mul3A : i32
    %multiple_of3A = tpu.assume_multiple %mul3A_99, 1536 : i32
    %mul3A_100 = arith.constant 65536 : i32
    %mul3A_101 = arith.muli %arg0, %mul3A_100 : i32
    %add3A_102 = arith.constant 0 : i32
    %add3A_103 = arith.addi %mul3A_101, %add3A_102 : i32
    %mul3A_104 = arith.constant 1536 : i32
    %mul3A_105 = arith.muli %arg1, %mul3A_104 : i32
    %add3A_106 = arith.addi %add3A_103, %mul3A_105 : i32
    %multiple_of3A_107 = tpu.assume_multiple %add3A_106, 1536 : i32
    "tpu.region"() ({
      %run_scoped3A = tpu.sem_alloc : memref<!tpu.dma_semaphore, #tpu.memory_space<semaphore_mem>>
      %dma_start3A = arith.constant 0 : i32
      %dma_start3A_331 = tpu.memref_slice %arg4[%multiple_of3A_107, %dma_start3A] : memref<131072x64xf32, #tpu.memory_space<hbm>> -> memref<1536x64xf32, #tpu.memory_space<hbm>>
      %dma_start3A_332 = arith.constant 0 : i32
      %dma_start3A_333 = tpu.memref_slice %arg10[%multiple_of3A, %dma_start3A_332] : memref<25344x64xf32, #tpu.memory_space<vmem_shared>> -> memref<1536x64xf32, #tpu.memory_space<vmem_shared>>
      tpu.enqueue_dma source(%dma_start3A_333 : memref<1536x64xf32, #tpu.memory_space<vmem_shared>>) target(%dma_start3A_331 : memref<1536x64xf32, #tpu.memory_space<hbm>>) target_semaphore(%run_scoped3A : memref<!tpu.dma_semaphore, #tpu.memory_space<semaphore_mem>>)
      %dma_wait3A = arith.constant 0 : i32
      %dma_wait3A_334 = tpu.memref_slice %arg4[%multiple_of3A_107, %dma_wait3A] : memref<131072x64xf32, #tpu.memory_space<hbm>> -> memref<1536x64xf32, #tpu.memory_space<hbm>>
      %dma_wait3A_335 = arith.constant 0 : i32
      %dma_wait3A_336 = tpu.memref_slice %arg10[%multiple_of3A, %dma_wait3A_335] : memref<25344x64xf32, #tpu.memory_space<vmem_shared>> -> memref<1536x64xf32, #tpu.memory_space<vmem_shared>>
      tpu.wait_dma2 semaphore(%run_scoped3A : memref<!tpu.dma_semaphore, #tpu.memory_space<semaphore_mem>>) src(%dma_wait3A_336 : memref<1536x64xf32, #tpu.memory_space<vmem_shared>>) dst(%dma_wait3A_334 : memref<1536x64xf32, #tpu.memory_space<hbm>>)
      tpu.yield
    }) : () -> ()
    %barrier3A_108 = arith.constant 0 : index
    tpu.barrier barrier_id(%barrier3A_108)
    %add3A_109 = arith.constant 0 : i32
    %add3A_110 = arith.addi %add3A_109, %arg1 : i32
    %lt3A_111 = arith.constant 198 : i32
    %lt3A_112 = arith.cmpi slt, %add3A_110, %lt3A_111 : i32
    %convert_element_type3A_113 = arith.extui %lt3A_112 : i1 to i32
    %cond3A_114 = arith.constant 0 : i32
    %cond3A_115 = arith.cmpi ne, %convert_element_type3A_113, %cond3A_114 : i32
    scf.if %cond3A_115 {
      %mul3A_331 = arith.constant 128 : i32
      %mul3A_332 = arith.muli %add3A_110, %mul3A_331 : i32
      %multiple_of3A_333 = tpu.assume_multiple %mul3A_332, 128 : i32
      "tpu.region"() ({
        %run_scoped3A = tpu.sem_alloc : memref<!tpu.dma_semaphore, #tpu.memory_space<semaphore_mem>>
        %dma_start3A = arith.constant 0 : i32
        %dma_start3A_334 = tpu.memref_slice %arg10[%multiple_of3A_333, %dma_start3A] : memref<25344x64xf32, #tpu.memory_space<vmem_shared>> -> memref<128x64xf32, #tpu.memory_space<vmem_shared>>
        %dma_start3A_335 = arith.constant 0 : i32
        %dma_start3A_336 = tpu.memref_slice %arg10[%multiple_of3A_333, %dma_start3A_335] : memref<25344x64xf32, #tpu.memory_space<vmem_shared>> -> memref<128x64xf32, #tpu.memory_space<vmem_shared>>
        tpu.enqueue_dma source(%arg9 : memref<128x64xf32, #tpu.memory_space<vmem>>) target(%dma_start3A_336 : memref<128x64xf32, #tpu.memory_space<vmem_shared>>) target_semaphore(%run_scoped3A : memref<!tpu.dma_semaphore, #tpu.memory_space<semaphore_mem>>)
        %dma_wait3A = arith.constant 0 : i32
        %dma_wait3A_337 = tpu.memref_slice %arg10[%multiple_of3A_333, %dma_wait3A] : memref<25344x64xf32, #tpu.memory_space<vmem_shared>> -> memref<128x64xf32, #tpu.memory_space<vmem_shared>>
        %dma_wait3A_338 = arith.constant 0 : i32
        %dma_wait3A_339 = tpu.memref_slice %arg10[%multiple_of3A_333, %dma_wait3A_338] : memref<25344x64xf32, #tpu.memory_space<vmem_shared>> -> memref<128x64xf32, #tpu.memory_space<vmem_shared>>
        tpu.wait_dma2 semaphore(%run_scoped3A : memref<!tpu.dma_semaphore, #tpu.memory_space<semaphore_mem>>) src(%arg9 : memref<128x64xf32, #tpu.memory_space<vmem>>) dst(%dma_wait3A_339 : memref<128x64xf32, #tpu.memory_space<vmem_shared>>)
        tpu.yield
      }) : () -> ()
    } else {
    }
    %add3A_116 = arith.constant 16 : i32
    %add3A_117 = arith.addi %add3A_116, %arg1 : i32
    %lt3A_118 = arith.constant 198 : i32
    %lt3A_119 = arith.cmpi slt, %add3A_117, %lt3A_118 : i32
    %convert_element_type3A_120 = arith.extui %lt3A_119 : i1 to i32
    %cond3A_121 = arith.constant 0 : i32
    %cond3A_122 = arith.cmpi ne, %convert_element_type3A_120, %cond3A_121 : i32
    scf.if %cond3A_122 {
      %mul3A_331 = arith.constant 128 : i32
      %mul3A_332 = arith.muli %add3A_117, %mul3A_331 : i32
      %multiple_of3A_333 = tpu.assume_multiple %mul3A_332, 128 : i32
      "tpu.region"() ({
        %run_scoped3A = tpu.sem_alloc : memref<!tpu.dma_semaphore, #tpu.memory_space<semaphore_mem>>
        %dma_start3A = arith.constant 0 : i32
        %dma_start3A_334 = tpu.memref_slice %arg10[%multiple_of3A_333, %dma_start3A] : memref<25344x64xf32, #tpu.memory_space<vmem_shared>> -> memref<128x64xf32, #tpu.memory_space<vmem_shared>>
        %dma_start3A_335 = arith.constant 0 : i32
        %dma_start3A_336 = tpu.memref_slice %arg10[%multiple_of3A_333, %dma_start3A_335] : memref<25344x64xf32, #tpu.memory_space<vmem_shared>> -> memref<128x64xf32, #tpu.memory_space<vmem_shared>>
        tpu.enqueue_dma source(%arg9 : memref<128x64xf32, #tpu.memory_space<vmem>>) target(%dma_start3A_336 : memref<128x64xf32, #tpu.memory_space<vmem_shared>>) target_semaphore(%run_scoped3A : memref<!tpu.dma_semaphore, #tpu.memory_space<semaphore_mem>>)
        %dma_wait3A = arith.constant 0 : i32
        %dma_wait3A_337 = tpu.memref_slice %arg10[%multiple_of3A_333, %dma_wait3A] : memref<25344x64xf32, #tpu.memory_space<vmem_shared>> -> memref<128x64xf32, #tpu.memory_space<vmem_shared>>
        %dma_wait3A_338 = arith.constant 0 : i32
        %dma_wait3A_339 = tpu.memref_slice %arg10[%multiple_of3A_333, %dma_wait3A_338] : memref<25344x64xf32, #tpu.memory_space<vmem_shared>> -> memref<128x64xf32, #tpu.memory_space<vmem_shared>>
        tpu.wait_dma2 semaphore(%run_scoped3A : memref<!tpu.dma_semaphore, #tpu.memory_space<semaphore_mem>>) src(%arg9 : memref<128x64xf32, #tpu.memory_space<vmem>>) dst(%dma_wait3A_339 : memref<128x64xf32, #tpu.memory_space<vmem_shared>>)
        tpu.yield
      }) : () -> ()
    } else {
    }
    %add3A_123 = arith.constant 32 : i32
    %add3A_124 = arith.addi %add3A_123, %arg1 : i32
    %lt3A_125 = arith.constant 198 : i32
    %lt3A_126 = arith.cmpi slt, %add3A_124, %lt3A_125 : i32
    %convert_element_type3A_127 = arith.extui %lt3A_126 : i1 to i32
    %cond3A_128 = arith.constant 0 : i32
    %cond3A_129 = arith.cmpi ne, %convert_element_type3A_127, %cond3A_128 : i32
    scf.if %cond3A_129 {
      %mul3A_331 = arith.constant 128 : i32
      %mul3A_332 = arith.muli %add3A_124, %mul3A_331 : i32
      %multiple_of3A_333 = tpu.assume_multiple %mul3A_332, 128 : i32
      "tpu.region"() ({
        %run_scoped3A = tpu.sem_alloc : memref<!tpu.dma_semaphore, #tpu.memory_space<semaphore_mem>>
        %dma_start3A = arith.constant 0 : i32
        %dma_start3A_334 = tpu.memref_slice %arg10[%multiple_of3A_333, %dma_start3A] : memref<25344x64xf32, #tpu.memory_space<vmem_shared>> -> memref<128x64xf32, #tpu.memory_space<vmem_shared>>
        %dma_start3A_335 = arith.constant 0 : i32
        %dma_start3A_336 = tpu.memref_slice %arg10[%multiple_of3A_333, %dma_start3A_335] : memref<25344x64xf32, #tpu.memory_space<vmem_shared>> -> memref<128x64xf32, #tpu.memory_space<vmem_shared>>
        tpu.enqueue_dma source(%arg9 : memref<128x64xf32, #tpu.memory_space<vmem>>) target(%dma_start3A_336 : memref<128x64xf32, #tpu.memory_space<vmem_shared>>) target_semaphore(%run_scoped3A : memref<!tpu.dma_semaphore, #tpu.memory_space<semaphore_mem>>)
        %dma_wait3A = arith.constant 0 : i32
        %dma_wait3A_337 = tpu.memref_slice %arg10[%multiple_of3A_333, %dma_wait3A] : memref<25344x64xf32, #tpu.memory_space<vmem_shared>> -> memref<128x64xf32, #tpu.memory_space<vmem_shared>>
        %dma_wait3A_338 = arith.constant 0 : i32
        %dma_wait3A_339 = tpu.memref_slice %arg10[%multiple_of3A_333, %dma_wait3A_338] : memref<25344x64xf32, #tpu.memory_space<vmem_shared>> -> memref<128x64xf32, #tpu.memory_space<vmem_shared>>
        tpu.wait_dma2 semaphore(%run_scoped3A : memref<!tpu.dma_semaphore, #tpu.memory_space<semaphore_mem>>) src(%arg9 : memref<128x64xf32, #tpu.memory_space<vmem>>) dst(%dma_wait3A_339 : memref<128x64xf32, #tpu.memory_space<vmem_shared>>)
        tpu.yield
      }) : () -> ()
    } else {
    }
    %add3A_130 = arith.constant 48 : i32
    %add3A_131 = arith.addi %add3A_130, %arg1 : i32
    %lt3A_132 = arith.constant 198 : i32
    %lt3A_133 = arith.cmpi slt, %add3A_131, %lt3A_132 : i32
    %convert_element_type3A_134 = arith.extui %lt3A_133 : i1 to i32
    %cond3A_135 = arith.constant 0 : i32
    %cond3A_136 = arith.cmpi ne, %convert_element_type3A_134, %cond3A_135 : i32
    scf.if %cond3A_136 {
      %mul3A_331 = arith.constant 128 : i32
      %mul3A_332 = arith.muli %add3A_131, %mul3A_331 : i32
      %multiple_of3A_333 = tpu.assume_multiple %mul3A_332, 128 : i32
      "tpu.region"() ({
        %run_scoped3A = tpu.sem_alloc : memref<!tpu.dma_semaphore, #tpu.memory_space<semaphore_mem>>
        %dma_start3A = arith.constant 0 : i32
        %dma_start3A_334 = tpu.memref_slice %arg10[%multiple_of3A_333, %dma_start3A] : memref<25344x64xf32, #tpu.memory_space<vmem_shared>> -> memref<128x64xf32, #tpu.memory_space<vmem_shared>>
        %dma_start3A_335 = arith.constant 0 : i32
        %dma_start3A_336 = tpu.memref_slice %arg10[%multiple_of3A_333, %dma_start3A_335] : memref<25344x64xf32, #tpu.memory_space<vmem_shared>> -> memref<128x64xf32, #tpu.memory_space<vmem_shared>>
        tpu.enqueue_dma source(%arg9 : memref<128x64xf32, #tpu.memory_space<vmem>>) target(%dma_start3A_336 : memref<128x64xf32, #tpu.memory_space<vmem_shared>>) target_semaphore(%run_scoped3A : memref<!tpu.dma_semaphore, #tpu.memory_space<semaphore_mem>>)
        %dma_wait3A = arith.constant 0 : i32
        %dma_wait3A_337 = tpu.memref_slice %arg10[%multiple_of3A_333, %dma_wait3A] : memref<25344x64xf32, #tpu.memory_space<vmem_shared>> -> memref<128x64xf32, #tpu.memory_space<vmem_shared>>
        %dma_wait3A_338 = arith.constant 0 : i32
        %dma_wait3A_339 = tpu.memref_slice %arg10[%multiple_of3A_333, %dma_wait3A_338] : memref<25344x64xf32, #tpu.memory_space<vmem_shared>> -> memref<128x64xf32, #tpu.memory_space<vmem_shared>>
        tpu.wait_dma2 semaphore(%run_scoped3A : memref<!tpu.dma_semaphore, #tpu.memory_space<semaphore_mem>>) src(%arg9 : memref<128x64xf32, #tpu.memory_space<vmem>>) dst(%dma_wait3A_339 : memref<128x64xf32, #tpu.memory_space<vmem_shared>>)
        tpu.yield
      }) : () -> ()
    } else {
    }
    %add3A_137 = arith.constant 64 : i32
    %add3A_138 = arith.addi %add3A_137, %arg1 : i32
    %lt3A_139 = arith.constant 198 : i32
    %lt3A_140 = arith.cmpi slt, %add3A_138, %lt3A_139 : i32
    %convert_element_type3A_141 = arith.extui %lt3A_140 : i1 to i32
    %cond3A_142 = arith.constant 0 : i32
    %cond3A_143 = arith.cmpi ne, %convert_element_type3A_141, %cond3A_142 : i32
    scf.if %cond3A_143 {
      %mul3A_331 = arith.constant 128 : i32
      %mul3A_332 = arith.muli %add3A_138, %mul3A_331 : i32
      %multiple_of3A_333 = tpu.assume_multiple %mul3A_332, 128 : i32
      "tpu.region"() ({
        %run_scoped3A = tpu.sem_alloc : memref<!tpu.dma_semaphore, #tpu.memory_space<semaphore_mem>>
        %dma_start3A = arith.constant 0 : i32
        %dma_start3A_334 = tpu.memref_slice %arg10[%multiple_of3A_333, %dma_start3A] : memref<25344x64xf32, #tpu.memory_space<vmem_shared>> -> memref<128x64xf32, #tpu.memory_space<vmem_shared>>
        %dma_start3A_335 = arith.constant 0 : i32
        %dma_start3A_336 = tpu.memref_slice %arg10[%multiple_of3A_333, %dma_start3A_335] : memref<25344x64xf32, #tpu.memory_space<vmem_shared>> -> memref<128x64xf32, #tpu.memory_space<vmem_shared>>
        tpu.enqueue_dma source(%arg9 : memref<128x64xf32, #tpu.memory_space<vmem>>) target(%dma_start3A_336 : memref<128x64xf32, #tpu.memory_space<vmem_shared>>) target_semaphore(%run_scoped3A : memref<!tpu.dma_semaphore, #tpu.memory_space<semaphore_mem>>)
        %dma_wait3A = arith.constant 0 : i32
        %dma_wait3A_337 = tpu.memref_slice %arg10[%multiple_of3A_333, %dma_wait3A] : memref<25344x64xf32, #tpu.memory_space<vmem_shared>> -> memref<128x64xf32, #tpu.memory_space<vmem_shared>>
        %dma_wait3A_338 = arith.constant 0 : i32
        %dma_wait3A_339 = tpu.memref_slice %arg10[%multiple_of3A_333, %dma_wait3A_338] : memref<25344x64xf32, #tpu.memory_space<vmem_shared>> -> memref<128x64xf32, #tpu.memory_space<vmem_shared>>
        tpu.wait_dma2 semaphore(%run_scoped3A : memref<!tpu.dma_semaphore, #tpu.memory_space<semaphore_mem>>) src(%arg9 : memref<128x64xf32, #tpu.memory_space<vmem>>) dst(%dma_wait3A_339 : memref<128x64xf32, #tpu.memory_space<vmem_shared>>)
        tpu.yield
      }) : () -> ()
    } else {
    }
    %add3A_144 = arith.constant 80 : i32
    %add3A_145 = arith.addi %add3A_144, %arg1 : i32
    %lt3A_146 = arith.constant 198 : i32
    %lt3A_147 = arith.cmpi slt, %add3A_145, %lt3A_146 : i32
    %convert_element_type3A_148 = arith.extui %lt3A_147 : i1 to i32
    %cond3A_149 = arith.constant 0 : i32
    %cond3A_150 = arith.cmpi ne, %convert_element_type3A_148, %cond3A_149 : i32
    scf.if %cond3A_150 {
      %mul3A_331 = arith.constant 128 : i32
      %mul3A_332 = arith.muli %add3A_145, %mul3A_331 : i32
      %multiple_of3A_333 = tpu.assume_multiple %mul3A_332, 128 : i32
      "tpu.region"() ({
        %run_scoped3A = tpu.sem_alloc : memref<!tpu.dma_semaphore, #tpu.memory_space<semaphore_mem>>
        %dma_start3A = arith.constant 0 : i32
        %dma_start3A_334 = tpu.memref_slice %arg10[%multiple_of3A_333, %dma_start3A] : memref<25344x64xf32, #tpu.memory_space<vmem_shared>> -> memref<128x64xf32, #tpu.memory_space<vmem_shared>>
        %dma_start3A_335 = arith.constant 0 : i32
        %dma_start3A_336 = tpu.memref_slice %arg10[%multiple_of3A_333, %dma_start3A_335] : memref<25344x64xf32, #tpu.memory_space<vmem_shared>> -> memref<128x64xf32, #tpu.memory_space<vmem_shared>>
        tpu.enqueue_dma source(%arg9 : memref<128x64xf32, #tpu.memory_space<vmem>>) target(%dma_start3A_336 : memref<128x64xf32, #tpu.memory_space<vmem_shared>>) target_semaphore(%run_scoped3A : memref<!tpu.dma_semaphore, #tpu.memory_space<semaphore_mem>>)
        %dma_wait3A = arith.constant 0 : i32
        %dma_wait3A_337 = tpu.memref_slice %arg10[%multiple_of3A_333, %dma_wait3A] : memref<25344x64xf32, #tpu.memory_space<vmem_shared>> -> memref<128x64xf32, #tpu.memory_space<vmem_shared>>
        %dma_wait3A_338 = arith.constant 0 : i32
        %dma_wait3A_339 = tpu.memref_slice %arg10[%multiple_of3A_333, %dma_wait3A_338] : memref<25344x64xf32, #tpu.memory_space<vmem_shared>> -> memref<128x64xf32, #tpu.memory_space<vmem_shared>>
        tpu.wait_dma2 semaphore(%run_scoped3A : memref<!tpu.dma_semaphore, #tpu.memory_space<semaphore_mem>>) src(%arg9 : memref<128x64xf32, #tpu.memory_space<vmem>>) dst(%dma_wait3A_339 : memref<128x64xf32, #tpu.memory_space<vmem_shared>>)
        tpu.yield
      }) : () -> ()
    } else {
    }
    %add3A_151 = arith.constant 96 : i32
    %add3A_152 = arith.addi %add3A_151, %arg1 : i32
    %lt3A_153 = arith.constant 198 : i32
    %lt3A_154 = arith.cmpi slt, %add3A_152, %lt3A_153 : i32
    %convert_element_type3A_155 = arith.extui %lt3A_154 : i1 to i32
    %cond3A_156 = arith.constant 0 : i32
    %cond3A_157 = arith.cmpi ne, %convert_element_type3A_155, %cond3A_156 : i32
    scf.if %cond3A_157 {
      %mul3A_331 = arith.constant 128 : i32
      %mul3A_332 = arith.muli %add3A_152, %mul3A_331 : i32
      %multiple_of3A_333 = tpu.assume_multiple %mul3A_332, 128 : i32
      "tpu.region"() ({
        %run_scoped3A = tpu.sem_alloc : memref<!tpu.dma_semaphore, #tpu.memory_space<semaphore_mem>>
        %dma_start3A = arith.constant 0 : i32
        %dma_start3A_334 = tpu.memref_slice %arg10[%multiple_of3A_333, %dma_start3A] : memref<25344x64xf32, #tpu.memory_space<vmem_shared>> -> memref<128x64xf32, #tpu.memory_space<vmem_shared>>
        %dma_start3A_335 = arith.constant 0 : i32
        %dma_start3A_336 = tpu.memref_slice %arg10[%multiple_of3A_333, %dma_start3A_335] : memref<25344x64xf32, #tpu.memory_space<vmem_shared>> -> memref<128x64xf32, #tpu.memory_space<vmem_shared>>
        tpu.enqueue_dma source(%arg9 : memref<128x64xf32, #tpu.memory_space<vmem>>) target(%dma_start3A_336 : memref<128x64xf32, #tpu.memory_space<vmem_shared>>) target_semaphore(%run_scoped3A : memref<!tpu.dma_semaphore, #tpu.memory_space<semaphore_mem>>)
        %dma_wait3A = arith.constant 0 : i32
        %dma_wait3A_337 = tpu.memref_slice %arg10[%multiple_of3A_333, %dma_wait3A] : memref<25344x64xf32, #tpu.memory_space<vmem_shared>> -> memref<128x64xf32, #tpu.memory_space<vmem_shared>>
        %dma_wait3A_338 = arith.constant 0 : i32
        %dma_wait3A_339 = tpu.memref_slice %arg10[%multiple_of3A_333, %dma_wait3A_338] : memref<25344x64xf32, #tpu.memory_space<vmem_shared>> -> memref<128x64xf32, #tpu.memory_space<vmem_shared>>
        tpu.wait_dma2 semaphore(%run_scoped3A : memref<!tpu.dma_semaphore, #tpu.memory_space<semaphore_mem>>) src(%arg9 : memref<128x64xf32, #tpu.memory_space<vmem>>) dst(%dma_wait3A_339 : memref<128x64xf32, #tpu.memory_space<vmem_shared>>)
        tpu.yield
      }) : () -> ()
    } else {
    }
    %add3A_158 = arith.constant 112 : i32
    %add3A_159 = arith.addi %add3A_158, %arg1 : i32
    %lt3A_160 = arith.constant 198 : i32
    %lt3A_161 = arith.cmpi slt, %add3A_159, %lt3A_160 : i32
    %convert_element_type3A_162 = arith.extui %lt3A_161 : i1 to i32
    %cond3A_163 = arith.constant 0 : i32
    %cond3A_164 = arith.cmpi ne, %convert_element_type3A_162, %cond3A_163 : i32
    scf.if %cond3A_164 {
      %mul3A_331 = arith.constant 128 : i32
      %mul3A_332 = arith.muli %add3A_159, %mul3A_331 : i32
      %multiple_of3A_333 = tpu.assume_multiple %mul3A_332, 128 : i32
      "tpu.region"() ({
        %run_scoped3A = tpu.sem_alloc : memref<!tpu.dma_semaphore, #tpu.memory_space<semaphore_mem>>
        %dma_start3A = arith.constant 0 : i32
        %dma_start3A_334 = tpu.memref_slice %arg10[%multiple_of3A_333, %dma_start3A] : memref<25344x64xf32, #tpu.memory_space<vmem_shared>> -> memref<128x64xf32, #tpu.memory_space<vmem_shared>>
        %dma_start3A_335 = arith.constant 0 : i32
        %dma_start3A_336 = tpu.memref_slice %arg10[%multiple_of3A_333, %dma_start3A_335] : memref<25344x64xf32, #tpu.memory_space<vmem_shared>> -> memref<128x64xf32, #tpu.memory_space<vmem_shared>>
        tpu.enqueue_dma source(%arg9 : memref<128x64xf32, #tpu.memory_space<vmem>>) target(%dma_start3A_336 : memref<128x64xf32, #tpu.memory_space<vmem_shared>>) target_semaphore(%run_scoped3A : memref<!tpu.dma_semaphore, #tpu.memory_space<semaphore_mem>>)
        %dma_wait3A = arith.constant 0 : i32
        %dma_wait3A_337 = tpu.memref_slice %arg10[%multiple_of3A_333, %dma_wait3A] : memref<25344x64xf32, #tpu.memory_space<vmem_shared>> -> memref<128x64xf32, #tpu.memory_space<vmem_shared>>
        %dma_wait3A_338 = arith.constant 0 : i32
        %dma_wait3A_339 = tpu.memref_slice %arg10[%multiple_of3A_333, %dma_wait3A_338] : memref<25344x64xf32, #tpu.memory_space<vmem_shared>> -> memref<128x64xf32, #tpu.memory_space<vmem_shared>>
        tpu.wait_dma2 semaphore(%run_scoped3A : memref<!tpu.dma_semaphore, #tpu.memory_space<semaphore_mem>>) src(%arg9 : memref<128x64xf32, #tpu.memory_space<vmem>>) dst(%dma_wait3A_339 : memref<128x64xf32, #tpu.memory_space<vmem_shared>>)
        tpu.yield
      }) : () -> ()
    } else {
    }
    %add3A_165 = arith.constant 128 : i32
    %add3A_166 = arith.addi %add3A_165, %arg1 : i32
    %lt3A_167 = arith.constant 198 : i32
    %lt3A_168 = arith.cmpi slt, %add3A_166, %lt3A_167 : i32
    %convert_element_type3A_169 = arith.extui %lt3A_168 : i1 to i32
    %cond3A_170 = arith.constant 0 : i32
    %cond3A_171 = arith.cmpi ne, %convert_element_type3A_169, %cond3A_170 : i32
    scf.if %cond3A_171 {
      %mul3A_331 = arith.constant 128 : i32
      %mul3A_332 = arith.muli %add3A_166, %mul3A_331 : i32
      %multiple_of3A_333 = tpu.assume_multiple %mul3A_332, 128 : i32
      "tpu.region"() ({
        %run_scoped3A = tpu.sem_alloc : memref<!tpu.dma_semaphore, #tpu.memory_space<semaphore_mem>>
        %dma_start3A = arith.constant 0 : i32
        %dma_start3A_334 = tpu.memref_slice %arg10[%multiple_of3A_333, %dma_start3A] : memref<25344x64xf32, #tpu.memory_space<vmem_shared>> -> memref<128x64xf32, #tpu.memory_space<vmem_shared>>
        %dma_start3A_335 = arith.constant 0 : i32
        %dma_start3A_336 = tpu.memref_slice %arg10[%multiple_of3A_333, %dma_start3A_335] : memref<25344x64xf32, #tpu.memory_space<vmem_shared>> -> memref<128x64xf32, #tpu.memory_space<vmem_shared>>
        tpu.enqueue_dma source(%arg9 : memref<128x64xf32, #tpu.memory_space<vmem>>) target(%dma_start3A_336 : memref<128x64xf32, #tpu.memory_space<vmem_shared>>) target_semaphore(%run_scoped3A : memref<!tpu.dma_semaphore, #tpu.memory_space<semaphore_mem>>)
        %dma_wait3A = arith.constant 0 : i32
        %dma_wait3A_337 = tpu.memref_slice %arg10[%multiple_of3A_333, %dma_wait3A] : memref<25344x64xf32, #tpu.memory_space<vmem_shared>> -> memref<128x64xf32, #tpu.memory_space<vmem_shared>>
        %dma_wait3A_338 = arith.constant 0 : i32
        %dma_wait3A_339 = tpu.memref_slice %arg10[%multiple_of3A_333, %dma_wait3A_338] : memref<25344x64xf32, #tpu.memory_space<vmem_shared>> -> memref<128x64xf32, #tpu.memory_space<vmem_shared>>
        tpu.wait_dma2 semaphore(%run_scoped3A : memref<!tpu.dma_semaphore, #tpu.memory_space<semaphore_mem>>) src(%arg9 : memref<128x64xf32, #tpu.memory_space<vmem>>) dst(%dma_wait3A_339 : memref<128x64xf32, #tpu.memory_space<vmem_shared>>)
        tpu.yield
      }) : () -> ()
    } else {
    }
    %add3A_172 = arith.constant 144 : i32
    %add3A_173 = arith.addi %add3A_172, %arg1 : i32
    %lt3A_174 = arith.constant 198 : i32
    %lt3A_175 = arith.cmpi slt, %add3A_173, %lt3A_174 : i32
    %convert_element_type3A_176 = arith.extui %lt3A_175 : i1 to i32
    %cond3A_177 = arith.constant 0 : i32
    %cond3A_178 = arith.cmpi ne, %convert_element_type3A_176, %cond3A_177 : i32
    scf.if %cond3A_178 {
      %mul3A_331 = arith.constant 128 : i32
      %mul3A_332 = arith.muli %add3A_173, %mul3A_331 : i32
      %multiple_of3A_333 = tpu.assume_multiple %mul3A_332, 128 : i32
      "tpu.region"() ({
        %run_scoped3A = tpu.sem_alloc : memref<!tpu.dma_semaphore, #tpu.memory_space<semaphore_mem>>
        %dma_start3A = arith.constant 0 : i32
        %dma_start3A_334 = tpu.memref_slice %arg10[%multiple_of3A_333, %dma_start3A] : memref<25344x64xf32, #tpu.memory_space<vmem_shared>> -> memref<128x64xf32, #tpu.memory_space<vmem_shared>>
        %dma_start3A_335 = arith.constant 0 : i32
        %dma_start3A_336 = tpu.memref_slice %arg10[%multiple_of3A_333, %dma_start3A_335] : memref<25344x64xf32, #tpu.memory_space<vmem_shared>> -> memref<128x64xf32, #tpu.memory_space<vmem_shared>>
        tpu.enqueue_dma source(%arg9 : memref<128x64xf32, #tpu.memory_space<vmem>>) target(%dma_start3A_336 : memref<128x64xf32, #tpu.memory_space<vmem_shared>>) target_semaphore(%run_scoped3A : memref<!tpu.dma_semaphore, #tpu.memory_space<semaphore_mem>>)
        %dma_wait3A = arith.constant 0 : i32
        %dma_wait3A_337 = tpu.memref_slice %arg10[%multiple_of3A_333, %dma_wait3A] : memref<25344x64xf32, #tpu.memory_space<vmem_shared>> -> memref<128x64xf32, #tpu.memory_space<vmem_shared>>
        %dma_wait3A_338 = arith.constant 0 : i32
        %dma_wait3A_339 = tpu.memref_slice %arg10[%multiple_of3A_333, %dma_wait3A_338] : memref<25344x64xf32, #tpu.memory_space<vmem_shared>> -> memref<128x64xf32, #tpu.memory_space<vmem_shared>>
        tpu.wait_dma2 semaphore(%run_scoped3A : memref<!tpu.dma_semaphore, #tpu.memory_space<semaphore_mem>>) src(%arg9 : memref<128x64xf32, #tpu.memory_space<vmem>>) dst(%dma_wait3A_339 : memref<128x64xf32, #tpu.memory_space<vmem_shared>>)
        tpu.yield
      }) : () -> ()
    } else {
    }
    %add3A_179 = arith.constant 160 : i32
    %add3A_180 = arith.addi %add3A_179, %arg1 : i32
    %lt3A_181 = arith.constant 198 : i32
    %lt3A_182 = arith.cmpi slt, %add3A_180, %lt3A_181 : i32
    %convert_element_type3A_183 = arith.extui %lt3A_182 : i1 to i32
    %cond3A_184 = arith.constant 0 : i32
    %cond3A_185 = arith.cmpi ne, %convert_element_type3A_183, %cond3A_184 : i32
    scf.if %cond3A_185 {
      %mul3A_331 = arith.constant 128 : i32
      %mul3A_332 = arith.muli %add3A_180, %mul3A_331 : i32
      %multiple_of3A_333 = tpu.assume_multiple %mul3A_332, 128 : i32
      "tpu.region"() ({
        %run_scoped3A = tpu.sem_alloc : memref<!tpu.dma_semaphore, #tpu.memory_space<semaphore_mem>>
        %dma_start3A = arith.constant 0 : i32
        %dma_start3A_334 = tpu.memref_slice %arg10[%multiple_of3A_333, %dma_start3A] : memref<25344x64xf32, #tpu.memory_space<vmem_shared>> -> memref<128x64xf32, #tpu.memory_space<vmem_shared>>
        %dma_start3A_335 = arith.constant 0 : i32
        %dma_start3A_336 = tpu.memref_slice %arg10[%multiple_of3A_333, %dma_start3A_335] : memref<25344x64xf32, #tpu.memory_space<vmem_shared>> -> memref<128x64xf32, #tpu.memory_space<vmem_shared>>
        tpu.enqueue_dma source(%arg9 : memref<128x64xf32, #tpu.memory_space<vmem>>) target(%dma_start3A_336 : memref<128x64xf32, #tpu.memory_space<vmem_shared>>) target_semaphore(%run_scoped3A : memref<!tpu.dma_semaphore, #tpu.memory_space<semaphore_mem>>)
        %dma_wait3A = arith.constant 0 : i32
        %dma_wait3A_337 = tpu.memref_slice %arg10[%multiple_of3A_333, %dma_wait3A] : memref<25344x64xf32, #tpu.memory_space<vmem_shared>> -> memref<128x64xf32, #tpu.memory_space<vmem_shared>>
        %dma_wait3A_338 = arith.constant 0 : i32
        %dma_wait3A_339 = tpu.memref_slice %arg10[%multiple_of3A_333, %dma_wait3A_338] : memref<25344x64xf32, #tpu.memory_space<vmem_shared>> -> memref<128x64xf32, #tpu.memory_space<vmem_shared>>
        tpu.wait_dma2 semaphore(%run_scoped3A : memref<!tpu.dma_semaphore, #tpu.memory_space<semaphore_mem>>) src(%arg9 : memref<128x64xf32, #tpu.memory_space<vmem>>) dst(%dma_wait3A_339 : memref<128x64xf32, #tpu.memory_space<vmem_shared>>)
        tpu.yield
      }) : () -> ()
    } else {
    }
    %add3A_186 = arith.constant 176 : i32
    %add3A_187 = arith.addi %add3A_186, %arg1 : i32
    %lt3A_188 = arith.constant 198 : i32
    %lt3A_189 = arith.cmpi slt, %add3A_187, %lt3A_188 : i32
    %convert_element_type3A_190 = arith.extui %lt3A_189 : i1 to i32
    %cond3A_191 = arith.constant 0 : i32
    %cond3A_192 = arith.cmpi ne, %convert_element_type3A_190, %cond3A_191 : i32
    scf.if %cond3A_192 {
      %mul3A_331 = arith.constant 128 : i32
      %mul3A_332 = arith.muli %add3A_187, %mul3A_331 : i32
      %multiple_of3A_333 = tpu.assume_multiple %mul3A_332, 128 : i32
      "tpu.region"() ({
        %run_scoped3A = tpu.sem_alloc : memref<!tpu.dma_semaphore, #tpu.memory_space<semaphore_mem>>
        %dma_start3A = arith.constant 0 : i32
        %dma_start3A_334 = tpu.memref_slice %arg10[%multiple_of3A_333, %dma_start3A] : memref<25344x64xf32, #tpu.memory_space<vmem_shared>> -> memref<128x64xf32, #tpu.memory_space<vmem_shared>>
        %dma_start3A_335 = arith.constant 0 : i32
        %dma_start3A_336 = tpu.memref_slice %arg10[%multiple_of3A_333, %dma_start3A_335] : memref<25344x64xf32, #tpu.memory_space<vmem_shared>> -> memref<128x64xf32, #tpu.memory_space<vmem_shared>>
        tpu.enqueue_dma source(%arg9 : memref<128x64xf32, #tpu.memory_space<vmem>>) target(%dma_start3A_336 : memref<128x64xf32, #tpu.memory_space<vmem_shared>>) target_semaphore(%run_scoped3A : memref<!tpu.dma_semaphore, #tpu.memory_space<semaphore_mem>>)
        %dma_wait3A = arith.constant 0 : i32
        %dma_wait3A_337 = tpu.memref_slice %arg10[%multiple_of3A_333, %dma_wait3A] : memref<25344x64xf32, #tpu.memory_space<vmem_shared>> -> memref<128x64xf32, #tpu.memory_space<vmem_shared>>
        %dma_wait3A_338 = arith.constant 0 : i32
        %dma_wait3A_339 = tpu.memref_slice %arg10[%multiple_of3A_333, %dma_wait3A_338] : memref<25344x64xf32, #tpu.memory_space<vmem_shared>> -> memref<128x64xf32, #tpu.memory_space<vmem_shared>>
        tpu.wait_dma2 semaphore(%run_scoped3A : memref<!tpu.dma_semaphore, #tpu.memory_space<semaphore_mem>>) src(%arg9 : memref<128x64xf32, #tpu.memory_space<vmem>>) dst(%dma_wait3A_339 : memref<128x64xf32, #tpu.memory_space<vmem_shared>>)
        tpu.yield
      }) : () -> ()
    } else {
    }
    %add3A_193 = arith.constant 192 : i32
    %add3A_194 = arith.addi %add3A_193, %arg1 : i32
    %lt3A_195 = arith.constant 198 : i32
    %lt3A_196 = arith.cmpi slt, %add3A_194, %lt3A_195 : i32
    %convert_element_type3A_197 = arith.extui %lt3A_196 : i1 to i32
    %cond3A_198 = arith.constant 0 : i32
    %cond3A_199 = arith.cmpi ne, %convert_element_type3A_197, %cond3A_198 : i32
    scf.if %cond3A_199 {
      %mul3A_331 = arith.constant 128 : i32
      %mul3A_332 = arith.muli %add3A_194, %mul3A_331 : i32
      %multiple_of3A_333 = tpu.assume_multiple %mul3A_332, 128 : i32
      "tpu.region"() ({
        %run_scoped3A = tpu.sem_alloc : memref<!tpu.dma_semaphore, #tpu.memory_space<semaphore_mem>>
        %dma_start3A = arith.constant 0 : i32
        %dma_start3A_334 = tpu.memref_slice %arg10[%multiple_of3A_333, %dma_start3A] : memref<25344x64xf32, #tpu.memory_space<vmem_shared>> -> memref<128x64xf32, #tpu.memory_space<vmem_shared>>
        %dma_start3A_335 = arith.constant 0 : i32
        %dma_start3A_336 = tpu.memref_slice %arg10[%multiple_of3A_333, %dma_start3A_335] : memref<25344x64xf32, #tpu.memory_space<vmem_shared>> -> memref<128x64xf32, #tpu.memory_space<vmem_shared>>
        tpu.enqueue_dma source(%arg9 : memref<128x64xf32, #tpu.memory_space<vmem>>) target(%dma_start3A_336 : memref<128x64xf32, #tpu.memory_space<vmem_shared>>) target_semaphore(%run_scoped3A : memref<!tpu.dma_semaphore, #tpu.memory_space<semaphore_mem>>)
        %dma_wait3A = arith.constant 0 : i32
        %dma_wait3A_337 = tpu.memref_slice %arg10[%multiple_of3A_333, %dma_wait3A] : memref<25344x64xf32, #tpu.memory_space<vmem_shared>> -> memref<128x64xf32, #tpu.memory_space<vmem_shared>>
        %dma_wait3A_338 = arith.constant 0 : i32
        %dma_wait3A_339 = tpu.memref_slice %arg10[%multiple_of3A_333, %dma_wait3A_338] : memref<25344x64xf32, #tpu.memory_space<vmem_shared>> -> memref<128x64xf32, #tpu.memory_space<vmem_shared>>
        tpu.wait_dma2 semaphore(%run_scoped3A : memref<!tpu.dma_semaphore, #tpu.memory_space<semaphore_mem>>) src(%arg9 : memref<128x64xf32, #tpu.memory_space<vmem>>) dst(%dma_wait3A_339 : memref<128x64xf32, #tpu.memory_space<vmem_shared>>)
        tpu.yield
      }) : () -> ()
    } else {
    }
    %barrier3A_200 = arith.constant 0 : index
    tpu.barrier barrier_id(%barrier3A_200)
    %scan3A_201 = arith.constant 0 : i32
    %scan3A_202 = arith.constant 0 : i32
    %scan3A_203 = arith.constant 32 : i32
    %scan3A_204 = arith.addi %scan3A_202, %scan3A_203 : i32
    %scan3A_205 = arith.constant 1 : i32
    scf.for %scan3A_331 = %scan3A_202 to %scan3A_204 step %scan3A_205  : i32 {
      %mul3A_332 = arith.constant 131072 : i32
      %mul3A_333 = arith.muli %arg0, %mul3A_332 : i32
      %mul3A_334 = arith.constant 8192 : i32
      %mul3A_335 = arith.muli %arg1, %mul3A_334 : i32
      %add3A_336 = arith.addi %mul3A_333, %mul3A_335 : i32
      %mul3A_337 = arith.constant 256 : i32
      %mul3A_338 = arith.muli %scan3A_331, %mul3A_337 : i32
      %add3A_339 = arith.addi %add3A_336, %mul3A_338 : i32
      %multiple_of3A_340 = tpu.assume_multiple %add3A_339, 256 : i32
      "tpu.region"() ({
        %run_scoped3A = tpu.sem_alloc : memref<!tpu.dma_semaphore, #tpu.memory_space<semaphore_mem>>
        %dma_start3A = tpu.memref_slice %arg3[%multiple_of3A_340] : memref<262144xi32, #tpu.memory_space<hbm>> -> memref<256xi32, #tpu.memory_space<hbm>>
        %dma_start3A_719 = tpu.memref_slice %arg3[%multiple_of3A_340] : memref<262144xi32, #tpu.memory_space<hbm>> -> memref<256xi32, #tpu.memory_space<hbm>>
        tpu.enqueue_dma source(%dma_start3A_719 : memref<256xi32, #tpu.memory_space<hbm>>) target(%arg5 : memref<256xi32, #tpu.memory_space<vmem>>) target_semaphore(%run_scoped3A : memref<!tpu.dma_semaphore, #tpu.memory_space<semaphore_mem>>)
        %dma_wait3A = tpu.memref_slice %arg3[%multiple_of3A_340] : memref<262144xi32, #tpu.memory_space<hbm>> -> memref<256xi32, #tpu.memory_space<hbm>>
        %dma_wait3A_720 = tpu.memref_slice %arg3[%multiple_of3A_340] : memref<262144xi32, #tpu.memory_space<hbm>> -> memref<256xi32, #tpu.memory_space<hbm>>
        tpu.wait_dma2 semaphore(%run_scoped3A : memref<!tpu.dma_semaphore, #tpu.memory_space<semaphore_mem>>) src(%dma_wait3A_720 : memref<256xi32, #tpu.memory_space<hbm>>) dst(%arg5 : memref<256xi32, #tpu.memory_space<vmem>>)
        tpu.yield
      }) : () -> ()
      "tpu.region"() ({
        %run_scoped3A = tpu.sem_alloc : memref<!tpu.dma_semaphore, #tpu.memory_space<semaphore_mem>>
        %dma_start3A = arith.constant 0 : i32
        %dma_start3A_719 = tpu.memref_slice %arg2[%multiple_of3A_340, %dma_start3A] : memref<262144x64xf32, #tpu.memory_space<hbm>> -> memref<256x64xf32, #tpu.memory_space<hbm>>
        %dma_start3A_720 = arith.constant 0 : i32
        %dma_start3A_721 = tpu.memref_slice %arg2[%multiple_of3A_340, %dma_start3A_720] : memref<262144x64xf32, #tpu.memory_space<hbm>> -> memref<256x64xf32, #tpu.memory_space<hbm>>
        tpu.enqueue_dma source(%dma_start3A_721 : memref<256x64xf32, #tpu.memory_space<hbm>>) target(%arg8 : memref<256x64xf32, #tpu.memory_space<vmem>>) target_semaphore(%run_scoped3A : memref<!tpu.dma_semaphore, #tpu.memory_space<semaphore_mem>>)
        %dma_wait3A = arith.constant 0 : i32
        %dma_wait3A_722 = tpu.memref_slice %arg2[%multiple_of3A_340, %dma_wait3A] : memref<262144x64xf32, #tpu.memory_space<hbm>> -> memref<256x64xf32, #tpu.memory_space<hbm>>
        %dma_wait3A_723 = arith.constant 0 : i32
        %dma_wait3A_724 = tpu.memref_slice %arg2[%multiple_of3A_340, %dma_wait3A_723] : memref<262144x64xf32, #tpu.memory_space<hbm>> -> memref<256x64xf32, #tpu.memory_space<hbm>>
        tpu.wait_dma2 semaphore(%run_scoped3A : memref<!tpu.dma_semaphore, #tpu.memory_space<semaphore_mem>>) src(%dma_wait3A_724 : memref<256x64xf32, #tpu.memory_space<hbm>>) dst(%arg8 : memref<256x64xf32, #tpu.memory_space<vmem>>)
        tpu.yield
      }) : () -> ()
      %get3A = arith.constant 0 : index
      %get3A_341 = tpu.vector_load %arg5[%get3A] {strides = array<i32>} : memref<256xi32, #tpu.memory_space<vmem>>, vector<16xi32>,
      %get3A_342 = vector.shape_cast %get3A_341 : vector<16xi32> to vector<16xi32>
      %sub3A = arith.constant 24576 : i32
      %sub3A_343 = vector.broadcast %sub3A : i32 to vector<16xi32>
      %sub3A_344 = arith.subi %get3A_342, %sub3A_343 : vector<16xi32>
      %ge3A = arith.constant 0 : i32
      %ge3A_345 = vector.broadcast %ge3A : i32 to vector<16xi32>
      %ge3A_346 = arith.cmpi sge, %sub3A_344, %ge3A_345 : vector<16xi32>
      %lt3A_347 = arith.constant 24576 : i32
      %lt3A_348 = vector.broadcast %lt3A_347 : i32 to vector<16xi32>
      %lt3A_349 = arith.cmpi slt, %sub3A_344, %lt3A_348 : vector<16xi32>
      %and3A = arith.andi %ge3A_346, %lt3A_349 : vector<16xi1>
      %and3A_350 = arith.constant 127 : i32
      %and3A_351 = vector.broadcast %and3A_350 : i32 to vector<16xi32>
      %and3A_352 = arith.andi %get3A_342, %and3A_351 : vector<16xi32>
      %add3A_353 = arith.constant 24576 : i32
      %add3A_354 = vector.broadcast %add3A_353 : i32 to vector<16xi32>
      %add3A_355 = arith.addi %add3A_354, %and3A_352 : vector<16xi32>
      %select_n3A = arith.select %and3A, %sub3A_344, %add3A_355 : vector<16xi1>, vector<16xi32>
      %swap3A = arith.constant 0 : index
      %swap3A_356 = tpu.vector_load %arg6[%swap3A] {strides = array<i32>} : memref<128xi32, #tpu.memory_space<vmem>>, vector<16xi32>,
      %swap3A_357 = vector.shape_cast %swap3A_356 : vector<16xi32> to vector<16xi32>
      %swap3A_358 = vector.shape_cast %select_n3A : vector<16xi32> to vector<16xi32>
      tpu.vector_store %arg6[%swap3A], %swap3A_358 {strides = array<i32>} : memref<128xi32, #tpu.memory_space<vmem>>, vector<16xi32>,
      %get3A_359 = arith.constant 16 : index
      %get3A_360 = tpu.vector_load %arg5[%get3A_359] {strides = array<i32>} : memref<256xi32, #tpu.memory_space<vmem>>, vector<16xi32>,
      %get3A_361 = vector.shape_cast %get3A_360 : vector<16xi32> to vector<16xi32>
      %sub3A_362 = arith.constant 24576 : i32
      %sub3A_363 = vector.broadcast %sub3A_362 : i32 to vector<16xi32>
      %sub3A_364 = arith.subi %get3A_361, %sub3A_363 : vector<16xi32>
      %ge3A_365 = arith.constant 0 : i32
      %ge3A_366 = vector.broadcast %ge3A_365 : i32 to vector<16xi32>
      %ge3A_367 = arith.cmpi sge, %sub3A_364, %ge3A_366 : vector<16xi32>
      %lt3A_368 = arith.constant 24576 : i32
      %lt3A_369 = vector.broadcast %lt3A_368 : i32 to vector<16xi32>
      %lt3A_370 = arith.cmpi slt, %sub3A_364, %lt3A_369 : vector<16xi32>
      %and3A_371 = arith.andi %ge3A_367, %lt3A_370 : vector<16xi1>
      %and3A_372 = arith.constant 127 : i32
      %and3A_373 = vector.broadcast %and3A_372 : i32 to vector<16xi32>
      %and3A_374 = arith.andi %get3A_361, %and3A_373 : vector<16xi32>
      %add3A_375 = arith.constant 24576 : i32
      %add3A_376 = vector.broadcast %add3A_375 : i32 to vector<16xi32>
      %add3A_377 = arith.addi %add3A_376, %and3A_374 : vector<16xi32>
      %select_n3A_378 = arith.select %and3A_371, %sub3A_364, %add3A_377 : vector<16xi1>, vector<16xi32>
      %swap3A_379 = arith.constant 16 : index
      %swap3A_380 = tpu.vector_load %arg6[%swap3A_379] {strides = array<i32>} : memref<128xi32, #tpu.memory_space<vmem>>, vector<16xi32>,
      %swap3A_381 = vector.shape_cast %swap3A_380 : vector<16xi32> to vector<16xi32>
      %swap3A_382 = vector.shape_cast %select_n3A_378 : vector<16xi32> to vector<16xi32>
      tpu.vector_store %arg6[%swap3A_379], %swap3A_382 {strides = array<i32>} : memref<128xi32, #tpu.memory_space<vmem>>, vector<16xi32>,
      %get3A_383 = arith.constant 32 : index
      %get3A_384 = tpu.vector_load %arg5[%get3A_383] {strides = array<i32>} : memref<256xi32, #tpu.memory_space<vmem>>, vector<16xi32>,
      %get3A_385 = vector.shape_cast %get3A_384 : vector<16xi32> to vector<16xi32>
      %sub3A_386 = arith.constant 24576 : i32
      %sub3A_387 = vector.broadcast %sub3A_386 : i32 to vector<16xi32>
      %sub3A_388 = arith.subi %get3A_385, %sub3A_387 : vector<16xi32>
      %ge3A_389 = arith.constant 0 : i32
      %ge3A_390 = vector.broadcast %ge3A_389 : i32 to vector<16xi32>
      %ge3A_391 = arith.cmpi sge, %sub3A_388, %ge3A_390 : vector<16xi32>
      %lt3A_392 = arith.constant 24576 : i32
      %lt3A_393 = vector.broadcast %lt3A_392 : i32 to vector<16xi32>
      %lt3A_394 = arith.cmpi slt, %sub3A_388, %lt3A_393 : vector<16xi32>
      %and3A_395 = arith.andi %ge3A_391, %lt3A_394 : vector<16xi1>
      %and3A_396 = arith.constant 127 : i32
      %and3A_397 = vector.broadcast %and3A_396 : i32 to vector<16xi32>
      %and3A_398 = arith.andi %get3A_385, %and3A_397 : vector<16xi32>
      %add3A_399 = arith.constant 24576 : i32
      %add3A_400 = vector.broadcast %add3A_399 : i32 to vector<16xi32>
      %add3A_401 = arith.addi %add3A_400, %and3A_398 : vector<16xi32>
      %select_n3A_402 = arith.select %and3A_395, %sub3A_388, %add3A_401 : vector<16xi1>, vector<16xi32>
      %swap3A_403 = arith.constant 32 : index
      %swap3A_404 = tpu.vector_load %arg6[%swap3A_403] {strides = array<i32>} : memref<128xi32, #tpu.memory_space<vmem>>, vector<16xi32>,
      %swap3A_405 = vector.shape_cast %swap3A_404 : vector<16xi32> to vector<16xi32>
      %swap3A_406 = vector.shape_cast %select_n3A_402 : vector<16xi32> to vector<16xi32>
      tpu.vector_store %arg6[%swap3A_403], %swap3A_406 {strides = array<i32>} : memref<128xi32, #tpu.memory_space<vmem>>, vector<16xi32>,
      %get3A_407 = arith.constant 48 : index
      %get3A_408 = tpu.vector_load %arg5[%get3A_407] {strides = array<i32>} : memref<256xi32, #tpu.memory_space<vmem>>, vector<16xi32>,
      %get3A_409 = vector.shape_cast %get3A_408 : vector<16xi32> to vector<16xi32>
      %sub3A_410 = arith.constant 24576 : i32
      %sub3A_411 = vector.broadcast %sub3A_410 : i32 to vector<16xi32>
      %sub3A_412 = arith.subi %get3A_409, %sub3A_411 : vector<16xi32>
      %ge3A_413 = arith.constant 0 : i32
      %ge3A_414 = vector.broadcast %ge3A_413 : i32 to vector<16xi32>
      %ge3A_415 = arith.cmpi sge, %sub3A_412, %ge3A_414 : vector<16xi32>
      %lt3A_416 = arith.constant 24576 : i32
      %lt3A_417 = vector.broadcast %lt3A_416 : i32 to vector<16xi32>
      %lt3A_418 = arith.cmpi slt, %sub3A_412, %lt3A_417 : vector<16xi32>
      %and3A_419 = arith.andi %ge3A_415, %lt3A_418 : vector<16xi1>
      %and3A_420 = arith.constant 127 : i32
      %and3A_421 = vector.broadcast %and3A_420 : i32 to vector<16xi32>
      %and3A_422 = arith.andi %get3A_409, %and3A_421 : vector<16xi32>
      %add3A_423 = arith.constant 24576 : i32
      %add3A_424 = vector.broadcast %add3A_423 : i32 to vector<16xi32>
      %add3A_425 = arith.addi %add3A_424, %and3A_422 : vector<16xi32>
      %select_n3A_426 = arith.select %and3A_419, %sub3A_412, %add3A_425 : vector<16xi1>, vector<16xi32>
      %swap3A_427 = arith.constant 48 : index
      %swap3A_428 = tpu.vector_load %arg6[%swap3A_427] {strides = array<i32>} : memref<128xi32, #tpu.memory_space<vmem>>, vector<16xi32>,
      %swap3A_429 = vector.shape_cast %swap3A_428 : vector<16xi32> to vector<16xi32>
      %swap3A_430 = vector.shape_cast %select_n3A_426 : vector<16xi32> to vector<16xi32>
      tpu.vector_store %arg6[%swap3A_427], %swap3A_430 {strides = array<i32>} : memref<128xi32, #tpu.memory_space<vmem>>, vector<16xi32>,
      %get3A_431 = arith.constant 64 : index
      %get3A_432 = tpu.vector_load %arg5[%get3A_431] {strides = array<i32>} : memref<256xi32, #tpu.memory_space<vmem>>, vector<16xi32>,
      %get3A_433 = vector.shape_cast %get3A_432 : vector<16xi32> to vector<16xi32>
      %sub3A_434 = arith.constant 24576 : i32
      %sub3A_435 = vector.broadcast %sub3A_434 : i32 to vector<16xi32>
      %sub3A_436 = arith.subi %get3A_433, %sub3A_435 : vector<16xi32>
      %ge3A_437 = arith.constant 0 : i32
      %ge3A_438 = vector.broadcast %ge3A_437 : i32 to vector<16xi32>
      %ge3A_439 = arith.cmpi sge, %sub3A_436, %ge3A_438 : vector<16xi32>
      %lt3A_440 = arith.constant 24576 : i32
      %lt3A_441 = vector.broadcast %lt3A_440 : i32 to vector<16xi32>
      %lt3A_442 = arith.cmpi slt, %sub3A_436, %lt3A_441 : vector<16xi32>
      %and3A_443 = arith.andi %ge3A_439, %lt3A_442 : vector<16xi1>
      %and3A_444 = arith.constant 127 : i32
      %and3A_445 = vector.broadcast %and3A_444 : i32 to vector<16xi32>
      %and3A_446 = arith.andi %get3A_433, %and3A_445 : vector<16xi32>
      %add3A_447 = arith.constant 24576 : i32
      %add3A_448 = vector.broadcast %add3A_447 : i32 to vector<16xi32>
      %add3A_449 = arith.addi %add3A_448, %and3A_446 : vector<16xi32>
      %select_n3A_450 = arith.select %and3A_443, %sub3A_436, %add3A_449 : vector<16xi1>, vector<16xi32>
      %swap3A_451 = arith.constant 64 : index
      %swap3A_452 = tpu.vector_load %arg6[%swap3A_451] {strides = array<i32>} : memref<128xi32, #tpu.memory_space<vmem>>, vector<16xi32>,
      %swap3A_453 = vector.shape_cast %swap3A_452 : vector<16xi32> to vector<16xi32>
      %swap3A_454 = vector.shape_cast %select_n3A_450 : vector<16xi32> to vector<16xi32>
      tpu.vector_store %arg6[%swap3A_451], %swap3A_454 {strides = array<i32>} : memref<128xi32, #tpu.memory_space<vmem>>, vector<16xi32>,
      %get3A_455 = arith.constant 80 : index
      %get3A_456 = tpu.vector_load %arg5[%get3A_455] {strides = array<i32>} : memref<256xi32, #tpu.memory_space<vmem>>, vector<16xi32>,
      %get3A_457 = vector.shape_cast %get3A_456 : vector<16xi32> to vector<16xi32>
      %sub3A_458 = arith.constant 24576 : i32
      %sub3A_459 = vector.broadcast %sub3A_458 : i32 to vector<16xi32>
      %sub3A_460 = arith.subi %get3A_457, %sub3A_459 : vector<16xi32>
      %ge3A_461 = arith.constant 0 : i32
      %ge3A_462 = vector.broadcast %ge3A_461 : i32 to vector<16xi32>
      %ge3A_463 = arith.cmpi sge, %sub3A_460, %ge3A_462 : vector<16xi32>
      %lt3A_464 = arith.constant 24576 : i32
      %lt3A_465 = vector.broadcast %lt3A_464 : i32 to vector<16xi32>
      %lt3A_466 = arith.cmpi slt, %sub3A_460, %lt3A_465 : vector<16xi32>
      %and3A_467 = arith.andi %ge3A_463, %lt3A_466 : vector<16xi1>
      %and3A_468 = arith.constant 127 : i32
      %and3A_469 = vector.broadcast %and3A_468 : i32 to vector<16xi32>
      %and3A_470 = arith.andi %get3A_457, %and3A_469 : vector<16xi32>
      %add3A_471 = arith.constant 24576 : i32
      %add3A_472 = vector.broadcast %add3A_471 : i32 to vector<16xi32>
      %add3A_473 = arith.addi %add3A_472, %and3A_470 : vector<16xi32>
      %select_n3A_474 = arith.select %and3A_467, %sub3A_460, %add3A_473 : vector<16xi1>, vector<16xi32>
      %swap3A_475 = arith.constant 80 : index
      %swap3A_476 = tpu.vector_load %arg6[%swap3A_475] {strides = array<i32>} : memref<128xi32, #tpu.memory_space<vmem>>, vector<16xi32>,
      %swap3A_477 = vector.shape_cast %swap3A_476 : vector<16xi32> to vector<16xi32>
      %swap3A_478 = vector.shape_cast %select_n3A_474 : vector<16xi32> to vector<16xi32>
      tpu.vector_store %arg6[%swap3A_475], %swap3A_478 {strides = array<i32>} : memref<128xi32, #tpu.memory_space<vmem>>, vector<16xi32>,
      %get3A_479 = arith.constant 96 : index
      %get3A_480 = tpu.vector_load %arg5[%get3A_479] {strides = array<i32>} : memref<256xi32, #tpu.memory_space<vmem>>, vector<16xi32>,
      %get3A_481 = vector.shape_cast %get3A_480 : vector<16xi32> to vector<16xi32>
      %sub3A_482 = arith.constant 24576 : i32
      %sub3A_483 = vector.broadcast %sub3A_482 : i32 to vector<16xi32>
      %sub3A_484 = arith.subi %get3A_481, %sub3A_483 : vector<16xi32>
      %ge3A_485 = arith.constant 0 : i32
      %ge3A_486 = vector.broadcast %ge3A_485 : i32 to vector<16xi32>
      %ge3A_487 = arith.cmpi sge, %sub3A_484, %ge3A_486 : vector<16xi32>
      %lt3A_488 = arith.constant 24576 : i32
      %lt3A_489 = vector.broadcast %lt3A_488 : i32 to vector<16xi32>
      %lt3A_490 = arith.cmpi slt, %sub3A_484, %lt3A_489 : vector<16xi32>
      %and3A_491 = arith.andi %ge3A_487, %lt3A_490 : vector<16xi1>
      %and3A_492 = arith.constant 127 : i32
      %and3A_493 = vector.broadcast %and3A_492 : i32 to vector<16xi32>
      %and3A_494 = arith.andi %get3A_481, %and3A_493 : vector<16xi32>
      %add3A_495 = arith.constant 24576 : i32
      %add3A_496 = vector.broadcast %add3A_495 : i32 to vector<16xi32>
      %add3A_497 = arith.addi %add3A_496, %and3A_494 : vector<16xi32>
      %select_n3A_498 = arith.select %and3A_491, %sub3A_484, %add3A_497 : vector<16xi1>, vector<16xi32>
      %swap3A_499 = arith.constant 96 : index
      %swap3A_500 = tpu.vector_load %arg6[%swap3A_499] {strides = array<i32>} : memref<128xi32, #tpu.memory_space<vmem>>, vector<16xi32>,
      %swap3A_501 = vector.shape_cast %swap3A_500 : vector<16xi32> to vector<16xi32>
      %swap3A_502 = vector.shape_cast %select_n3A_498 : vector<16xi32> to vector<16xi32>
      tpu.vector_store %arg6[%swap3A_499], %swap3A_502 {strides = array<i32>} : memref<128xi32, #tpu.memory_space<vmem>>, vector<16xi32>,
      %get3A_503 = arith.constant 112 : index
      %get3A_504 = tpu.vector_load %arg5[%get3A_503] {strides = array<i32>} : memref<256xi32, #tpu.memory_space<vmem>>, vector<16xi32>,
      %get3A_505 = vector.shape_cast %get3A_504 : vector<16xi32> to vector<16xi32>
      %sub3A_506 = arith.constant 24576 : i32
      %sub3A_507 = vector.broadcast %sub3A_506 : i32 to vector<16xi32>
      %sub3A_508 = arith.subi %get3A_505, %sub3A_507 : vector<16xi32>
      %ge3A_509 = arith.constant 0 : i32
      %ge3A_510 = vector.broadcast %ge3A_509 : i32 to vector<16xi32>
      %ge3A_511 = arith.cmpi sge, %sub3A_508, %ge3A_510 : vector<16xi32>
      %lt3A_512 = arith.constant 24576 : i32
      %lt3A_513 = vector.broadcast %lt3A_512 : i32 to vector<16xi32>
      %lt3A_514 = arith.cmpi slt, %sub3A_508, %lt3A_513 : vector<16xi32>
      %and3A_515 = arith.andi %ge3A_511, %lt3A_514 : vector<16xi1>
      %and3A_516 = arith.constant 127 : i32
      %and3A_517 = vector.broadcast %and3A_516 : i32 to vector<16xi32>
      %and3A_518 = arith.andi %get3A_505, %and3A_517 : vector<16xi32>
      %add3A_519 = arith.constant 24576 : i32
      %add3A_520 = vector.broadcast %add3A_519 : i32 to vector<16xi32>
      %add3A_521 = arith.addi %add3A_520, %and3A_518 : vector<16xi32>
      %select_n3A_522 = arith.select %and3A_515, %sub3A_508, %add3A_521 : vector<16xi1>, vector<16xi32>
      %swap3A_523 = arith.constant 112 : index
      %swap3A_524 = tpu.vector_load %arg6[%swap3A_523] {strides = array<i32>} : memref<128xi32, #tpu.memory_space<vmem>>, vector<16xi32>,
      %swap3A_525 = vector.shape_cast %swap3A_524 : vector<16xi32> to vector<16xi32>
      %swap3A_526 = vector.shape_cast %select_n3A_522 : vector<16xi32> to vector<16xi32>
      tpu.vector_store %arg6[%swap3A_523], %swap3A_526 {strides = array<i32>} : memref<128xi32, #tpu.memory_space<vmem>>, vector<16xi32>,
      %get3A_527 = arith.constant 128 : index
      %get3A_528 = tpu.vector_load %arg5[%get3A_527] {strides = array<i32>} : memref<256xi32, #tpu.memory_space<vmem>>, vector<16xi32>,
      %get3A_529 = vector.shape_cast %get3A_528 : vector<16xi32> to vector<16xi32>
      %sub3A_530 = arith.constant 24576 : i32
      %sub3A_531 = vector.broadcast %sub3A_530 : i32 to vector<16xi32>
      %sub3A_532 = arith.subi %get3A_529, %sub3A_531 : vector<16xi32>
      %ge3A_533 = arith.constant 0 : i32
      %ge3A_534 = vector.broadcast %ge3A_533 : i32 to vector<16xi32>
      %ge3A_535 = arith.cmpi sge, %sub3A_532, %ge3A_534 : vector<16xi32>
      %lt3A_536 = arith.constant 24576 : i32
      %lt3A_537 = vector.broadcast %lt3A_536 : i32 to vector<16xi32>
      %lt3A_538 = arith.cmpi slt, %sub3A_532, %lt3A_537 : vector<16xi32>
      %and3A_539 = arith.andi %ge3A_535, %lt3A_538 : vector<16xi1>
      %and3A_540 = arith.constant 127 : i32
      %and3A_541 = vector.broadcast %and3A_540 : i32 to vector<16xi32>
      %and3A_542 = arith.andi %get3A_529, %and3A_541 : vector<16xi32>
      %add3A_543 = arith.constant 24576 : i32
      %add3A_544 = vector.broadcast %add3A_543 : i32 to vector<16xi32>
      %add3A_545 = arith.addi %add3A_544, %and3A_542 : vector<16xi32>
      %select_n3A_546 = arith.select %and3A_539, %sub3A_532, %add3A_545 : vector<16xi1>, vector<16xi32>
      %swap3A_547 = arith.constant 0 : index
      %swap3A_548 = tpu.vector_load %arg7[%swap3A_547] {strides = array<i32>} : memref<128xi32, #tpu.memory_space<vmem>>, vector<16xi32>,
      %swap3A_549 = vector.shape_cast %swap3A_548 : vector<16xi32> to vector<16xi32>
      %swap3A_550 = vector.shape_cast %select_n3A_546 : vector<16xi32> to vector<16xi32>
      tpu.vector_store %arg7[%swap3A_547], %swap3A_550 {strides = array<i32>} : memref<128xi32, #tpu.memory_space<vmem>>, vector<16xi32>,
      %get3A_551 = arith.constant 144 : index
      %get3A_552 = tpu.vector_load %arg5[%get3A_551] {strides = array<i32>} : memref<256xi32, #tpu.memory_space<vmem>>, vector<16xi32>,
      %get3A_553 = vector.shape_cast %get3A_552 : vector<16xi32> to vector<16xi32>
      %sub3A_554 = arith.constant 24576 : i32
      %sub3A_555 = vector.broadcast %sub3A_554 : i32 to vector<16xi32>
      %sub3A_556 = arith.subi %get3A_553, %sub3A_555 : vector<16xi32>
      %ge3A_557 = arith.constant 0 : i32
      %ge3A_558 = vector.broadcast %ge3A_557 : i32 to vector<16xi32>
      %ge3A_559 = arith.cmpi sge, %sub3A_556, %ge3A_558 : vector<16xi32>
      %lt3A_560 = arith.constant 24576 : i32
      %lt3A_561 = vector.broadcast %lt3A_560 : i32 to vector<16xi32>
      %lt3A_562 = arith.cmpi slt, %sub3A_556, %lt3A_561 : vector<16xi32>
      %and3A_563 = arith.andi %ge3A_559, %lt3A_562 : vector<16xi1>
      %and3A_564 = arith.constant 127 : i32
      %and3A_565 = vector.broadcast %and3A_564 : i32 to vector<16xi32>
      %and3A_566 = arith.andi %get3A_553, %and3A_565 : vector<16xi32>
      %add3A_567 = arith.constant 24576 : i32
      %add3A_568 = vector.broadcast %add3A_567 : i32 to vector<16xi32>
      %add3A_569 = arith.addi %add3A_568, %and3A_566 : vector<16xi32>
      %select_n3A_570 = arith.select %and3A_563, %sub3A_556, %add3A_569 : vector<16xi1>, vector<16xi32>
      %swap3A_571 = arith.constant 16 : index
      %swap3A_572 = tpu.vector_load %arg7[%swap3A_571] {strides = array<i32>} : memref<128xi32, #tpu.memory_space<vmem>>, vector<16xi32>,
      %swap3A_573 = vector.shape_cast %swap3A_572 : vector<16xi32> to vector<16xi32>
      %swap3A_574 = vector.shape_cast %select_n3A_570 : vector<16xi32> to vector<16xi32>
      tpu.vector_store %arg7[%swap3A_571], %swap3A_574 {strides = array<i32>} : memref<128xi32, #tpu.memory_space<vmem>>, vector<16xi32>,
      %get3A_575 = arith.constant 160 : index
      %get3A_576 = tpu.vector_load %arg5[%get3A_575] {strides = array<i32>} : memref<256xi32, #tpu.memory_space<vmem>>, vector<16xi32>,
      %get3A_577 = vector.shape_cast %get3A_576 : vector<16xi32> to vector<16xi32>
      %sub3A_578 = arith.constant 24576 : i32
      %sub3A_579 = vector.broadcast %sub3A_578 : i32 to vector<16xi32>
      %sub3A_580 = arith.subi %get3A_577, %sub3A_579 : vector<16xi32>
      %ge3A_581 = arith.constant 0 : i32
      %ge3A_582 = vector.broadcast %ge3A_581 : i32 to vector<16xi32>
      %ge3A_583 = arith.cmpi sge, %sub3A_580, %ge3A_582 : vector<16xi32>
      %lt3A_584 = arith.constant 24576 : i32
      %lt3A_585 = vector.broadcast %lt3A_584 : i32 to vector<16xi32>
      %lt3A_586 = arith.cmpi slt, %sub3A_580, %lt3A_585 : vector<16xi32>
      %and3A_587 = arith.andi %ge3A_583, %lt3A_586 : vector<16xi1>
      %and3A_588 = arith.constant 127 : i32
      %and3A_589 = vector.broadcast %and3A_588 : i32 to vector<16xi32>
      %and3A_590 = arith.andi %get3A_577, %and3A_589 : vector<16xi32>
      %add3A_591 = arith.constant 24576 : i32
      %add3A_592 = vector.broadcast %add3A_591 : i32 to vector<16xi32>
      %add3A_593 = arith.addi %add3A_592, %and3A_590 : vector<16xi32>
      %select_n3A_594 = arith.select %and3A_587, %sub3A_580, %add3A_593 : vector<16xi1>, vector<16xi32>
      %swap3A_595 = arith.constant 32 : index
      %swap3A_596 = tpu.vector_load %arg7[%swap3A_595] {strides = array<i32>} : memref<128xi32, #tpu.memory_space<vmem>>, vector<16xi32>,
      %swap3A_597 = vector.shape_cast %swap3A_596 : vector<16xi32> to vector<16xi32>
      %swap3A_598 = vector.shape_cast %select_n3A_594 : vector<16xi32> to vector<16xi32>
      tpu.vector_store %arg7[%swap3A_595], %swap3A_598 {strides = array<i32>} : memref<128xi32, #tpu.memory_space<vmem>>, vector<16xi32>,
      %get3A_599 = arith.constant 176 : index
      %get3A_600 = tpu.vector_load %arg5[%get3A_599] {strides = array<i32>} : memref<256xi32, #tpu.memory_space<vmem>>, vector<16xi32>,
      %get3A_601 = vector.shape_cast %get3A_600 : vector<16xi32> to vector<16xi32>
      %sub3A_602 = arith.constant 24576 : i32
      %sub3A_603 = vector.broadcast %sub3A_602 : i32 to vector<16xi32>
      %sub3A_604 = arith.subi %get3A_601, %sub3A_603 : vector<16xi32>
      %ge3A_605 = arith.constant 0 : i32
      %ge3A_606 = vector.broadcast %ge3A_605 : i32 to vector<16xi32>
      %ge3A_607 = arith.cmpi sge, %sub3A_604, %ge3A_606 : vector<16xi32>
      %lt3A_608 = arith.constant 24576 : i32
      %lt3A_609 = vector.broadcast %lt3A_608 : i32 to vector<16xi32>
      %lt3A_610 = arith.cmpi slt, %sub3A_604, %lt3A_609 : vector<16xi32>
      %and3A_611 = arith.andi %ge3A_607, %lt3A_610 : vector<16xi1>
      %and3A_612 = arith.constant 127 : i32
      %and3A_613 = vector.broadcast %and3A_612 : i32 to vector<16xi32>
      %and3A_614 = arith.andi %get3A_601, %and3A_613 : vector<16xi32>
      %add3A_615 = arith.constant 24576 : i32
      %add3A_616 = vector.broadcast %add3A_615 : i32 to vector<16xi32>
      %add3A_617 = arith.addi %add3A_616, %and3A_614 : vector<16xi32>
      %select_n3A_618 = arith.select %and3A_611, %sub3A_604, %add3A_617 : vector<16xi1>, vector<16xi32>
      %swap3A_619 = arith.constant 48 : index
      %swap3A_620 = tpu.vector_load %arg7[%swap3A_619] {strides = array<i32>} : memref<128xi32, #tpu.memory_space<vmem>>, vector<16xi32>,
      %swap3A_621 = vector.shape_cast %swap3A_620 : vector<16xi32> to vector<16xi32>
      %swap3A_622 = vector.shape_cast %select_n3A_618 : vector<16xi32> to vector<16xi32>
      tpu.vector_store %arg7[%swap3A_619], %swap3A_622 {strides = array<i32>} : memref<128xi32, #tpu.memory_space<vmem>>, vector<16xi32>,
      %get3A_623 = arith.constant 192 : index
      %get3A_624 = tpu.vector_load %arg5[%get3A_623] {strides = array<i32>} : memref<256xi32, #tpu.memory_space<vmem>>, vector<16xi32>,
      %get3A_625 = vector.shape_cast %get3A_624 : vector<16xi32> to vector<16xi32>
      %sub3A_626 = arith.constant 24576 : i32
      %sub3A_627 = vector.broadcast %sub3A_626 : i32 to vector<16xi32>
      %sub3A_628 = arith.subi %get3A_625, %sub3A_627 : vector<16xi32>
      %ge3A_629 = arith.constant 0 : i32
      %ge3A_630 = vector.broadcast %ge3A_629 : i32 to vector<16xi32>
      %ge3A_631 = arith.cmpi sge, %sub3A_628, %ge3A_630 : vector<16xi32>
      %lt3A_632 = arith.constant 24576 : i32
      %lt3A_633 = vector.broadcast %lt3A_632 : i32 to vector<16xi32>
      %lt3A_634 = arith.cmpi slt, %sub3A_628, %lt3A_633 : vector<16xi32>
      %and3A_635 = arith.andi %ge3A_631, %lt3A_634 : vector<16xi1>
      %and3A_636 = arith.constant 127 : i32
      %and3A_637 = vector.broadcast %and3A_636 : i32 to vector<16xi32>
      %and3A_638 = arith.andi %get3A_625, %and3A_637 : vector<16xi32>
      %add3A_639 = arith.constant 24576 : i32
      %add3A_640 = vector.broadcast %add3A_639 : i32 to vector<16xi32>
      %add3A_641 = arith.addi %add3A_640, %and3A_638 : vector<16xi32>
      %select_n3A_642 = arith.select %and3A_635, %sub3A_628, %add3A_641 : vector<16xi1>, vector<16xi32>
      %swap3A_643 = arith.constant 64 : index
      %swap3A_644 = tpu.vector_load %arg7[%swap3A_643] {strides = array<i32>} : memref<128xi32, #tpu.memory_space<vmem>>, vector<16xi32>,
      %swap3A_645 = vector.shape_cast %swap3A_644 : vector<16xi32> to vector<16xi32>
      %swap3A_646 = vector.shape_cast %select_n3A_642 : vector<16xi32> to vector<16xi32>
      tpu.vector_store %arg7[%swap3A_643], %swap3A_646 {strides = array<i32>} : memref<128xi32, #tpu.memory_space<vmem>>, vector<16xi32>,
      %get3A_647 = arith.constant 208 : index
      %get3A_648 = tpu.vector_load %arg5[%get3A_647] {strides = array<i32>} : memref<256xi32, #tpu.memory_space<vmem>>, vector<16xi32>,
      %get3A_649 = vector.shape_cast %get3A_648 : vector<16xi32> to vector<16xi32>
      %sub3A_650 = arith.constant 24576 : i32
      %sub3A_651 = vector.broadcast %sub3A_650 : i32 to vector<16xi32>
      %sub3A_652 = arith.subi %get3A_649, %sub3A_651 : vector<16xi32>
      %ge3A_653 = arith.constant 0 : i32
      %ge3A_654 = vector.broadcast %ge3A_653 : i32 to vector<16xi32>
      %ge3A_655 = arith.cmpi sge, %sub3A_652, %ge3A_654 : vector<16xi32>
      %lt3A_656 = arith.constant 24576 : i32
      %lt3A_657 = vector.broadcast %lt3A_656 : i32 to vector<16xi32>
      %lt3A_658 = arith.cmpi slt, %sub3A_652, %lt3A_657 : vector<16xi32>
      %and3A_659 = arith.andi %ge3A_655, %lt3A_658 : vector<16xi1>
      %and3A_660 = arith.constant 127 : i32
      %and3A_661 = vector.broadcast %and3A_660 : i32 to vector<16xi32>
      %and3A_662 = arith.andi %get3A_649, %and3A_661 : vector<16xi32>
      %add3A_663 = arith.constant 24576 : i32
      %add3A_664 = vector.broadcast %add3A_663 : i32 to vector<16xi32>
      %add3A_665 = arith.addi %add3A_664, %and3A_662 : vector<16xi32>
      %select_n3A_666 = arith.select %and3A_659, %sub3A_652, %add3A_665 : vector<16xi1>, vector<16xi32>
      %swap3A_667 = arith.constant 80 : index
      %swap3A_668 = tpu.vector_load %arg7[%swap3A_667] {strides = array<i32>} : memref<128xi32, #tpu.memory_space<vmem>>, vector<16xi32>,
      %swap3A_669 = vector.shape_cast %swap3A_668 : vector<16xi32> to vector<16xi32>
      %swap3A_670 = vector.shape_cast %select_n3A_666 : vector<16xi32> to vector<16xi32>
      tpu.vector_store %arg7[%swap3A_667], %swap3A_670 {strides = array<i32>} : memref<128xi32, #tpu.memory_space<vmem>>, vector<16xi32>,
      %get3A_671 = arith.constant 224 : index
      %get3A_672 = tpu.vector_load %arg5[%get3A_671] {strides = array<i32>} : memref<256xi32, #tpu.memory_space<vmem>>, vector<16xi32>,
      %get3A_673 = vector.shape_cast %get3A_672 : vector<16xi32> to vector<16xi32>
      %sub3A_674 = arith.constant 24576 : i32
      %sub3A_675 = vector.broadcast %sub3A_674 : i32 to vector<16xi32>
      %sub3A_676 = arith.subi %get3A_673, %sub3A_675 : vector<16xi32>
      %ge3A_677 = arith.constant 0 : i32
      %ge3A_678 = vector.broadcast %ge3A_677 : i32 to vector<16xi32>
      %ge3A_679 = arith.cmpi sge, %sub3A_676, %ge3A_678 : vector<16xi32>
      %lt3A_680 = arith.constant 24576 : i32
      %lt3A_681 = vector.broadcast %lt3A_680 : i32 to vector<16xi32>
      %lt3A_682 = arith.cmpi slt, %sub3A_676, %lt3A_681 : vector<16xi32>
      %and3A_683 = arith.andi %ge3A_679, %lt3A_682 : vector<16xi1>
      %and3A_684 = arith.constant 127 : i32
      %and3A_685 = vector.broadcast %and3A_684 : i32 to vector<16xi32>
      %and3A_686 = arith.andi %get3A_673, %and3A_685 : vector<16xi32>
      %add3A_687 = arith.constant 24576 : i32
      %add3A_688 = vector.broadcast %add3A_687 : i32 to vector<16xi32>
      %add3A_689 = arith.addi %add3A_688, %and3A_686 : vector<16xi32>
      %select_n3A_690 = arith.select %and3A_683, %sub3A_676, %add3A_689 : vector<16xi1>, vector<16xi32>
      %swap3A_691 = arith.constant 96 : index
      %swap3A_692 = tpu.vector_load %arg7[%swap3A_691] {strides = array<i32>} : memref<128xi32, #tpu.memory_space<vmem>>, vector<16xi32>,
      %swap3A_693 = vector.shape_cast %swap3A_692 : vector<16xi32> to vector<16xi32>
      %swap3A_694 = vector.shape_cast %select_n3A_690 : vector<16xi32> to vector<16xi32>
      tpu.vector_store %arg7[%swap3A_691], %swap3A_694 {strides = array<i32>} : memref<128xi32, #tpu.memory_space<vmem>>, vector<16xi32>,
      %get3A_695 = arith.constant 240 : index
      %get3A_696 = tpu.vector_load %arg5[%get3A_695] {strides = array<i32>} : memref<256xi32, #tpu.memory_space<vmem>>, vector<16xi32>,
      %get3A_697 = vector.shape_cast %get3A_696 : vector<16xi32> to vector<16xi32>
      %sub3A_698 = arith.constant 24576 : i32
      %sub3A_699 = vector.broadcast %sub3A_698 : i32 to vector<16xi32>
      %sub3A_700 = arith.subi %get3A_697, %sub3A_699 : vector<16xi32>
      %ge3A_701 = arith.constant 0 : i32
      %ge3A_702 = vector.broadcast %ge3A_701 : i32 to vector<16xi32>
      %ge3A_703 = arith.cmpi sge, %sub3A_700, %ge3A_702 : vector<16xi32>
      %lt3A_704 = arith.constant 24576 : i32
      %lt3A_705 = vector.broadcast %lt3A_704 : i32 to vector<16xi32>
      %lt3A_706 = arith.cmpi slt, %sub3A_700, %lt3A_705 : vector<16xi32>
      %and3A_707 = arith.andi %ge3A_703, %lt3A_706 : vector<16xi1>
      %and3A_708 = arith.constant 127 : i32
      %and3A_709 = vector.broadcast %and3A_708 : i32 to vector<16xi32>
      %and3A_710 = arith.andi %get3A_697, %and3A_709 : vector<16xi32>
      %add3A_711 = arith.constant 24576 : i32
      %add3A_712 = vector.broadcast %add3A_711 : i32 to vector<16xi32>
      %add3A_713 = arith.addi %add3A_712, %and3A_710 : vector<16xi32>
      %select_n3A_714 = arith.select %and3A_707, %sub3A_700, %add3A_713 : vector<16xi1>, vector<16xi32>
      %swap3A_715 = arith.constant 112 : index
      %swap3A_716 = tpu.vector_load %arg7[%swap3A_715] {strides = array<i32>} : memref<128xi32, #tpu.memory_space<vmem>>, vector<16xi32>,
      %swap3A_717 = vector.shape_cast %swap3A_716 : vector<16xi32> to vector<16xi32>
      %swap3A_718 = vector.shape_cast %select_n3A_714 : vector<16xi32> to vector<16xi32>
      tpu.vector_store %arg7[%swap3A_715], %swap3A_718 {strides = array<i32>} : memref<128xi32, #tpu.memory_space<vmem>>, vector<16xi32>,
      "tpu.region"() ({
        %run_scoped3A = tpu.sem_alloc : memref<!tpu.dma_semaphore, #tpu.memory_space<semaphore_mem>>
        %dma_start3A = arith.constant 0 : i32
        %dma_start3A_719 = arith.constant 0 : i32
        %dma_start3A_720 = tpu.memref_slice %arg8[%dma_start3A, %dma_start3A_719] : memref<256x64xf32, #tpu.memory_space<vmem>> -> memref<128x64xf32, #tpu.memory_space<vmem>>
        %dma_start3A_721 = arith.constant 0 : i32
        %dma_start3A_722 = arith.constant 0 : i32
        %dma_start3A_723 = tpu.memref_slice %arg10[%dma_start3A_721, %dma_start3A_722] : memref<25344x64xf32, #tpu.memory_space<vmem_shared>> -> memref<25344x64xf32, #tpu.memory_space<vmem_shared>>
        tpu.enqueue_indirect_dma source(%dma_start3A_720 : memref<128x64xf32, #tpu.memory_space<vmem>>) target(%dma_start3A_723 : memref<25344x64xf32, #tpu.memory_space<vmem_shared>>) offsets(%arg6 : memref<128xi32, #tpu.memory_space<vmem>>) semaphore(%run_scoped3A : memref<!tpu.dma_semaphore, #tpu.memory_space<semaphore_mem>>) {add = true}
        %dma_wait3A = arith.constant 0 : i32
        %dma_wait3A_724 = arith.constant 0 : i32
        %dma_wait3A_725 = tpu.memref_slice %arg8[%dma_wait3A, %dma_wait3A_724] : memref<256x64xf32, #tpu.memory_space<vmem>> -> memref<128x64xf32, #tpu.memory_space<vmem>>
        %dma_wait3A_726 = arith.constant 0 : i32
        %dma_wait3A_727 = arith.constant 0 : i32
        %dma_wait3A_728 = tpu.memref_slice %arg10[%dma_wait3A_726, %dma_wait3A_727] : memref<25344x64xf32, #tpu.memory_space<vmem_shared>> -> memref<25344x64xf32, #tpu.memory_space<vmem_shared>>
        tpu.wait_indirect_dma semaphore(%run_scoped3A : memref<!tpu.dma_semaphore, #tpu.memory_space<semaphore_mem>>) src(%dma_wait3A_725 : memref<128x64xf32, #tpu.memory_space<vmem>>) dst(%dma_wait3A_728 : memref<25344x64xf32, #tpu.memory_space<vmem_shared>>)
        tpu.yield
      }) : () -> ()
      "tpu.region"() ({
        %run_scoped3A = tpu.sem_alloc : memref<!tpu.dma_semaphore, #tpu.memory_space<semaphore_mem>>
        %dma_start3A = arith.constant 128 : i32
        %dma_start3A_719 = arith.constant 0 : i32
        %dma_start3A_720 = tpu.memref_slice %arg8[%dma_start3A, %dma_start3A_719] : memref<256x64xf32, #tpu.memory_space<vmem>> -> memref<128x64xf32, #tpu.memory_space<vmem>>
        %dma_start3A_721 = arith.constant 0 : i32
        %dma_start3A_722 = arith.constant 0 : i32
        %dma_start3A_723 = tpu.memref_slice %arg10[%dma_start3A_721, %dma_start3A_722] : memref<25344x64xf32, #tpu.memory_space<vmem_shared>> -> memref<25344x64xf32, #tpu.memory_space<vmem_shared>>
        tpu.enqueue_indirect_dma source(%dma_start3A_720 : memref<128x64xf32, #tpu.memory_space<vmem>>) target(%dma_start3A_723 : memref<25344x64xf32, #tpu.memory_space<vmem_shared>>) offsets(%arg7 : memref<128xi32, #tpu.memory_space<vmem>>) semaphore(%run_scoped3A : memref<!tpu.dma_semaphore, #tpu.memory_space<semaphore_mem>>) {add = true}
        %dma_wait3A = arith.constant 128 : i32
        %dma_wait3A_724 = arith.constant 0 : i32
        %dma_wait3A_725 = tpu.memref_slice %arg8[%dma_wait3A, %dma_wait3A_724] : memref<256x64xf32, #tpu.memory_space<vmem>> -> memref<128x64xf32, #tpu.memory_space<vmem>>
        %dma_wait3A_726 = arith.constant 0 : i32
        %dma_wait3A_727 = arith.constant 0 : i32
        %dma_wait3A_728 = tpu.memref_slice %arg10[%dma_wait3A_726, %dma_wait3A_727] : memref<25344x64xf32, #tpu.memory_space<vmem_shared>> -> memref<25344x64xf32, #tpu.memory_space<vmem_shared>>
        tpu.wait_indirect_dma semaphore(%run_scoped3A : memref<!tpu.dma_semaphore, #tpu.memory_space<semaphore_mem>>) src(%dma_wait3A_725 : memref<128x64xf32, #tpu.memory_space<vmem>>) dst(%dma_wait3A_728 : memref<25344x64xf32, #tpu.memory_space<vmem_shared>>)
        tpu.yield
      }) : () -> ()
    }
    %scan3A_206 = arith.constant 32 : i32
    %barrier3A_207 = arith.constant 0 : index
    tpu.barrier barrier_id(%barrier3A_207)
    %mul3A_208 = arith.constant 1536 : i32
    %mul3A_209 = arith.muli %arg1, %mul3A_208 : i32
    %multiple_of3A_210 = tpu.assume_multiple %mul3A_209, 1536 : i32
    %mul3A_211 = arith.constant 65536 : i32
    %mul3A_212 = arith.muli %arg0, %mul3A_211 : i32
    %add3A_213 = arith.constant 24576 : i32
    %add3A_214 = arith.addi %mul3A_212, %add3A_213 : i32
    %mul3A_215 = arith.constant 1536 : i32
    %mul3A_216 = arith.muli %arg1, %mul3A_215 : i32
    %add3A_217 = arith.addi %add3A_214, %mul3A_216 : i32
    %multiple_of3A_218 = tpu.assume_multiple %add3A_217, 1536 : i32
    "tpu.region"() ({
      %run_scoped3A = tpu.sem_alloc : memref<!tpu.dma_semaphore, #tpu.memory_space<semaphore_mem>>
      %dma_start3A = arith.constant 0 : i32
      %dma_start3A_331 = tpu.memref_slice %arg4[%multiple_of3A_218, %dma_start3A] : memref<131072x64xf32, #tpu.memory_space<hbm>> -> memref<1536x64xf32, #tpu.memory_space<hbm>>
      %dma_start3A_332 = arith.constant 0 : i32
      %dma_start3A_333 = tpu.memref_slice %arg10[%multiple_of3A_210, %dma_start3A_332] : memref<25344x64xf32, #tpu.memory_space<vmem_shared>> -> memref<1536x64xf32, #tpu.memory_space<vmem_shared>>
      tpu.enqueue_dma source(%dma_start3A_333 : memref<1536x64xf32, #tpu.memory_space<vmem_shared>>) target(%dma_start3A_331 : memref<1536x64xf32, #tpu.memory_space<hbm>>) target_semaphore(%run_scoped3A : memref<!tpu.dma_semaphore, #tpu.memory_space<semaphore_mem>>)
      %dma_wait3A = arith.constant 0 : i32
      %dma_wait3A_334 = tpu.memref_slice %arg4[%multiple_of3A_218, %dma_wait3A] : memref<131072x64xf32, #tpu.memory_space<hbm>> -> memref<1536x64xf32, #tpu.memory_space<hbm>>
      %dma_wait3A_335 = arith.constant 0 : i32
      %dma_wait3A_336 = tpu.memref_slice %arg10[%multiple_of3A_210, %dma_wait3A_335] : memref<25344x64xf32, #tpu.memory_space<vmem_shared>> -> memref<1536x64xf32, #tpu.memory_space<vmem_shared>>
      tpu.wait_dma2 semaphore(%run_scoped3A : memref<!tpu.dma_semaphore, #tpu.memory_space<semaphore_mem>>) src(%dma_wait3A_336 : memref<1536x64xf32, #tpu.memory_space<vmem_shared>>) dst(%dma_wait3A_334 : memref<1536x64xf32, #tpu.memory_space<hbm>>)
      tpu.yield
    }) : () -> ()
    %barrier3A_219 = arith.constant 0 : index
    tpu.barrier barrier_id(%barrier3A_219)
    %add3A_220 = arith.constant 0 : i32
    %add3A_221 = arith.addi %add3A_220, %arg1 : i32
    %lt3A_222 = arith.constant 198 : i32
    %lt3A_223 = arith.cmpi slt, %add3A_221, %lt3A_222 : i32
    %convert_element_type3A_224 = arith.extui %lt3A_223 : i1 to i32
    %cond3A_225 = arith.constant 0 : i32
    %cond3A_226 = arith.cmpi ne, %convert_element_type3A_224, %cond3A_225 : i32
    scf.if %cond3A_226 {
      %mul3A_331 = arith.constant 128 : i32
      %mul3A_332 = arith.muli %add3A_221, %mul3A_331 : i32
      %multiple_of3A_333 = tpu.assume_multiple %mul3A_332, 128 : i32
      "tpu.region"() ({
        %run_scoped3A = tpu.sem_alloc : memref<!tpu.dma_semaphore, #tpu.memory_space<semaphore_mem>>
        %dma_start3A = arith.constant 0 : i32
        %dma_start3A_334 = tpu.memref_slice %arg10[%multiple_of3A_333, %dma_start3A] : memref<25344x64xf32, #tpu.memory_space<vmem_shared>> -> memref<128x64xf32, #tpu.memory_space<vmem_shared>>
        %dma_start3A_335 = arith.constant 0 : i32
        %dma_start3A_336 = tpu.memref_slice %arg10[%multiple_of3A_333, %dma_start3A_335] : memref<25344x64xf32, #tpu.memory_space<vmem_shared>> -> memref<128x64xf32, #tpu.memory_space<vmem_shared>>
        tpu.enqueue_dma source(%arg9 : memref<128x64xf32, #tpu.memory_space<vmem>>) target(%dma_start3A_336 : memref<128x64xf32, #tpu.memory_space<vmem_shared>>) target_semaphore(%run_scoped3A : memref<!tpu.dma_semaphore, #tpu.memory_space<semaphore_mem>>)
        %dma_wait3A = arith.constant 0 : i32
        %dma_wait3A_337 = tpu.memref_slice %arg10[%multiple_of3A_333, %dma_wait3A] : memref<25344x64xf32, #tpu.memory_space<vmem_shared>> -> memref<128x64xf32, #tpu.memory_space<vmem_shared>>
        %dma_wait3A_338 = arith.constant 0 : i32
        %dma_wait3A_339 = tpu.memref_slice %arg10[%multiple_of3A_333, %dma_wait3A_338] : memref<25344x64xf32, #tpu.memory_space<vmem_shared>> -> memref<128x64xf32, #tpu.memory_space<vmem_shared>>
        tpu.wait_dma2 semaphore(%run_scoped3A : memref<!tpu.dma_semaphore, #tpu.memory_space<semaphore_mem>>) src(%arg9 : memref<128x64xf32, #tpu.memory_space<vmem>>) dst(%dma_wait3A_339 : memref<128x64xf32, #tpu.memory_space<vmem_shared>>)
        tpu.yield
      }) : () -> ()
    } else {
    }
    %add3A_227 = arith.constant 16 : i32
    %add3A_228 = arith.addi %add3A_227, %arg1 : i32
    %lt3A_229 = arith.constant 198 : i32
    %lt3A_230 = arith.cmpi slt, %add3A_228, %lt3A_229 : i32
    %convert_element_type3A_231 = arith.extui %lt3A_230 : i1 to i32
    %cond3A_232 = arith.constant 0 : i32
    %cond3A_233 = arith.cmpi ne, %convert_element_type3A_231, %cond3A_232 : i32
    scf.if %cond3A_233 {
      %mul3A_331 = arith.constant 128 : i32
      %mul3A_332 = arith.muli %add3A_228, %mul3A_331 : i32
      %multiple_of3A_333 = tpu.assume_multiple %mul3A_332, 128 : i32
      "tpu.region"() ({
        %run_scoped3A = tpu.sem_alloc : memref<!tpu.dma_semaphore, #tpu.memory_space<semaphore_mem>>
        %dma_start3A = arith.constant 0 : i32
        %dma_start3A_334 = tpu.memref_slice %arg10[%multiple_of3A_333, %dma_start3A] : memref<25344x64xf32, #tpu.memory_space<vmem_shared>> -> memref<128x64xf32, #tpu.memory_space<vmem_shared>>
        %dma_start3A_335 = arith.constant 0 : i32
        %dma_start3A_336 = tpu.memref_slice %arg10[%multiple_of3A_333, %dma_start3A_335] : memref<25344x64xf32, #tpu.memory_space<vmem_shared>> -> memref<128x64xf32, #tpu.memory_space<vmem_shared>>
        tpu.enqueue_dma source(%arg9 : memref<128x64xf32, #tpu.memory_space<vmem>>) target(%dma_start3A_336 : memref<128x64xf32, #tpu.memory_space<vmem_shared>>) target_semaphore(%run_scoped3A : memref<!tpu.dma_semaphore, #tpu.memory_space<semaphore_mem>>)
        %dma_wait3A = arith.constant 0 : i32
        %dma_wait3A_337 = tpu.memref_slice %arg10[%multiple_of3A_333, %dma_wait3A] : memref<25344x64xf32, #tpu.memory_space<vmem_shared>> -> memref<128x64xf32, #tpu.memory_space<vmem_shared>>
        %dma_wait3A_338 = arith.constant 0 : i32
        %dma_wait3A_339 = tpu.memref_slice %arg10[%multiple_of3A_333, %dma_wait3A_338] : memref<25344x64xf32, #tpu.memory_space<vmem_shared>> -> memref<128x64xf32, #tpu.memory_space<vmem_shared>>
        tpu.wait_dma2 semaphore(%run_scoped3A : memref<!tpu.dma_semaphore, #tpu.memory_space<semaphore_mem>>) src(%arg9 : memref<128x64xf32, #tpu.memory_space<vmem>>) dst(%dma_wait3A_339 : memref<128x64xf32, #tpu.memory_space<vmem_shared>>)
        tpu.yield
      }) : () -> ()
    } else {
    }
    %add3A_234 = arith.constant 32 : i32
    %add3A_235 = arith.addi %add3A_234, %arg1 : i32
    %lt3A_236 = arith.constant 198 : i32
    %lt3A_237 = arith.cmpi slt, %add3A_235, %lt3A_236 : i32
    %convert_element_type3A_238 = arith.extui %lt3A_237 : i1 to i32
    %cond3A_239 = arith.constant 0 : i32
    %cond3A_240 = arith.cmpi ne, %convert_element_type3A_238, %cond3A_239 : i32
    scf.if %cond3A_240 {
      %mul3A_331 = arith.constant 128 : i32
      %mul3A_332 = arith.muli %add3A_235, %mul3A_331 : i32
      %multiple_of3A_333 = tpu.assume_multiple %mul3A_332, 128 : i32
      "tpu.region"() ({
        %run_scoped3A = tpu.sem_alloc : memref<!tpu.dma_semaphore, #tpu.memory_space<semaphore_mem>>
        %dma_start3A = arith.constant 0 : i32
        %dma_start3A_334 = tpu.memref_slice %arg10[%multiple_of3A_333, %dma_start3A] : memref<25344x64xf32, #tpu.memory_space<vmem_shared>> -> memref<128x64xf32, #tpu.memory_space<vmem_shared>>
        %dma_start3A_335 = arith.constant 0 : i32
        %dma_start3A_336 = tpu.memref_slice %arg10[%multiple_of3A_333, %dma_start3A_335] : memref<25344x64xf32, #tpu.memory_space<vmem_shared>> -> memref<128x64xf32, #tpu.memory_space<vmem_shared>>
        tpu.enqueue_dma source(%arg9 : memref<128x64xf32, #tpu.memory_space<vmem>>) target(%dma_start3A_336 : memref<128x64xf32, #tpu.memory_space<vmem_shared>>) target_semaphore(%run_scoped3A : memref<!tpu.dma_semaphore, #tpu.memory_space<semaphore_mem>>)
        %dma_wait3A = arith.constant 0 : i32
        %dma_wait3A_337 = tpu.memref_slice %arg10[%multiple_of3A_333, %dma_wait3A] : memref<25344x64xf32, #tpu.memory_space<vmem_shared>> -> memref<128x64xf32, #tpu.memory_space<vmem_shared>>
        %dma_wait3A_338 = arith.constant 0 : i32
        %dma_wait3A_339 = tpu.memref_slice %arg10[%multiple_of3A_333, %dma_wait3A_338] : memref<25344x64xf32, #tpu.memory_space<vmem_shared>> -> memref<128x64xf32, #tpu.memory_space<vmem_shared>>
        tpu.wait_dma2 semaphore(%run_scoped3A : memref<!tpu.dma_semaphore, #tpu.memory_space<semaphore_mem>>) src(%arg9 : memref<128x64xf32, #tpu.memory_space<vmem>>) dst(%dma_wait3A_339 : memref<128x64xf32, #tpu.memory_space<vmem_shared>>)
        tpu.yield
      }) : () -> ()
    } else {
    }
    %add3A_241 = arith.constant 48 : i32
    %add3A_242 = arith.addi %add3A_241, %arg1 : i32
    %lt3A_243 = arith.constant 198 : i32
    %lt3A_244 = arith.cmpi slt, %add3A_242, %lt3A_243 : i32
    %convert_element_type3A_245 = arith.extui %lt3A_244 : i1 to i32
    %cond3A_246 = arith.constant 0 : i32
    %cond3A_247 = arith.cmpi ne, %convert_element_type3A_245, %cond3A_246 : i32
    scf.if %cond3A_247 {
      %mul3A_331 = arith.constant 128 : i32
      %mul3A_332 = arith.muli %add3A_242, %mul3A_331 : i32
      %multiple_of3A_333 = tpu.assume_multiple %mul3A_332, 128 : i32
      "tpu.region"() ({
        %run_scoped3A = tpu.sem_alloc : memref<!tpu.dma_semaphore, #tpu.memory_space<semaphore_mem>>
        %dma_start3A = arith.constant 0 : i32
        %dma_start3A_334 = tpu.memref_slice %arg10[%multiple_of3A_333, %dma_start3A] : memref<25344x64xf32, #tpu.memory_space<vmem_shared>> -> memref<128x64xf32, #tpu.memory_space<vmem_shared>>
        %dma_start3A_335 = arith.constant 0 : i32
        %dma_start3A_336 = tpu.memref_slice %arg10[%multiple_of3A_333, %dma_start3A_335] : memref<25344x64xf32, #tpu.memory_space<vmem_shared>> -> memref<128x64xf32, #tpu.memory_space<vmem_shared>>
        tpu.enqueue_dma source(%arg9 : memref<128x64xf32, #tpu.memory_space<vmem>>) target(%dma_start3A_336 : memref<128x64xf32, #tpu.memory_space<vmem_shared>>) target_semaphore(%run_scoped3A : memref<!tpu.dma_semaphore, #tpu.memory_space<semaphore_mem>>)
        %dma_wait3A = arith.constant 0 : i32
        %dma_wait3A_337 = tpu.memref_slice %arg10[%multiple_of3A_333, %dma_wait3A] : memref<25344x64xf32, #tpu.memory_space<vmem_shared>> -> memref<128x64xf32, #tpu.memory_space<vmem_shared>>
        %dma_wait3A_338 = arith.constant 0 : i32
        %dma_wait3A_339 = tpu.memref_slice %arg10[%multiple_of3A_333, %dma_wait3A_338] : memref<25344x64xf32, #tpu.memory_space<vmem_shared>> -> memref<128x64xf32, #tpu.memory_space<vmem_shared>>
        tpu.wait_dma2 semaphore(%run_scoped3A : memref<!tpu.dma_semaphore, #tpu.memory_space<semaphore_mem>>) src(%arg9 : memref<128x64xf32, #tpu.memory_space<vmem>>) dst(%dma_wait3A_339 : memref<128x64xf32, #tpu.memory_space<vmem_shared>>)
        tpu.yield
      }) : () -> ()
    } else {
    }
    %add3A_248 = arith.constant 64 : i32
    %add3A_249 = arith.addi %add3A_248, %arg1 : i32
    %lt3A_250 = arith.constant 198 : i32
    %lt3A_251 = arith.cmpi slt, %add3A_249, %lt3A_250 : i32
    %convert_element_type3A_252 = arith.extui %lt3A_251 : i1 to i32
    %cond3A_253 = arith.constant 0 : i32
    %cond3A_254 = arith.cmpi ne, %convert_element_type3A_252, %cond3A_253 : i32
    scf.if %cond3A_254 {
      %mul3A_331 = arith.constant 128 : i32
      %mul3A_332 = arith.muli %add3A_249, %mul3A_331 : i32
      %multiple_of3A_333 = tpu.assume_multiple %mul3A_332, 128 : i32
      "tpu.region"() ({
        %run_scoped3A = tpu.sem_alloc : memref<!tpu.dma_semaphore, #tpu.memory_space<semaphore_mem>>
        %dma_start3A = arith.constant 0 : i32
        %dma_start3A_334 = tpu.memref_slice %arg10[%multiple_of3A_333, %dma_start3A] : memref<25344x64xf32, #tpu.memory_space<vmem_shared>> -> memref<128x64xf32, #tpu.memory_space<vmem_shared>>
        %dma_start3A_335 = arith.constant 0 : i32
        %dma_start3A_336 = tpu.memref_slice %arg10[%multiple_of3A_333, %dma_start3A_335] : memref<25344x64xf32, #tpu.memory_space<vmem_shared>> -> memref<128x64xf32, #tpu.memory_space<vmem_shared>>
        tpu.enqueue_dma source(%arg9 : memref<128x64xf32, #tpu.memory_space<vmem>>) target(%dma_start3A_336 : memref<128x64xf32, #tpu.memory_space<vmem_shared>>) target_semaphore(%run_scoped3A : memref<!tpu.dma_semaphore, #tpu.memory_space<semaphore_mem>>)
        %dma_wait3A = arith.constant 0 : i32
        %dma_wait3A_337 = tpu.memref_slice %arg10[%multiple_of3A_333, %dma_wait3A] : memref<25344x64xf32, #tpu.memory_space<vmem_shared>> -> memref<128x64xf32, #tpu.memory_space<vmem_shared>>
        %dma_wait3A_338 = arith.constant 0 : i32
        %dma_wait3A_339 = tpu.memref_slice %arg10[%multiple_of3A_333, %dma_wait3A_338] : memref<25344x64xf32, #tpu.memory_space<vmem_shared>> -> memref<128x64xf32, #tpu.memory_space<vmem_shared>>
        tpu.wait_dma2 semaphore(%run_scoped3A : memref<!tpu.dma_semaphore, #tpu.memory_space<semaphore_mem>>) src(%arg9 : memref<128x64xf32, #tpu.memory_space<vmem>>) dst(%dma_wait3A_339 : memref<128x64xf32, #tpu.memory_space<vmem_shared>>)
        tpu.yield
      }) : () -> ()
    } else {
    }
    %add3A_255 = arith.constant 80 : i32
    %add3A_256 = arith.addi %add3A_255, %arg1 : i32
    %lt3A_257 = arith.constant 198 : i32
    %lt3A_258 = arith.cmpi slt, %add3A_256, %lt3A_257 : i32
    %convert_element_type3A_259 = arith.extui %lt3A_258 : i1 to i32
    %cond3A_260 = arith.constant 0 : i32
    %cond3A_261 = arith.cmpi ne, %convert_element_type3A_259, %cond3A_260 : i32
    scf.if %cond3A_261 {
      %mul3A_331 = arith.constant 128 : i32
      %mul3A_332 = arith.muli %add3A_256, %mul3A_331 : i32
      %multiple_of3A_333 = tpu.assume_multiple %mul3A_332, 128 : i32
      "tpu.region"() ({
        %run_scoped3A = tpu.sem_alloc : memref<!tpu.dma_semaphore, #tpu.memory_space<semaphore_mem>>
        %dma_start3A = arith.constant 0 : i32
        %dma_start3A_334 = tpu.memref_slice %arg10[%multiple_of3A_333, %dma_start3A] : memref<25344x64xf32, #tpu.memory_space<vmem_shared>> -> memref<128x64xf32, #tpu.memory_space<vmem_shared>>
        %dma_start3A_335 = arith.constant 0 : i32
        %dma_start3A_336 = tpu.memref_slice %arg10[%multiple_of3A_333, %dma_start3A_335] : memref<25344x64xf32, #tpu.memory_space<vmem_shared>> -> memref<128x64xf32, #tpu.memory_space<vmem_shared>>
        tpu.enqueue_dma source(%arg9 : memref<128x64xf32, #tpu.memory_space<vmem>>) target(%dma_start3A_336 : memref<128x64xf32, #tpu.memory_space<vmem_shared>>) target_semaphore(%run_scoped3A : memref<!tpu.dma_semaphore, #tpu.memory_space<semaphore_mem>>)
        %dma_wait3A = arith.constant 0 : i32
        %dma_wait3A_337 = tpu.memref_slice %arg10[%multiple_of3A_333, %dma_wait3A] : memref<25344x64xf32, #tpu.memory_space<vmem_shared>> -> memref<128x64xf32, #tpu.memory_space<vmem_shared>>
        %dma_wait3A_338 = arith.constant 0 : i32
        %dma_wait3A_339 = tpu.memref_slice %arg10[%multiple_of3A_333, %dma_wait3A_338] : memref<25344x64xf32, #tpu.memory_space<vmem_shared>> -> memref<128x64xf32, #tpu.memory_space<vmem_shared>>
        tpu.wait_dma2 semaphore(%run_scoped3A : memref<!tpu.dma_semaphore, #tpu.memory_space<semaphore_mem>>) src(%arg9 : memref<128x64xf32, #tpu.memory_space<vmem>>) dst(%dma_wait3A_339 : memref<128x64xf32, #tpu.memory_space<vmem_shared>>)
        tpu.yield
      }) : () -> ()
    } else {
    }
    %add3A_262 = arith.constant 96 : i32
    %add3A_263 = arith.addi %add3A_262, %arg1 : i32
    %lt3A_264 = arith.constant 198 : i32
    %lt3A_265 = arith.cmpi slt, %add3A_263, %lt3A_264 : i32
    %convert_element_type3A_266 = arith.extui %lt3A_265 : i1 to i32
    %cond3A_267 = arith.constant 0 : i32
    %cond3A_268 = arith.cmpi ne, %convert_element_type3A_266, %cond3A_267 : i32
    scf.if %cond3A_268 {
      %mul3A_331 = arith.constant 128 : i32
      %mul3A_332 = arith.muli %add3A_263, %mul3A_331 : i32
      %multiple_of3A_333 = tpu.assume_multiple %mul3A_332, 128 : i32
      "tpu.region"() ({
        %run_scoped3A = tpu.sem_alloc : memref<!tpu.dma_semaphore, #tpu.memory_space<semaphore_mem>>
        %dma_start3A = arith.constant 0 : i32
        %dma_start3A_334 = tpu.memref_slice %arg10[%multiple_of3A_333, %dma_start3A] : memref<25344x64xf32, #tpu.memory_space<vmem_shared>> -> memref<128x64xf32, #tpu.memory_space<vmem_shared>>
        %dma_start3A_335 = arith.constant 0 : i32
        %dma_start3A_336 = tpu.memref_slice %arg10[%multiple_of3A_333, %dma_start3A_335] : memref<25344x64xf32, #tpu.memory_space<vmem_shared>> -> memref<128x64xf32, #tpu.memory_space<vmem_shared>>
        tpu.enqueue_dma source(%arg9 : memref<128x64xf32, #tpu.memory_space<vmem>>) target(%dma_start3A_336 : memref<128x64xf32, #tpu.memory_space<vmem_shared>>) target_semaphore(%run_scoped3A : memref<!tpu.dma_semaphore, #tpu.memory_space<semaphore_mem>>)
        %dma_wait3A = arith.constant 0 : i32
        %dma_wait3A_337 = tpu.memref_slice %arg10[%multiple_of3A_333, %dma_wait3A] : memref<25344x64xf32, #tpu.memory_space<vmem_shared>> -> memref<128x64xf32, #tpu.memory_space<vmem_shared>>
        %dma_wait3A_338 = arith.constant 0 : i32
        %dma_wait3A_339 = tpu.memref_slice %arg10[%multiple_of3A_333, %dma_wait3A_338] : memref<25344x64xf32, #tpu.memory_space<vmem_shared>> -> memref<128x64xf32, #tpu.memory_space<vmem_shared>>
        tpu.wait_dma2 semaphore(%run_scoped3A : memref<!tpu.dma_semaphore, #tpu.memory_space<semaphore_mem>>) src(%arg9 : memref<128x64xf32, #tpu.memory_space<vmem>>) dst(%dma_wait3A_339 : memref<128x64xf32, #tpu.memory_space<vmem_shared>>)
        tpu.yield
      }) : () -> ()
    } else {
    }
    %add3A_269 = arith.constant 112 : i32
    %add3A_270 = arith.addi %add3A_269, %arg1 : i32
    %lt3A_271 = arith.constant 198 : i32
    %lt3A_272 = arith.cmpi slt, %add3A_270, %lt3A_271 : i32
    %convert_element_type3A_273 = arith.extui %lt3A_272 : i1 to i32
    %cond3A_274 = arith.constant 0 : i32
    %cond3A_275 = arith.cmpi ne, %convert_element_type3A_273, %cond3A_274 : i32
    scf.if %cond3A_275 {
      %mul3A_331 = arith.constant 128 : i32
      %mul3A_332 = arith.muli %add3A_270, %mul3A_331 : i32
      %multiple_of3A_333 = tpu.assume_multiple %mul3A_332, 128 : i32
      "tpu.region"() ({
        %run_scoped3A = tpu.sem_alloc : memref<!tpu.dma_semaphore, #tpu.memory_space<semaphore_mem>>
        %dma_start3A = arith.constant 0 : i32
        %dma_start3A_334 = tpu.memref_slice %arg10[%multiple_of3A_333, %dma_start3A] : memref<25344x64xf32, #tpu.memory_space<vmem_shared>> -> memref<128x64xf32, #tpu.memory_space<vmem_shared>>
        %dma_start3A_335 = arith.constant 0 : i32
        %dma_start3A_336 = tpu.memref_slice %arg10[%multiple_of3A_333, %dma_start3A_335] : memref<25344x64xf32, #tpu.memory_space<vmem_shared>> -> memref<128x64xf32, #tpu.memory_space<vmem_shared>>
        tpu.enqueue_dma source(%arg9 : memref<128x64xf32, #tpu.memory_space<vmem>>) target(%dma_start3A_336 : memref<128x64xf32, #tpu.memory_space<vmem_shared>>) target_semaphore(%run_scoped3A : memref<!tpu.dma_semaphore, #tpu.memory_space<semaphore_mem>>)
        %dma_wait3A = arith.constant 0 : i32
        %dma_wait3A_337 = tpu.memref_slice %arg10[%multiple_of3A_333, %dma_wait3A] : memref<25344x64xf32, #tpu.memory_space<vmem_shared>> -> memref<128x64xf32, #tpu.memory_space<vmem_shared>>
        %dma_wait3A_338 = arith.constant 0 : i32
        %dma_wait3A_339 = tpu.memref_slice %arg10[%multiple_of3A_333, %dma_wait3A_338] : memref<25344x64xf32, #tpu.memory_space<vmem_shared>> -> memref<128x64xf32, #tpu.memory_space<vmem_shared>>
        tpu.wait_dma2 semaphore(%run_scoped3A : memref<!tpu.dma_semaphore, #tpu.memory_space<semaphore_mem>>) src(%arg9 : memref<128x64xf32, #tpu.memory_space<vmem>>) dst(%dma_wait3A_339 : memref<128x64xf32, #tpu.memory_space<vmem_shared>>)
        tpu.yield
      }) : () -> ()
    } else {
    }
    %add3A_276 = arith.constant 128 : i32
    %add3A_277 = arith.addi %add3A_276, %arg1 : i32
    %lt3A_278 = arith.constant 198 : i32
    %lt3A_279 = arith.cmpi slt, %add3A_277, %lt3A_278 : i32
    %convert_element_type3A_280 = arith.extui %lt3A_279 : i1 to i32
    %cond3A_281 = arith.constant 0 : i32
    %cond3A_282 = arith.cmpi ne, %convert_element_type3A_280, %cond3A_281 : i32
    scf.if %cond3A_282 {
      %mul3A_331 = arith.constant 128 : i32
      %mul3A_332 = arith.muli %add3A_277, %mul3A_331 : i32
      %multiple_of3A_333 = tpu.assume_multiple %mul3A_332, 128 : i32
      "tpu.region"() ({
        %run_scoped3A = tpu.sem_alloc : memref<!tpu.dma_semaphore, #tpu.memory_space<semaphore_mem>>
        %dma_start3A = arith.constant 0 : i32
        %dma_start3A_334 = tpu.memref_slice %arg10[%multiple_of3A_333, %dma_start3A] : memref<25344x64xf32, #tpu.memory_space<vmem_shared>> -> memref<128x64xf32, #tpu.memory_space<vmem_shared>>
        %dma_start3A_335 = arith.constant 0 : i32
        %dma_start3A_336 = tpu.memref_slice %arg10[%multiple_of3A_333, %dma_start3A_335] : memref<25344x64xf32, #tpu.memory_space<vmem_shared>> -> memref<128x64xf32, #tpu.memory_space<vmem_shared>>
        tpu.enqueue_dma source(%arg9 : memref<128x64xf32, #tpu.memory_space<vmem>>) target(%dma_start3A_336 : memref<128x64xf32, #tpu.memory_space<vmem_shared>>) target_semaphore(%run_scoped3A : memref<!tpu.dma_semaphore, #tpu.memory_space<semaphore_mem>>)
        %dma_wait3A = arith.constant 0 : i32
        %dma_wait3A_337 = tpu.memref_slice %arg10[%multiple_of3A_333, %dma_wait3A] : memref<25344x64xf32, #tpu.memory_space<vmem_shared>> -> memref<128x64xf32, #tpu.memory_space<vmem_shared>>
        %dma_wait3A_338 = arith.constant 0 : i32
        %dma_wait3A_339 = tpu.memref_slice %arg10[%multiple_of3A_333, %dma_wait3A_338] : memref<25344x64xf32, #tpu.memory_space<vmem_shared>> -> memref<128x64xf32, #tpu.memory_space<vmem_shared>>
        tpu.wait_dma2 semaphore(%run_scoped3A : memref<!tpu.dma_semaphore, #tpu.memory_space<semaphore_mem>>) src(%arg9 : memref<128x64xf32, #tpu.memory_space<vmem>>) dst(%dma_wait3A_339 : memref<128x64xf32, #tpu.memory_space<vmem_shared>>)
        tpu.yield
      }) : () -> ()
    } else {
    }
    %add3A_283 = arith.constant 144 : i32
    %add3A_284 = arith.addi %add3A_283, %arg1 : i32
    %lt3A_285 = arith.constant 198 : i32
    %lt3A_286 = arith.cmpi slt, %add3A_284, %lt3A_285 : i32
    %convert_element_type3A_287 = arith.extui %lt3A_286 : i1 to i32
    %cond3A_288 = arith.constant 0 : i32
    %cond3A_289 = arith.cmpi ne, %convert_element_type3A_287, %cond3A_288 : i32
    scf.if %cond3A_289 {
      %mul3A_331 = arith.constant 128 : i32
      %mul3A_332 = arith.muli %add3A_284, %mul3A_331 : i32
      %multiple_of3A_333 = tpu.assume_multiple %mul3A_332, 128 : i32
      "tpu.region"() ({
        %run_scoped3A = tpu.sem_alloc : memref<!tpu.dma_semaphore, #tpu.memory_space<semaphore_mem>>
        %dma_start3A = arith.constant 0 : i32
        %dma_start3A_334 = tpu.memref_slice %arg10[%multiple_of3A_333, %dma_start3A] : memref<25344x64xf32, #tpu.memory_space<vmem_shared>> -> memref<128x64xf32, #tpu.memory_space<vmem_shared>>
        %dma_start3A_335 = arith.constant 0 : i32
        %dma_start3A_336 = tpu.memref_slice %arg10[%multiple_of3A_333, %dma_start3A_335] : memref<25344x64xf32, #tpu.memory_space<vmem_shared>> -> memref<128x64xf32, #tpu.memory_space<vmem_shared>>
        tpu.enqueue_dma source(%arg9 : memref<128x64xf32, #tpu.memory_space<vmem>>) target(%dma_start3A_336 : memref<128x64xf32, #tpu.memory_space<vmem_shared>>) target_semaphore(%run_scoped3A : memref<!tpu.dma_semaphore, #tpu.memory_space<semaphore_mem>>)
        %dma_wait3A = arith.constant 0 : i32
        %dma_wait3A_337 = tpu.memref_slice %arg10[%multiple_of3A_333, %dma_wait3A] : memref<25344x64xf32, #tpu.memory_space<vmem_shared>> -> memref<128x64xf32, #tpu.memory_space<vmem_shared>>
        %dma_wait3A_338 = arith.constant 0 : i32
        %dma_wait3A_339 = tpu.memref_slice %arg10[%multiple_of3A_333, %dma_wait3A_338] : memref<25344x64xf32, #tpu.memory_space<vmem_shared>> -> memref<128x64xf32, #tpu.memory_space<vmem_shared>>
        tpu.wait_dma2 semaphore(%run_scoped3A : memref<!tpu.dma_semaphore, #tpu.memory_space<semaphore_mem>>) src(%arg9 : memref<128x64xf32, #tpu.memory_space<vmem>>) dst(%dma_wait3A_339 : memref<128x64xf32, #tpu.memory_space<vmem_shared>>)
        tpu.yield
      }) : () -> ()
    } else {
    }
    %add3A_290 = arith.constant 160 : i32
    %add3A_291 = arith.addi %add3A_290, %arg1 : i32
    %lt3A_292 = arith.constant 198 : i32
    %lt3A_293 = arith.cmpi slt, %add3A_291, %lt3A_292 : i32
    %convert_element_type3A_294 = arith.extui %lt3A_293 : i1 to i32
    %cond3A_295 = arith.constant 0 : i32
    %cond3A_296 = arith.cmpi ne, %convert_element_type3A_294, %cond3A_295 : i32
    scf.if %cond3A_296 {
      %mul3A_331 = arith.constant 128 : i32
      %mul3A_332 = arith.muli %add3A_291, %mul3A_331 : i32
      %multiple_of3A_333 = tpu.assume_multiple %mul3A_332, 128 : i32
      "tpu.region"() ({
        %run_scoped3A = tpu.sem_alloc : memref<!tpu.dma_semaphore, #tpu.memory_space<semaphore_mem>>
        %dma_start3A = arith.constant 0 : i32
        %dma_start3A_334 = tpu.memref_slice %arg10[%multiple_of3A_333, %dma_start3A] : memref<25344x64xf32, #tpu.memory_space<vmem_shared>> -> memref<128x64xf32, #tpu.memory_space<vmem_shared>>
        %dma_start3A_335 = arith.constant 0 : i32
        %dma_start3A_336 = tpu.memref_slice %arg10[%multiple_of3A_333, %dma_start3A_335] : memref<25344x64xf32, #tpu.memory_space<vmem_shared>> -> memref<128x64xf32, #tpu.memory_space<vmem_shared>>
        tpu.enqueue_dma source(%arg9 : memref<128x64xf32, #tpu.memory_space<vmem>>) target(%dma_start3A_336 : memref<128x64xf32, #tpu.memory_space<vmem_shared>>) target_semaphore(%run_scoped3A : memref<!tpu.dma_semaphore, #tpu.memory_space<semaphore_mem>>)
        %dma_wait3A = arith.constant 0 : i32
        %dma_wait3A_337 = tpu.memref_slice %arg10[%multiple_of3A_333, %dma_wait3A] : memref<25344x64xf32, #tpu.memory_space<vmem_shared>> -> memref<128x64xf32, #tpu.memory_space<vmem_shared>>
        %dma_wait3A_338 = arith.constant 0 : i32
        %dma_wait3A_339 = tpu.memref_slice %arg10[%multiple_of3A_333, %dma_wait3A_338] : memref<25344x64xf32, #tpu.memory_space<vmem_shared>> -> memref<128x64xf32, #tpu.memory_space<vmem_shared>>
        tpu.wait_dma2 semaphore(%run_scoped3A : memref<!tpu.dma_semaphore, #tpu.memory_space<semaphore_mem>>) src(%arg9 : memref<128x64xf32, #tpu.memory_space<vmem>>) dst(%dma_wait3A_339 : memref<128x64xf32, #tpu.memory_space<vmem_shared>>)
        tpu.yield
      }) : () -> ()
    } else {
    }
    %add3A_297 = arith.constant 176 : i32
    %add3A_298 = arith.addi %add3A_297, %arg1 : i32
    %lt3A_299 = arith.constant 198 : i32
    %lt3A_300 = arith.cmpi slt, %add3A_298, %lt3A_299 : i32
    %convert_element_type3A_301 = arith.extui %lt3A_300 : i1 to i32
    %cond3A_302 = arith.constant 0 : i32
    %cond3A_303 = arith.cmpi ne, %convert_element_type3A_301, %cond3A_302 : i32
    scf.if %cond3A_303 {
      %mul3A_331 = arith.constant 128 : i32
      %mul3A_332 = arith.muli %add3A_298, %mul3A_331 : i32
      %multiple_of3A_333 = tpu.assume_multiple %mul3A_332, 128 : i32
      "tpu.region"() ({
        %run_scoped3A = tpu.sem_alloc : memref<!tpu.dma_semaphore, #tpu.memory_space<semaphore_mem>>
        %dma_start3A = arith.constant 0 : i32
        %dma_start3A_334 = tpu.memref_slice %arg10[%multiple_of3A_333, %dma_start3A] : memref<25344x64xf32, #tpu.memory_space<vmem_shared>> -> memref<128x64xf32, #tpu.memory_space<vmem_shared>>
        %dma_start3A_335 = arith.constant 0 : i32
        %dma_start3A_336 = tpu.memref_slice %arg10[%multiple_of3A_333, %dma_start3A_335] : memref<25344x64xf32, #tpu.memory_space<vmem_shared>> -> memref<128x64xf32, #tpu.memory_space<vmem_shared>>
        tpu.enqueue_dma source(%arg9 : memref<128x64xf32, #tpu.memory_space<vmem>>) target(%dma_start3A_336 : memref<128x64xf32, #tpu.memory_space<vmem_shared>>) target_semaphore(%run_scoped3A : memref<!tpu.dma_semaphore, #tpu.memory_space<semaphore_mem>>)
        %dma_wait3A = arith.constant 0 : i32
        %dma_wait3A_337 = tpu.memref_slice %arg10[%multiple_of3A_333, %dma_wait3A] : memref<25344x64xf32, #tpu.memory_space<vmem_shared>> -> memref<128x64xf32, #tpu.memory_space<vmem_shared>>
        %dma_wait3A_338 = arith.constant 0 : i32
        %dma_wait3A_339 = tpu.memref_slice %arg10[%multiple_of3A_333, %dma_wait3A_338] : memref<25344x64xf32, #tpu.memory_space<vmem_shared>> -> memref<128x64xf32, #tpu.memory_space<vmem_shared>>
        tpu.wait_dma2 semaphore(%run_scoped3A : memref<!tpu.dma_semaphore, #tpu.memory_space<semaphore_mem>>) src(%arg9 : memref<128x64xf32, #tpu.memory_space<vmem>>) dst(%dma_wait3A_339 : memref<128x64xf32, #tpu.memory_space<vmem_shared>>)
        tpu.yield
      }) : () -> ()
    } else {
    }
    %add3A_304 = arith.constant 192 : i32
    %add3A_305 = arith.addi %add3A_304, %arg1 : i32
    %lt3A_306 = arith.constant 198 : i32
    %lt3A_307 = arith.cmpi slt, %add3A_305, %lt3A_306 : i32
    %convert_element_type3A_308 = arith.extui %lt3A_307 : i1 to i32
    %cond3A_309 = arith.constant 0 : i32
    %cond3A_310 = arith.cmpi ne, %convert_element_type3A_308, %cond3A_309 : i32
    scf.if %cond3A_310 {
      %mul3A_331 = arith.constant 128 : i32
      %mul3A_332 = arith.muli %add3A_305, %mul3A_331 : i32
      %multiple_of3A_333 = tpu.assume_multiple %mul3A_332, 128 : i32
      "tpu.region"() ({
        %run_scoped3A = tpu.sem_alloc : memref<!tpu.dma_semaphore, #tpu.memory_space<semaphore_mem>>
        %dma_start3A = arith.constant 0 : i32
        %dma_start3A_334 = tpu.memref_slice %arg10[%multiple_of3A_333, %dma_start3A] : memref<25344x64xf32, #tpu.memory_space<vmem_shared>> -> memref<128x64xf32, #tpu.memory_space<vmem_shared>>
        %dma_start3A_335 = arith.constant 0 : i32
        %dma_start3A_336 = tpu.memref_slice %arg10[%multiple_of3A_333, %dma_start3A_335] : memref<25344x64xf32, #tpu.memory_space<vmem_shared>> -> memref<128x64xf32, #tpu.memory_space<vmem_shared>>
        tpu.enqueue_dma source(%arg9 : memref<128x64xf32, #tpu.memory_space<vmem>>) target(%dma_start3A_336 : memref<128x64xf32, #tpu.memory_space<vmem_shared>>) target_semaphore(%run_scoped3A : memref<!tpu.dma_semaphore, #tpu.memory_space<semaphore_mem>>)
        %dma_wait3A = arith.constant 0 : i32
        %dma_wait3A_337 = tpu.memref_slice %arg10[%multiple_of3A_333, %dma_wait3A] : memref<25344x64xf32, #tpu.memory_space<vmem_shared>> -> memref<128x64xf32, #tpu.memory_space<vmem_shared>>
        %dma_wait3A_338 = arith.constant 0 : i32
        %dma_wait3A_339 = tpu.memref_slice %arg10[%multiple_of3A_333, %dma_wait3A_338] : memref<25344x64xf32, #tpu.memory_space<vmem_shared>> -> memref<128x64xf32, #tpu.memory_space<vmem_shared>>
        tpu.wait_dma2 semaphore(%run_scoped3A : memref<!tpu.dma_semaphore, #tpu.memory_space<semaphore_mem>>) src(%arg9 : memref<128x64xf32, #tpu.memory_space<vmem>>) dst(%dma_wait3A_339 : memref<128x64xf32, #tpu.memory_space<vmem_shared>>)
        tpu.yield
      }) : () -> ()
    } else {
    }
    %barrier3A_311 = arith.constant 0 : index
    tpu.barrier barrier_id(%barrier3A_311)
    %scan3A_312 = arith.constant 0 : i32
    %scan3A_313 = arith.constant 0 : i32
    %scan3A_314 = arith.constant 32 : i32
    %scan3A_315 = arith.addi %scan3A_313, %scan3A_314 : i32
    %scan3A_316 = arith.constant 1 : i32
    scf.for %scan3A_331 = %scan3A_313 to %scan3A_315 step %scan3A_316  : i32 {
      %mul3A_332 = arith.constant 131072 : i32
      %mul3A_333 = arith.muli %arg0, %mul3A_332 : i32
      %mul3A_334 = arith.constant 8192 : i32
      %mul3A_335 = arith.muli %arg1, %mul3A_334 : i32
      %add3A_336 = arith.addi %mul3A_333, %mul3A_335 : i32
      %mul3A_337 = arith.constant 256 : i32
      %mul3A_338 = arith.muli %scan3A_331, %mul3A_337 : i32
      %add3A_339 = arith.addi %add3A_336, %mul3A_338 : i32
      %multiple_of3A_340 = tpu.assume_multiple %add3A_339, 256 : i32
      "tpu.region"() ({
        %run_scoped3A = tpu.sem_alloc : memref<!tpu.dma_semaphore, #tpu.memory_space<semaphore_mem>>
        %dma_start3A = tpu.memref_slice %arg3[%multiple_of3A_340] : memref<262144xi32, #tpu.memory_space<hbm>> -> memref<256xi32, #tpu.memory_space<hbm>>
        %dma_start3A_719 = tpu.memref_slice %arg3[%multiple_of3A_340] : memref<262144xi32, #tpu.memory_space<hbm>> -> memref<256xi32, #tpu.memory_space<hbm>>
        tpu.enqueue_dma source(%dma_start3A_719 : memref<256xi32, #tpu.memory_space<hbm>>) target(%arg5 : memref<256xi32, #tpu.memory_space<vmem>>) target_semaphore(%run_scoped3A : memref<!tpu.dma_semaphore, #tpu.memory_space<semaphore_mem>>)
        %dma_wait3A = tpu.memref_slice %arg3[%multiple_of3A_340] : memref<262144xi32, #tpu.memory_space<hbm>> -> memref<256xi32, #tpu.memory_space<hbm>>
        %dma_wait3A_720 = tpu.memref_slice %arg3[%multiple_of3A_340] : memref<262144xi32, #tpu.memory_space<hbm>> -> memref<256xi32, #tpu.memory_space<hbm>>
        tpu.wait_dma2 semaphore(%run_scoped3A : memref<!tpu.dma_semaphore, #tpu.memory_space<semaphore_mem>>) src(%dma_wait3A_720 : memref<256xi32, #tpu.memory_space<hbm>>) dst(%arg5 : memref<256xi32, #tpu.memory_space<vmem>>)
        tpu.yield
      }) : () -> ()
      "tpu.region"() ({
        %run_scoped3A = tpu.sem_alloc : memref<!tpu.dma_semaphore, #tpu.memory_space<semaphore_mem>>
        %dma_start3A = arith.constant 0 : i32
        %dma_start3A_719 = tpu.memref_slice %arg2[%multiple_of3A_340, %dma_start3A] : memref<262144x64xf32, #tpu.memory_space<hbm>> -> memref<256x64xf32, #tpu.memory_space<hbm>>
        %dma_start3A_720 = arith.constant 0 : i32
        %dma_start3A_721 = tpu.memref_slice %arg2[%multiple_of3A_340, %dma_start3A_720] : memref<262144x64xf32, #tpu.memory_space<hbm>> -> memref<256x64xf32, #tpu.memory_space<hbm>>
        tpu.enqueue_dma source(%dma_start3A_721 : memref<256x64xf32, #tpu.memory_space<hbm>>) target(%arg8 : memref<256x64xf32, #tpu.memory_space<vmem>>) target_semaphore(%run_scoped3A : memref<!tpu.dma_semaphore, #tpu.memory_space<semaphore_mem>>)
        %dma_wait3A = arith.constant 0 : i32
        %dma_wait3A_722 = tpu.memref_slice %arg2[%multiple_of3A_340, %dma_wait3A] : memref<262144x64xf32, #tpu.memory_space<hbm>> -> memref<256x64xf32, #tpu.memory_space<hbm>>
        %dma_wait3A_723 = arith.constant 0 : i32
        %dma_wait3A_724 = tpu.memref_slice %arg2[%multiple_of3A_340, %dma_wait3A_723] : memref<262144x64xf32, #tpu.memory_space<hbm>> -> memref<256x64xf32, #tpu.memory_space<hbm>>
        tpu.wait_dma2 semaphore(%run_scoped3A : memref<!tpu.dma_semaphore, #tpu.memory_space<semaphore_mem>>) src(%dma_wait3A_724 : memref<256x64xf32, #tpu.memory_space<hbm>>) dst(%arg8 : memref<256x64xf32, #tpu.memory_space<vmem>>)
        tpu.yield
      }) : () -> ()
      %get3A = arith.constant 0 : index
      %get3A_341 = tpu.vector_load %arg5[%get3A] {strides = array<i32>} : memref<256xi32, #tpu.memory_space<vmem>>, vector<16xi32>,
      %get3A_342 = vector.shape_cast %get3A_341 : vector<16xi32> to vector<16xi32>
      %sub3A = arith.constant 49152 : i32
      %sub3A_343 = vector.broadcast %sub3A : i32 to vector<16xi32>
      %sub3A_344 = arith.subi %get3A_342, %sub3A_343 : vector<16xi32>
      %ge3A = arith.constant 0 : i32
      %ge3A_345 = vector.broadcast %ge3A : i32 to vector<16xi32>
      %ge3A_346 = arith.cmpi sge, %sub3A_344, %ge3A_345 : vector<16xi32>
      %lt3A_347 = arith.constant 16384 : i32
      %lt3A_348 = vector.broadcast %lt3A_347 : i32 to vector<16xi32>
      %lt3A_349 = arith.cmpi slt, %sub3A_344, %lt3A_348 : vector<16xi32>
      %and3A = arith.andi %ge3A_346, %lt3A_349 : vector<16xi1>
      %and3A_350 = arith.constant 127 : i32
      %and3A_351 = vector.broadcast %and3A_350 : i32 to vector<16xi32>
      %and3A_352 = arith.andi %get3A_342, %and3A_351 : vector<16xi32>
      %add3A_353 = arith.constant 24576 : i32
      %add3A_354 = vector.broadcast %add3A_353 : i32 to vector<16xi32>
      %add3A_355 = arith.addi %add3A_354, %and3A_352 : vector<16xi32>
      %select_n3A = arith.select %and3A, %sub3A_344, %add3A_355 : vector<16xi1>, vector<16xi32>
      %swap3A = arith.constant 0 : index
      %swap3A_356 = tpu.vector_load %arg6[%swap3A] {strides = array<i32>} : memref<128xi32, #tpu.memory_space<vmem>>, vector<16xi32>,
      %swap3A_357 = vector.shape_cast %swap3A_356 : vector<16xi32> to vector<16xi32>
      %swap3A_358 = vector.shape_cast %select_n3A : vector<16xi32> to vector<16xi32>
      tpu.vector_store %arg6[%swap3A], %swap3A_358 {strides = array<i32>} : memref<128xi32, #tpu.memory_space<vmem>>, vector<16xi32>,
      %get3A_359 = arith.constant 16 : index
      %get3A_360 = tpu.vector_load %arg5[%get3A_359] {strides = array<i32>} : memref<256xi32, #tpu.memory_space<vmem>>, vector<16xi32>,
      %get3A_361 = vector.shape_cast %get3A_360 : vector<16xi32> to vector<16xi32>
      %sub3A_362 = arith.constant 49152 : i32
      %sub3A_363 = vector.broadcast %sub3A_362 : i32 to vector<16xi32>
      %sub3A_364 = arith.subi %get3A_361, %sub3A_363 : vector<16xi32>
      %ge3A_365 = arith.constant 0 : i32
      %ge3A_366 = vector.broadcast %ge3A_365 : i32 to vector<16xi32>
      %ge3A_367 = arith.cmpi sge, %sub3A_364, %ge3A_366 : vector<16xi32>
      %lt3A_368 = arith.constant 16384 : i32
      %lt3A_369 = vector.broadcast %lt3A_368 : i32 to vector<16xi32>
      %lt3A_370 = arith.cmpi slt, %sub3A_364, %lt3A_369 : vector<16xi32>
      %and3A_371 = arith.andi %ge3A_367, %lt3A_370 : vector<16xi1>
      %and3A_372 = arith.constant 127 : i32
      %and3A_373 = vector.broadcast %and3A_372 : i32 to vector<16xi32>
      %and3A_374 = arith.andi %get3A_361, %and3A_373 : vector<16xi32>
      %add3A_375 = arith.constant 24576 : i32
      %add3A_376 = vector.broadcast %add3A_375 : i32 to vector<16xi32>
      %add3A_377 = arith.addi %add3A_376, %and3A_374 : vector<16xi32>
      %select_n3A_378 = arith.select %and3A_371, %sub3A_364, %add3A_377 : vector<16xi1>, vector<16xi32>
      %swap3A_379 = arith.constant 16 : index
      %swap3A_380 = tpu.vector_load %arg6[%swap3A_379] {strides = array<i32>} : memref<128xi32, #tpu.memory_space<vmem>>, vector<16xi32>,
      %swap3A_381 = vector.shape_cast %swap3A_380 : vector<16xi32> to vector<16xi32>
      %swap3A_382 = vector.shape_cast %select_n3A_378 : vector<16xi32> to vector<16xi32>
      tpu.vector_store %arg6[%swap3A_379], %swap3A_382 {strides = array<i32>} : memref<128xi32, #tpu.memory_space<vmem>>, vector<16xi32>,
      %get3A_383 = arith.constant 32 : index
      %get3A_384 = tpu.vector_load %arg5[%get3A_383] {strides = array<i32>} : memref<256xi32, #tpu.memory_space<vmem>>, vector<16xi32>,
      %get3A_385 = vector.shape_cast %get3A_384 : vector<16xi32> to vector<16xi32>
      %sub3A_386 = arith.constant 49152 : i32
      %sub3A_387 = vector.broadcast %sub3A_386 : i32 to vector<16xi32>
      %sub3A_388 = arith.subi %get3A_385, %sub3A_387 : vector<16xi32>
      %ge3A_389 = arith.constant 0 : i32
      %ge3A_390 = vector.broadcast %ge3A_389 : i32 to vector<16xi32>
      %ge3A_391 = arith.cmpi sge, %sub3A_388, %ge3A_390 : vector<16xi32>
      %lt3A_392 = arith.constant 16384 : i32
      %lt3A_393 = vector.broadcast %lt3A_392 : i32 to vector<16xi32>
      %lt3A_394 = arith.cmpi slt, %sub3A_388, %lt3A_393 : vector<16xi32>
      %and3A_395 = arith.andi %ge3A_391, %lt3A_394 : vector<16xi1>
      %and3A_396 = arith.constant 127 : i32
      %and3A_397 = vector.broadcast %and3A_396 : i32 to vector<16xi32>
      %and3A_398 = arith.andi %get3A_385, %and3A_397 : vector<16xi32>
      %add3A_399 = arith.constant 24576 : i32
      %add3A_400 = vector.broadcast %add3A_399 : i32 to vector<16xi32>
      %add3A_401 = arith.addi %add3A_400, %and3A_398 : vector<16xi32>
      %select_n3A_402 = arith.select %and3A_395, %sub3A_388, %add3A_401 : vector<16xi1>, vector<16xi32>
      %swap3A_403 = arith.constant 32 : index
      %swap3A_404 = tpu.vector_load %arg6[%swap3A_403] {strides = array<i32>} : memref<128xi32, #tpu.memory_space<vmem>>, vector<16xi32>,
      %swap3A_405 = vector.shape_cast %swap3A_404 : vector<16xi32> to vector<16xi32>
      %swap3A_406 = vector.shape_cast %select_n3A_402 : vector<16xi32> to vector<16xi32>
      tpu.vector_store %arg6[%swap3A_403], %swap3A_406 {strides = array<i32>} : memref<128xi32, #tpu.memory_space<vmem>>, vector<16xi32>,
      %get3A_407 = arith.constant 48 : index
      %get3A_408 = tpu.vector_load %arg5[%get3A_407] {strides = array<i32>} : memref<256xi32, #tpu.memory_space<vmem>>, vector<16xi32>,
      %get3A_409 = vector.shape_cast %get3A_408 : vector<16xi32> to vector<16xi32>
      %sub3A_410 = arith.constant 49152 : i32
      %sub3A_411 = vector.broadcast %sub3A_410 : i32 to vector<16xi32>
      %sub3A_412 = arith.subi %get3A_409, %sub3A_411 : vector<16xi32>
      %ge3A_413 = arith.constant 0 : i32
      %ge3A_414 = vector.broadcast %ge3A_413 : i32 to vector<16xi32>
      %ge3A_415 = arith.cmpi sge, %sub3A_412, %ge3A_414 : vector<16xi32>
      %lt3A_416 = arith.constant 16384 : i32
      %lt3A_417 = vector.broadcast %lt3A_416 : i32 to vector<16xi32>
      %lt3A_418 = arith.cmpi slt, %sub3A_412, %lt3A_417 : vector<16xi32>
      %and3A_419 = arith.andi %ge3A_415, %lt3A_418 : vector<16xi1>
      %and3A_420 = arith.constant 127 : i32
      %and3A_421 = vector.broadcast %and3A_420 : i32 to vector<16xi32>
      %and3A_422 = arith.andi %get3A_409, %and3A_421 : vector<16xi32>
      %add3A_423 = arith.constant 24576 : i32
      %add3A_424 = vector.broadcast %add3A_423 : i32 to vector<16xi32>
      %add3A_425 = arith.addi %add3A_424, %and3A_422 : vector<16xi32>
      %select_n3A_426 = arith.select %and3A_419, %sub3A_412, %add3A_425 : vector<16xi1>, vector<16xi32>
      %swap3A_427 = arith.constant 48 : index
      %swap3A_428 = tpu.vector_load %arg6[%swap3A_427] {strides = array<i32>} : memref<128xi32, #tpu.memory_space<vmem>>, vector<16xi32>,
      %swap3A_429 = vector.shape_cast %swap3A_428 : vector<16xi32> to vector<16xi32>
      %swap3A_430 = vector.shape_cast %select_n3A_426 : vector<16xi32> to vector<16xi32>
      tpu.vector_store %arg6[%swap3A_427], %swap3A_430 {strides = array<i32>} : memref<128xi32, #tpu.memory_space<vmem>>, vector<16xi32>,
      %get3A_431 = arith.constant 64 : index
      %get3A_432 = tpu.vector_load %arg5[%get3A_431] {strides = array<i32>} : memref<256xi32, #tpu.memory_space<vmem>>, vector<16xi32>,
      %get3A_433 = vector.shape_cast %get3A_432 : vector<16xi32> to vector<16xi32>
      %sub3A_434 = arith.constant 49152 : i32
      %sub3A_435 = vector.broadcast %sub3A_434 : i32 to vector<16xi32>
      %sub3A_436 = arith.subi %get3A_433, %sub3A_435 : vector<16xi32>
      %ge3A_437 = arith.constant 0 : i32
      %ge3A_438 = vector.broadcast %ge3A_437 : i32 to vector<16xi32>
      %ge3A_439 = arith.cmpi sge, %sub3A_436, %ge3A_438 : vector<16xi32>
      %lt3A_440 = arith.constant 16384 : i32
      %lt3A_441 = vector.broadcast %lt3A_440 : i32 to vector<16xi32>
      %lt3A_442 = arith.cmpi slt, %sub3A_436, %lt3A_441 : vector<16xi32>
      %and3A_443 = arith.andi %ge3A_439, %lt3A_442 : vector<16xi1>
      %and3A_444 = arith.constant 127 : i32
      %and3A_445 = vector.broadcast %and3A_444 : i32 to vector<16xi32>
      %and3A_446 = arith.andi %get3A_433, %and3A_445 : vector<16xi32>
      %add3A_447 = arith.constant 24576 : i32
      %add3A_448 = vector.broadcast %add3A_447 : i32 to vector<16xi32>
      %add3A_449 = arith.addi %add3A_448, %and3A_446 : vector<16xi32>
      %select_n3A_450 = arith.select %and3A_443, %sub3A_436, %add3A_449 : vector<16xi1>, vector<16xi32>
      %swap3A_451 = arith.constant 64 : index
      %swap3A_452 = tpu.vector_load %arg6[%swap3A_451] {strides = array<i32>} : memref<128xi32, #tpu.memory_space<vmem>>, vector<16xi32>,
      %swap3A_453 = vector.shape_cast %swap3A_452 : vector<16xi32> to vector<16xi32>
      %swap3A_454 = vector.shape_cast %select_n3A_450 : vector<16xi32> to vector<16xi32>
      tpu.vector_store %arg6[%swap3A_451], %swap3A_454 {strides = array<i32>} : memref<128xi32, #tpu.memory_space<vmem>>, vector<16xi32>,
      %get3A_455 = arith.constant 80 : index
      %get3A_456 = tpu.vector_load %arg5[%get3A_455] {strides = array<i32>} : memref<256xi32, #tpu.memory_space<vmem>>, vector<16xi32>,
      %get3A_457 = vector.shape_cast %get3A_456 : vector<16xi32> to vector<16xi32>
      %sub3A_458 = arith.constant 49152 : i32
      %sub3A_459 = vector.broadcast %sub3A_458 : i32 to vector<16xi32>
      %sub3A_460 = arith.subi %get3A_457, %sub3A_459 : vector<16xi32>
      %ge3A_461 = arith.constant 0 : i32
      %ge3A_462 = vector.broadcast %ge3A_461 : i32 to vector<16xi32>
      %ge3A_463 = arith.cmpi sge, %sub3A_460, %ge3A_462 : vector<16xi32>
      %lt3A_464 = arith.constant 16384 : i32
      %lt3A_465 = vector.broadcast %lt3A_464 : i32 to vector<16xi32>
      %lt3A_466 = arith.cmpi slt, %sub3A_460, %lt3A_465 : vector<16xi32>
      %and3A_467 = arith.andi %ge3A_463, %lt3A_466 : vector<16xi1>
      %and3A_468 = arith.constant 127 : i32
      %and3A_469 = vector.broadcast %and3A_468 : i32 to vector<16xi32>
      %and3A_470 = arith.andi %get3A_457, %and3A_469 : vector<16xi32>
      %add3A_471 = arith.constant 24576 : i32
      %add3A_472 = vector.broadcast %add3A_471 : i32 to vector<16xi32>
      %add3A_473 = arith.addi %add3A_472, %and3A_470 : vector<16xi32>
      %select_n3A_474 = arith.select %and3A_467, %sub3A_460, %add3A_473 : vector<16xi1>, vector<16xi32>
      %swap3A_475 = arith.constant 80 : index
      %swap3A_476 = tpu.vector_load %arg6[%swap3A_475] {strides = array<i32>} : memref<128xi32, #tpu.memory_space<vmem>>, vector<16xi32>,
      %swap3A_477 = vector.shape_cast %swap3A_476 : vector<16xi32> to vector<16xi32>
      %swap3A_478 = vector.shape_cast %select_n3A_474 : vector<16xi32> to vector<16xi32>
      tpu.vector_store %arg6[%swap3A_475], %swap3A_478 {strides = array<i32>} : memref<128xi32, #tpu.memory_space<vmem>>, vector<16xi32>,
      %get3A_479 = arith.constant 96 : index
      %get3A_480 = tpu.vector_load %arg5[%get3A_479] {strides = array<i32>} : memref<256xi32, #tpu.memory_space<vmem>>, vector<16xi32>,
      %get3A_481 = vector.shape_cast %get3A_480 : vector<16xi32> to vector<16xi32>
      %sub3A_482 = arith.constant 49152 : i32
      %sub3A_483 = vector.broadcast %sub3A_482 : i32 to vector<16xi32>
      %sub3A_484 = arith.subi %get3A_481, %sub3A_483 : vector<16xi32>
      %ge3A_485 = arith.constant 0 : i32
      %ge3A_486 = vector.broadcast %ge3A_485 : i32 to vector<16xi32>
      %ge3A_487 = arith.cmpi sge, %sub3A_484, %ge3A_486 : vector<16xi32>
      %lt3A_488 = arith.constant 16384 : i32
      %lt3A_489 = vector.broadcast %lt3A_488 : i32 to vector<16xi32>
      %lt3A_490 = arith.cmpi slt, %sub3A_484, %lt3A_489 : vector<16xi32>
      %and3A_491 = arith.andi %ge3A_487, %lt3A_490 : vector<16xi1>
      %and3A_492 = arith.constant 127 : i32
      %and3A_493 = vector.broadcast %and3A_492 : i32 to vector<16xi32>
      %and3A_494 = arith.andi %get3A_481, %and3A_493 : vector<16xi32>
      %add3A_495 = arith.constant 24576 : i32
      %add3A_496 = vector.broadcast %add3A_495 : i32 to vector<16xi32>
      %add3A_497 = arith.addi %add3A_496, %and3A_494 : vector<16xi32>
      %select_n3A_498 = arith.select %and3A_491, %sub3A_484, %add3A_497 : vector<16xi1>, vector<16xi32>
      %swap3A_499 = arith.constant 96 : index
      %swap3A_500 = tpu.vector_load %arg6[%swap3A_499] {strides = array<i32>} : memref<128xi32, #tpu.memory_space<vmem>>, vector<16xi32>,
      %swap3A_501 = vector.shape_cast %swap3A_500 : vector<16xi32> to vector<16xi32>
      %swap3A_502 = vector.shape_cast %select_n3A_498 : vector<16xi32> to vector<16xi32>
      tpu.vector_store %arg6[%swap3A_499], %swap3A_502 {strides = array<i32>} : memref<128xi32, #tpu.memory_space<vmem>>, vector<16xi32>,
      %get3A_503 = arith.constant 112 : index
      %get3A_504 = tpu.vector_load %arg5[%get3A_503] {strides = array<i32>} : memref<256xi32, #tpu.memory_space<vmem>>, vector<16xi32>,
      %get3A_505 = vector.shape_cast %get3A_504 : vector<16xi32> to vector<16xi32>
      %sub3A_506 = arith.constant 49152 : i32
      %sub3A_507 = vector.broadcast %sub3A_506 : i32 to vector<16xi32>
      %sub3A_508 = arith.subi %get3A_505, %sub3A_507 : vector<16xi32>
      %ge3A_509 = arith.constant 0 : i32
      %ge3A_510 = vector.broadcast %ge3A_509 : i32 to vector<16xi32>
      %ge3A_511 = arith.cmpi sge, %sub3A_508, %ge3A_510 : vector<16xi32>
      %lt3A_512 = arith.constant 16384 : i32
      %lt3A_513 = vector.broadcast %lt3A_512 : i32 to vector<16xi32>
      %lt3A_514 = arith.cmpi slt, %sub3A_508, %lt3A_513 : vector<16xi32>
      %and3A_515 = arith.andi %ge3A_511, %lt3A_514 : vector<16xi1>
      %and3A_516 = arith.constant 127 : i32
      %and3A_517 = vector.broadcast %and3A_516 : i32 to vector<16xi32>
      %and3A_518 = arith.andi %get3A_505, %and3A_517 : vector<16xi32>
      %add3A_519 = arith.constant 24576 : i32
      %add3A_520 = vector.broadcast %add3A_519 : i32 to vector<16xi32>
      %add3A_521 = arith.addi %add3A_520, %and3A_518 : vector<16xi32>
      %select_n3A_522 = arith.select %and3A_515, %sub3A_508, %add3A_521 : vector<16xi1>, vector<16xi32>
      %swap3A_523 = arith.constant 112 : index
      %swap3A_524 = tpu.vector_load %arg6[%swap3A_523] {strides = array<i32>} : memref<128xi32, #tpu.memory_space<vmem>>, vector<16xi32>,
      %swap3A_525 = vector.shape_cast %swap3A_524 : vector<16xi32> to vector<16xi32>
      %swap3A_526 = vector.shape_cast %select_n3A_522 : vector<16xi32> to vector<16xi32>
      tpu.vector_store %arg6[%swap3A_523], %swap3A_526 {strides = array<i32>} : memref<128xi32, #tpu.memory_space<vmem>>, vector<16xi32>,
      %get3A_527 = arith.constant 128 : index
      %get3A_528 = tpu.vector_load %arg5[%get3A_527] {strides = array<i32>} : memref<256xi32, #tpu.memory_space<vmem>>, vector<16xi32>,
      %get3A_529 = vector.shape_cast %get3A_528 : vector<16xi32> to vector<16xi32>
      %sub3A_530 = arith.constant 49152 : i32
      %sub3A_531 = vector.broadcast %sub3A_530 : i32 to vector<16xi32>
      %sub3A_532 = arith.subi %get3A_529, %sub3A_531 : vector<16xi32>
      %ge3A_533 = arith.constant 0 : i32
      %ge3A_534 = vector.broadcast %ge3A_533 : i32 to vector<16xi32>
      %ge3A_535 = arith.cmpi sge, %sub3A_532, %ge3A_534 : vector<16xi32>
      %lt3A_536 = arith.constant 16384 : i32
      %lt3A_537 = vector.broadcast %lt3A_536 : i32 to vector<16xi32>
      %lt3A_538 = arith.cmpi slt, %sub3A_532, %lt3A_537 : vector<16xi32>
      %and3A_539 = arith.andi %ge3A_535, %lt3A_538 : vector<16xi1>
      %and3A_540 = arith.constant 127 : i32
      %and3A_541 = vector.broadcast %and3A_540 : i32 to vector<16xi32>
      %and3A_542 = arith.andi %get3A_529, %and3A_541 : vector<16xi32>
      %add3A_543 = arith.constant 24576 : i32
      %add3A_544 = vector.broadcast %add3A_543 : i32 to vector<16xi32>
      %add3A_545 = arith.addi %add3A_544, %and3A_542 : vector<16xi32>
      %select_n3A_546 = arith.select %and3A_539, %sub3A_532, %add3A_545 : vector<16xi1>, vector<16xi32>
      %swap3A_547 = arith.constant 0 : index
      %swap3A_548 = tpu.vector_load %arg7[%swap3A_547] {strides = array<i32>} : memref<128xi32, #tpu.memory_space<vmem>>, vector<16xi32>,
      %swap3A_549 = vector.shape_cast %swap3A_548 : vector<16xi32> to vector<16xi32>
      %swap3A_550 = vector.shape_cast %select_n3A_546 : vector<16xi32> to vector<16xi32>
      tpu.vector_store %arg7[%swap3A_547], %swap3A_550 {strides = array<i32>} : memref<128xi32, #tpu.memory_space<vmem>>, vector<16xi32>,
      %get3A_551 = arith.constant 144 : index
      %get3A_552 = tpu.vector_load %arg5[%get3A_551] {strides = array<i32>} : memref<256xi32, #tpu.memory_space<vmem>>, vector<16xi32>,
      %get3A_553 = vector.shape_cast %get3A_552 : vector<16xi32> to vector<16xi32>
      %sub3A_554 = arith.constant 49152 : i32
      %sub3A_555 = vector.broadcast %sub3A_554 : i32 to vector<16xi32>
      %sub3A_556 = arith.subi %get3A_553, %sub3A_555 : vector<16xi32>
      %ge3A_557 = arith.constant 0 : i32
      %ge3A_558 = vector.broadcast %ge3A_557 : i32 to vector<16xi32>
      %ge3A_559 = arith.cmpi sge, %sub3A_556, %ge3A_558 : vector<16xi32>
      %lt3A_560 = arith.constant 16384 : i32
      %lt3A_561 = vector.broadcast %lt3A_560 : i32 to vector<16xi32>
      %lt3A_562 = arith.cmpi slt, %sub3A_556, %lt3A_561 : vector<16xi32>
      %and3A_563 = arith.andi %ge3A_559, %lt3A_562 : vector<16xi1>
      %and3A_564 = arith.constant 127 : i32
      %and3A_565 = vector.broadcast %and3A_564 : i32 to vector<16xi32>
      %and3A_566 = arith.andi %get3A_553, %and3A_565 : vector<16xi32>
      %add3A_567 = arith.constant 24576 : i32
      %add3A_568 = vector.broadcast %add3A_567 : i32 to vector<16xi32>
      %add3A_569 = arith.addi %add3A_568, %and3A_566 : vector<16xi32>
      %select_n3A_570 = arith.select %and3A_563, %sub3A_556, %add3A_569 : vector<16xi1>, vector<16xi32>
      %swap3A_571 = arith.constant 16 : index
      %swap3A_572 = tpu.vector_load %arg7[%swap3A_571] {strides = array<i32>} : memref<128xi32, #tpu.memory_space<vmem>>, vector<16xi32>,
      %swap3A_573 = vector.shape_cast %swap3A_572 : vector<16xi32> to vector<16xi32>
      %swap3A_574 = vector.shape_cast %select_n3A_570 : vector<16xi32> to vector<16xi32>
      tpu.vector_store %arg7[%swap3A_571], %swap3A_574 {strides = array<i32>} : memref<128xi32, #tpu.memory_space<vmem>>, vector<16xi32>,
      %get3A_575 = arith.constant 160 : index
      %get3A_576 = tpu.vector_load %arg5[%get3A_575] {strides = array<i32>} : memref<256xi32, #tpu.memory_space<vmem>>, vector<16xi32>,
      %get3A_577 = vector.shape_cast %get3A_576 : vector<16xi32> to vector<16xi32>
      %sub3A_578 = arith.constant 49152 : i32
      %sub3A_579 = vector.broadcast %sub3A_578 : i32 to vector<16xi32>
      %sub3A_580 = arith.subi %get3A_577, %sub3A_579 : vector<16xi32>
      %ge3A_581 = arith.constant 0 : i32
      %ge3A_582 = vector.broadcast %ge3A_581 : i32 to vector<16xi32>
      %ge3A_583 = arith.cmpi sge, %sub3A_580, %ge3A_582 : vector<16xi32>
      %lt3A_584 = arith.constant 16384 : i32
      %lt3A_585 = vector.broadcast %lt3A_584 : i32 to vector<16xi32>
      %lt3A_586 = arith.cmpi slt, %sub3A_580, %lt3A_585 : vector<16xi32>
      %and3A_587 = arith.andi %ge3A_583, %lt3A_586 : vector<16xi1>
      %and3A_588 = arith.constant 127 : i32
      %and3A_589 = vector.broadcast %and3A_588 : i32 to vector<16xi32>
      %and3A_590 = arith.andi %get3A_577, %and3A_589 : vector<16xi32>
      %add3A_591 = arith.constant 24576 : i32
      %add3A_592 = vector.broadcast %add3A_591 : i32 to vector<16xi32>
      %add3A_593 = arith.addi %add3A_592, %and3A_590 : vector<16xi32>
      %select_n3A_594 = arith.select %and3A_587, %sub3A_580, %add3A_593 : vector<16xi1>, vector<16xi32>
      %swap3A_595 = arith.constant 32 : index
      %swap3A_596 = tpu.vector_load %arg7[%swap3A_595] {strides = array<i32>} : memref<128xi32, #tpu.memory_space<vmem>>, vector<16xi32>,
      %swap3A_597 = vector.shape_cast %swap3A_596 : vector<16xi32> to vector<16xi32>
      %swap3A_598 = vector.shape_cast %select_n3A_594 : vector<16xi32> to vector<16xi32>
      tpu.vector_store %arg7[%swap3A_595], %swap3A_598 {strides = array<i32>} : memref<128xi32, #tpu.memory_space<vmem>>, vector<16xi32>,
      %get3A_599 = arith.constant 176 : index
      %get3A_600 = tpu.vector_load %arg5[%get3A_599] {strides = array<i32>} : memref<256xi32, #tpu.memory_space<vmem>>, vector<16xi32>,
      %get3A_601 = vector.shape_cast %get3A_600 : vector<16xi32> to vector<16xi32>
      %sub3A_602 = arith.constant 49152 : i32
      %sub3A_603 = vector.broadcast %sub3A_602 : i32 to vector<16xi32>
      %sub3A_604 = arith.subi %get3A_601, %sub3A_603 : vector<16xi32>
      %ge3A_605 = arith.constant 0 : i32
      %ge3A_606 = vector.broadcast %ge3A_605 : i32 to vector<16xi32>
      %ge3A_607 = arith.cmpi sge, %sub3A_604, %ge3A_606 : vector<16xi32>
      %lt3A_608 = arith.constant 16384 : i32
      %lt3A_609 = vector.broadcast %lt3A_608 : i32 to vector<16xi32>
      %lt3A_610 = arith.cmpi slt, %sub3A_604, %lt3A_609 : vector<16xi32>
      %and3A_611 = arith.andi %ge3A_607, %lt3A_610 : vector<16xi1>
      %and3A_612 = arith.constant 127 : i32
      %and3A_613 = vector.broadcast %and3A_612 : i32 to vector<16xi32>
      %and3A_614 = arith.andi %get3A_601, %and3A_613 : vector<16xi32>
      %add3A_615 = arith.constant 24576 : i32
      %add3A_616 = vector.broadcast %add3A_615 : i32 to vector<16xi32>
      %add3A_617 = arith.addi %add3A_616, %and3A_614 : vector<16xi32>
      %select_n3A_618 = arith.select %and3A_611, %sub3A_604, %add3A_617 : vector<16xi1>, vector<16xi32>
      %swap3A_619 = arith.constant 48 : index
      %swap3A_620 = tpu.vector_load %arg7[%swap3A_619] {strides = array<i32>} : memref<128xi32, #tpu.memory_space<vmem>>, vector<16xi32>,
      %swap3A_621 = vector.shape_cast %swap3A_620 : vector<16xi32> to vector<16xi32>
      %swap3A_622 = vector.shape_cast %select_n3A_618 : vector<16xi32> to vector<16xi32>
      tpu.vector_store %arg7[%swap3A_619], %swap3A_622 {strides = array<i32>} : memref<128xi32, #tpu.memory_space<vmem>>, vector<16xi32>,
      %get3A_623 = arith.constant 192 : index
      %get3A_624 = tpu.vector_load %arg5[%get3A_623] {strides = array<i32>} : memref<256xi32, #tpu.memory_space<vmem>>, vector<16xi32>,
      %get3A_625 = vector.shape_cast %get3A_624 : vector<16xi32> to vector<16xi32>
      %sub3A_626 = arith.constant 49152 : i32
      %sub3A_627 = vector.broadcast %sub3A_626 : i32 to vector<16xi32>
      %sub3A_628 = arith.subi %get3A_625, %sub3A_627 : vector<16xi32>
      %ge3A_629 = arith.constant 0 : i32
      %ge3A_630 = vector.broadcast %ge3A_629 : i32 to vector<16xi32>
      %ge3A_631 = arith.cmpi sge, %sub3A_628, %ge3A_630 : vector<16xi32>
      %lt3A_632 = arith.constant 16384 : i32
      %lt3A_633 = vector.broadcast %lt3A_632 : i32 to vector<16xi32>
      %lt3A_634 = arith.cmpi slt, %sub3A_628, %lt3A_633 : vector<16xi32>
      %and3A_635 = arith.andi %ge3A_631, %lt3A_634 : vector<16xi1>
      %and3A_636 = arith.constant 127 : i32
      %and3A_637 = vector.broadcast %and3A_636 : i32 to vector<16xi32>
      %and3A_638 = arith.andi %get3A_625, %and3A_637 : vector<16xi32>
      %add3A_639 = arith.constant 24576 : i32
      %add3A_640 = vector.broadcast %add3A_639 : i32 to vector<16xi32>
      %add3A_641 = arith.addi %add3A_640, %and3A_638 : vector<16xi32>
      %select_n3A_642 = arith.select %and3A_635, %sub3A_628, %add3A_641 : vector<16xi1>, vector<16xi32>
      %swap3A_643 = arith.constant 64 : index
      %swap3A_644 = tpu.vector_load %arg7[%swap3A_643] {strides = array<i32>} : memref<128xi32, #tpu.memory_space<vmem>>, vector<16xi32>,
      %swap3A_645 = vector.shape_cast %swap3A_644 : vector<16xi32> to vector<16xi32>
      %swap3A_646 = vector.shape_cast %select_n3A_642 : vector<16xi32> to vector<16xi32>
      tpu.vector_store %arg7[%swap3A_643], %swap3A_646 {strides = array<i32>} : memref<128xi32, #tpu.memory_space<vmem>>, vector<16xi32>,
      %get3A_647 = arith.constant 208 : index
      %get3A_648 = tpu.vector_load %arg5[%get3A_647] {strides = array<i32>} : memref<256xi32, #tpu.memory_space<vmem>>, vector<16xi32>,
      %get3A_649 = vector.shape_cast %get3A_648 : vector<16xi32> to vector<16xi32>
      %sub3A_650 = arith.constant 49152 : i32
      %sub3A_651 = vector.broadcast %sub3A_650 : i32 to vector<16xi32>
      %sub3A_652 = arith.subi %get3A_649, %sub3A_651 : vector<16xi32>
      %ge3A_653 = arith.constant 0 : i32
      %ge3A_654 = vector.broadcast %ge3A_653 : i32 to vector<16xi32>
      %ge3A_655 = arith.cmpi sge, %sub3A_652, %ge3A_654 : vector<16xi32>
      %lt3A_656 = arith.constant 16384 : i32
      %lt3A_657 = vector.broadcast %lt3A_656 : i32 to vector<16xi32>
      %lt3A_658 = arith.cmpi slt, %sub3A_652, %lt3A_657 : vector<16xi32>
      %and3A_659 = arith.andi %ge3A_655, %lt3A_658 : vector<16xi1>
      %and3A_660 = arith.constant 127 : i32
      %and3A_661 = vector.broadcast %and3A_660 : i32 to vector<16xi32>
      %and3A_662 = arith.andi %get3A_649, %and3A_661 : vector<16xi32>
      %add3A_663 = arith.constant 24576 : i32
      %add3A_664 = vector.broadcast %add3A_663 : i32 to vector<16xi32>
      %add3A_665 = arith.addi %add3A_664, %and3A_662 : vector<16xi32>
      %select_n3A_666 = arith.select %and3A_659, %sub3A_652, %add3A_665 : vector<16xi1>, vector<16xi32>
      %swap3A_667 = arith.constant 80 : index
      %swap3A_668 = tpu.vector_load %arg7[%swap3A_667] {strides = array<i32>} : memref<128xi32, #tpu.memory_space<vmem>>, vector<16xi32>,
      %swap3A_669 = vector.shape_cast %swap3A_668 : vector<16xi32> to vector<16xi32>
      %swap3A_670 = vector.shape_cast %select_n3A_666 : vector<16xi32> to vector<16xi32>
      tpu.vector_store %arg7[%swap3A_667], %swap3A_670 {strides = array<i32>} : memref<128xi32, #tpu.memory_space<vmem>>, vector<16xi32>,
      %get3A_671 = arith.constant 224 : index
      %get3A_672 = tpu.vector_load %arg5[%get3A_671] {strides = array<i32>} : memref<256xi32, #tpu.memory_space<vmem>>, vector<16xi32>,
      %get3A_673 = vector.shape_cast %get3A_672 : vector<16xi32> to vector<16xi32>
      %sub3A_674 = arith.constant 49152 : i32
      %sub3A_675 = vector.broadcast %sub3A_674 : i32 to vector<16xi32>
      %sub3A_676 = arith.subi %get3A_673, %sub3A_675 : vector<16xi32>
      %ge3A_677 = arith.constant 0 : i32
      %ge3A_678 = vector.broadcast %ge3A_677 : i32 to vector<16xi32>
      %ge3A_679 = arith.cmpi sge, %sub3A_676, %ge3A_678 : vector<16xi32>
      %lt3A_680 = arith.constant 16384 : i32
      %lt3A_681 = vector.broadcast %lt3A_680 : i32 to vector<16xi32>
      %lt3A_682 = arith.cmpi slt, %sub3A_676, %lt3A_681 : vector<16xi32>
      %and3A_683 = arith.andi %ge3A_679, %lt3A_682 : vector<16xi1>
      %and3A_684 = arith.constant 127 : i32
      %and3A_685 = vector.broadcast %and3A_684 : i32 to vector<16xi32>
      %and3A_686 = arith.andi %get3A_673, %and3A_685 : vector<16xi32>
      %add3A_687 = arith.constant 24576 : i32
      %add3A_688 = vector.broadcast %add3A_687 : i32 to vector<16xi32>
      %add3A_689 = arith.addi %add3A_688, %and3A_686 : vector<16xi32>
      %select_n3A_690 = arith.select %and3A_683, %sub3A_676, %add3A_689 : vector<16xi1>, vector<16xi32>
      %swap3A_691 = arith.constant 96 : index
      %swap3A_692 = tpu.vector_load %arg7[%swap3A_691] {strides = array<i32>} : memref<128xi32, #tpu.memory_space<vmem>>, vector<16xi32>,
      %swap3A_693 = vector.shape_cast %swap3A_692 : vector<16xi32> to vector<16xi32>
      %swap3A_694 = vector.shape_cast %select_n3A_690 : vector<16xi32> to vector<16xi32>
      tpu.vector_store %arg7[%swap3A_691], %swap3A_694 {strides = array<i32>} : memref<128xi32, #tpu.memory_space<vmem>>, vector<16xi32>,
      %get3A_695 = arith.constant 240 : index
      %get3A_696 = tpu.vector_load %arg5[%get3A_695] {strides = array<i32>} : memref<256xi32, #tpu.memory_space<vmem>>, vector<16xi32>,
      %get3A_697 = vector.shape_cast %get3A_696 : vector<16xi32> to vector<16xi32>
      %sub3A_698 = arith.constant 49152 : i32
      %sub3A_699 = vector.broadcast %sub3A_698 : i32 to vector<16xi32>
      %sub3A_700 = arith.subi %get3A_697, %sub3A_699 : vector<16xi32>
      %ge3A_701 = arith.constant 0 : i32
      %ge3A_702 = vector.broadcast %ge3A_701 : i32 to vector<16xi32>
      %ge3A_703 = arith.cmpi sge, %sub3A_700, %ge3A_702 : vector<16xi32>
      %lt3A_704 = arith.constant 16384 : i32
      %lt3A_705 = vector.broadcast %lt3A_704 : i32 to vector<16xi32>
      %lt3A_706 = arith.cmpi slt, %sub3A_700, %lt3A_705 : vector<16xi32>
      %and3A_707 = arith.andi %ge3A_703, %lt3A_706 : vector<16xi1>
      %and3A_708 = arith.constant 127 : i32
      %and3A_709 = vector.broadcast %and3A_708 : i32 to vector<16xi32>
      %and3A_710 = arith.andi %get3A_697, %and3A_709 : vector<16xi32>
      %add3A_711 = arith.constant 24576 : i32
      %add3A_712 = vector.broadcast %add3A_711 : i32 to vector<16xi32>
      %add3A_713 = arith.addi %add3A_712, %and3A_710 : vector<16xi32>
      %select_n3A_714 = arith.select %and3A_707, %sub3A_700, %add3A_713 : vector<16xi1>, vector<16xi32>
      %swap3A_715 = arith.constant 112 : index
      %swap3A_716 = tpu.vector_load %arg7[%swap3A_715] {strides = array<i32>} : memref<128xi32, #tpu.memory_space<vmem>>, vector<16xi32>,
      %swap3A_717 = vector.shape_cast %swap3A_716 : vector<16xi32> to vector<16xi32>
      %swap3A_718 = vector.shape_cast %select_n3A_714 : vector<16xi32> to vector<16xi32>
      tpu.vector_store %arg7[%swap3A_715], %swap3A_718 {strides = array<i32>} : memref<128xi32, #tpu.memory_space<vmem>>, vector<16xi32>,
      "tpu.region"() ({
        %run_scoped3A = tpu.sem_alloc : memref<!tpu.dma_semaphore, #tpu.memory_space<semaphore_mem>>
        %dma_start3A = arith.constant 0 : i32
        %dma_start3A_719 = arith.constant 0 : i32
        %dma_start3A_720 = tpu.memref_slice %arg8[%dma_start3A, %dma_start3A_719] : memref<256x64xf32, #tpu.memory_space<vmem>> -> memref<128x64xf32, #tpu.memory_space<vmem>>
        %dma_start3A_721 = arith.constant 0 : i32
        %dma_start3A_722 = arith.constant 0 : i32
        %dma_start3A_723 = tpu.memref_slice %arg10[%dma_start3A_721, %dma_start3A_722] : memref<25344x64xf32, #tpu.memory_space<vmem_shared>> -> memref<25344x64xf32, #tpu.memory_space<vmem_shared>>
        tpu.enqueue_indirect_dma source(%dma_start3A_720 : memref<128x64xf32, #tpu.memory_space<vmem>>) target(%dma_start3A_723 : memref<25344x64xf32, #tpu.memory_space<vmem_shared>>) offsets(%arg6 : memref<128xi32, #tpu.memory_space<vmem>>) semaphore(%run_scoped3A : memref<!tpu.dma_semaphore, #tpu.memory_space<semaphore_mem>>) {add = true}
        %dma_wait3A = arith.constant 0 : i32
        %dma_wait3A_724 = arith.constant 0 : i32
        %dma_wait3A_725 = tpu.memref_slice %arg8[%dma_wait3A, %dma_wait3A_724] : memref<256x64xf32, #tpu.memory_space<vmem>> -> memref<128x64xf32, #tpu.memory_space<vmem>>
        %dma_wait3A_726 = arith.constant 0 : i32
        %dma_wait3A_727 = arith.constant 0 : i32
        %dma_wait3A_728 = tpu.memref_slice %arg10[%dma_wait3A_726, %dma_wait3A_727] : memref<25344x64xf32, #tpu.memory_space<vmem_shared>> -> memref<25344x64xf32, #tpu.memory_space<vmem_shared>>
        tpu.wait_indirect_dma semaphore(%run_scoped3A : memref<!tpu.dma_semaphore, #tpu.memory_space<semaphore_mem>>) src(%dma_wait3A_725 : memref<128x64xf32, #tpu.memory_space<vmem>>) dst(%dma_wait3A_728 : memref<25344x64xf32, #tpu.memory_space<vmem_shared>>)
        tpu.yield
      }) : () -> ()
      "tpu.region"() ({
        %run_scoped3A = tpu.sem_alloc : memref<!tpu.dma_semaphore, #tpu.memory_space<semaphore_mem>>
        %dma_start3A = arith.constant 128 : i32
        %dma_start3A_719 = arith.constant 0 : i32
        %dma_start3A_720 = tpu.memref_slice %arg8[%dma_start3A, %dma_start3A_719] : memref<256x64xf32, #tpu.memory_space<vmem>> -> memref<128x64xf32, #tpu.memory_space<vmem>>
        %dma_start3A_721 = arith.constant 0 : i32
        %dma_start3A_722 = arith.constant 0 : i32
        %dma_start3A_723 = tpu.memref_slice %arg10[%dma_start3A_721, %dma_start3A_722] : memref<25344x64xf32, #tpu.memory_space<vmem_shared>> -> memref<25344x64xf32, #tpu.memory_space<vmem_shared>>
        tpu.enqueue_indirect_dma source(%dma_start3A_720 : memref<128x64xf32, #tpu.memory_space<vmem>>) target(%dma_start3A_723 : memref<25344x64xf32, #tpu.memory_space<vmem_shared>>) offsets(%arg7 : memref<128xi32, #tpu.memory_space<vmem>>) semaphore(%run_scoped3A : memref<!tpu.dma_semaphore, #tpu.memory_space<semaphore_mem>>) {add = true}
        %dma_wait3A = arith.constant 128 : i32
        %dma_wait3A_724 = arith.constant 0 : i32
        %dma_wait3A_725 = tpu.memref_slice %arg8[%dma_wait3A, %dma_wait3A_724] : memref<256x64xf32, #tpu.memory_space<vmem>> -> memref<128x64xf32, #tpu.memory_space<vmem>>
        %dma_wait3A_726 = arith.constant 0 : i32
        %dma_wait3A_727 = arith.constant 0 : i32
        %dma_wait3A_728 = tpu.memref_slice %arg10[%dma_wait3A_726, %dma_wait3A_727] : memref<25344x64xf32, #tpu.memory_space<vmem_shared>> -> memref<25344x64xf32, #tpu.memory_space<vmem_shared>>
        tpu.wait_indirect_dma semaphore(%run_scoped3A : memref<!tpu.dma_semaphore, #tpu.memory_space<semaphore_mem>>) src(%dma_wait3A_725 : memref<128x64xf32, #tpu.memory_space<vmem>>) dst(%dma_wait3A_728 : memref<25344x64xf32, #tpu.memory_space<vmem_shared>>)
        tpu.yield
      }) : () -> ()
    }
    %scan3A_317 = arith.constant 32 : i32
    %barrier3A_318 = arith.constant 0 : index
    tpu.barrier barrier_id(%barrier3A_318)
    %mul3A_319 = arith.constant 1024 : i32
    %mul3A_320 = arith.muli %arg1, %mul3A_319 : i32
    %multiple_of3A_321 = tpu.assume_multiple %mul3A_320, 1024 : i32
    %mul3A_322 = arith.constant 65536 : i32
    %mul3A_323 = arith.muli %arg0, %mul3A_322 : i32
    %add3A_324 = arith.constant 49152 : i32
    %add3A_325 = arith.addi %mul3A_323, %add3A_324 : i32
    %mul3A_326 = arith.constant 1024 : i32
    %mul3A_327 = arith.muli %arg1, %mul3A_326 : i32
    %add3A_328 = arith.addi %add3A_325, %mul3A_327 : i32
    %multiple_of3A_329 = tpu.assume_multiple %add3A_328, 1024 : i32
    "tpu.region"() ({
      %run_scoped3A = tpu.sem_alloc : memref<!tpu.dma_semaphore, #tpu.memory_space<semaphore_mem>>
      %dma_start3A = arith.constant 0 : i32
      %dma_start3A_331 = tpu.memref_slice %arg4[%multiple_of3A_329, %dma_start3A] : memref<131072x64xf32, #tpu.memory_space<hbm>> -> memref<1024x64xf32, #tpu.memory_space<hbm>>
      %dma_start3A_332 = arith.constant 0 : i32
      %dma_start3A_333 = tpu.memref_slice %arg10[%multiple_of3A_321, %dma_start3A_332] : memref<25344x64xf32, #tpu.memory_space<vmem_shared>> -> memref<1024x64xf32, #tpu.memory_space<vmem_shared>>
      tpu.enqueue_dma source(%dma_start3A_333 : memref<1024x64xf32, #tpu.memory_space<vmem_shared>>) target(%dma_start3A_331 : memref<1024x64xf32, #tpu.memory_space<hbm>>) target_semaphore(%run_scoped3A : memref<!tpu.dma_semaphore, #tpu.memory_space<semaphore_mem>>)
      %dma_wait3A = arith.constant 0 : i32
      %dma_wait3A_334 = tpu.memref_slice %arg4[%multiple_of3A_329, %dma_wait3A] : memref<131072x64xf32, #tpu.memory_space<hbm>> -> memref<1024x64xf32, #tpu.memory_space<hbm>>
      %dma_wait3A_335 = arith.constant 0 : i32
      %dma_wait3A_336 = tpu.memref_slice %arg10[%multiple_of3A_321, %dma_wait3A_335] : memref<25344x64xf32, #tpu.memory_space<vmem_shared>> -> memref<1024x64xf32, #tpu.memory_space<vmem_shared>>
      tpu.wait_dma2 semaphore(%run_scoped3A : memref<!tpu.dma_semaphore, #tpu.memory_space<semaphore_mem>>) src(%dma_wait3A_336 : memref<1024x64xf32, #tpu.memory_space<vmem_shared>>) dst(%dma_wait3A_334 : memref<1024x64xf32, #tpu.memory_space<hbm>>)
      tpu.yield
    }) : () -> ()
    %barrier3A_330 = arith.constant 0 : index
    tpu.barrier barrier_id(%barrier3A_330)
    return
  }
}

#map = affine_map<(d0, d1) -> (0, 0)>
#map1 = affine_map<(d0, d1) -> (0)>
module attributes {stable_mosaic.version = 14 : i64} {
  func.func @_sc_gather_body(%arg0: i32, %arg1: i32, %arg2: memref<524288x128xf32, #tpu.memory_space<hbm>>, %arg3: memref<131072x128xf32, #tpu.memory_space<hbm>>, %arg4: memref<262144xi32, #tpu.memory_space<hbm>>, %arg5: memref<262144xi32, #tpu.memory_space<hbm>>, %arg6: memref<262144x64xf32, #tpu.memory_space<hbm>>, %arg7: memref<192xi32, #tpu.memory_space<vmem>>, %arg8: memref<192xi32, #tpu.memory_space<vmem>>, %arg9: memref<192xi32, #tpu.memory_space<vmem>>, %arg10: memref<192xi32, #tpu.memory_space<vmem>>, %arg11: memref<192x128xf32, #tpu.memory_space<vmem>>, %arg12: memref<192x128xf32, #tpu.memory_space<vmem>>, %arg13: memref<192x128xf32, #tpu.memory_space<vmem>>, %arg14: memref<192x128xf32, #tpu.memory_space<vmem>>, %arg15: memref<208xf32, #tpu.memory_space<vmem>>, %arg16: memref<192x64xf32, #tpu.memory_space<vmem>>, %arg17: memref<!tpu.dma_semaphore, #tpu.memory_space<semaphore_mem>>, %arg18: memref<!tpu.dma_semaphore, #tpu.memory_space<semaphore_mem>>) attributes {dimension_semantics = [#tpu.dimension_semantics<core_parallel>, #tpu.dimension_semantics<subcore_parallel>], iteration_bounds = array<i64: 2, 16>, scalar_prefetch = 0 : i64, scratch_operands = 12 : i64, tpu.core_type = #tpu.core_type<sc_vector_subcore>, window_params = [{transform_indices = #map}, {transform_indices = #map}, {transform_indices = #map1}, {transform_indices = #map1}, {transform_indices = #map}]} {
    %mul3A = arith.constant 16 : i32
    %mul3A_0 = arith.muli %arg0, %mul3A : i32
    %add3A = arith.addi %mul3A_0, %arg1 : i32
    %mul3A_1 = arith.constant 8192 : i32
    %mul3A_2 = arith.muli %add3A, %mul3A_1 : i32
    %iota3A = tpu.iota {dimensions = array<i32: 0>} : vector<16xi32>
    %broadcast_in_dim3A = arith.constant 64 : i32
    %broadcast_in_dim3A_3 = vector.broadcast %broadcast_in_dim3A : i32 to vector<16xi32>
    %add3A_4 = arith.constant 0 : i32
    %add3A_5 = arith.addi %mul3A_2, %add3A_4 : i32
    %multiple_of3A = tpu.assume_multiple %add3A_5, 64 : i32
    "tpu.region"() ({
      %run_scoped3A = tpu.sem_alloc : memref<!tpu.dma_semaphore, #tpu.memory_space<semaphore_mem>>
      %dma_start3A_96 = arith.constant 0 : i32
      %dma_start3A_97 = tpu.memref_slice %arg7[%dma_start3A_96] : memref<192xi32, #tpu.memory_space<vmem>> -> memref<192xi32, #tpu.memory_space<vmem>>
      %dma_start3A_98 = tpu.memref_slice %arg4[%multiple_of3A] : memref<262144xi32, #tpu.memory_space<hbm>> -> memref<192xi32, #tpu.memory_space<hbm>>
      %dma_start3A_99 = arith.constant 0 : i32
      %dma_start3A_100 = tpu.memref_slice %arg7[%dma_start3A_99] : memref<192xi32, #tpu.memory_space<vmem>> -> memref<192xi32, #tpu.memory_space<vmem>>
      %dma_start3A_101 = tpu.memref_slice %arg4[%multiple_of3A] : memref<262144xi32, #tpu.memory_space<hbm>> -> memref<192xi32, #tpu.memory_space<hbm>>
      tpu.enqueue_dma source(%dma_start3A_101 : memref<192xi32, #tpu.memory_space<hbm>>) target(%dma_start3A_100 : memref<192xi32, #tpu.memory_space<vmem>>) target_semaphore(%run_scoped3A : memref<!tpu.dma_semaphore, #tpu.memory_space<semaphore_mem>>)
      %dma_wait3A_102 = arith.constant 0 : i32
      %dma_wait3A_103 = tpu.memref_slice %arg7[%dma_wait3A_102] : memref<192xi32, #tpu.memory_space<vmem>> -> memref<192xi32, #tpu.memory_space<vmem>>
      %dma_wait3A_104 = tpu.memref_slice %arg4[%multiple_of3A] : memref<262144xi32, #tpu.memory_space<hbm>> -> memref<192xi32, #tpu.memory_space<hbm>>
      %dma_wait3A_105 = arith.constant 0 : i32
      %dma_wait3A_106 = tpu.memref_slice %arg7[%dma_wait3A_105] : memref<192xi32, #tpu.memory_space<vmem>> -> memref<192xi32, #tpu.memory_space<vmem>>
      %dma_wait3A_107 = tpu.memref_slice %arg4[%multiple_of3A] : memref<262144xi32, #tpu.memory_space<hbm>> -> memref<192xi32, #tpu.memory_space<hbm>>
      tpu.wait_dma2 semaphore(%run_scoped3A : memref<!tpu.dma_semaphore, #tpu.memory_space<semaphore_mem>>) src(%dma_wait3A_107 : memref<192xi32, #tpu.memory_space<hbm>>) dst(%dma_wait3A_106 : memref<192xi32, #tpu.memory_space<vmem>>)
      tpu.yield
    }) : () -> ()
    "tpu.region"() ({
      %run_scoped3A = tpu.sem_alloc : memref<!tpu.dma_semaphore, #tpu.memory_space<semaphore_mem>>
      %dma_start3A_96 = arith.constant 0 : i32
      %dma_start3A_97 = tpu.memref_slice %arg8[%dma_start3A_96] : memref<192xi32, #tpu.memory_space<vmem>> -> memref<192xi32, #tpu.memory_space<vmem>>
      %dma_start3A_98 = tpu.memref_slice %arg5[%multiple_of3A] : memref<262144xi32, #tpu.memory_space<hbm>> -> memref<192xi32, #tpu.memory_space<hbm>>
      %dma_start3A_99 = arith.constant 0 : i32
      %dma_start3A_100 = tpu.memref_slice %arg8[%dma_start3A_99] : memref<192xi32, #tpu.memory_space<vmem>> -> memref<192xi32, #tpu.memory_space<vmem>>
      %dma_start3A_101 = tpu.memref_slice %arg5[%multiple_of3A] : memref<262144xi32, #tpu.memory_space<hbm>> -> memref<192xi32, #tpu.memory_space<hbm>>
      tpu.enqueue_dma source(%dma_start3A_101 : memref<192xi32, #tpu.memory_space<hbm>>) target(%dma_start3A_100 : memref<192xi32, #tpu.memory_space<vmem>>) target_semaphore(%run_scoped3A : memref<!tpu.dma_semaphore, #tpu.memory_space<semaphore_mem>>)
      %dma_wait3A_102 = arith.constant 0 : i32
      %dma_wait3A_103 = tpu.memref_slice %arg8[%dma_wait3A_102] : memref<192xi32, #tpu.memory_space<vmem>> -> memref<192xi32, #tpu.memory_space<vmem>>
      %dma_wait3A_104 = tpu.memref_slice %arg5[%multiple_of3A] : memref<262144xi32, #tpu.memory_space<hbm>> -> memref<192xi32, #tpu.memory_space<hbm>>
      %dma_wait3A_105 = arith.constant 0 : i32
      %dma_wait3A_106 = tpu.memref_slice %arg8[%dma_wait3A_105] : memref<192xi32, #tpu.memory_space<vmem>> -> memref<192xi32, #tpu.memory_space<vmem>>
      %dma_wait3A_107 = tpu.memref_slice %arg5[%multiple_of3A] : memref<262144xi32, #tpu.memory_space<hbm>> -> memref<192xi32, #tpu.memory_space<hbm>>
      tpu.wait_dma2 semaphore(%run_scoped3A : memref<!tpu.dma_semaphore, #tpu.memory_space<semaphore_mem>>) src(%dma_wait3A_107 : memref<192xi32, #tpu.memory_space<hbm>>) dst(%dma_wait3A_106 : memref<192xi32, #tpu.memory_space<vmem>>)
      tpu.yield
    }) : () -> ()
    %dma_start3A = arith.constant 0 : i32
    %dma_start3A_6 = arith.constant 0 : i32
    %dma_start3A_7 = tpu.memref_slice %arg11[%dma_start3A, %dma_start3A_6] : memref<192x128xf32, #tpu.memory_space<vmem>> -> memref<128x128xf32, #tpu.memory_space<vmem>>
    %dma_start3A_8 = arith.constant 0 : i32
    %dma_start3A_9 = tpu.memref_slice %arg7[%dma_start3A_8] : memref<192xi32, #tpu.memory_space<vmem>> -> memref<128xi32, #tpu.memory_space<vmem>>
    %dma_start3A_10 = arith.constant 0 : i32
    %dma_start3A_11 = arith.constant 0 : i32
    %dma_start3A_12 = tpu.memref_slice %arg2[%dma_start3A_10, %dma_start3A_11] : memref<524288x128xf32, #tpu.memory_space<hbm>> -> memref<524288x128xf32, #tpu.memory_space<hbm>>
    tpu.enqueue_indirect_dma source(%dma_start3A_12 : memref<524288x128xf32, #tpu.memory_space<hbm>>) target(%dma_start3A_7 : memref<128x128xf32, #tpu.memory_space<vmem>>) offsets(%dma_start3A_9 : memref<128xi32, #tpu.memory_space<vmem>>) semaphore(%arg17 : memref<!tpu.dma_semaphore, #tpu.memory_space<semaphore_mem>>)
    %dma_start3A_13 = arith.constant 0 : i32
    %dma_start3A_14 = arith.constant 0 : i32
    %dma_start3A_15 = tpu.memref_slice %arg12[%dma_start3A_13, %dma_start3A_14] : memref<192x128xf32, #tpu.memory_space<vmem>> -> memref<128x128xf32, #tpu.memory_space<vmem>>
    %dma_start3A_16 = arith.constant 0 : i32
    %dma_start3A_17 = tpu.memref_slice %arg8[%dma_start3A_16] : memref<192xi32, #tpu.memory_space<vmem>> -> memref<128xi32, #tpu.memory_space<vmem>>
    %dma_start3A_18 = arith.constant 0 : i32
    %dma_start3A_19 = arith.constant 0 : i32
    %dma_start3A_20 = tpu.memref_slice %arg3[%dma_start3A_18, %dma_start3A_19] : memref<131072x128xf32, #tpu.memory_space<hbm>> -> memref<131072x128xf32, #tpu.memory_space<hbm>>
    tpu.enqueue_indirect_dma source(%dma_start3A_20 : memref<131072x128xf32, #tpu.memory_space<hbm>>) target(%dma_start3A_15 : memref<128x128xf32, #tpu.memory_space<vmem>>) offsets(%dma_start3A_17 : memref<128xi32, #tpu.memory_space<vmem>>) semaphore(%arg17 : memref<!tpu.dma_semaphore, #tpu.memory_space<semaphore_mem>>)
    %dma_start3A_21 = arith.constant 128 : i32
    %dma_start3A_22 = arith.constant 0 : i32
    %dma_start3A_23 = tpu.memref_slice %arg11[%dma_start3A_21, %dma_start3A_22] : memref<192x128xf32, #tpu.memory_space<vmem>> -> memref<64x128xf32, #tpu.memory_space<vmem>>
    %dma_start3A_24 = arith.constant 128 : i32
    %dma_start3A_25 = tpu.memref_slice %arg7[%dma_start3A_24] : memref<192xi32, #tpu.memory_space<vmem>> -> memref<64xi32, #tpu.memory_space<vmem>>
    %dma_start3A_26 = arith.constant 0 : i32
    %dma_start3A_27 = arith.constant 0 : i32
    %dma_start3A_28 = tpu.memref_slice %arg2[%dma_start3A_26, %dma_start3A_27] : memref<524288x128xf32, #tpu.memory_space<hbm>> -> memref<524288x128xf32, #tpu.memory_space<hbm>>
    tpu.enqueue_indirect_dma source(%dma_start3A_28 : memref<524288x128xf32, #tpu.memory_space<hbm>>) target(%dma_start3A_23 : memref<64x128xf32, #tpu.memory_space<vmem>>) offsets(%dma_start3A_25 : memref<64xi32, #tpu.memory_space<vmem>>) semaphore(%arg17 : memref<!tpu.dma_semaphore, #tpu.memory_space<semaphore_mem>>)
    %dma_start3A_29 = arith.constant 128 : i32
    %dma_start3A_30 = arith.constant 0 : i32
    %dma_start3A_31 = tpu.memref_slice %arg12[%dma_start3A_29, %dma_start3A_30] : memref<192x128xf32, #tpu.memory_space<vmem>> -> memref<64x128xf32, #tpu.memory_space<vmem>>
    %dma_start3A_32 = arith.constant 128 : i32
    %dma_start3A_33 = tpu.memref_slice %arg8[%dma_start3A_32] : memref<192xi32, #tpu.memory_space<vmem>> -> memref<64xi32, #tpu.memory_space<vmem>>
    %dma_start3A_34 = arith.constant 0 : i32
    %dma_start3A_35 = arith.constant 0 : i32
    %dma_start3A_36 = tpu.memref_slice %arg3[%dma_start3A_34, %dma_start3A_35] : memref<131072x128xf32, #tpu.memory_space<hbm>> -> memref<131072x128xf32, #tpu.memory_space<hbm>>
    tpu.enqueue_indirect_dma source(%dma_start3A_36 : memref<131072x128xf32, #tpu.memory_space<hbm>>) target(%dma_start3A_31 : memref<64x128xf32, #tpu.memory_space<vmem>>) offsets(%dma_start3A_33 : memref<64xi32, #tpu.memory_space<vmem>>) semaphore(%arg17 : memref<!tpu.dma_semaphore, #tpu.memory_space<semaphore_mem>>)
    %scan3A = arith.constant 0 : i32
    %scan3A_37 = arith.constant 0 : i32
    %scan3A_38 = arith.constant 21 : i32
    %scan3A_39 = arith.addi %scan3A_37, %scan3A_38 : i32
    %scan3A_40 = arith.constant 1 : i32
    scf.for %scan3A_96 = %scan3A_37 to %scan3A_39 step %scan3A_40  : i32 {
      %mul3A_97 = arith.constant 2 : i32
      %mul3A_98 = arith.muli %scan3A_96, %mul3A_97 : i32
      %add3A_99 = arith.constant 1 : i32
      %add3A_100 = arith.addi %mul3A_98, %add3A_99 : i32
      %mul3A_101 = arith.constant 192 : i32
      %mul3A_102 = arith.muli %add3A_100, %mul3A_101 : i32
      %add3A_103 = arith.addi %mul3A_2, %mul3A_102 : i32
      %multiple_of3A_104 = tpu.assume_multiple %add3A_103, 64 : i32
      "tpu.region"() ({
        %run_scoped3A = tpu.sem_alloc : memref<!tpu.dma_semaphore, #tpu.memory_space<semaphore_mem>>
        %dma_start3A_221 = arith.constant 0 : i32
        %dma_start3A_222 = tpu.memref_slice %arg9[%dma_start3A_221] : memref<192xi32, #tpu.memory_space<vmem>> -> memref<192xi32, #tpu.memory_space<vmem>>
        %dma_start3A_223 = tpu.memref_slice %arg4[%multiple_of3A_104] : memref<262144xi32, #tpu.memory_space<hbm>> -> memref<192xi32, #tpu.memory_space<hbm>>
        %dma_start3A_224 = arith.constant 0 : i32
        %dma_start3A_225 = tpu.memref_slice %arg9[%dma_start3A_224] : memref<192xi32, #tpu.memory_space<vmem>> -> memref<192xi32, #tpu.memory_space<vmem>>
        %dma_start3A_226 = tpu.memref_slice %arg4[%multiple_of3A_104] : memref<262144xi32, #tpu.memory_space<hbm>> -> memref<192xi32, #tpu.memory_space<hbm>>
        tpu.enqueue_dma source(%dma_start3A_226 : memref<192xi32, #tpu.memory_space<hbm>>) target(%dma_start3A_225 : memref<192xi32, #tpu.memory_space<vmem>>) target_semaphore(%run_scoped3A : memref<!tpu.dma_semaphore, #tpu.memory_space<semaphore_mem>>)
        %dma_wait3A_227 = arith.constant 0 : i32
        %dma_wait3A_228 = tpu.memref_slice %arg9[%dma_wait3A_227] : memref<192xi32, #tpu.memory_space<vmem>> -> memref<192xi32, #tpu.memory_space<vmem>>
        %dma_wait3A_229 = tpu.memref_slice %arg4[%multiple_of3A_104] : memref<262144xi32, #tpu.memory_space<hbm>> -> memref<192xi32, #tpu.memory_space<hbm>>
        %dma_wait3A_230 = arith.constant 0 : i32
        %dma_wait3A_231 = tpu.memref_slice %arg9[%dma_wait3A_230] : memref<192xi32, #tpu.memory_space<vmem>> -> memref<192xi32, #tpu.memory_space<vmem>>
        %dma_wait3A_232 = tpu.memref_slice %arg4[%multiple_of3A_104] : memref<262144xi32, #tpu.memory_space<hbm>> -> memref<192xi32, #tpu.memory_space<hbm>>
        tpu.wait_dma2 semaphore(%run_scoped3A : memref<!tpu.dma_semaphore, #tpu.memory_space<semaphore_mem>>) src(%dma_wait3A_232 : memref<192xi32, #tpu.memory_space<hbm>>) dst(%dma_wait3A_231 : memref<192xi32, #tpu.memory_space<vmem>>)
        tpu.yield
      }) : () -> ()
      "tpu.region"() ({
        %run_scoped3A = tpu.sem_alloc : memref<!tpu.dma_semaphore, #tpu.memory_space<semaphore_mem>>
        %dma_start3A_221 = arith.constant 0 : i32
        %dma_start3A_222 = tpu.memref_slice %arg10[%dma_start3A_221] : memref<192xi32, #tpu.memory_space<vmem>> -> memref<192xi32, #tpu.memory_space<vmem>>
        %dma_start3A_223 = tpu.memref_slice %arg5[%multiple_of3A_104] : memref<262144xi32, #tpu.memory_space<hbm>> -> memref<192xi32, #tpu.memory_space<hbm>>
        %dma_start3A_224 = arith.constant 0 : i32
        %dma_start3A_225 = tpu.memref_slice %arg10[%dma_start3A_224] : memref<192xi32, #tpu.memory_space<vmem>> -> memref<192xi32, #tpu.memory_space<vmem>>
        %dma_start3A_226 = tpu.memref_slice %arg5[%multiple_of3A_104] : memref<262144xi32, #tpu.memory_space<hbm>> -> memref<192xi32, #tpu.memory_space<hbm>>
        tpu.enqueue_dma source(%dma_start3A_226 : memref<192xi32, #tpu.memory_space<hbm>>) target(%dma_start3A_225 : memref<192xi32, #tpu.memory_space<vmem>>) target_semaphore(%run_scoped3A : memref<!tpu.dma_semaphore, #tpu.memory_space<semaphore_mem>>)
        %dma_wait3A_227 = arith.constant 0 : i32
        %dma_wait3A_228 = tpu.memref_slice %arg10[%dma_wait3A_227] : memref<192xi32, #tpu.memory_space<vmem>> -> memref<192xi32, #tpu.memory_space<vmem>>
        %dma_wait3A_229 = tpu.memref_slice %arg5[%multiple_of3A_104] : memref<262144xi32, #tpu.memory_space<hbm>> -> memref<192xi32, #tpu.memory_space<hbm>>
        %dma_wait3A_230 = arith.constant 0 : i32
        %dma_wait3A_231 = tpu.memref_slice %arg10[%dma_wait3A_230] : memref<192xi32, #tpu.memory_space<vmem>> -> memref<192xi32, #tpu.memory_space<vmem>>
        %dma_wait3A_232 = tpu.memref_slice %arg5[%multiple_of3A_104] : memref<262144xi32, #tpu.memory_space<hbm>> -> memref<192xi32, #tpu.memory_space<hbm>>
        tpu.wait_dma2 semaphore(%run_scoped3A : memref<!tpu.dma_semaphore, #tpu.memory_space<semaphore_mem>>) src(%dma_wait3A_232 : memref<192xi32, #tpu.memory_space<hbm>>) dst(%dma_wait3A_231 : memref<192xi32, #tpu.memory_space<vmem>>)
        tpu.yield
      }) : () -> ()
      %dma_start3A_105 = arith.constant 0 : i32
      %dma_start3A_106 = arith.constant 0 : i32
      %dma_start3A_107 = tpu.memref_slice %arg13[%dma_start3A_105, %dma_start3A_106] : memref<192x128xf32, #tpu.memory_space<vmem>> -> memref<128x128xf32, #tpu.memory_space<vmem>>
      %dma_start3A_108 = arith.constant 0 : i32
      %dma_start3A_109 = tpu.memref_slice %arg9[%dma_start3A_108] : memref<192xi32, #tpu.memory_space<vmem>> -> memref<128xi32, #tpu.memory_space<vmem>>
      %dma_start3A_110 = arith.constant 0 : i32
      %dma_start3A_111 = arith.constant 0 : i32
      %dma_start3A_112 = tpu.memref_slice %arg2[%dma_start3A_110, %dma_start3A_111] : memref<524288x128xf32, #tpu.memory_space<hbm>> -> memref<524288x128xf32, #tpu.memory_space<hbm>>
      tpu.enqueue_indirect_dma source(%dma_start3A_112 : memref<524288x128xf32, #tpu.memory_space<hbm>>) target(%dma_start3A_107 : memref<128x128xf32, #tpu.memory_space<vmem>>) offsets(%dma_start3A_109 : memref<128xi32, #tpu.memory_space<vmem>>) semaphore(%arg18 : memref<!tpu.dma_semaphore, #tpu.memory_space<semaphore_mem>>)
      %dma_start3A_113 = arith.constant 0 : i32
      %dma_start3A_114 = arith.constant 0 : i32
      %dma_start3A_115 = tpu.memref_slice %arg14[%dma_start3A_113, %dma_start3A_114] : memref<192x128xf32, #tpu.memory_space<vmem>> -> memref<128x128xf32, #tpu.memory_space<vmem>>
      %dma_start3A_116 = arith.constant 0 : i32
      %dma_start3A_117 = tpu.memref_slice %arg10[%dma_start3A_116] : memref<192xi32, #tpu.memory_space<vmem>> -> memref<128xi32, #tpu.memory_space<vmem>>
      %dma_start3A_118 = arith.constant 0 : i32
      %dma_start3A_119 = arith.constant 0 : i32
      %dma_start3A_120 = tpu.memref_slice %arg3[%dma_start3A_118, %dma_start3A_119] : memref<131072x128xf32, #tpu.memory_space<hbm>> -> memref<131072x128xf32, #tpu.memory_space<hbm>>
      tpu.enqueue_indirect_dma source(%dma_start3A_120 : memref<131072x128xf32, #tpu.memory_space<hbm>>) target(%dma_start3A_115 : memref<128x128xf32, #tpu.memory_space<vmem>>) offsets(%dma_start3A_117 : memref<128xi32, #tpu.memory_space<vmem>>) semaphore(%arg18 : memref<!tpu.dma_semaphore, #tpu.memory_space<semaphore_mem>>)
      %dma_start3A_121 = arith.constant 128 : i32
      %dma_start3A_122 = arith.constant 0 : i32
      %dma_start3A_123 = tpu.memref_slice %arg13[%dma_start3A_121, %dma_start3A_122] : memref<192x128xf32, #tpu.memory_space<vmem>> -> memref<64x128xf32, #tpu.memory_space<vmem>>
      %dma_start3A_124 = arith.constant 128 : i32
      %dma_start3A_125 = tpu.memref_slice %arg9[%dma_start3A_124] : memref<192xi32, #tpu.memory_space<vmem>> -> memref<64xi32, #tpu.memory_space<vmem>>
      %dma_start3A_126 = arith.constant 0 : i32
      %dma_start3A_127 = arith.constant 0 : i32
      %dma_start3A_128 = tpu.memref_slice %arg2[%dma_start3A_126, %dma_start3A_127] : memref<524288x128xf32, #tpu.memory_space<hbm>> -> memref<524288x128xf32, #tpu.memory_space<hbm>>
      tpu.enqueue_indirect_dma source(%dma_start3A_128 : memref<524288x128xf32, #tpu.memory_space<hbm>>) target(%dma_start3A_123 : memref<64x128xf32, #tpu.memory_space<vmem>>) offsets(%dma_start3A_125 : memref<64xi32, #tpu.memory_space<vmem>>) semaphore(%arg18 : memref<!tpu.dma_semaphore, #tpu.memory_space<semaphore_mem>>)
      %dma_start3A_129 = arith.constant 128 : i32
      %dma_start3A_130 = arith.constant 0 : i32
      %dma_start3A_131 = tpu.memref_slice %arg14[%dma_start3A_129, %dma_start3A_130] : memref<192x128xf32, #tpu.memory_space<vmem>> -> memref<64x128xf32, #tpu.memory_space<vmem>>
      %dma_start3A_132 = arith.constant 128 : i32
      %dma_start3A_133 = tpu.memref_slice %arg10[%dma_start3A_132] : memref<192xi32, #tpu.memory_space<vmem>> -> memref<64xi32, #tpu.memory_space<vmem>>
      %dma_start3A_134 = arith.constant 0 : i32
      %dma_start3A_135 = arith.constant 0 : i32
      %dma_start3A_136 = tpu.memref_slice %arg3[%dma_start3A_134, %dma_start3A_135] : memref<131072x128xf32, #tpu.memory_space<hbm>> -> memref<131072x128xf32, #tpu.memory_space<hbm>>
      tpu.enqueue_indirect_dma source(%dma_start3A_136 : memref<131072x128xf32, #tpu.memory_space<hbm>>) target(%dma_start3A_131 : memref<64x128xf32, #tpu.memory_space<vmem>>) offsets(%dma_start3A_133 : memref<64xi32, #tpu.memory_space<vmem>>) semaphore(%arg18 : memref<!tpu.dma_semaphore, #tpu.memory_space<semaphore_mem>>)
      %dma_wait3A_137 = arith.constant 0 : i32
      %dma_wait3A_138 = arith.constant 0 : i32
      %dma_wait3A_139 = tpu.memref_slice %arg11[%dma_wait3A_137, %dma_wait3A_138] : memref<192x128xf32, #tpu.memory_space<vmem>> -> memref<192x128xf32, #tpu.memory_space<vmem>>
      %dma_wait3A_140 = arith.constant 0 : i32
      %dma_wait3A_141 = arith.constant 0 : i32
      %dma_wait3A_142 = tpu.memref_slice %arg2[%dma_wait3A_140, %dma_wait3A_141] : memref<524288x128xf32, #tpu.memory_space<hbm>> -> memref<192x128xf32, #tpu.memory_space<hbm>>
      %dma_wait3A_143 = arith.constant 0 : i32
      %dma_wait3A_144 = arith.constant 0 : i32
      %dma_wait3A_145 = tpu.memref_slice %arg11[%dma_wait3A_143, %dma_wait3A_144] : memref<192x128xf32, #tpu.memory_space<vmem>> -> memref<192x128xf32, #tpu.memory_space<vmem>>
      %dma_wait3A_146 = arith.constant 0 : i32
      %dma_wait3A_147 = arith.constant 0 : i32
      %dma_wait3A_148 = tpu.memref_slice %arg2[%dma_wait3A_146, %dma_wait3A_147] : memref<524288x128xf32, #tpu.memory_space<hbm>> -> memref<192x128xf32, #tpu.memory_space<hbm>>
      tpu.wait_dma2 semaphore(%arg17 : memref<!tpu.dma_semaphore, #tpu.memory_space<semaphore_mem>>) src(%dma_wait3A_148 : memref<192x128xf32, #tpu.memory_space<hbm>>) dst(%dma_wait3A_145 : memref<192x128xf32, #tpu.memory_space<vmem>>)
      %dma_wait3A_149 = arith.constant 0 : i32
      %dma_wait3A_150 = arith.constant 0 : i32
      %dma_wait3A_151 = tpu.memref_slice %arg12[%dma_wait3A_149, %dma_wait3A_150] : memref<192x128xf32, #tpu.memory_space<vmem>> -> memref<192x128xf32, #tpu.memory_space<vmem>>
      %dma_wait3A_152 = arith.constant 0 : i32
      %dma_wait3A_153 = arith.constant 0 : i32
      %dma_wait3A_154 = tpu.memref_slice %arg2[%dma_wait3A_152, %dma_wait3A_153] : memref<524288x128xf32, #tpu.memory_space<hbm>> -> memref<192x128xf32, #tpu.memory_space<hbm>>
      %dma_wait3A_155 = arith.constant 0 : i32
      %dma_wait3A_156 = arith.constant 0 : i32
      %dma_wait3A_157 = tpu.memref_slice %arg12[%dma_wait3A_155, %dma_wait3A_156] : memref<192x128xf32, #tpu.memory_space<vmem>> -> memref<192x128xf32, #tpu.memory_space<vmem>>
      %dma_wait3A_158 = arith.constant 0 : i32
      %dma_wait3A_159 = arith.constant 0 : i32
      %dma_wait3A_160 = tpu.memref_slice %arg2[%dma_wait3A_158, %dma_wait3A_159] : memref<524288x128xf32, #tpu.memory_space<hbm>> -> memref<192x128xf32, #tpu.memory_space<hbm>>
      tpu.wait_dma2 semaphore(%arg17 : memref<!tpu.dma_semaphore, #tpu.memory_space<semaphore_mem>>) src(%dma_wait3A_160 : memref<192x128xf32, #tpu.memory_space<hbm>>) dst(%dma_wait3A_157 : memref<192x128xf32, #tpu.memory_space<vmem>>)
      %mul3A_161 = arith.constant 192 : i32
      %mul3A_162 = arith.muli %mul3A_98, %mul3A_161 : i32
      %add3A_163 = arith.addi %mul3A_2, %mul3A_162 : i32
      %multiple_of3A_164 = tpu.assume_multiple %add3A_163, 64 : i32
      %scan3A_165 = arith.constant 0 : i32
      %scan3A_166 = arith.constant 0 : i32
      %scan3A_167 = arith.constant 12 : i32
      %scan3A_168 = arith.addi %scan3A_166, %scan3A_167 : i32
      %scan3A_169 = arith.constant 1 : i32
      scf.for %scan3A_221 = %scan3A_166 to %scan3A_168 step %scan3A_169  : i32 {
        %mul3A_222 = arith.constant 16 : i32
        %mul3A_223 = arith.muli %scan3A_221, %mul3A_222 : i32
        %add3A_224 = vector.broadcast %mul3A_223 : i32 to vector<16xi32>
        %add3A_225 = arith.addi %add3A_224, %iota3A : vector<16xi32>
        %gather3A = tpu.vector_load_idx %arg11[%add3A_225, %broadcast_in_dim3A_3] : memref<192x128xf32, #tpu.memory_space<vmem>>[vector<16xi32>, vector<16xi32>], vector<16xf32>,
        %gather3A_226 = tpu.vector_load_idx %arg12[%add3A_225, %broadcast_in_dim3A_3] : memref<192x128xf32, #tpu.memory_space<vmem>>[vector<16xi32>, vector<16xi32>], vector<16xf32>,
        %sub3A = arith.subf %gather3A_226, %gather3A : vector<16xf32>
        %exp3A = math.exp %sub3A : vector<16xf32>
        %add3A_227 = arith.constant 1.000000e+00 : f32
        %add3A_228 = vector.broadcast %add3A_227 : f32 to vector<16xf32>
        %add3A_229 = arith.addf %add3A_228, %exp3A : vector<16xf32>
        %div3A = arith.constant 1.000000e+00 : f32
        %div3A_230 = vector.broadcast %div3A : f32 to vector<16xf32>
        %div3A_231 = arith.divf %div3A_230, %add3A_229 : vector<16xf32>
        %mul3A_232 = arith.constant 16 : i32
        %mul3A_233 = arith.muli %scan3A_221, %mul3A_232 : i32
        %swap3A = arith.index_cast %mul3A_233 : i32 to index
        %swap3A_234 = tpu.vector_load %arg15[%swap3A] {strides = array<i32>} : memref<208xf32, #tpu.memory_space<vmem>>, vector<16xf32>,
        tpu.vector_store %arg15[%swap3A], %div3A_231 {strides = array<i32>} : memref<208xf32, #tpu.memory_space<vmem>>, vector<16xf32>,
      }
      %scan3A_170 = arith.constant 12 : i32
      %scan3A_171 = arith.constant 0 : i32
      %scan3A_172 = arith.constant 0 : i32
      %scan3A_173 = arith.constant 192 : i32
      %scan3A_174 = arith.addi %scan3A_172, %scan3A_173 : i32
      %scan3A_175 = arith.constant 1 : i32
      scf.for %scan3A_221 = %scan3A_172 to %scan3A_174 step %scan3A_175  : i32 {
        %get3A = arith.index_cast %scan3A_221 : i32 to index
        %get3A_222 = tpu.vector_load %arg15[%get3A] {strides = array<i32>} : memref<208xf32, #tpu.memory_space<vmem>>, vector<16xf32>,
        %slice3A = vector.extract_strided_slice %get3A_222 {offsets = [0], sizes = [1], strides = [1]} : vector<16xf32> to vector<1xf32>
        %squeeze3A = vector.extract %slice3A[0] : f32 from vector<1xf32>
        %broadcast_in_dim3A_223 = vector.broadcast %squeeze3A : f32 to vector<16xf32>
        %get3A_224 = arith.index_cast %scan3A_221 : i32 to index
        %get3A_225 = arith.constant 0 : index
        %get3A_226 = tpu.vector_load %arg11[%get3A_224, %get3A_225] {strides = array<i32>} : memref<192x128xf32, #tpu.memory_space<vmem>>, vector<16xf32>,
        %get3A_227 = arith.index_cast %scan3A_221 : i32 to index
        %get3A_228 = arith.constant 0 : index
        %get3A_229 = tpu.vector_load %arg12[%get3A_227, %get3A_228] {strides = array<i32>} : memref<192x128xf32, #tpu.memory_space<vmem>>, vector<16xf32>,
        %add3A_230 = arith.addf %get3A_229, %get3A_229 : vector<16xf32>
        %sub3A = arith.subf %get3A_226, %get3A_229 : vector<16xf32>
        %mul3A_231 = arith.mulf %sub3A, %broadcast_in_dim3A_223 : vector<16xf32>
        %add3A_232 = arith.addf %add3A_230, %mul3A_231 : vector<16xf32>
        %swap3A = arith.index_cast %scan3A_221 : i32 to index
        %swap3A_233 = arith.constant 0 : index
        %swap3A_234 = tpu.vector_load %arg16[%swap3A, %swap3A_233] {strides = array<i32>} : memref<192x64xf32, #tpu.memory_space<vmem>>, vector<16xf32>,
        tpu.vector_store %arg16[%swap3A, %swap3A_233], %add3A_232 {strides = array<i32>} : memref<192x64xf32, #tpu.memory_space<vmem>>, vector<16xf32>,
        %get3A_235 = arith.index_cast %scan3A_221 : i32 to index
        %get3A_236 = arith.constant 16 : index
        %get3A_237 = tpu.vector_load %arg11[%get3A_235, %get3A_236] {strides = array<i32>} : memref<192x128xf32, #tpu.memory_space<vmem>>, vector<16xf32>,
        %get3A_238 = arith.index_cast %scan3A_221 : i32 to index
        %get3A_239 = arith.constant 16 : index
        %get3A_240 = tpu.vector_load %arg12[%get3A_238, %get3A_239] {strides = array<i32>} : memref<192x128xf32, #tpu.memory_space<vmem>>, vector<16xf32>,
        %add3A_241 = arith.addf %get3A_240, %get3A_240 : vector<16xf32>
        %sub3A_242 = arith.subf %get3A_237, %get3A_240 : vector<16xf32>
        %mul3A_243 = arith.mulf %sub3A_242, %broadcast_in_dim3A_223 : vector<16xf32>
        %add3A_244 = arith.addf %add3A_241, %mul3A_243 : vector<16xf32>
        %swap3A_245 = arith.index_cast %scan3A_221 : i32 to index
        %swap3A_246 = arith.constant 16 : index
        %swap3A_247 = tpu.vector_load %arg16[%swap3A_245, %swap3A_246] {strides = array<i32>} : memref<192x64xf32, #tpu.memory_space<vmem>>, vector<16xf32>,
        tpu.vector_store %arg16[%swap3A_245, %swap3A_246], %add3A_244 {strides = array<i32>} : memref<192x64xf32, #tpu.memory_space<vmem>>, vector<16xf32>,
        %get3A_248 = arith.index_cast %scan3A_221 : i32 to index
        %get3A_249 = arith.constant 32 : index
        %get3A_250 = tpu.vector_load %arg11[%get3A_248, %get3A_249] {strides = array<i32>} : memref<192x128xf32, #tpu.memory_space<vmem>>, vector<16xf32>,
        %get3A_251 = arith.index_cast %scan3A_221 : i32 to index
        %get3A_252 = arith.constant 32 : index
        %get3A_253 = tpu.vector_load %arg12[%get3A_251, %get3A_252] {strides = array<i32>} : memref<192x128xf32, #tpu.memory_space<vmem>>, vector<16xf32>,
        %add3A_254 = arith.addf %get3A_253, %get3A_253 : vector<16xf32>
        %sub3A_255 = arith.subf %get3A_250, %get3A_253 : vector<16xf32>
        %mul3A_256 = arith.mulf %sub3A_255, %broadcast_in_dim3A_223 : vector<16xf32>
        %add3A_257 = arith.addf %add3A_254, %mul3A_256 : vector<16xf32>
        %swap3A_258 = arith.index_cast %scan3A_221 : i32 to index
        %swap3A_259 = arith.constant 32 : index
        %swap3A_260 = tpu.vector_load %arg16[%swap3A_258, %swap3A_259] {strides = array<i32>} : memref<192x64xf32, #tpu.memory_space<vmem>>, vector<16xf32>,
        tpu.vector_store %arg16[%swap3A_258, %swap3A_259], %add3A_257 {strides = array<i32>} : memref<192x64xf32, #tpu.memory_space<vmem>>, vector<16xf32>,
        %get3A_261 = arith.index_cast %scan3A_221 : i32 to index
        %get3A_262 = arith.constant 48 : index
        %get3A_263 = tpu.vector_load %arg11[%get3A_261, %get3A_262] {strides = array<i32>} : memref<192x128xf32, #tpu.memory_space<vmem>>, vector<16xf32>,
        %get3A_264 = arith.index_cast %scan3A_221 : i32 to index
        %get3A_265 = arith.constant 48 : index
        %get3A_266 = tpu.vector_load %arg12[%get3A_264, %get3A_265] {strides = array<i32>} : memref<192x128xf32, #tpu.memory_space<vmem>>, vector<16xf32>,
        %add3A_267 = arith.addf %get3A_266, %get3A_266 : vector<16xf32>
        %sub3A_268 = arith.subf %get3A_263, %get3A_266 : vector<16xf32>
        %mul3A_269 = arith.mulf %sub3A_268, %broadcast_in_dim3A_223 : vector<16xf32>
        %add3A_270 = arith.addf %add3A_267, %mul3A_269 : vector<16xf32>
        %swap3A_271 = arith.index_cast %scan3A_221 : i32 to index
        %swap3A_272 = arith.constant 48 : index
        %swap3A_273 = tpu.vector_load %arg16[%swap3A_271, %swap3A_272] {strides = array<i32>} : memref<192x64xf32, #tpu.memory_space<vmem>>, vector<16xf32>,
        tpu.vector_store %arg16[%swap3A_271, %swap3A_272], %add3A_270 {strides = array<i32>} : memref<192x64xf32, #tpu.memory_space<vmem>>, vector<16xf32>,
      }
      %scan3A_176 = arith.constant 192 : i32
      "tpu.region"() ({
        %run_scoped3A = tpu.sem_alloc : memref<!tpu.dma_semaphore, #tpu.memory_space<semaphore_mem>>
        %dma_start3A_221 = arith.constant 0 : i32
        %dma_start3A_222 = arith.constant 0 : i32
        %dma_start3A_223 = tpu.memref_slice %arg16[%dma_start3A_221, %dma_start3A_222] : memref<192x64xf32, #tpu.memory_space<vmem>> -> memref<192x64xf32, #tpu.memory_space<vmem>>
        %dma_start3A_224 = arith.constant 0 : i32
        %dma_start3A_225 = tpu.memref_slice %arg6[%multiple_of3A_164, %dma_start3A_224] : memref<262144x64xf32, #tpu.memory_space<hbm>> -> memref<192x64xf32, #tpu.memory_space<hbm>>
        %dma_start3A_226 = arith.constant 0 : i32
        %dma_start3A_227 = tpu.memref_slice %arg6[%multiple_of3A_164, %dma_start3A_226] : memref<262144x64xf32, #tpu.memory_space<hbm>> -> memref<192x64xf32, #tpu.memory_space<hbm>>
        %dma_start3A_228 = arith.constant 0 : i32
        %dma_start3A_229 = arith.constant 0 : i32
        %dma_start3A_230 = tpu.memref_slice %arg16[%dma_start3A_228, %dma_start3A_229] : memref<192x64xf32, #tpu.memory_space<vmem>> -> memref<192x64xf32, #tpu.memory_space<vmem>>
        tpu.enqueue_dma source(%dma_start3A_230 : memref<192x64xf32, #tpu.memory_space<vmem>>) target(%dma_start3A_227 : memref<192x64xf32, #tpu.memory_space<hbm>>) target_semaphore(%run_scoped3A : memref<!tpu.dma_semaphore, #tpu.memory_space<semaphore_mem>>)
        %dma_wait3A_231 = arith.constant 0 : i32
        %dma_wait3A_232 = arith.constant 0 : i32
        %dma_wait3A_233 = tpu.memref_slice %arg16[%dma_wait3A_231, %dma_wait3A_232] : memref<192x64xf32, #tpu.memory_space<vmem>> -> memref<192x64xf32, #tpu.memory_space<vmem>>
        %dma_wait3A_234 = arith.constant 0 : i32
        %dma_wait3A_235 = tpu.memref_slice %arg6[%multiple_of3A_164, %dma_wait3A_234] : memref<262144x64xf32, #tpu.memory_space<hbm>> -> memref<192x64xf32, #tpu.memory_space<hbm>>
        %dma_wait3A_236 = arith.constant 0 : i32
        %dma_wait3A_237 = tpu.memref_slice %arg6[%multiple_of3A_164, %dma_wait3A_236] : memref<262144x64xf32, #tpu.memory_space<hbm>> -> memref<192x64xf32, #tpu.memory_space<hbm>>
        %dma_wait3A_238 = arith.constant 0 : i32
        %dma_wait3A_239 = arith.constant 0 : i32
        %dma_wait3A_240 = tpu.memref_slice %arg16[%dma_wait3A_238, %dma_wait3A_239] : memref<192x64xf32, #tpu.memory_space<vmem>> -> memref<192x64xf32, #tpu.memory_space<vmem>>
        tpu.wait_dma2 semaphore(%run_scoped3A : memref<!tpu.dma_semaphore, #tpu.memory_space<semaphore_mem>>) src(%dma_wait3A_240 : memref<192x64xf32, #tpu.memory_space<vmem>>) dst(%dma_wait3A_237 : memref<192x64xf32, #tpu.memory_space<hbm>>)
        tpu.yield
      }) : () -> ()
      %lt3A = arith.constant 20 : i32
      %lt3A_177 = arith.cmpi slt, %scan3A_96, %lt3A : i32
      %convert_element_type3A = arith.extui %lt3A_177 : i1 to i32
      %cond3A = arith.constant 0 : i32
      %cond3A_178 = arith.cmpi ne, %convert_element_type3A, %cond3A : i32
      scf.if %cond3A_178 {
        %add3A_221 = arith.constant 2 : i32
        %add3A_222 = arith.addi %mul3A_98, %add3A_221 : i32
        %mul3A_223 = arith.constant 192 : i32
        %mul3A_224 = arith.muli %add3A_222, %mul3A_223 : i32
        %add3A_225 = arith.addi %mul3A_2, %mul3A_224 : i32
        %multiple_of3A_226 = tpu.assume_multiple %add3A_225, 64 : i32
        "tpu.region"() ({
          %run_scoped3A = tpu.sem_alloc : memref<!tpu.dma_semaphore, #tpu.memory_space<semaphore_mem>>
          %dma_start3A_259 = arith.constant 0 : i32
          %dma_start3A_260 = tpu.memref_slice %arg7[%dma_start3A_259] : memref<192xi32, #tpu.memory_space<vmem>> -> memref<192xi32, #tpu.memory_space<vmem>>
          %dma_start3A_261 = tpu.memref_slice %arg4[%multiple_of3A_226] : memref<262144xi32, #tpu.memory_space<hbm>> -> memref<192xi32, #tpu.memory_space<hbm>>
          %dma_start3A_262 = arith.constant 0 : i32
          %dma_start3A_263 = tpu.memref_slice %arg7[%dma_start3A_262] : memref<192xi32, #tpu.memory_space<vmem>> -> memref<192xi32, #tpu.memory_space<vmem>>
          %dma_start3A_264 = tpu.memref_slice %arg4[%multiple_of3A_226] : memref<262144xi32, #tpu.memory_space<hbm>> -> memref<192xi32, #tpu.memory_space<hbm>>
          tpu.enqueue_dma source(%dma_start3A_264 : memref<192xi32, #tpu.memory_space<hbm>>) target(%dma_start3A_263 : memref<192xi32, #tpu.memory_space<vmem>>) target_semaphore(%run_scoped3A : memref<!tpu.dma_semaphore, #tpu.memory_space<semaphore_mem>>)
          %dma_wait3A_265 = arith.constant 0 : i32
          %dma_wait3A_266 = tpu.memref_slice %arg7[%dma_wait3A_265] : memref<192xi32, #tpu.memory_space<vmem>> -> memref<192xi32, #tpu.memory_space<vmem>>
          %dma_wait3A_267 = tpu.memref_slice %arg4[%multiple_of3A_226] : memref<262144xi32, #tpu.memory_space<hbm>> -> memref<192xi32, #tpu.memory_space<hbm>>
          %dma_wait3A_268 = arith.constant 0 : i32
          %dma_wait3A_269 = tpu.memref_slice %arg7[%dma_wait3A_268] : memref<192xi32, #tpu.memory_space<vmem>> -> memref<192xi32, #tpu.memory_space<vmem>>
          %dma_wait3A_270 = tpu.memref_slice %arg4[%multiple_of3A_226] : memref<262144xi32, #tpu.memory_space<hbm>> -> memref<192xi32, #tpu.memory_space<hbm>>
          tpu.wait_dma2 semaphore(%run_scoped3A : memref<!tpu.dma_semaphore, #tpu.memory_space<semaphore_mem>>) src(%dma_wait3A_270 : memref<192xi32, #tpu.memory_space<hbm>>) dst(%dma_wait3A_269 : memref<192xi32, #tpu.memory_space<vmem>>)
          tpu.yield
        }) : () -> ()
        "tpu.region"() ({
          %run_scoped3A = tpu.sem_alloc : memref<!tpu.dma_semaphore, #tpu.memory_space<semaphore_mem>>
          %dma_start3A_259 = arith.constant 0 : i32
          %dma_start3A_260 = tpu.memref_slice %arg8[%dma_start3A_259] : memref<192xi32, #tpu.memory_space<vmem>> -> memref<192xi32, #tpu.memory_space<vmem>>
          %dma_start3A_261 = tpu.memref_slice %arg5[%multiple_of3A_226] : memref<262144xi32, #tpu.memory_space<hbm>> -> memref<192xi32, #tpu.memory_space<hbm>>
          %dma_start3A_262 = arith.constant 0 : i32
          %dma_start3A_263 = tpu.memref_slice %arg8[%dma_start3A_262] : memref<192xi32, #tpu.memory_space<vmem>> -> memref<192xi32, #tpu.memory_space<vmem>>
          %dma_start3A_264 = tpu.memref_slice %arg5[%multiple_of3A_226] : memref<262144xi32, #tpu.memory_space<hbm>> -> memref<192xi32, #tpu.memory_space<hbm>>
          tpu.enqueue_dma source(%dma_start3A_264 : memref<192xi32, #tpu.memory_space<hbm>>) target(%dma_start3A_263 : memref<192xi32, #tpu.memory_space<vmem>>) target_semaphore(%run_scoped3A : memref<!tpu.dma_semaphore, #tpu.memory_space<semaphore_mem>>)
          %dma_wait3A_265 = arith.constant 0 : i32
          %dma_wait3A_266 = tpu.memref_slice %arg8[%dma_wait3A_265] : memref<192xi32, #tpu.memory_space<vmem>> -> memref<192xi32, #tpu.memory_space<vmem>>
          %dma_wait3A_267 = tpu.memref_slice %arg5[%multiple_of3A_226] : memref<262144xi32, #tpu.memory_space<hbm>> -> memref<192xi32, #tpu.memory_space<hbm>>
          %dma_wait3A_268 = arith.constant 0 : i32
          %dma_wait3A_269 = tpu.memref_slice %arg8[%dma_wait3A_268] : memref<192xi32, #tpu.memory_space<vmem>> -> memref<192xi32, #tpu.memory_space<vmem>>
          %dma_wait3A_270 = tpu.memref_slice %arg5[%multiple_of3A_226] : memref<262144xi32, #tpu.memory_space<hbm>> -> memref<192xi32, #tpu.memory_space<hbm>>
          tpu.wait_dma2 semaphore(%run_scoped3A : memref<!tpu.dma_semaphore, #tpu.memory_space<semaphore_mem>>) src(%dma_wait3A_270 : memref<192xi32, #tpu.memory_space<hbm>>) dst(%dma_wait3A_269 : memref<192xi32, #tpu.memory_space<vmem>>)
          tpu.yield
        }) : () -> ()
        %dma_start3A_227 = arith.constant 0 : i32
        %dma_start3A_228 = arith.constant 0 : i32
        %dma_start3A_229 = tpu.memref_slice %arg11[%dma_start3A_227, %dma_start3A_228] : memref<192x128xf32, #tpu.memory_space<vmem>> -> memref<128x128xf32, #tpu.memory_space<vmem>>
        %dma_start3A_230 = arith.constant 0 : i32
        %dma_start3A_231 = tpu.memref_slice %arg7[%dma_start3A_230] : memref<192xi32, #tpu.memory_space<vmem>> -> memref<128xi32, #tpu.memory_space<vmem>>
        %dma_start3A_232 = arith.constant 0 : i32
        %dma_start3A_233 = arith.constant 0 : i32
        %dma_start3A_234 = tpu.memref_slice %arg2[%dma_start3A_232, %dma_start3A_233] : memref<524288x128xf32, #tpu.memory_space<hbm>> -> memref<524288x128xf32, #tpu.memory_space<hbm>>
        tpu.enqueue_indirect_dma source(%dma_start3A_234 : memref<524288x128xf32, #tpu.memory_space<hbm>>) target(%dma_start3A_229 : memref<128x128xf32, #tpu.memory_space<vmem>>) offsets(%dma_start3A_231 : memref<128xi32, #tpu.memory_space<vmem>>) semaphore(%arg17 : memref<!tpu.dma_semaphore, #tpu.memory_space<semaphore_mem>>)
        %dma_start3A_235 = arith.constant 0 : i32
        %dma_start3A_236 = arith.constant 0 : i32
        %dma_start3A_237 = tpu.memref_slice %arg12[%dma_start3A_235, %dma_start3A_236] : memref<192x128xf32, #tpu.memory_space<vmem>> -> memref<128x128xf32, #tpu.memory_space<vmem>>
        %dma_start3A_238 = arith.constant 0 : i32
        %dma_start3A_239 = tpu.memref_slice %arg8[%dma_start3A_238] : memref<192xi32, #tpu.memory_space<vmem>> -> memref<128xi32, #tpu.memory_space<vmem>>
        %dma_start3A_240 = arith.constant 0 : i32
        %dma_start3A_241 = arith.constant 0 : i32
        %dma_start3A_242 = tpu.memref_slice %arg3[%dma_start3A_240, %dma_start3A_241] : memref<131072x128xf32, #tpu.memory_space<hbm>> -> memref<131072x128xf32, #tpu.memory_space<hbm>>
        tpu.enqueue_indirect_dma source(%dma_start3A_242 : memref<131072x128xf32, #tpu.memory_space<hbm>>) target(%dma_start3A_237 : memref<128x128xf32, #tpu.memory_space<vmem>>) offsets(%dma_start3A_239 : memref<128xi32, #tpu.memory_space<vmem>>) semaphore(%arg17 : memref<!tpu.dma_semaphore, #tpu.memory_space<semaphore_mem>>)
        %dma_start3A_243 = arith.constant 128 : i32
        %dma_start3A_244 = arith.constant 0 : i32
        %dma_start3A_245 = tpu.memref_slice %arg11[%dma_start3A_243, %dma_start3A_244] : memref<192x128xf32, #tpu.memory_space<vmem>> -> memref<64x128xf32, #tpu.memory_space<vmem>>
        %dma_start3A_246 = arith.constant 128 : i32
        %dma_start3A_247 = tpu.memref_slice %arg7[%dma_start3A_246] : memref<192xi32, #tpu.memory_space<vmem>> -> memref<64xi32, #tpu.memory_space<vmem>>
        %dma_start3A_248 = arith.constant 0 : i32
        %dma_start3A_249 = arith.constant 0 : i32
        %dma_start3A_250 = tpu.memref_slice %arg2[%dma_start3A_248, %dma_start3A_249] : memref<524288x128xf32, #tpu.memory_space<hbm>> -> memref<524288x128xf32, #tpu.memory_space<hbm>>
        tpu.enqueue_indirect_dma source(%dma_start3A_250 : memref<524288x128xf32, #tpu.memory_space<hbm>>) target(%dma_start3A_245 : memref<64x128xf32, #tpu.memory_space<vmem>>) offsets(%dma_start3A_247 : memref<64xi32, #tpu.memory_space<vmem>>) semaphore(%arg17 : memref<!tpu.dma_semaphore, #tpu.memory_space<semaphore_mem>>)
        %dma_start3A_251 = arith.constant 128 : i32
        %dma_start3A_252 = arith.constant 0 : i32
        %dma_start3A_253 = tpu.memref_slice %arg12[%dma_start3A_251, %dma_start3A_252] : memref<192x128xf32, #tpu.memory_space<vmem>> -> memref<64x128xf32, #tpu.memory_space<vmem>>
        %dma_start3A_254 = arith.constant 128 : i32
        %dma_start3A_255 = tpu.memref_slice %arg8[%dma_start3A_254] : memref<192xi32, #tpu.memory_space<vmem>> -> memref<64xi32, #tpu.memory_space<vmem>>
        %dma_start3A_256 = arith.constant 0 : i32
        %dma_start3A_257 = arith.constant 0 : i32
        %dma_start3A_258 = tpu.memref_slice %arg3[%dma_start3A_256, %dma_start3A_257] : memref<131072x128xf32, #tpu.memory_space<hbm>> -> memref<131072x128xf32, #tpu.memory_space<hbm>>
        tpu.enqueue_indirect_dma source(%dma_start3A_258 : memref<131072x128xf32, #tpu.memory_space<hbm>>) target(%dma_start3A_253 : memref<64x128xf32, #tpu.memory_space<vmem>>) offsets(%dma_start3A_255 : memref<64xi32, #tpu.memory_space<vmem>>) semaphore(%arg17 : memref<!tpu.dma_semaphore, #tpu.memory_space<semaphore_mem>>)
      } else {
      }
      %dma_wait3A_179 = arith.constant 0 : i32
      %dma_wait3A_180 = arith.constant 0 : i32
      %dma_wait3A_181 = tpu.memref_slice %arg13[%dma_wait3A_179, %dma_wait3A_180] : memref<192x128xf32, #tpu.memory_space<vmem>> -> memref<192x128xf32, #tpu.memory_space<vmem>>
      %dma_wait3A_182 = arith.constant 0 : i32
      %dma_wait3A_183 = arith.constant 0 : i32
      %dma_wait3A_184 = tpu.memref_slice %arg2[%dma_wait3A_182, %dma_wait3A_183] : memref<524288x128xf32, #tpu.memory_space<hbm>> -> memref<192x128xf32, #tpu.memory_space<hbm>>
      %dma_wait3A_185 = arith.constant 0 : i32
      %dma_wait3A_186 = arith.constant 0 : i32
      %dma_wait3A_187 = tpu.memref_slice %arg13[%dma_wait3A_185, %dma_wait3A_186] : memref<192x128xf32, #tpu.memory_space<vmem>> -> memref<192x128xf32, #tpu.memory_space<vmem>>
      %dma_wait3A_188 = arith.constant 0 : i32
      %dma_wait3A_189 = arith.constant 0 : i32
      %dma_wait3A_190 = tpu.memref_slice %arg2[%dma_wait3A_188, %dma_wait3A_189] : memref<524288x128xf32, #tpu.memory_space<hbm>> -> memref<192x128xf32, #tpu.memory_space<hbm>>
      tpu.wait_dma2 semaphore(%arg18 : memref<!tpu.dma_semaphore, #tpu.memory_space<semaphore_mem>>) src(%dma_wait3A_190 : memref<192x128xf32, #tpu.memory_space<hbm>>) dst(%dma_wait3A_187 : memref<192x128xf32, #tpu.memory_space<vmem>>)
      %dma_wait3A_191 = arith.constant 0 : i32
      %dma_wait3A_192 = arith.constant 0 : i32
      %dma_wait3A_193 = tpu.memref_slice %arg14[%dma_wait3A_191, %dma_wait3A_192] : memref<192x128xf32, #tpu.memory_space<vmem>> -> memref<192x128xf32, #tpu.memory_space<vmem>>
      %dma_wait3A_194 = arith.constant 0 : i32
      %dma_wait3A_195 = arith.constant 0 : i32
      %dma_wait3A_196 = tpu.memref_slice %arg2[%dma_wait3A_194, %dma_wait3A_195] : memref<524288x128xf32, #tpu.memory_space<hbm>> -> memref<192x128xf32, #tpu.memory_space<hbm>>
      %dma_wait3A_197 = arith.constant 0 : i32
      %dma_wait3A_198 = arith.constant 0 : i32
      %dma_wait3A_199 = tpu.memref_slice %arg14[%dma_wait3A_197, %dma_wait3A_198] : memref<192x128xf32, #tpu.memory_space<vmem>> -> memref<192x128xf32, #tpu.memory_space<vmem>>
      %dma_wait3A_200 = arith.constant 0 : i32
      %dma_wait3A_201 = arith.constant 0 : i32
      %dma_wait3A_202 = tpu.memref_slice %arg2[%dma_wait3A_200, %dma_wait3A_201] : memref<524288x128xf32, #tpu.memory_space<hbm>> -> memref<192x128xf32, #tpu.memory_space<hbm>>
      tpu.wait_dma2 semaphore(%arg18 : memref<!tpu.dma_semaphore, #tpu.memory_space<semaphore_mem>>) src(%dma_wait3A_202 : memref<192x128xf32, #tpu.memory_space<hbm>>) dst(%dma_wait3A_199 : memref<192x128xf32, #tpu.memory_space<vmem>>)
      %add3A_203 = arith.constant 1 : i32
      %add3A_204 = arith.addi %mul3A_98, %add3A_203 : i32
      %mul3A_205 = arith.constant 192 : i32
      %mul3A_206 = arith.muli %add3A_204, %mul3A_205 : i32
      %add3A_207 = arith.addi %mul3A_2, %mul3A_206 : i32
      %multiple_of3A_208 = tpu.assume_multiple %add3A_207, 64 : i32
      %scan3A_209 = arith.constant 0 : i32
      %scan3A_210 = arith.constant 0 : i32
      %scan3A_211 = arith.constant 12 : i32
      %scan3A_212 = arith.addi %scan3A_210, %scan3A_211 : i32
      %scan3A_213 = arith.constant 1 : i32
      scf.for %scan3A_221 = %scan3A_210 to %scan3A_212 step %scan3A_213  : i32 {
        %mul3A_222 = arith.constant 16 : i32
        %mul3A_223 = arith.muli %scan3A_221, %mul3A_222 : i32
        %add3A_224 = vector.broadcast %mul3A_223 : i32 to vector<16xi32>
        %add3A_225 = arith.addi %add3A_224, %iota3A : vector<16xi32>
        %gather3A = tpu.vector_load_idx %arg13[%add3A_225, %broadcast_in_dim3A_3] : memref<192x128xf32, #tpu.memory_space<vmem>>[vector<16xi32>, vector<16xi32>], vector<16xf32>,
        %gather3A_226 = tpu.vector_load_idx %arg14[%add3A_225, %broadcast_in_dim3A_3] : memref<192x128xf32, #tpu.memory_space<vmem>>[vector<16xi32>, vector<16xi32>], vector<16xf32>,
        %sub3A = arith.subf %gather3A_226, %gather3A : vector<16xf32>
        %exp3A = math.exp %sub3A : vector<16xf32>
        %add3A_227 = arith.constant 1.000000e+00 : f32
        %add3A_228 = vector.broadcast %add3A_227 : f32 to vector<16xf32>
        %add3A_229 = arith.addf %add3A_228, %exp3A : vector<16xf32>
        %div3A = arith.constant 1.000000e+00 : f32
        %div3A_230 = vector.broadcast %div3A : f32 to vector<16xf32>
        %div3A_231 = arith.divf %div3A_230, %add3A_229 : vector<16xf32>
        %mul3A_232 = arith.constant 16 : i32
        %mul3A_233 = arith.muli %scan3A_221, %mul3A_232 : i32
        %swap3A = arith.index_cast %mul3A_233 : i32 to index
        %swap3A_234 = tpu.vector_load %arg15[%swap3A] {strides = array<i32>} : memref<208xf32, #tpu.memory_space<vmem>>, vector<16xf32>,
        tpu.vector_store %arg15[%swap3A], %div3A_231 {strides = array<i32>} : memref<208xf32, #tpu.memory_space<vmem>>, vector<16xf32>,
      }
      %scan3A_214 = arith.constant 12 : i32
      %scan3A_215 = arith.constant 0 : i32
      %scan3A_216 = arith.constant 0 : i32
      %scan3A_217 = arith.constant 192 : i32
      %scan3A_218 = arith.addi %scan3A_216, %scan3A_217 : i32
      %scan3A_219 = arith.constant 1 : i32
      scf.for %scan3A_221 = %scan3A_216 to %scan3A_218 step %scan3A_219  : i32 {
        %get3A = arith.index_cast %scan3A_221 : i32 to index
        %get3A_222 = tpu.vector_load %arg15[%get3A] {strides = array<i32>} : memref<208xf32, #tpu.memory_space<vmem>>, vector<16xf32>,
        %slice3A = vector.extract_strided_slice %get3A_222 {offsets = [0], sizes = [1], strides = [1]} : vector<16xf32> to vector<1xf32>
        %squeeze3A = vector.extract %slice3A[0] : f32 from vector<1xf32>
        %broadcast_in_dim3A_223 = vector.broadcast %squeeze3A : f32 to vector<16xf32>
        %get3A_224 = arith.index_cast %scan3A_221 : i32 to index
        %get3A_225 = arith.constant 0 : index
        %get3A_226 = tpu.vector_load %arg13[%get3A_224, %get3A_225] {strides = array<i32>} : memref<192x128xf32, #tpu.memory_space<vmem>>, vector<16xf32>,
        %get3A_227 = arith.index_cast %scan3A_221 : i32 to index
        %get3A_228 = arith.constant 0 : index
        %get3A_229 = tpu.vector_load %arg14[%get3A_227, %get3A_228] {strides = array<i32>} : memref<192x128xf32, #tpu.memory_space<vmem>>, vector<16xf32>,
        %add3A_230 = arith.addf %get3A_229, %get3A_229 : vector<16xf32>
        %sub3A = arith.subf %get3A_226, %get3A_229 : vector<16xf32>
        %mul3A_231 = arith.mulf %sub3A, %broadcast_in_dim3A_223 : vector<16xf32>
        %add3A_232 = arith.addf %add3A_230, %mul3A_231 : vector<16xf32>
        %swap3A = arith.index_cast %scan3A_221 : i32 to index
        %swap3A_233 = arith.constant 0 : index
        %swap3A_234 = tpu.vector_load %arg16[%swap3A, %swap3A_233] {strides = array<i32>} : memref<192x64xf32, #tpu.memory_space<vmem>>, vector<16xf32>,
        tpu.vector_store %arg16[%swap3A, %swap3A_233], %add3A_232 {strides = array<i32>} : memref<192x64xf32, #tpu.memory_space<vmem>>, vector<16xf32>,
        %get3A_235 = arith.index_cast %scan3A_221 : i32 to index
        %get3A_236 = arith.constant 16 : index
        %get3A_237 = tpu.vector_load %arg13[%get3A_235, %get3A_236] {strides = array<i32>} : memref<192x128xf32, #tpu.memory_space<vmem>>, vector<16xf32>,
        %get3A_238 = arith.index_cast %scan3A_221 : i32 to index
        %get3A_239 = arith.constant 16 : index
        %get3A_240 = tpu.vector_load %arg14[%get3A_238, %get3A_239] {strides = array<i32>} : memref<192x128xf32, #tpu.memory_space<vmem>>, vector<16xf32>,
        %add3A_241 = arith.addf %get3A_240, %get3A_240 : vector<16xf32>
        %sub3A_242 = arith.subf %get3A_237, %get3A_240 : vector<16xf32>
        %mul3A_243 = arith.mulf %sub3A_242, %broadcast_in_dim3A_223 : vector<16xf32>
        %add3A_244 = arith.addf %add3A_241, %mul3A_243 : vector<16xf32>
        %swap3A_245 = arith.index_cast %scan3A_221 : i32 to index
        %swap3A_246 = arith.constant 16 : index
        %swap3A_247 = tpu.vector_load %arg16[%swap3A_245, %swap3A_246] {strides = array<i32>} : memref<192x64xf32, #tpu.memory_space<vmem>>, vector<16xf32>,
        tpu.vector_store %arg16[%swap3A_245, %swap3A_246], %add3A_244 {strides = array<i32>} : memref<192x64xf32, #tpu.memory_space<vmem>>, vector<16xf32>,
        %get3A_248 = arith.index_cast %scan3A_221 : i32 to index
        %get3A_249 = arith.constant 32 : index
        %get3A_250 = tpu.vector_load %arg13[%get3A_248, %get3A_249] {strides = array<i32>} : memref<192x128xf32, #tpu.memory_space<vmem>>, vector<16xf32>,
        %get3A_251 = arith.index_cast %scan3A_221 : i32 to index
        %get3A_252 = arith.constant 32 : index
        %get3A_253 = tpu.vector_load %arg14[%get3A_251, %get3A_252] {strides = array<i32>} : memref<192x128xf32, #tpu.memory_space<vmem>>, vector<16xf32>,
        %add3A_254 = arith.addf %get3A_253, %get3A_253 : vector<16xf32>
        %sub3A_255 = arith.subf %get3A_250, %get3A_253 : vector<16xf32>
        %mul3A_256 = arith.mulf %sub3A_255, %broadcast_in_dim3A_223 : vector<16xf32>
        %add3A_257 = arith.addf %add3A_254, %mul3A_256 : vector<16xf32>
        %swap3A_258 = arith.index_cast %scan3A_221 : i32 to index
        %swap3A_259 = arith.constant 32 : index
        %swap3A_260 = tpu.vector_load %arg16[%swap3A_258, %swap3A_259] {strides = array<i32>} : memref<192x64xf32, #tpu.memory_space<vmem>>, vector<16xf32>,
        tpu.vector_store %arg16[%swap3A_258, %swap3A_259], %add3A_257 {strides = array<i32>} : memref<192x64xf32, #tpu.memory_space<vmem>>, vector<16xf32>,
        %get3A_261 = arith.index_cast %scan3A_221 : i32 to index
        %get3A_262 = arith.constant 48 : index
        %get3A_263 = tpu.vector_load %arg13[%get3A_261, %get3A_262] {strides = array<i32>} : memref<192x128xf32, #tpu.memory_space<vmem>>, vector<16xf32>,
        %get3A_264 = arith.index_cast %scan3A_221 : i32 to index
        %get3A_265 = arith.constant 48 : index
        %get3A_266 = tpu.vector_load %arg14[%get3A_264, %get3A_265] {strides = array<i32>} : memref<192x128xf32, #tpu.memory_space<vmem>>, vector<16xf32>,
        %add3A_267 = arith.addf %get3A_266, %get3A_266 : vector<16xf32>
        %sub3A_268 = arith.subf %get3A_263, %get3A_266 : vector<16xf32>
        %mul3A_269 = arith.mulf %sub3A_268, %broadcast_in_dim3A_223 : vector<16xf32>
        %add3A_270 = arith.addf %add3A_267, %mul3A_269 : vector<16xf32>
        %swap3A_271 = arith.index_cast %scan3A_221 : i32 to index
        %swap3A_272 = arith.constant 48 : index
        %swap3A_273 = tpu.vector_load %arg16[%swap3A_271, %swap3A_272] {strides = array<i32>} : memref<192x64xf32, #tpu.memory_space<vmem>>, vector<16xf32>,
        tpu.vector_store %arg16[%swap3A_271, %swap3A_272], %add3A_270 {strides = array<i32>} : memref<192x64xf32, #tpu.memory_space<vmem>>, vector<16xf32>,
      }
      %scan3A_220 = arith.constant 192 : i32
      "tpu.region"() ({
        %run_scoped3A = tpu.sem_alloc : memref<!tpu.dma_semaphore, #tpu.memory_space<semaphore_mem>>
        %dma_start3A_221 = arith.constant 0 : i32
        %dma_start3A_222 = arith.constant 0 : i32
        %dma_start3A_223 = tpu.memref_slice %arg16[%dma_start3A_221, %dma_start3A_222] : memref<192x64xf32, #tpu.memory_space<vmem>> -> memref<192x64xf32, #tpu.memory_space<vmem>>
        %dma_start3A_224 = arith.constant 0 : i32
        %dma_start3A_225 = tpu.memref_slice %arg6[%multiple_of3A_208, %dma_start3A_224] : memref<262144x64xf32, #tpu.memory_space<hbm>> -> memref<192x64xf32, #tpu.memory_space<hbm>>
        %dma_start3A_226 = arith.constant 0 : i32
        %dma_start3A_227 = tpu.memref_slice %arg6[%multiple_of3A_208, %dma_start3A_226] : memref<262144x64xf32, #tpu.memory_space<hbm>> -> memref<192x64xf32, #tpu.memory_space<hbm>>
        %dma_start3A_228 = arith.constant 0 : i32
        %dma_start3A_229 = arith.constant 0 : i32
        %dma_start3A_230 = tpu.memref_slice %arg16[%dma_start3A_228, %dma_start3A_229] : memref<192x64xf32, #tpu.memory_space<vmem>> -> memref<192x64xf32, #tpu.memory_space<vmem>>
        tpu.enqueue_dma source(%dma_start3A_230 : memref<192x64xf32, #tpu.memory_space<vmem>>) target(%dma_start3A_227 : memref<192x64xf32, #tpu.memory_space<hbm>>) target_semaphore(%run_scoped3A : memref<!tpu.dma_semaphore, #tpu.memory_space<semaphore_mem>>)
        %dma_wait3A_231 = arith.constant 0 : i32
        %dma_wait3A_232 = arith.constant 0 : i32
        %dma_wait3A_233 = tpu.memref_slice %arg16[%dma_wait3A_231, %dma_wait3A_232] : memref<192x64xf32, #tpu.memory_space<vmem>> -> memref<192x64xf32, #tpu.memory_space<vmem>>
        %dma_wait3A_234 = arith.constant 0 : i32
        %dma_wait3A_235 = tpu.memref_slice %arg6[%multiple_of3A_208, %dma_wait3A_234] : memref<262144x64xf32, #tpu.memory_space<hbm>> -> memref<192x64xf32, #tpu.memory_space<hbm>>
        %dma_wait3A_236 = arith.constant 0 : i32
        %dma_wait3A_237 = tpu.memref_slice %arg6[%multiple_of3A_208, %dma_wait3A_236] : memref<262144x64xf32, #tpu.memory_space<hbm>> -> memref<192x64xf32, #tpu.memory_space<hbm>>
        %dma_wait3A_238 = arith.constant 0 : i32
        %dma_wait3A_239 = arith.constant 0 : i32
        %dma_wait3A_240 = tpu.memref_slice %arg16[%dma_wait3A_238, %dma_wait3A_239] : memref<192x64xf32, #tpu.memory_space<vmem>> -> memref<192x64xf32, #tpu.memory_space<vmem>>
        tpu.wait_dma2 semaphore(%run_scoped3A : memref<!tpu.dma_semaphore, #tpu.memory_space<semaphore_mem>>) src(%dma_wait3A_240 : memref<192x64xf32, #tpu.memory_space<vmem>>) dst(%dma_wait3A_237 : memref<192x64xf32, #tpu.memory_space<hbm>>)
        tpu.yield
      }) : () -> ()
    }
    %scan3A_41 = arith.constant 21 : i32
    %add3A_42 = arith.constant 8064 : i32
    %add3A_43 = arith.addi %mul3A_2, %add3A_42 : i32
    %multiple_of3A_44 = tpu.assume_multiple %add3A_43, 64 : i32
    "tpu.region"() ({
      %run_scoped3A = tpu.sem_alloc : memref<!tpu.dma_semaphore, #tpu.memory_space<semaphore_mem>>
      %dma_start3A_96 = arith.constant 0 : i32
      %dma_start3A_97 = tpu.memref_slice %arg7[%dma_start3A_96] : memref<192xi32, #tpu.memory_space<vmem>> -> memref<128xi32, #tpu.memory_space<vmem>>
      %dma_start3A_98 = tpu.memref_slice %arg4[%multiple_of3A_44] : memref<262144xi32, #tpu.memory_space<hbm>> -> memref<128xi32, #tpu.memory_space<hbm>>
      %dma_start3A_99 = arith.constant 0 : i32
      %dma_start3A_100 = tpu.memref_slice %arg7[%dma_start3A_99] : memref<192xi32, #tpu.memory_space<vmem>> -> memref<128xi32, #tpu.memory_space<vmem>>
      %dma_start3A_101 = tpu.memref_slice %arg4[%multiple_of3A_44] : memref<262144xi32, #tpu.memory_space<hbm>> -> memref<128xi32, #tpu.memory_space<hbm>>
      tpu.enqueue_dma source(%dma_start3A_101 : memref<128xi32, #tpu.memory_space<hbm>>) target(%dma_start3A_100 : memref<128xi32, #tpu.memory_space<vmem>>) target_semaphore(%run_scoped3A : memref<!tpu.dma_semaphore, #tpu.memory_space<semaphore_mem>>)
      %dma_wait3A_102 = arith.constant 0 : i32
      %dma_wait3A_103 = tpu.memref_slice %arg7[%dma_wait3A_102] : memref<192xi32, #tpu.memory_space<vmem>> -> memref<128xi32, #tpu.memory_space<vmem>>
      %dma_wait3A_104 = tpu.memref_slice %arg4[%multiple_of3A_44] : memref<262144xi32, #tpu.memory_space<hbm>> -> memref<128xi32, #tpu.memory_space<hbm>>
      %dma_wait3A_105 = arith.constant 0 : i32
      %dma_wait3A_106 = tpu.memref_slice %arg7[%dma_wait3A_105] : memref<192xi32, #tpu.memory_space<vmem>> -> memref<128xi32, #tpu.memory_space<vmem>>
      %dma_wait3A_107 = tpu.memref_slice %arg4[%multiple_of3A_44] : memref<262144xi32, #tpu.memory_space<hbm>> -> memref<128xi32, #tpu.memory_space<hbm>>
      tpu.wait_dma2 semaphore(%run_scoped3A : memref<!tpu.dma_semaphore, #tpu.memory_space<semaphore_mem>>) src(%dma_wait3A_107 : memref<128xi32, #tpu.memory_space<hbm>>) dst(%dma_wait3A_106 : memref<128xi32, #tpu.memory_space<vmem>>)
      tpu.yield
    }) : () -> ()
    "tpu.region"() ({
      %run_scoped3A = tpu.sem_alloc : memref<!tpu.dma_semaphore, #tpu.memory_space<semaphore_mem>>
      %dma_start3A_96 = arith.constant 0 : i32
      %dma_start3A_97 = tpu.memref_slice %arg8[%dma_start3A_96] : memref<192xi32, #tpu.memory_space<vmem>> -> memref<128xi32, #tpu.memory_space<vmem>>
      %dma_start3A_98 = tpu.memref_slice %arg5[%multiple_of3A_44] : memref<262144xi32, #tpu.memory_space<hbm>> -> memref<128xi32, #tpu.memory_space<hbm>>
      %dma_start3A_99 = arith.constant 0 : i32
      %dma_start3A_100 = tpu.memref_slice %arg8[%dma_start3A_99] : memref<192xi32, #tpu.memory_space<vmem>> -> memref<128xi32, #tpu.memory_space<vmem>>
      %dma_start3A_101 = tpu.memref_slice %arg5[%multiple_of3A_44] : memref<262144xi32, #tpu.memory_space<hbm>> -> memref<128xi32, #tpu.memory_space<hbm>>
      tpu.enqueue_dma source(%dma_start3A_101 : memref<128xi32, #tpu.memory_space<hbm>>) target(%dma_start3A_100 : memref<128xi32, #tpu.memory_space<vmem>>) target_semaphore(%run_scoped3A : memref<!tpu.dma_semaphore, #tpu.memory_space<semaphore_mem>>)
      %dma_wait3A_102 = arith.constant 0 : i32
      %dma_wait3A_103 = tpu.memref_slice %arg8[%dma_wait3A_102] : memref<192xi32, #tpu.memory_space<vmem>> -> memref<128xi32, #tpu.memory_space<vmem>>
      %dma_wait3A_104 = tpu.memref_slice %arg5[%multiple_of3A_44] : memref<262144xi32, #tpu.memory_space<hbm>> -> memref<128xi32, #tpu.memory_space<hbm>>
      %dma_wait3A_105 = arith.constant 0 : i32
      %dma_wait3A_106 = tpu.memref_slice %arg8[%dma_wait3A_105] : memref<192xi32, #tpu.memory_space<vmem>> -> memref<128xi32, #tpu.memory_space<vmem>>
      %dma_wait3A_107 = tpu.memref_slice %arg5[%multiple_of3A_44] : memref<262144xi32, #tpu.memory_space<hbm>> -> memref<128xi32, #tpu.memory_space<hbm>>
      tpu.wait_dma2 semaphore(%run_scoped3A : memref<!tpu.dma_semaphore, #tpu.memory_space<semaphore_mem>>) src(%dma_wait3A_107 : memref<128xi32, #tpu.memory_space<hbm>>) dst(%dma_wait3A_106 : memref<128xi32, #tpu.memory_space<vmem>>)
      tpu.yield
    }) : () -> ()
    %dma_start3A_45 = arith.constant 0 : i32
    %dma_start3A_46 = arith.constant 0 : i32
    %dma_start3A_47 = tpu.memref_slice %arg11[%dma_start3A_45, %dma_start3A_46] : memref<192x128xf32, #tpu.memory_space<vmem>> -> memref<128x128xf32, #tpu.memory_space<vmem>>
    %dma_start3A_48 = arith.constant 0 : i32
    %dma_start3A_49 = tpu.memref_slice %arg7[%dma_start3A_48] : memref<192xi32, #tpu.memory_space<vmem>> -> memref<128xi32, #tpu.memory_space<vmem>>
    %dma_start3A_50 = arith.constant 0 : i32
    %dma_start3A_51 = arith.constant 0 : i32
    %dma_start3A_52 = tpu.memref_slice %arg2[%dma_start3A_50, %dma_start3A_51] : memref<524288x128xf32, #tpu.memory_space<hbm>> -> memref<524288x128xf32, #tpu.memory_space<hbm>>
    tpu.enqueue_indirect_dma source(%dma_start3A_52 : memref<524288x128xf32, #tpu.memory_space<hbm>>) target(%dma_start3A_47 : memref<128x128xf32, #tpu.memory_space<vmem>>) offsets(%dma_start3A_49 : memref<128xi32, #tpu.memory_space<vmem>>) semaphore(%arg17 : memref<!tpu.dma_semaphore, #tpu.memory_space<semaphore_mem>>)
    %dma_start3A_53 = arith.constant 0 : i32
    %dma_start3A_54 = arith.constant 0 : i32
    %dma_start3A_55 = tpu.memref_slice %arg12[%dma_start3A_53, %dma_start3A_54] : memref<192x128xf32, #tpu.memory_space<vmem>> -> memref<128x128xf32, #tpu.memory_space<vmem>>
    %dma_start3A_56 = arith.constant 0 : i32
    %dma_start3A_57 = tpu.memref_slice %arg8[%dma_start3A_56] : memref<192xi32, #tpu.memory_space<vmem>> -> memref<128xi32, #tpu.memory_space<vmem>>
    %dma_start3A_58 = arith.constant 0 : i32
    %dma_start3A_59 = arith.constant 0 : i32
    %dma_start3A_60 = tpu.memref_slice %arg3[%dma_start3A_58, %dma_start3A_59] : memref<131072x128xf32, #tpu.memory_space<hbm>> -> memref<131072x128xf32, #tpu.memory_space<hbm>>
    tpu.enqueue_indirect_dma source(%dma_start3A_60 : memref<131072x128xf32, #tpu.memory_space<hbm>>) target(%dma_start3A_55 : memref<128x128xf32, #tpu.memory_space<vmem>>) offsets(%dma_start3A_57 : memref<128xi32, #tpu.memory_space<vmem>>) semaphore(%arg17 : memref<!tpu.dma_semaphore, #tpu.memory_space<semaphore_mem>>)
    %dma_wait3A = arith.constant 0 : i32
    %dma_wait3A_61 = arith.constant 0 : i32
    %dma_wait3A_62 = tpu.memref_slice %arg11[%dma_wait3A, %dma_wait3A_61] : memref<192x128xf32, #tpu.memory_space<vmem>> -> memref<128x128xf32, #tpu.memory_space<vmem>>
    %dma_wait3A_63 = arith.constant 0 : i32
    %dma_wait3A_64 = arith.constant 0 : i32
    %dma_wait3A_65 = tpu.memref_slice %arg2[%dma_wait3A_63, %dma_wait3A_64] : memref<524288x128xf32, #tpu.memory_space<hbm>> -> memref<128x128xf32, #tpu.memory_space<hbm>>
    %dma_wait3A_66 = arith.constant 0 : i32
    %dma_wait3A_67 = arith.constant 0 : i32
    %dma_wait3A_68 = tpu.memref_slice %arg11[%dma_wait3A_66, %dma_wait3A_67] : memref<192x128xf32, #tpu.memory_space<vmem>> -> memref<128x128xf32, #tpu.memory_space<vmem>>
    %dma_wait3A_69 = arith.constant 0 : i32
    %dma_wait3A_70 = arith.constant 0 : i32
    %dma_wait3A_71 = tpu.memref_slice %arg2[%dma_wait3A_69, %dma_wait3A_70] : memref<524288x128xf32, #tpu.memory_space<hbm>> -> memref<128x128xf32, #tpu.memory_space<hbm>>
    tpu.wait_dma2 semaphore(%arg17 : memref<!tpu.dma_semaphore, #tpu.memory_space<semaphore_mem>>) src(%dma_wait3A_71 : memref<128x128xf32, #tpu.memory_space<hbm>>) dst(%dma_wait3A_68 : memref<128x128xf32, #tpu.memory_space<vmem>>)
    %dma_wait3A_72 = arith.constant 0 : i32
    %dma_wait3A_73 = arith.constant 0 : i32
    %dma_wait3A_74 = tpu.memref_slice %arg12[%dma_wait3A_72, %dma_wait3A_73] : memref<192x128xf32, #tpu.memory_space<vmem>> -> memref<128x128xf32, #tpu.memory_space<vmem>>
    %dma_wait3A_75 = arith.constant 0 : i32
    %dma_wait3A_76 = arith.constant 0 : i32
    %dma_wait3A_77 = tpu.memref_slice %arg2[%dma_wait3A_75, %dma_wait3A_76] : memref<524288x128xf32, #tpu.memory_space<hbm>> -> memref<128x128xf32, #tpu.memory_space<hbm>>
    %dma_wait3A_78 = arith.constant 0 : i32
    %dma_wait3A_79 = arith.constant 0 : i32
    %dma_wait3A_80 = tpu.memref_slice %arg12[%dma_wait3A_78, %dma_wait3A_79] : memref<192x128xf32, #tpu.memory_space<vmem>> -> memref<128x128xf32, #tpu.memory_space<vmem>>
    %dma_wait3A_81 = arith.constant 0 : i32
    %dma_wait3A_82 = arith.constant 0 : i32
    %dma_wait3A_83 = tpu.memref_slice %arg2[%dma_wait3A_81, %dma_wait3A_82] : memref<524288x128xf32, #tpu.memory_space<hbm>> -> memref<128x128xf32, #tpu.memory_space<hbm>>
    tpu.wait_dma2 semaphore(%arg17 : memref<!tpu.dma_semaphore, #tpu.memory_space<semaphore_mem>>) src(%dma_wait3A_83 : memref<128x128xf32, #tpu.memory_space<hbm>>) dst(%dma_wait3A_80 : memref<128x128xf32, #tpu.memory_space<vmem>>)
    %scan3A_84 = arith.constant 0 : i32
    %scan3A_85 = arith.constant 0 : i32
    %scan3A_86 = arith.constant 8 : i32
    %scan3A_87 = arith.addi %scan3A_85, %scan3A_86 : i32
    %scan3A_88 = arith.constant 1 : i32
    scf.for %scan3A_96 = %scan3A_85 to %scan3A_87 step %scan3A_88  : i32 {
      %mul3A_97 = arith.constant 16 : i32
      %mul3A_98 = arith.muli %scan3A_96, %mul3A_97 : i32
      %add3A_99 = vector.broadcast %mul3A_98 : i32 to vector<16xi32>
      %add3A_100 = arith.addi %add3A_99, %iota3A : vector<16xi32>
      %gather3A = tpu.vector_load_idx %arg11[%add3A_100, %broadcast_in_dim3A_3] : memref<192x128xf32, #tpu.memory_space<vmem>>[vector<16xi32>, vector<16xi32>], vector<16xf32>,
      %gather3A_101 = tpu.vector_load_idx %arg12[%add3A_100, %broadcast_in_dim3A_3] : memref<192x128xf32, #tpu.memory_space<vmem>>[vector<16xi32>, vector<16xi32>], vector<16xf32>,
      %sub3A = arith.subf %gather3A_101, %gather3A : vector<16xf32>
      %exp3A = math.exp %sub3A : vector<16xf32>
      %add3A_102 = arith.constant 1.000000e+00 : f32
      %add3A_103 = vector.broadcast %add3A_102 : f32 to vector<16xf32>
      %add3A_104 = arith.addf %add3A_103, %exp3A : vector<16xf32>
      %div3A = arith.constant 1.000000e+00 : f32
      %div3A_105 = vector.broadcast %div3A : f32 to vector<16xf32>
      %div3A_106 = arith.divf %div3A_105, %add3A_104 : vector<16xf32>
      %mul3A_107 = arith.constant 16 : i32
      %mul3A_108 = arith.muli %scan3A_96, %mul3A_107 : i32
      %swap3A = arith.index_cast %mul3A_108 : i32 to index
      %swap3A_109 = tpu.vector_load %arg15[%swap3A] {strides = array<i32>} : memref<208xf32, #tpu.memory_space<vmem>>, vector<16xf32>,
      tpu.vector_store %arg15[%swap3A], %div3A_106 {strides = array<i32>} : memref<208xf32, #tpu.memory_space<vmem>>, vector<16xf32>,
    }
    %scan3A_89 = arith.constant 8 : i32
    %scan3A_90 = arith.constant 0 : i32
    %scan3A_91 = arith.constant 0 : i32
    %scan3A_92 = arith.constant 128 : i32
    %scan3A_93 = arith.addi %scan3A_91, %scan3A_92 : i32
    %scan3A_94 = arith.constant 1 : i32
    scf.for %scan3A_96 = %scan3A_91 to %scan3A_93 step %scan3A_94  : i32 {
      %get3A = arith.index_cast %scan3A_96 : i32 to index
      %get3A_97 = tpu.vector_load %arg15[%get3A] {strides = array<i32>} : memref<208xf32, #tpu.memory_space<vmem>>, vector<16xf32>,
      %slice3A = vector.extract_strided_slice %get3A_97 {offsets = [0], sizes = [1], strides = [1]} : vector<16xf32> to vector<1xf32>
      %squeeze3A = vector.extract %slice3A[0] : f32 from vector<1xf32>
      %broadcast_in_dim3A_98 = vector.broadcast %squeeze3A : f32 to vector<16xf32>
      %get3A_99 = arith.index_cast %scan3A_96 : i32 to index
      %get3A_100 = arith.constant 0 : index
      %get3A_101 = tpu.vector_load %arg11[%get3A_99, %get3A_100] {strides = array<i32>} : memref<192x128xf32, #tpu.memory_space<vmem>>, vector<16xf32>,
      %get3A_102 = arith.index_cast %scan3A_96 : i32 to index
      %get3A_103 = arith.constant 0 : index
      %get3A_104 = tpu.vector_load %arg12[%get3A_102, %get3A_103] {strides = array<i32>} : memref<192x128xf32, #tpu.memory_space<vmem>>, vector<16xf32>,
      %add3A_105 = arith.addf %get3A_104, %get3A_104 : vector<16xf32>
      %sub3A = arith.subf %get3A_101, %get3A_104 : vector<16xf32>
      %mul3A_106 = arith.mulf %sub3A, %broadcast_in_dim3A_98 : vector<16xf32>
      %add3A_107 = arith.addf %add3A_105, %mul3A_106 : vector<16xf32>
      %swap3A = arith.index_cast %scan3A_96 : i32 to index
      %swap3A_108 = arith.constant 0 : index
      %swap3A_109 = tpu.vector_load %arg16[%swap3A, %swap3A_108] {strides = array<i32>} : memref<192x64xf32, #tpu.memory_space<vmem>>, vector<16xf32>,
      tpu.vector_store %arg16[%swap3A, %swap3A_108], %add3A_107 {strides = array<i32>} : memref<192x64xf32, #tpu.memory_space<vmem>>, vector<16xf32>,
      %get3A_110 = arith.index_cast %scan3A_96 : i32 to index
      %get3A_111 = arith.constant 16 : index
      %get3A_112 = tpu.vector_load %arg11[%get3A_110, %get3A_111] {strides = array<i32>} : memref<192x128xf32, #tpu.memory_space<vmem>>, vector<16xf32>,
      %get3A_113 = arith.index_cast %scan3A_96 : i32 to index
      %get3A_114 = arith.constant 16 : index
      %get3A_115 = tpu.vector_load %arg12[%get3A_113, %get3A_114] {strides = array<i32>} : memref<192x128xf32, #tpu.memory_space<vmem>>, vector<16xf32>,
      %add3A_116 = arith.addf %get3A_115, %get3A_115 : vector<16xf32>
      %sub3A_117 = arith.subf %get3A_112, %get3A_115 : vector<16xf32>
      %mul3A_118 = arith.mulf %sub3A_117, %broadcast_in_dim3A_98 : vector<16xf32>
      %add3A_119 = arith.addf %add3A_116, %mul3A_118 : vector<16xf32>
      %swap3A_120 = arith.index_cast %scan3A_96 : i32 to index
      %swap3A_121 = arith.constant 16 : index
      %swap3A_122 = tpu.vector_load %arg16[%swap3A_120, %swap3A_121] {strides = array<i32>} : memref<192x64xf32, #tpu.memory_space<vmem>>, vector<16xf32>,
      tpu.vector_store %arg16[%swap3A_120, %swap3A_121], %add3A_119 {strides = array<i32>} : memref<192x64xf32, #tpu.memory_space<vmem>>, vector<16xf32>,
      %get3A_123 = arith.index_cast %scan3A_96 : i32 to index
      %get3A_124 = arith.constant 32 : index
      %get3A_125 = tpu.vector_load %arg11[%get3A_123, %get3A_124] {strides = array<i32>} : memref<192x128xf32, #tpu.memory_space<vmem>>, vector<16xf32>,
      %get3A_126 = arith.index_cast %scan3A_96 : i32 to index
      %get3A_127 = arith.constant 32 : index
      %get3A_128 = tpu.vector_load %arg12[%get3A_126, %get3A_127] {strides = array<i32>} : memref<192x128xf32, #tpu.memory_space<vmem>>, vector<16xf32>,
      %add3A_129 = arith.addf %get3A_128, %get3A_128 : vector<16xf32>
      %sub3A_130 = arith.subf %get3A_125, %get3A_128 : vector<16xf32>
      %mul3A_131 = arith.mulf %sub3A_130, %broadcast_in_dim3A_98 : vector<16xf32>
      %add3A_132 = arith.addf %add3A_129, %mul3A_131 : vector<16xf32>
      %swap3A_133 = arith.index_cast %scan3A_96 : i32 to index
      %swap3A_134 = arith.constant 32 : index
      %swap3A_135 = tpu.vector_load %arg16[%swap3A_133, %swap3A_134] {strides = array<i32>} : memref<192x64xf32, #tpu.memory_space<vmem>>, vector<16xf32>,
      tpu.vector_store %arg16[%swap3A_133, %swap3A_134], %add3A_132 {strides = array<i32>} : memref<192x64xf32, #tpu.memory_space<vmem>>, vector<16xf32>,
      %get3A_136 = arith.index_cast %scan3A_96 : i32 to index
      %get3A_137 = arith.constant 48 : index
      %get3A_138 = tpu.vector_load %arg11[%get3A_136, %get3A_137] {strides = array<i32>} : memref<192x128xf32, #tpu.memory_space<vmem>>, vector<16xf32>,
      %get3A_139 = arith.index_cast %scan3A_96 : i32 to index
      %get3A_140 = arith.constant 48 : index
      %get3A_141 = tpu.vector_load %arg12[%get3A_139, %get3A_140] {strides = array<i32>} : memref<192x128xf32, #tpu.memory_space<vmem>>, vector<16xf32>,
      %add3A_142 = arith.addf %get3A_141, %get3A_141 : vector<16xf32>
      %sub3A_143 = arith.subf %get3A_138, %get3A_141 : vector<16xf32>
      %mul3A_144 = arith.mulf %sub3A_143, %broadcast_in_dim3A_98 : vector<16xf32>
      %add3A_145 = arith.addf %add3A_142, %mul3A_144 : vector<16xf32>
      %swap3A_146 = arith.index_cast %scan3A_96 : i32 to index
      %swap3A_147 = arith.constant 48 : index
      %swap3A_148 = tpu.vector_load %arg16[%swap3A_146, %swap3A_147] {strides = array<i32>} : memref<192x64xf32, #tpu.memory_space<vmem>>, vector<16xf32>,
      tpu.vector_store %arg16[%swap3A_146, %swap3A_147], %add3A_145 {strides = array<i32>} : memref<192x64xf32, #tpu.memory_space<vmem>>, vector<16xf32>,
    }
    %scan3A_95 = arith.constant 128 : i32
    "tpu.region"() ({
      %run_scoped3A = tpu.sem_alloc : memref<!tpu.dma_semaphore, #tpu.memory_space<semaphore_mem>>
      %dma_start3A_96 = arith.constant 0 : i32
      %dma_start3A_97 = arith.constant 0 : i32
      %dma_start3A_98 = tpu.memref_slice %arg16[%dma_start3A_96, %dma_start3A_97] : memref<192x64xf32, #tpu.memory_space<vmem>> -> memref<128x64xf32, #tpu.memory_space<vmem>>
      %dma_start3A_99 = arith.constant 0 : i32
      %dma_start3A_100 = tpu.memref_slice %arg6[%multiple_of3A_44, %dma_start3A_99] : memref<262144x64xf32, #tpu.memory_space<hbm>> -> memref<128x64xf32, #tpu.memory_space<hbm>>
      %dma_start3A_101 = arith.constant 0 : i32
      %dma_start3A_102 = tpu.memref_slice %arg6[%multiple_of3A_44, %dma_start3A_101] : memref<262144x64xf32, #tpu.memory_space<hbm>> -> memref<128x64xf32, #tpu.memory_space<hbm>>
      %dma_start3A_103 = arith.constant 0 : i32
      %dma_start3A_104 = arith.constant 0 : i32
      %dma_start3A_105 = tpu.memref_slice %arg16[%dma_start3A_103, %dma_start3A_104] : memref<192x64xf32, #tpu.memory_space<vmem>> -> memref<128x64xf32, #tpu.memory_space<vmem>>
      tpu.enqueue_dma source(%dma_start3A_105 : memref<128x64xf32, #tpu.memory_space<vmem>>) target(%dma_start3A_102 : memref<128x64xf32, #tpu.memory_space<hbm>>) target_semaphore(%run_scoped3A : memref<!tpu.dma_semaphore, #tpu.memory_space<semaphore_mem>>)
      %dma_wait3A_106 = arith.constant 0 : i32
      %dma_wait3A_107 = arith.constant 0 : i32
      %dma_wait3A_108 = tpu.memref_slice %arg16[%dma_wait3A_106, %dma_wait3A_107] : memref<192x64xf32, #tpu.memory_space<vmem>> -> memref<128x64xf32, #tpu.memory_space<vmem>>
      %dma_wait3A_109 = arith.constant 0 : i32
      %dma_wait3A_110 = tpu.memref_slice %arg6[%multiple_of3A_44, %dma_wait3A_109] : memref<262144x64xf32, #tpu.memory_space<hbm>> -> memref<128x64xf32, #tpu.memory_space<hbm>>
      %dma_wait3A_111 = arith.constant 0 : i32
      %dma_wait3A_112 = tpu.memref_slice %arg6[%multiple_of3A_44, %dma_wait3A_111] : memref<262144x64xf32, #tpu.memory_space<hbm>> -> memref<128x64xf32, #tpu.memory_space<hbm>>
      %dma_wait3A_113 = arith.constant 0 : i32
      %dma_wait3A_114 = arith.constant 0 : i32
      %dma_wait3A_115 = tpu.memref_slice %arg16[%dma_wait3A_113, %dma_wait3A_114] : memref<192x64xf32, #tpu.memory_space<vmem>> -> memref<128x64xf32, #tpu.memory_space<vmem>>
      tpu.wait_dma2 semaphore(%run_scoped3A : memref<!tpu.dma_semaphore, #tpu.memory_space<semaphore_mem>>) src(%dma_wait3A_115 : memref<128x64xf32, #tpu.memory_space<vmem>>) dst(%dma_wait3A_112 : memref<128x64xf32, #tpu.memory_space<hbm>>)
      tpu.yield
    }) : () -> ()
    return
  }
}

module attributes {stable_mosaic.version = 14 : i64} {
  func.func @_dense_body(%arg0: i32, %arg1: i32, %arg2: memref<1x20x8x256xf32, #tpu.memory_space<vmem>>, %arg3: memref<64x20xf32, #tpu.memory_space<vmem>>, %arg4: memref<64x20xf32, #tpu.memory_space<vmem>>, %arg5: memref<64x1xf32, #tpu.memory_space<vmem>>, %arg6: memref<1x8x256x128xf32, #tpu.memory_space<vmem>>) attributes {dimension_semantics = [#tpu.dimension_semantics<arbitrary>, #tpu.dimension_semantics<arbitrary>], iteration_bounds = array<i64: 2, 32>, scalar_prefetch = 0 : i64, scratch_operands = 0 : i64, tpu.core_type = #tpu.core_type<tc>, window_params = [{transform_indices = @transform_0, window_bounds = array<i64: 1, 20, 8, 256>}, {pipeline_mode = #tpu.pipeline_mode<synchronous>, transform_indices = @transform_1, window_bounds = array<i64: 64, 20>}, {pipeline_mode = #tpu.pipeline_mode<synchronous>, transform_indices = @transform_2, window_bounds = array<i64: 64, 20>}, {pipeline_mode = #tpu.pipeline_mode<synchronous>, transform_indices = @transform_3, window_bounds = array<i64: 64, 1>}, {transform_indices = @transform_4, window_bounds = array<i64: 1, 8, 256, 128>}]} {
    %get3A = arith.constant 0 : index
    %get3A_0 = arith.constant 0 : index
    %get3A_1 = arith.constant 0 : index
    %get3A_2 = arith.constant 0 : index
    %get3A_3 = vector.load %arg2[%get3A, %get3A_0, %get3A_1, %get3A_2] : memref<1x20x8x256xf32, #tpu.memory_space<vmem>>, vector<1x20x1x256xf32>
    %reshape3A = vector.shape_cast %get3A_3 : vector<1x20x1x256xf32> to vector<20x256xf32>
    %get3A_4 = arith.constant 0 : index
    %get3A_5 = arith.constant 0 : index
    %get3A_6 = vector.load %arg3[%get3A_4, %get3A_5] : memref<64x20xf32, #tpu.memory_space<vmem>>, vector<64x20xf32>
    %dot_general3A = arith.constant dense<0.000000e+00> : vector<256x64xf32>
    %dot_general3A_7 = tpu.matmul %reshape3A, %get3A_6, %dot_general3A {dimension_numbers = #tpu.dot_dimension_numbers<[0], [1], [1], [0], [0, 1, 1, 0], [], []>, transpose_lhs_hint = false} : vector<20x256xf32>, vector<64x20xf32>, vector<256x64xf32> -> vector<256x64xf32>
    %tanh3A = math.tanh %dot_general3A_7 : vector<256x64xf32>
    %get3A_8 = arith.constant 0 : index
    %get3A_9 = arith.constant 0 : index
    %get3A_10 = vector.load %arg5[%get3A_8, %get3A_9] : memref<64x1xf32, #tpu.memory_space<vmem>>, vector<64x1xf32>
    %dot_general3A_11 = arith.constant dense<0.000000e+00> : vector<256x1xf32>
    %dot_general3A_12 = tpu.matmul %tanh3A, %get3A_10, %dot_general3A_11 {dimension_numbers = #tpu.dot_dimension_numbers<[1], [0], [0], [1], [0, 0, 1, 1], [], []>, transpose_lhs_hint = false} : vector<256x64xf32>, vector<64x1xf32>, vector<256x1xf32> -> vector<256x1xf32>
    %get3A_13 = arith.constant 0 : index
    %get3A_14 = arith.constant 0 : index
    %get3A_15 = vector.load %arg4[%get3A_13, %get3A_14] : memref<64x20xf32, #tpu.memory_space<vmem>>, vector<64x20xf32>
    %dot_general3A_16 = arith.constant dense<0.000000e+00> : vector<256x64xf32>
    %dot_general3A_17 = tpu.matmul %reshape3A, %get3A_15, %dot_general3A_16 {dimension_numbers = #tpu.dot_dimension_numbers<[0], [1], [1], [0], [0, 1, 1, 0], [], []>, transpose_lhs_hint = false} : vector<20x256xf32>, vector<64x20xf32>, vector<256x64xf32> -> vector<256x64xf32>
    %broadcast_in_dim3A = arith.constant 0.000000e+00 : f32
    %broadcast_in_dim3A_18 = vector.broadcast %broadcast_in_dim3A : f32 to vector<256x63xf32>
    %concatenate3A = tpu.concatenate %dot_general3A_17, %dot_general3A_12, %broadcast_in_dim3A_18 in 1 : vector<256x64xf32>, vector<256x1xf32>, vector<256x63xf32> -> vector<256x128xf32>
    %reshape3A_19 = vector.shape_cast %concatenate3A : vector<256x128xf32> to vector<1x1x256x128xf32>
    %swap3A = arith.constant 0 : index
    %swap3A_20 = arith.constant 0 : index
    %swap3A_21 = arith.constant 0 : index
    %swap3A_22 = arith.constant 0 : index
    %swap3A_23 = vector.load %arg6[%swap3A, %swap3A_20, %swap3A_21, %swap3A_22] : memref<1x8x256x128xf32, #tpu.memory_space<vmem>>, vector<1x1x256x128xf32>
    tpu.vector_store %arg6[%swap3A, %swap3A_20, %swap3A_21, %swap3A_22], %reshape3A_19 {strides = array<i32>} : memref<1x8x256x128xf32, #tpu.memory_space<vmem>>, vector<1x1x256x128xf32>,
    %get3A_24 = arith.constant 0 : index
    %get3A_25 = arith.constant 0 : index
    %get3A_26 = arith.constant 1 : index
    %get3A_27 = arith.constant 0 : index
    %get3A_28 = vector.load %arg2[%get3A_24, %get3A_25, %get3A_26, %get3A_27] : memref<1x20x8x256xf32, #tpu.memory_space<vmem>>, vector<1x20x1x256xf32>
    %reshape3A_29 = vector.shape_cast %get3A_28 : vector<1x20x1x256xf32> to vector<20x256xf32>
    %get3A_30 = arith.constant 0 : index
    %get3A_31 = arith.constant 0 : index
    %get3A_32 = vector.load %arg3[%get3A_30, %get3A_31] : memref<64x20xf32, #tpu.memory_space<vmem>>, vector<64x20xf32>
    %dot_general3A_33 = arith.constant dense<0.000000e+00> : vector<256x64xf32>
    %dot_general3A_34 = tpu.matmul %reshape3A_29, %get3A_32, %dot_general3A_33 {dimension_numbers = #tpu.dot_dimension_numbers<[0], [1], [1], [0], [0, 1, 1, 0], [], []>, transpose_lhs_hint = false} : vector<20x256xf32>, vector<64x20xf32>, vector<256x64xf32> -> vector<256x64xf32>
    %tanh3A_35 = math.tanh %dot_general3A_34 : vector<256x64xf32>
    %get3A_36 = arith.constant 0 : index
    %get3A_37 = arith.constant 0 : index
    %get3A_38 = vector.load %arg5[%get3A_36, %get3A_37] : memref<64x1xf32, #tpu.memory_space<vmem>>, vector<64x1xf32>
    %dot_general3A_39 = arith.constant dense<0.000000e+00> : vector<256x1xf32>
    %dot_general3A_40 = tpu.matmul %tanh3A_35, %get3A_38, %dot_general3A_39 {dimension_numbers = #tpu.dot_dimension_numbers<[1], [0], [0], [1], [0, 0, 1, 1], [], []>, transpose_lhs_hint = false} : vector<256x64xf32>, vector<64x1xf32>, vector<256x1xf32> -> vector<256x1xf32>
    %get3A_41 = arith.constant 0 : index
    %get3A_42 = arith.constant 0 : index
    %get3A_43 = vector.load %arg4[%get3A_41, %get3A_42] : memref<64x20xf32, #tpu.memory_space<vmem>>, vector<64x20xf32>
    %dot_general3A_44 = arith.constant dense<0.000000e+00> : vector<256x64xf32>
    %dot_general3A_45 = tpu.matmul %reshape3A_29, %get3A_43, %dot_general3A_44 {dimension_numbers = #tpu.dot_dimension_numbers<[0], [1], [1], [0], [0, 1, 1, 0], [], []>, transpose_lhs_hint = false} : vector<20x256xf32>, vector<64x20xf32>, vector<256x64xf32> -> vector<256x64xf32>
    %broadcast_in_dim3A_46 = arith.constant 0.000000e+00 : f32
    %broadcast_in_dim3A_47 = vector.broadcast %broadcast_in_dim3A_46 : f32 to vector<256x63xf32>
    %concatenate3A_48 = tpu.concatenate %dot_general3A_45, %dot_general3A_40, %broadcast_in_dim3A_47 in 1 : vector<256x64xf32>, vector<256x1xf32>, vector<256x63xf32> -> vector<256x128xf32>
    %reshape3A_49 = vector.shape_cast %concatenate3A_48 : vector<256x128xf32> to vector<1x1x256x128xf32>
    %swap3A_50 = arith.constant 0 : index
    %swap3A_51 = arith.constant 1 : index
    %swap3A_52 = arith.constant 0 : index
    %swap3A_53 = arith.constant 0 : index
    %swap3A_54 = vector.load %arg6[%swap3A_50, %swap3A_51, %swap3A_52, %swap3A_53] : memref<1x8x256x128xf32, #tpu.memory_space<vmem>>, vector<1x1x256x128xf32>
    tpu.vector_store %arg6[%swap3A_50, %swap3A_51, %swap3A_52, %swap3A_53], %reshape3A_49 {strides = array<i32>} : memref<1x8x256x128xf32, #tpu.memory_space<vmem>>, vector<1x1x256x128xf32>,
    %get3A_55 = arith.constant 0 : index
    %get3A_56 = arith.constant 0 : index
    %get3A_57 = arith.constant 2 : index
    %get3A_58 = arith.constant 0 : index
    %get3A_59 = vector.load %arg2[%get3A_55, %get3A_56, %get3A_57, %get3A_58] : memref<1x20x8x256xf32, #tpu.memory_space<vmem>>, vector<1x20x1x256xf32>
    %reshape3A_60 = vector.shape_cast %get3A_59 : vector<1x20x1x256xf32> to vector<20x256xf32>
    %get3A_61 = arith.constant 0 : index
    %get3A_62 = arith.constant 0 : index
    %get3A_63 = vector.load %arg3[%get3A_61, %get3A_62] : memref<64x20xf32, #tpu.memory_space<vmem>>, vector<64x20xf32>
    %dot_general3A_64 = arith.constant dense<0.000000e+00> : vector<256x64xf32>
    %dot_general3A_65 = tpu.matmul %reshape3A_60, %get3A_63, %dot_general3A_64 {dimension_numbers = #tpu.dot_dimension_numbers<[0], [1], [1], [0], [0, 1, 1, 0], [], []>, transpose_lhs_hint = false} : vector<20x256xf32>, vector<64x20xf32>, vector<256x64xf32> -> vector<256x64xf32>
    %tanh3A_66 = math.tanh %dot_general3A_65 : vector<256x64xf32>
    %get3A_67 = arith.constant 0 : index
    %get3A_68 = arith.constant 0 : index
    %get3A_69 = vector.load %arg5[%get3A_67, %get3A_68] : memref<64x1xf32, #tpu.memory_space<vmem>>, vector<64x1xf32>
    %dot_general3A_70 = arith.constant dense<0.000000e+00> : vector<256x1xf32>
    %dot_general3A_71 = tpu.matmul %tanh3A_66, %get3A_69, %dot_general3A_70 {dimension_numbers = #tpu.dot_dimension_numbers<[1], [0], [0], [1], [0, 0, 1, 1], [], []>, transpose_lhs_hint = false} : vector<256x64xf32>, vector<64x1xf32>, vector<256x1xf32> -> vector<256x1xf32>
    %get3A_72 = arith.constant 0 : index
    %get3A_73 = arith.constant 0 : index
    %get3A_74 = vector.load %arg4[%get3A_72, %get3A_73] : memref<64x20xf32, #tpu.memory_space<vmem>>, vector<64x20xf32>
    %dot_general3A_75 = arith.constant dense<0.000000e+00> : vector<256x64xf32>
    %dot_general3A_76 = tpu.matmul %reshape3A_60, %get3A_74, %dot_general3A_75 {dimension_numbers = #tpu.dot_dimension_numbers<[0], [1], [1], [0], [0, 1, 1, 0], [], []>, transpose_lhs_hint = false} : vector<20x256xf32>, vector<64x20xf32>, vector<256x64xf32> -> vector<256x64xf32>
    %broadcast_in_dim3A_77 = arith.constant 0.000000e+00 : f32
    %broadcast_in_dim3A_78 = vector.broadcast %broadcast_in_dim3A_77 : f32 to vector<256x63xf32>
    %concatenate3A_79 = tpu.concatenate %dot_general3A_76, %dot_general3A_71, %broadcast_in_dim3A_78 in 1 : vector<256x64xf32>, vector<256x1xf32>, vector<256x63xf32> -> vector<256x128xf32>
    %reshape3A_80 = vector.shape_cast %concatenate3A_79 : vector<256x128xf32> to vector<1x1x256x128xf32>
    %swap3A_81 = arith.constant 0 : index
    %swap3A_82 = arith.constant 2 : index
    %swap3A_83 = arith.constant 0 : index
    %swap3A_84 = arith.constant 0 : index
    %swap3A_85 = vector.load %arg6[%swap3A_81, %swap3A_82, %swap3A_83, %swap3A_84] : memref<1x8x256x128xf32, #tpu.memory_space<vmem>>, vector<1x1x256x128xf32>
    tpu.vector_store %arg6[%swap3A_81, %swap3A_82, %swap3A_83, %swap3A_84], %reshape3A_80 {strides = array<i32>} : memref<1x8x256x128xf32, #tpu.memory_space<vmem>>, vector<1x1x256x128xf32>,
    %get3A_86 = arith.constant 0 : index
    %get3A_87 = arith.constant 0 : index
    %get3A_88 = arith.constant 3 : index
    %get3A_89 = arith.constant 0 : index
    %get3A_90 = vector.load %arg2[%get3A_86, %get3A_87, %get3A_88, %get3A_89] : memref<1x20x8x256xf32, #tpu.memory_space<vmem>>, vector<1x20x1x256xf32>
    %reshape3A_91 = vector.shape_cast %get3A_90 : vector<1x20x1x256xf32> to vector<20x256xf32>
    %get3A_92 = arith.constant 0 : index
    %get3A_93 = arith.constant 0 : index
    %get3A_94 = vector.load %arg3[%get3A_92, %get3A_93] : memref<64x20xf32, #tpu.memory_space<vmem>>, vector<64x20xf32>
    %dot_general3A_95 = arith.constant dense<0.000000e+00> : vector<256x64xf32>
    %dot_general3A_96 = tpu.matmul %reshape3A_91, %get3A_94, %dot_general3A_95 {dimension_numbers = #tpu.dot_dimension_numbers<[0], [1], [1], [0], [0, 1, 1, 0], [], []>, transpose_lhs_hint = false} : vector<20x256xf32>, vector<64x20xf32>, vector<256x64xf32> -> vector<256x64xf32>
    %tanh3A_97 = math.tanh %dot_general3A_96 : vector<256x64xf32>
    %get3A_98 = arith.constant 0 : index
    %get3A_99 = arith.constant 0 : index
    %get3A_100 = vector.load %arg5[%get3A_98, %get3A_99] : memref<64x1xf32, #tpu.memory_space<vmem>>, vector<64x1xf32>
    %dot_general3A_101 = arith.constant dense<0.000000e+00> : vector<256x1xf32>
    %dot_general3A_102 = tpu.matmul %tanh3A_97, %get3A_100, %dot_general3A_101 {dimension_numbers = #tpu.dot_dimension_numbers<[1], [0], [0], [1], [0, 0, 1, 1], [], []>, transpose_lhs_hint = false} : vector<256x64xf32>, vector<64x1xf32>, vector<256x1xf32> -> vector<256x1xf32>
    %get3A_103 = arith.constant 0 : index
    %get3A_104 = arith.constant 0 : index
    %get3A_105 = vector.load %arg4[%get3A_103, %get3A_104] : memref<64x20xf32, #tpu.memory_space<vmem>>, vector<64x20xf32>
    %dot_general3A_106 = arith.constant dense<0.000000e+00> : vector<256x64xf32>
    %dot_general3A_107 = tpu.matmul %reshape3A_91, %get3A_105, %dot_general3A_106 {dimension_numbers = #tpu.dot_dimension_numbers<[0], [1], [1], [0], [0, 1, 1, 0], [], []>, transpose_lhs_hint = false} : vector<20x256xf32>, vector<64x20xf32>, vector<256x64xf32> -> vector<256x64xf32>
    %broadcast_in_dim3A_108 = arith.constant 0.000000e+00 : f32
    %broadcast_in_dim3A_109 = vector.broadcast %broadcast_in_dim3A_108 : f32 to vector<256x63xf32>
    %concatenate3A_110 = tpu.concatenate %dot_general3A_107, %dot_general3A_102, %broadcast_in_dim3A_109 in 1 : vector<256x64xf32>, vector<256x1xf32>, vector<256x63xf32> -> vector<256x128xf32>
    %reshape3A_111 = vector.shape_cast %concatenate3A_110 : vector<256x128xf32> to vector<1x1x256x128xf32>
    %swap3A_112 = arith.constant 0 : index
    %swap3A_113 = arith.constant 3 : index
    %swap3A_114 = arith.constant 0 : index
    %swap3A_115 = arith.constant 0 : index
    %swap3A_116 = vector.load %arg6[%swap3A_112, %swap3A_113, %swap3A_114, %swap3A_115] : memref<1x8x256x128xf32, #tpu.memory_space<vmem>>, vector<1x1x256x128xf32>
    tpu.vector_store %arg6[%swap3A_112, %swap3A_113, %swap3A_114, %swap3A_115], %reshape3A_111 {strides = array<i32>} : memref<1x8x256x128xf32, #tpu.memory_space<vmem>>, vector<1x1x256x128xf32>,
    %get3A_117 = arith.constant 0 : index
    %get3A_118 = arith.constant 0 : index
    %get3A_119 = arith.constant 4 : index
    %get3A_120 = arith.constant 0 : index
    %get3A_121 = vector.load %arg2[%get3A_117, %get3A_118, %get3A_119, %get3A_120] : memref<1x20x8x256xf32, #tpu.memory_space<vmem>>, vector<1x20x1x256xf32>
    %reshape3A_122 = vector.shape_cast %get3A_121 : vector<1x20x1x256xf32> to vector<20x256xf32>
    %get3A_123 = arith.constant 0 : index
    %get3A_124 = arith.constant 0 : index
    %get3A_125 = vector.load %arg3[%get3A_123, %get3A_124] : memref<64x20xf32, #tpu.memory_space<vmem>>, vector<64x20xf32>
    %dot_general3A_126 = arith.constant dense<0.000000e+00> : vector<256x64xf32>
    %dot_general3A_127 = tpu.matmul %reshape3A_122, %get3A_125, %dot_general3A_126 {dimension_numbers = #tpu.dot_dimension_numbers<[0], [1], [1], [0], [0, 1, 1, 0], [], []>, transpose_lhs_hint = false} : vector<20x256xf32>, vector<64x20xf32>, vector<256x64xf32> -> vector<256x64xf32>
    %tanh3A_128 = math.tanh %dot_general3A_127 : vector<256x64xf32>
    %get3A_129 = arith.constant 0 : index
    %get3A_130 = arith.constant 0 : index
    %get3A_131 = vector.load %arg5[%get3A_129, %get3A_130] : memref<64x1xf32, #tpu.memory_space<vmem>>, vector<64x1xf32>
    %dot_general3A_132 = arith.constant dense<0.000000e+00> : vector<256x1xf32>
    %dot_general3A_133 = tpu.matmul %tanh3A_128, %get3A_131, %dot_general3A_132 {dimension_numbers = #tpu.dot_dimension_numbers<[1], [0], [0], [1], [0, 0, 1, 1], [], []>, transpose_lhs_hint = false} : vector<256x64xf32>, vector<64x1xf32>, vector<256x1xf32> -> vector<256x1xf32>
    %get3A_134 = arith.constant 0 : index
    %get3A_135 = arith.constant 0 : index
    %get3A_136 = vector.load %arg4[%get3A_134, %get3A_135] : memref<64x20xf32, #tpu.memory_space<vmem>>, vector<64x20xf32>
    %dot_general3A_137 = arith.constant dense<0.000000e+00> : vector<256x64xf32>
    %dot_general3A_138 = tpu.matmul %reshape3A_122, %get3A_136, %dot_general3A_137 {dimension_numbers = #tpu.dot_dimension_numbers<[0], [1], [1], [0], [0, 1, 1, 0], [], []>, transpose_lhs_hint = false} : vector<20x256xf32>, vector<64x20xf32>, vector<256x64xf32> -> vector<256x64xf32>
    %broadcast_in_dim3A_139 = arith.constant 0.000000e+00 : f32
    %broadcast_in_dim3A_140 = vector.broadcast %broadcast_in_dim3A_139 : f32 to vector<256x63xf32>
    %concatenate3A_141 = tpu.concatenate %dot_general3A_138, %dot_general3A_133, %broadcast_in_dim3A_140 in 1 : vector<256x64xf32>, vector<256x1xf32>, vector<256x63xf32> -> vector<256x128xf32>
    %reshape3A_142 = vector.shape_cast %concatenate3A_141 : vector<256x128xf32> to vector<1x1x256x128xf32>
    %swap3A_143 = arith.constant 0 : index
    %swap3A_144 = arith.constant 4 : index
    %swap3A_145 = arith.constant 0 : index
    %swap3A_146 = arith.constant 0 : index
    %swap3A_147 = vector.load %arg6[%swap3A_143, %swap3A_144, %swap3A_145, %swap3A_146] : memref<1x8x256x128xf32, #tpu.memory_space<vmem>>, vector<1x1x256x128xf32>
    tpu.vector_store %arg6[%swap3A_143, %swap3A_144, %swap3A_145, %swap3A_146], %reshape3A_142 {strides = array<i32>} : memref<1x8x256x128xf32, #tpu.memory_space<vmem>>, vector<1x1x256x128xf32>,
    %get3A_148 = arith.constant 0 : index
    %get3A_149 = arith.constant 0 : index
    %get3A_150 = arith.constant 5 : index
    %get3A_151 = arith.constant 0 : index
    %get3A_152 = vector.load %arg2[%get3A_148, %get3A_149, %get3A_150, %get3A_151] : memref<1x20x8x256xf32, #tpu.memory_space<vmem>>, vector<1x20x1x256xf32>
    %reshape3A_153 = vector.shape_cast %get3A_152 : vector<1x20x1x256xf32> to vector<20x256xf32>
    %get3A_154 = arith.constant 0 : index
    %get3A_155 = arith.constant 0 : index
    %get3A_156 = vector.load %arg3[%get3A_154, %get3A_155] : memref<64x20xf32, #tpu.memory_space<vmem>>, vector<64x20xf32>
    %dot_general3A_157 = arith.constant dense<0.000000e+00> : vector<256x64xf32>
    %dot_general3A_158 = tpu.matmul %reshape3A_153, %get3A_156, %dot_general3A_157 {dimension_numbers = #tpu.dot_dimension_numbers<[0], [1], [1], [0], [0, 1, 1, 0], [], []>, transpose_lhs_hint = false} : vector<20x256xf32>, vector<64x20xf32>, vector<256x64xf32> -> vector<256x64xf32>
    %tanh3A_159 = math.tanh %dot_general3A_158 : vector<256x64xf32>
    %get3A_160 = arith.constant 0 : index
    %get3A_161 = arith.constant 0 : index
    %get3A_162 = vector.load %arg5[%get3A_160, %get3A_161] : memref<64x1xf32, #tpu.memory_space<vmem>>, vector<64x1xf32>
    %dot_general3A_163 = arith.constant dense<0.000000e+00> : vector<256x1xf32>
    %dot_general3A_164 = tpu.matmul %tanh3A_159, %get3A_162, %dot_general3A_163 {dimension_numbers = #tpu.dot_dimension_numbers<[1], [0], [0], [1], [0, 0, 1, 1], [], []>, transpose_lhs_hint = false} : vector<256x64xf32>, vector<64x1xf32>, vector<256x1xf32> -> vector<256x1xf32>
    %get3A_165 = arith.constant 0 : index
    %get3A_166 = arith.constant 0 : index
    %get3A_167 = vector.load %arg4[%get3A_165, %get3A_166] : memref<64x20xf32, #tpu.memory_space<vmem>>, vector<64x20xf32>
    %dot_general3A_168 = arith.constant dense<0.000000e+00> : vector<256x64xf32>
    %dot_general3A_169 = tpu.matmul %reshape3A_153, %get3A_167, %dot_general3A_168 {dimension_numbers = #tpu.dot_dimension_numbers<[0], [1], [1], [0], [0, 1, 1, 0], [], []>, transpose_lhs_hint = false} : vector<20x256xf32>, vector<64x20xf32>, vector<256x64xf32> -> vector<256x64xf32>
    %broadcast_in_dim3A_170 = arith.constant 0.000000e+00 : f32
    %broadcast_in_dim3A_171 = vector.broadcast %broadcast_in_dim3A_170 : f32 to vector<256x63xf32>
    %concatenate3A_172 = tpu.concatenate %dot_general3A_169, %dot_general3A_164, %broadcast_in_dim3A_171 in 1 : vector<256x64xf32>, vector<256x1xf32>, vector<256x63xf32> -> vector<256x128xf32>
    %reshape3A_173 = vector.shape_cast %concatenate3A_172 : vector<256x128xf32> to vector<1x1x256x128xf32>
    %swap3A_174 = arith.constant 0 : index
    %swap3A_175 = arith.constant 5 : index
    %swap3A_176 = arith.constant 0 : index
    %swap3A_177 = arith.constant 0 : index
    %swap3A_178 = vector.load %arg6[%swap3A_174, %swap3A_175, %swap3A_176, %swap3A_177] : memref<1x8x256x128xf32, #tpu.memory_space<vmem>>, vector<1x1x256x128xf32>
    tpu.vector_store %arg6[%swap3A_174, %swap3A_175, %swap3A_176, %swap3A_177], %reshape3A_173 {strides = array<i32>} : memref<1x8x256x128xf32, #tpu.memory_space<vmem>>, vector<1x1x256x128xf32>,
    %get3A_179 = arith.constant 0 : index
    %get3A_180 = arith.constant 0 : index
    %get3A_181 = arith.constant 6 : index
    %get3A_182 = arith.constant 0 : index
    %get3A_183 = vector.load %arg2[%get3A_179, %get3A_180, %get3A_181, %get3A_182] : memref<1x20x8x256xf32, #tpu.memory_space<vmem>>, vector<1x20x1x256xf32>
    %reshape3A_184 = vector.shape_cast %get3A_183 : vector<1x20x1x256xf32> to vector<20x256xf32>
    %get3A_185 = arith.constant 0 : index
    %get3A_186 = arith.constant 0 : index
    %get3A_187 = vector.load %arg3[%get3A_185, %get3A_186] : memref<64x20xf32, #tpu.memory_space<vmem>>, vector<64x20xf32>
    %dot_general3A_188 = arith.constant dense<0.000000e+00> : vector<256x64xf32>
    %dot_general3A_189 = tpu.matmul %reshape3A_184, %get3A_187, %dot_general3A_188 {dimension_numbers = #tpu.dot_dimension_numbers<[0], [1], [1], [0], [0, 1, 1, 0], [], []>, transpose_lhs_hint = false} : vector<20x256xf32>, vector<64x20xf32>, vector<256x64xf32> -> vector<256x64xf32>
    %tanh3A_190 = math.tanh %dot_general3A_189 : vector<256x64xf32>
    %get3A_191 = arith.constant 0 : index
    %get3A_192 = arith.constant 0 : index
    %get3A_193 = vector.load %arg5[%get3A_191, %get3A_192] : memref<64x1xf32, #tpu.memory_space<vmem>>, vector<64x1xf32>
    %dot_general3A_194 = arith.constant dense<0.000000e+00> : vector<256x1xf32>
    %dot_general3A_195 = tpu.matmul %tanh3A_190, %get3A_193, %dot_general3A_194 {dimension_numbers = #tpu.dot_dimension_numbers<[1], [0], [0], [1], [0, 0, 1, 1], [], []>, transpose_lhs_hint = false} : vector<256x64xf32>, vector<64x1xf32>, vector<256x1xf32> -> vector<256x1xf32>
    %get3A_196 = arith.constant 0 : index
    %get3A_197 = arith.constant 0 : index
    %get3A_198 = vector.load %arg4[%get3A_196, %get3A_197] : memref<64x20xf32, #tpu.memory_space<vmem>>, vector<64x20xf32>
    %dot_general3A_199 = arith.constant dense<0.000000e+00> : vector<256x64xf32>
    %dot_general3A_200 = tpu.matmul %reshape3A_184, %get3A_198, %dot_general3A_199 {dimension_numbers = #tpu.dot_dimension_numbers<[0], [1], [1], [0], [0, 1, 1, 0], [], []>, transpose_lhs_hint = false} : vector<20x256xf32>, vector<64x20xf32>, vector<256x64xf32> -> vector<256x64xf32>
    %broadcast_in_dim3A_201 = arith.constant 0.000000e+00 : f32
    %broadcast_in_dim3A_202 = vector.broadcast %broadcast_in_dim3A_201 : f32 to vector<256x63xf32>
    %concatenate3A_203 = tpu.concatenate %dot_general3A_200, %dot_general3A_195, %broadcast_in_dim3A_202 in 1 : vector<256x64xf32>, vector<256x1xf32>, vector<256x63xf32> -> vector<256x128xf32>
    %reshape3A_204 = vector.shape_cast %concatenate3A_203 : vector<256x128xf32> to vector<1x1x256x128xf32>
    %swap3A_205 = arith.constant 0 : index
    %swap3A_206 = arith.constant 6 : index
    %swap3A_207 = arith.constant 0 : index
    %swap3A_208 = arith.constant 0 : index
    %swap3A_209 = vector.load %arg6[%swap3A_205, %swap3A_206, %swap3A_207, %swap3A_208] : memref<1x8x256x128xf32, #tpu.memory_space<vmem>>, vector<1x1x256x128xf32>
    tpu.vector_store %arg6[%swap3A_205, %swap3A_206, %swap3A_207, %swap3A_208], %reshape3A_204 {strides = array<i32>} : memref<1x8x256x128xf32, #tpu.memory_space<vmem>>, vector<1x1x256x128xf32>,
    %get3A_210 = arith.constant 0 : index
    %get3A_211 = arith.constant 0 : index
    %get3A_212 = arith.constant 7 : index
    %get3A_213 = arith.constant 0 : index
    %get3A_214 = vector.load %arg2[%get3A_210, %get3A_211, %get3A_212, %get3A_213] : memref<1x20x8x256xf32, #tpu.memory_space<vmem>>, vector<1x20x1x256xf32>
    %reshape3A_215 = vector.shape_cast %get3A_214 : vector<1x20x1x256xf32> to vector<20x256xf32>
    %get3A_216 = arith.constant 0 : index
    %get3A_217 = arith.constant 0 : index
    %get3A_218 = vector.load %arg3[%get3A_216, %get3A_217] : memref<64x20xf32, #tpu.memory_space<vmem>>, vector<64x20xf32>
    %dot_general3A_219 = arith.constant dense<0.000000e+00> : vector<256x64xf32>
    %dot_general3A_220 = tpu.matmul %reshape3A_215, %get3A_218, %dot_general3A_219 {dimension_numbers = #tpu.dot_dimension_numbers<[0], [1], [1], [0], [0, 1, 1, 0], [], []>, transpose_lhs_hint = false} : vector<20x256xf32>, vector<64x20xf32>, vector<256x64xf32> -> vector<256x64xf32>
    %tanh3A_221 = math.tanh %dot_general3A_220 : vector<256x64xf32>
    %get3A_222 = arith.constant 0 : index
    %get3A_223 = arith.constant 0 : index
    %get3A_224 = vector.load %arg5[%get3A_222, %get3A_223] : memref<64x1xf32, #tpu.memory_space<vmem>>, vector<64x1xf32>
    %dot_general3A_225 = arith.constant dense<0.000000e+00> : vector<256x1xf32>
    %dot_general3A_226 = tpu.matmul %tanh3A_221, %get3A_224, %dot_general3A_225 {dimension_numbers = #tpu.dot_dimension_numbers<[1], [0], [0], [1], [0, 0, 1, 1], [], []>, transpose_lhs_hint = false} : vector<256x64xf32>, vector<64x1xf32>, vector<256x1xf32> -> vector<256x1xf32>
    %get3A_227 = arith.constant 0 : index
    %get3A_228 = arith.constant 0 : index
    %get3A_229 = vector.load %arg4[%get3A_227, %get3A_228] : memref<64x20xf32, #tpu.memory_space<vmem>>, vector<64x20xf32>
    %dot_general3A_230 = arith.constant dense<0.000000e+00> : vector<256x64xf32>
    %dot_general3A_231 = tpu.matmul %reshape3A_215, %get3A_229, %dot_general3A_230 {dimension_numbers = #tpu.dot_dimension_numbers<[0], [1], [1], [0], [0, 1, 1, 0], [], []>, transpose_lhs_hint = false} : vector<20x256xf32>, vector<64x20xf32>, vector<256x64xf32> -> vector<256x64xf32>
    %broadcast_in_dim3A_232 = arith.constant 0.000000e+00 : f32
    %broadcast_in_dim3A_233 = vector.broadcast %broadcast_in_dim3A_232 : f32 to vector<256x63xf32>
    %concatenate3A_234 = tpu.concatenate %dot_general3A_231, %dot_general3A_226, %broadcast_in_dim3A_233 in 1 : vector<256x64xf32>, vector<256x1xf32>, vector<256x63xf32> -> vector<256x128xf32>
    %reshape3A_235 = vector.shape_cast %concatenate3A_234 : vector<256x128xf32> to vector<1x1x256x128xf32>
    %swap3A_236 = arith.constant 0 : index
    %swap3A_237 = arith.constant 7 : index
    %swap3A_238 = arith.constant 0 : index
    %swap3A_239 = arith.constant 0 : index
    %swap3A_240 = vector.load %arg6[%swap3A_236, %swap3A_237, %swap3A_238, %swap3A_239] : memref<1x8x256x128xf32, #tpu.memory_space<vmem>>, vector<1x1x256x128xf32>
    tpu.vector_store %arg6[%swap3A_236, %swap3A_237, %swap3A_238, %swap3A_239], %reshape3A_235 {strides = array<i32>} : memref<1x8x256x128xf32, #tpu.memory_space<vmem>>, vector<1x1x256x128xf32>,
    return
  }
  func.func @transform_0(%arg0: i32, %arg1: i32) -> (i32, i32, i32, i32) {
    %c0_i32 = arith.constant 0 : i32
    %c0_i32_0 = arith.constant 0 : i32
    %c0_i32_1 = arith.constant 0 : i32
    return %arg0, %c0_i32, %arg1, %c0_i32_0 : i32, i32, i32, i32
  }
  func.func @transform_1(%arg0: i32, %arg1: i32) -> (i32, i32) {
    %c0_i32 = arith.constant 0 : i32
    %c0_i32_0 = arith.constant 0 : i32
    %c0_i32_1 = arith.constant 0 : i32
    return %c0_i32, %c0_i32_0 : i32, i32
  }
  func.func @transform_2(%arg0: i32, %arg1: i32) -> (i32, i32) {
    %c0_i32 = arith.constant 0 : i32
    %c0_i32_0 = arith.constant 0 : i32
    %c0_i32_1 = arith.constant 0 : i32
    return %c0_i32, %c0_i32_0 : i32, i32
  }
  func.func @transform_3(%arg0: i32, %arg1: i32) -> (i32, i32) {
    %c0_i32 = arith.constant 0 : i32
    %c0_i32_0 = arith.constant 0 : i32
    %c0_i32_1 = arith.constant 0 : i32
    return %c0_i32, %c0_i32_0 : i32, i32
  }
  func.func @transform_4(%arg0: i32, %arg1: i32) -> (i32, i32, i32, i32) {
    %c0_i32 = arith.constant 0 : i32
    %c0_i32_0 = arith.constant 0 : i32
    %c0_i32_1 = arith.constant 0 : i32
    return %arg0, %arg1, %c0_i32, %c0_i32_0 : i32, i32, i32, i32
  }
}

module attributes {stable_mosaic.version = 14 : i64} {
  func.func @_dense_body(%arg0: i32, %arg1: i32, %arg2: memref<1x64x8x512xf32, #tpu.memory_space<vmem>>, %arg3: memref<64x64xf32, #tpu.memory_space<vmem>>, %arg4: memref<64x64xf32, #tpu.memory_space<vmem>>, %arg5: memref<64x1xf32, #tpu.memory_space<vmem>>, %arg6: memref<1x8x512x128xf32, #tpu.memory_space<vmem>>) attributes {dimension_semantics = [#tpu.dimension_semantics<arbitrary>, #tpu.dimension_semantics<arbitrary>], iteration_bounds = array<i64: 2, 64>, scalar_prefetch = 0 : i64, scratch_operands = 0 : i64, tpu.core_type = #tpu.core_type<tc>, window_params = [{transform_indices = @transform_0, window_bounds = array<i64: 1, 64, 8, 512>}, {pipeline_mode = #tpu.pipeline_mode<synchronous>, transform_indices = @transform_1, window_bounds = array<i64: 64, 64>}, {pipeline_mode = #tpu.pipeline_mode<synchronous>, transform_indices = @transform_2, window_bounds = array<i64: 64, 64>}, {pipeline_mode = #tpu.pipeline_mode<synchronous>, transform_indices = @transform_3, window_bounds = array<i64: 64, 1>}, {transform_indices = @transform_4, window_bounds = array<i64: 1, 8, 512, 128>}]} {
    %get3A = arith.constant 0 : index
    %get3A_0 = arith.constant 0 : index
    %get3A_1 = arith.constant 0 : index
    %get3A_2 = arith.constant 0 : index
    %get3A_3 = vector.load %arg2[%get3A, %get3A_0, %get3A_1, %get3A_2] : memref<1x64x8x512xf32, #tpu.memory_space<vmem>>, vector<1x64x1x512xf32>
    %reshape3A = vector.shape_cast %get3A_3 : vector<1x64x1x512xf32> to vector<64x512xf32>
    %get3A_4 = arith.constant 0 : index
    %get3A_5 = arith.constant 0 : index
    %get3A_6 = vector.load %arg3[%get3A_4, %get3A_5] : memref<64x64xf32, #tpu.memory_space<vmem>>, vector<64x64xf32>
    %dot_general3A = arith.constant dense<0.000000e+00> : vector<512x64xf32>
    %dot_general3A_7 = tpu.matmul %reshape3A, %get3A_6, %dot_general3A {dimension_numbers = #tpu.dot_dimension_numbers<[0], [1], [1], [0], [0, 1, 1, 0], [], []>, transpose_lhs_hint = false} : vector<64x512xf32>, vector<64x64xf32>, vector<512x64xf32> -> vector<512x64xf32>
    %tanh3A = math.tanh %dot_general3A_7 : vector<512x64xf32>
    %get3A_8 = arith.constant 0 : index
    %get3A_9 = arith.constant 0 : index
    %get3A_10 = vector.load %arg5[%get3A_8, %get3A_9] : memref<64x1xf32, #tpu.memory_space<vmem>>, vector<64x1xf32>
    %dot_general3A_11 = arith.constant dense<0.000000e+00> : vector<512x1xf32>
    %dot_general3A_12 = tpu.matmul %tanh3A, %get3A_10, %dot_general3A_11 {dimension_numbers = #tpu.dot_dimension_numbers<[1], [0], [0], [1], [0, 0, 1, 1], [], []>, transpose_lhs_hint = false} : vector<512x64xf32>, vector<64x1xf32>, vector<512x1xf32> -> vector<512x1xf32>
    %get3A_13 = arith.constant 0 : index
    %get3A_14 = arith.constant 0 : index
    %get3A_15 = vector.load %arg4[%get3A_13, %get3A_14] : memref<64x64xf32, #tpu.memory_space<vmem>>, vector<64x64xf32>
    %dot_general3A_16 = arith.constant dense<0.000000e+00> : vector<512x64xf32>
    %dot_general3A_17 = tpu.matmul %reshape3A, %get3A_15, %dot_general3A_16 {dimension_numbers = #tpu.dot_dimension_numbers<[0], [1], [1], [0], [0, 1, 1, 0], [], []>, transpose_lhs_hint = false} : vector<64x512xf32>, vector<64x64xf32>, vector<512x64xf32> -> vector<512x64xf32>
    %broadcast_in_dim3A = arith.constant 0.000000e+00 : f32
    %broadcast_in_dim3A_18 = vector.broadcast %broadcast_in_dim3A : f32 to vector<512x63xf32>
    %concatenate3A = tpu.concatenate %dot_general3A_17, %dot_general3A_12, %broadcast_in_dim3A_18 in 1 : vector<512x64xf32>, vector<512x1xf32>, vector<512x63xf32> -> vector<512x128xf32>
    %reshape3A_19 = vector.shape_cast %concatenate3A : vector<512x128xf32> to vector<1x1x512x128xf32>
    %swap3A = arith.constant 0 : index
    %swap3A_20 = arith.constant 0 : index
    %swap3A_21 = arith.constant 0 : index
    %swap3A_22 = arith.constant 0 : index
    %swap3A_23 = vector.load %arg6[%swap3A, %swap3A_20, %swap3A_21, %swap3A_22] : memref<1x8x512x128xf32, #tpu.memory_space<vmem>>, vector<1x1x512x128xf32>
    tpu.vector_store %arg6[%swap3A, %swap3A_20, %swap3A_21, %swap3A_22], %reshape3A_19 {strides = array<i32>} : memref<1x8x512x128xf32, #tpu.memory_space<vmem>>, vector<1x1x512x128xf32>,
    %get3A_24 = arith.constant 0 : index
    %get3A_25 = arith.constant 0 : index
    %get3A_26 = arith.constant 1 : index
    %get3A_27 = arith.constant 0 : index
    %get3A_28 = vector.load %arg2[%get3A_24, %get3A_25, %get3A_26, %get3A_27] : memref<1x64x8x512xf32, #tpu.memory_space<vmem>>, vector<1x64x1x512xf32>
    %reshape3A_29 = vector.shape_cast %get3A_28 : vector<1x64x1x512xf32> to vector<64x512xf32>
    %get3A_30 = arith.constant 0 : index
    %get3A_31 = arith.constant 0 : index
    %get3A_32 = vector.load %arg3[%get3A_30, %get3A_31] : memref<64x64xf32, #tpu.memory_space<vmem>>, vector<64x64xf32>
    %dot_general3A_33 = arith.constant dense<0.000000e+00> : vector<512x64xf32>
    %dot_general3A_34 = tpu.matmul %reshape3A_29, %get3A_32, %dot_general3A_33 {dimension_numbers = #tpu.dot_dimension_numbers<[0], [1], [1], [0], [0, 1, 1, 0], [], []>, transpose_lhs_hint = false} : vector<64x512xf32>, vector<64x64xf32>, vector<512x64xf32> -> vector<512x64xf32>
    %tanh3A_35 = math.tanh %dot_general3A_34 : vector<512x64xf32>
    %get3A_36 = arith.constant 0 : index
    %get3A_37 = arith.constant 0 : index
    %get3A_38 = vector.load %arg5[%get3A_36, %get3A_37] : memref<64x1xf32, #tpu.memory_space<vmem>>, vector<64x1xf32>
    %dot_general3A_39 = arith.constant dense<0.000000e+00> : vector<512x1xf32>
    %dot_general3A_40 = tpu.matmul %tanh3A_35, %get3A_38, %dot_general3A_39 {dimension_numbers = #tpu.dot_dimension_numbers<[1], [0], [0], [1], [0, 0, 1, 1], [], []>, transpose_lhs_hint = false} : vector<512x64xf32>, vector<64x1xf32>, vector<512x1xf32> -> vector<512x1xf32>
    %get3A_41 = arith.constant 0 : index
    %get3A_42 = arith.constant 0 : index
    %get3A_43 = vector.load %arg4[%get3A_41, %get3A_42] : memref<64x64xf32, #tpu.memory_space<vmem>>, vector<64x64xf32>
    %dot_general3A_44 = arith.constant dense<0.000000e+00> : vector<512x64xf32>
    %dot_general3A_45 = tpu.matmul %reshape3A_29, %get3A_43, %dot_general3A_44 {dimension_numbers = #tpu.dot_dimension_numbers<[0], [1], [1], [0], [0, 1, 1, 0], [], []>, transpose_lhs_hint = false} : vector<64x512xf32>, vector<64x64xf32>, vector<512x64xf32> -> vector<512x64xf32>
    %broadcast_in_dim3A_46 = arith.constant 0.000000e+00 : f32
    %broadcast_in_dim3A_47 = vector.broadcast %broadcast_in_dim3A_46 : f32 to vector<512x63xf32>
    %concatenate3A_48 = tpu.concatenate %dot_general3A_45, %dot_general3A_40, %broadcast_in_dim3A_47 in 1 : vector<512x64xf32>, vector<512x1xf32>, vector<512x63xf32> -> vector<512x128xf32>
    %reshape3A_49 = vector.shape_cast %concatenate3A_48 : vector<512x128xf32> to vector<1x1x512x128xf32>
    %swap3A_50 = arith.constant 0 : index
    %swap3A_51 = arith.constant 1 : index
    %swap3A_52 = arith.constant 0 : index
    %swap3A_53 = arith.constant 0 : index
    %swap3A_54 = vector.load %arg6[%swap3A_50, %swap3A_51, %swap3A_52, %swap3A_53] : memref<1x8x512x128xf32, #tpu.memory_space<vmem>>, vector<1x1x512x128xf32>
    tpu.vector_store %arg6[%swap3A_50, %swap3A_51, %swap3A_52, %swap3A_53], %reshape3A_49 {strides = array<i32>} : memref<1x8x512x128xf32, #tpu.memory_space<vmem>>, vector<1x1x512x128xf32>,
    %get3A_55 = arith.constant 0 : index
    %get3A_56 = arith.constant 0 : index
    %get3A_57 = arith.constant 2 : index
    %get3A_58 = arith.constant 0 : index
    %get3A_59 = vector.load %arg2[%get3A_55, %get3A_56, %get3A_57, %get3A_58] : memref<1x64x8x512xf32, #tpu.memory_space<vmem>>, vector<1x64x1x512xf32>
    %reshape3A_60 = vector.shape_cast %get3A_59 : vector<1x64x1x512xf32> to vector<64x512xf32>
    %get3A_61 = arith.constant 0 : index
    %get3A_62 = arith.constant 0 : index
    %get3A_63 = vector.load %arg3[%get3A_61, %get3A_62] : memref<64x64xf32, #tpu.memory_space<vmem>>, vector<64x64xf32>
    %dot_general3A_64 = arith.constant dense<0.000000e+00> : vector<512x64xf32>
    %dot_general3A_65 = tpu.matmul %reshape3A_60, %get3A_63, %dot_general3A_64 {dimension_numbers = #tpu.dot_dimension_numbers<[0], [1], [1], [0], [0, 1, 1, 0], [], []>, transpose_lhs_hint = false} : vector<64x512xf32>, vector<64x64xf32>, vector<512x64xf32> -> vector<512x64xf32>
    %tanh3A_66 = math.tanh %dot_general3A_65 : vector<512x64xf32>
    %get3A_67 = arith.constant 0 : index
    %get3A_68 = arith.constant 0 : index
    %get3A_69 = vector.load %arg5[%get3A_67, %get3A_68] : memref<64x1xf32, #tpu.memory_space<vmem>>, vector<64x1xf32>
    %dot_general3A_70 = arith.constant dense<0.000000e+00> : vector<512x1xf32>
    %dot_general3A_71 = tpu.matmul %tanh3A_66, %get3A_69, %dot_general3A_70 {dimension_numbers = #tpu.dot_dimension_numbers<[1], [0], [0], [1], [0, 0, 1, 1], [], []>, transpose_lhs_hint = false} : vector<512x64xf32>, vector<64x1xf32>, vector<512x1xf32> -> vector<512x1xf32>
    %get3A_72 = arith.constant 0 : index
    %get3A_73 = arith.constant 0 : index
    %get3A_74 = vector.load %arg4[%get3A_72, %get3A_73] : memref<64x64xf32, #tpu.memory_space<vmem>>, vector<64x64xf32>
    %dot_general3A_75 = arith.constant dense<0.000000e+00> : vector<512x64xf32>
    %dot_general3A_76 = tpu.matmul %reshape3A_60, %get3A_74, %dot_general3A_75 {dimension_numbers = #tpu.dot_dimension_numbers<[0], [1], [1], [0], [0, 1, 1, 0], [], []>, transpose_lhs_hint = false} : vector<64x512xf32>, vector<64x64xf32>, vector<512x64xf32> -> vector<512x64xf32>
    %broadcast_in_dim3A_77 = arith.constant 0.000000e+00 : f32
    %broadcast_in_dim3A_78 = vector.broadcast %broadcast_in_dim3A_77 : f32 to vector<512x63xf32>
    %concatenate3A_79 = tpu.concatenate %dot_general3A_76, %dot_general3A_71, %broadcast_in_dim3A_78 in 1 : vector<512x64xf32>, vector<512x1xf32>, vector<512x63xf32> -> vector<512x128xf32>
    %reshape3A_80 = vector.shape_cast %concatenate3A_79 : vector<512x128xf32> to vector<1x1x512x128xf32>
    %swap3A_81 = arith.constant 0 : index
    %swap3A_82 = arith.constant 2 : index
    %swap3A_83 = arith.constant 0 : index
    %swap3A_84 = arith.constant 0 : index
    %swap3A_85 = vector.load %arg6[%swap3A_81, %swap3A_82, %swap3A_83, %swap3A_84] : memref<1x8x512x128xf32, #tpu.memory_space<vmem>>, vector<1x1x512x128xf32>
    tpu.vector_store %arg6[%swap3A_81, %swap3A_82, %swap3A_83, %swap3A_84], %reshape3A_80 {strides = array<i32>} : memref<1x8x512x128xf32, #tpu.memory_space<vmem>>, vector<1x1x512x128xf32>,
    %get3A_86 = arith.constant 0 : index
    %get3A_87 = arith.constant 0 : index
    %get3A_88 = arith.constant 3 : index
    %get3A_89 = arith.constant 0 : index
    %get3A_90 = vector.load %arg2[%get3A_86, %get3A_87, %get3A_88, %get3A_89] : memref<1x64x8x512xf32, #tpu.memory_space<vmem>>, vector<1x64x1x512xf32>
    %reshape3A_91 = vector.shape_cast %get3A_90 : vector<1x64x1x512xf32> to vector<64x512xf32>
    %get3A_92 = arith.constant 0 : index
    %get3A_93 = arith.constant 0 : index
    %get3A_94 = vector.load %arg3[%get3A_92, %get3A_93] : memref<64x64xf32, #tpu.memory_space<vmem>>, vector<64x64xf32>
    %dot_general3A_95 = arith.constant dense<0.000000e+00> : vector<512x64xf32>
    %dot_general3A_96 = tpu.matmul %reshape3A_91, %get3A_94, %dot_general3A_95 {dimension_numbers = #tpu.dot_dimension_numbers<[0], [1], [1], [0], [0, 1, 1, 0], [], []>, transpose_lhs_hint = false} : vector<64x512xf32>, vector<64x64xf32>, vector<512x64xf32> -> vector<512x64xf32>
    %tanh3A_97 = math.tanh %dot_general3A_96 : vector<512x64xf32>
    %get3A_98 = arith.constant 0 : index
    %get3A_99 = arith.constant 0 : index
    %get3A_100 = vector.load %arg5[%get3A_98, %get3A_99] : memref<64x1xf32, #tpu.memory_space<vmem>>, vector<64x1xf32>
    %dot_general3A_101 = arith.constant dense<0.000000e+00> : vector<512x1xf32>
    %dot_general3A_102 = tpu.matmul %tanh3A_97, %get3A_100, %dot_general3A_101 {dimension_numbers = #tpu.dot_dimension_numbers<[1], [0], [0], [1], [0, 0, 1, 1], [], []>, transpose_lhs_hint = false} : vector<512x64xf32>, vector<64x1xf32>, vector<512x1xf32> -> vector<512x1xf32>
    %get3A_103 = arith.constant 0 : index
    %get3A_104 = arith.constant 0 : index
    %get3A_105 = vector.load %arg4[%get3A_103, %get3A_104] : memref<64x64xf32, #tpu.memory_space<vmem>>, vector<64x64xf32>
    %dot_general3A_106 = arith.constant dense<0.000000e+00> : vector<512x64xf32>
    %dot_general3A_107 = tpu.matmul %reshape3A_91, %get3A_105, %dot_general3A_106 {dimension_numbers = #tpu.dot_dimension_numbers<[0], [1], [1], [0], [0, 1, 1, 0], [], []>, transpose_lhs_hint = false} : vector<64x512xf32>, vector<64x64xf32>, vector<512x64xf32> -> vector<512x64xf32>
    %broadcast_in_dim3A_108 = arith.constant 0.000000e+00 : f32
    %broadcast_in_dim3A_109 = vector.broadcast %broadcast_in_dim3A_108 : f32 to vector<512x63xf32>
    %concatenate3A_110 = tpu.concatenate %dot_general3A_107, %dot_general3A_102, %broadcast_in_dim3A_109 in 1 : vector<512x64xf32>, vector<512x1xf32>, vector<512x63xf32> -> vector<512x128xf32>
    %reshape3A_111 = vector.shape_cast %concatenate3A_110 : vector<512x128xf32> to vector<1x1x512x128xf32>
    %swap3A_112 = arith.constant 0 : index
    %swap3A_113 = arith.constant 3 : index
    %swap3A_114 = arith.constant 0 : index
    %swap3A_115 = arith.constant 0 : index
    %swap3A_116 = vector.load %arg6[%swap3A_112, %swap3A_113, %swap3A_114, %swap3A_115] : memref<1x8x512x128xf32, #tpu.memory_space<vmem>>, vector<1x1x512x128xf32>
    tpu.vector_store %arg6[%swap3A_112, %swap3A_113, %swap3A_114, %swap3A_115], %reshape3A_111 {strides = array<i32>} : memref<1x8x512x128xf32, #tpu.memory_space<vmem>>, vector<1x1x512x128xf32>,
    %get3A_117 = arith.constant 0 : index
    %get3A_118 = arith.constant 0 : index
    %get3A_119 = arith.constant 4 : index
    %get3A_120 = arith.constant 0 : index
    %get3A_121 = vector.load %arg2[%get3A_117, %get3A_118, %get3A_119, %get3A_120] : memref<1x64x8x512xf32, #tpu.memory_space<vmem>>, vector<1x64x1x512xf32>
    %reshape3A_122 = vector.shape_cast %get3A_121 : vector<1x64x1x512xf32> to vector<64x512xf32>
    %get3A_123 = arith.constant 0 : index
    %get3A_124 = arith.constant 0 : index
    %get3A_125 = vector.load %arg3[%get3A_123, %get3A_124] : memref<64x64xf32, #tpu.memory_space<vmem>>, vector<64x64xf32>
    %dot_general3A_126 = arith.constant dense<0.000000e+00> : vector<512x64xf32>
    %dot_general3A_127 = tpu.matmul %reshape3A_122, %get3A_125, %dot_general3A_126 {dimension_numbers = #tpu.dot_dimension_numbers<[0], [1], [1], [0], [0, 1, 1, 0], [], []>, transpose_lhs_hint = false} : vector<64x512xf32>, vector<64x64xf32>, vector<512x64xf32> -> vector<512x64xf32>
    %tanh3A_128 = math.tanh %dot_general3A_127 : vector<512x64xf32>
    %get3A_129 = arith.constant 0 : index
    %get3A_130 = arith.constant 0 : index
    %get3A_131 = vector.load %arg5[%get3A_129, %get3A_130] : memref<64x1xf32, #tpu.memory_space<vmem>>, vector<64x1xf32>
    %dot_general3A_132 = arith.constant dense<0.000000e+00> : vector<512x1xf32>
    %dot_general3A_133 = tpu.matmul %tanh3A_128, %get3A_131, %dot_general3A_132 {dimension_numbers = #tpu.dot_dimension_numbers<[1], [0], [0], [1], [0, 0, 1, 1], [], []>, transpose_lhs_hint = false} : vector<512x64xf32>, vector<64x1xf32>, vector<512x1xf32> -> vector<512x1xf32>
    %get3A_134 = arith.constant 0 : index
    %get3A_135 = arith.constant 0 : index
    %get3A_136 = vector.load %arg4[%get3A_134, %get3A_135] : memref<64x64xf32, #tpu.memory_space<vmem>>, vector<64x64xf32>
    %dot_general3A_137 = arith.constant dense<0.000000e+00> : vector<512x64xf32>
    %dot_general3A_138 = tpu.matmul %reshape3A_122, %get3A_136, %dot_general3A_137 {dimension_numbers = #tpu.dot_dimension_numbers<[0], [1], [1], [0], [0, 1, 1, 0], [], []>, transpose_lhs_hint = false} : vector<64x512xf32>, vector<64x64xf32>, vector<512x64xf32> -> vector<512x64xf32>
    %broadcast_in_dim3A_139 = arith.constant 0.000000e+00 : f32
    %broadcast_in_dim3A_140 = vector.broadcast %broadcast_in_dim3A_139 : f32 to vector<512x63xf32>
    %concatenate3A_141 = tpu.concatenate %dot_general3A_138, %dot_general3A_133, %broadcast_in_dim3A_140 in 1 : vector<512x64xf32>, vector<512x1xf32>, vector<512x63xf32> -> vector<512x128xf32>
    %reshape3A_142 = vector.shape_cast %concatenate3A_141 : vector<512x128xf32> to vector<1x1x512x128xf32>
    %swap3A_143 = arith.constant 0 : index
    %swap3A_144 = arith.constant 4 : index
    %swap3A_145 = arith.constant 0 : index
    %swap3A_146 = arith.constant 0 : index
    %swap3A_147 = vector.load %arg6[%swap3A_143, %swap3A_144, %swap3A_145, %swap3A_146] : memref<1x8x512x128xf32, #tpu.memory_space<vmem>>, vector<1x1x512x128xf32>
    tpu.vector_store %arg6[%swap3A_143, %swap3A_144, %swap3A_145, %swap3A_146], %reshape3A_142 {strides = array<i32>} : memref<1x8x512x128xf32, #tpu.memory_space<vmem>>, vector<1x1x512x128xf32>,
    %get3A_148 = arith.constant 0 : index
    %get3A_149 = arith.constant 0 : index
    %get3A_150 = arith.constant 5 : index
    %get3A_151 = arith.constant 0 : index
    %get3A_152 = vector.load %arg2[%get3A_148, %get3A_149, %get3A_150, %get3A_151] : memref<1x64x8x512xf32, #tpu.memory_space<vmem>>, vector<1x64x1x512xf32>
    %reshape3A_153 = vector.shape_cast %get3A_152 : vector<1x64x1x512xf32> to vector<64x512xf32>
    %get3A_154 = arith.constant 0 : index
    %get3A_155 = arith.constant 0 : index
    %get3A_156 = vector.load %arg3[%get3A_154, %get3A_155] : memref<64x64xf32, #tpu.memory_space<vmem>>, vector<64x64xf32>
    %dot_general3A_157 = arith.constant dense<0.000000e+00> : vector<512x64xf32>
    %dot_general3A_158 = tpu.matmul %reshape3A_153, %get3A_156, %dot_general3A_157 {dimension_numbers = #tpu.dot_dimension_numbers<[0], [1], [1], [0], [0, 1, 1, 0], [], []>, transpose_lhs_hint = false} : vector<64x512xf32>, vector<64x64xf32>, vector<512x64xf32> -> vector<512x64xf32>
    %tanh3A_159 = math.tanh %dot_general3A_158 : vector<512x64xf32>
    %get3A_160 = arith.constant 0 : index
    %get3A_161 = arith.constant 0 : index
    %get3A_162 = vector.load %arg5[%get3A_160, %get3A_161] : memref<64x1xf32, #tpu.memory_space<vmem>>, vector<64x1xf32>
    %dot_general3A_163 = arith.constant dense<0.000000e+00> : vector<512x1xf32>
    %dot_general3A_164 = tpu.matmul %tanh3A_159, %get3A_162, %dot_general3A_163 {dimension_numbers = #tpu.dot_dimension_numbers<[1], [0], [0], [1], [0, 0, 1, 1], [], []>, transpose_lhs_hint = false} : vector<512x64xf32>, vector<64x1xf32>, vector<512x1xf32> -> vector<512x1xf32>
    %get3A_165 = arith.constant 0 : index
    %get3A_166 = arith.constant 0 : index
    %get3A_167 = vector.load %arg4[%get3A_165, %get3A_166] : memref<64x64xf32, #tpu.memory_space<vmem>>, vector<64x64xf32>
    %dot_general3A_168 = arith.constant dense<0.000000e+00> : vector<512x64xf32>
    %dot_general3A_169 = tpu.matmul %reshape3A_153, %get3A_167, %dot_general3A_168 {dimension_numbers = #tpu.dot_dimension_numbers<[0], [1], [1], [0], [0, 1, 1, 0], [], []>, transpose_lhs_hint = false} : vector<64x512xf32>, vector<64x64xf32>, vector<512x64xf32> -> vector<512x64xf32>
    %broadcast_in_dim3A_170 = arith.constant 0.000000e+00 : f32
    %broadcast_in_dim3A_171 = vector.broadcast %broadcast_in_dim3A_170 : f32 to vector<512x63xf32>
    %concatenate3A_172 = tpu.concatenate %dot_general3A_169, %dot_general3A_164, %broadcast_in_dim3A_171 in 1 : vector<512x64xf32>, vector<512x1xf32>, vector<512x63xf32> -> vector<512x128xf32>
    %reshape3A_173 = vector.shape_cast %concatenate3A_172 : vector<512x128xf32> to vector<1x1x512x128xf32>
    %swap3A_174 = arith.constant 0 : index
    %swap3A_175 = arith.constant 5 : index
    %swap3A_176 = arith.constant 0 : index
    %swap3A_177 = arith.constant 0 : index
    %swap3A_178 = vector.load %arg6[%swap3A_174, %swap3A_175, %swap3A_176, %swap3A_177] : memref<1x8x512x128xf32, #tpu.memory_space<vmem>>, vector<1x1x512x128xf32>
    tpu.vector_store %arg6[%swap3A_174, %swap3A_175, %swap3A_176, %swap3A_177], %reshape3A_173 {strides = array<i32>} : memref<1x8x512x128xf32, #tpu.memory_space<vmem>>, vector<1x1x512x128xf32>,
    %get3A_179 = arith.constant 0 : index
    %get3A_180 = arith.constant 0 : index
    %get3A_181 = arith.constant 6 : index
    %get3A_182 = arith.constant 0 : index
    %get3A_183 = vector.load %arg2[%get3A_179, %get3A_180, %get3A_181, %get3A_182] : memref<1x64x8x512xf32, #tpu.memory_space<vmem>>, vector<1x64x1x512xf32>
    %reshape3A_184 = vector.shape_cast %get3A_183 : vector<1x64x1x512xf32> to vector<64x512xf32>
    %get3A_185 = arith.constant 0 : index
    %get3A_186 = arith.constant 0 : index
    %get3A_187 = vector.load %arg3[%get3A_185, %get3A_186] : memref<64x64xf32, #tpu.memory_space<vmem>>, vector<64x64xf32>
    %dot_general3A_188 = arith.constant dense<0.000000e+00> : vector<512x64xf32>
    %dot_general3A_189 = tpu.matmul %reshape3A_184, %get3A_187, %dot_general3A_188 {dimension_numbers = #tpu.dot_dimension_numbers<[0], [1], [1], [0], [0, 1, 1, 0], [], []>, transpose_lhs_hint = false} : vector<64x512xf32>, vector<64x64xf32>, vector<512x64xf32> -> vector<512x64xf32>
    %tanh3A_190 = math.tanh %dot_general3A_189 : vector<512x64xf32>
    %get3A_191 = arith.constant 0 : index
    %get3A_192 = arith.constant 0 : index
    %get3A_193 = vector.load %arg5[%get3A_191, %get3A_192] : memref<64x1xf32, #tpu.memory_space<vmem>>, vector<64x1xf32>
    %dot_general3A_194 = arith.constant dense<0.000000e+00> : vector<512x1xf32>
    %dot_general3A_195 = tpu.matmul %tanh3A_190, %get3A_193, %dot_general3A_194 {dimension_numbers = #tpu.dot_dimension_numbers<[1], [0], [0], [1], [0, 0, 1, 1], [], []>, transpose_lhs_hint = false} : vector<512x64xf32>, vector<64x1xf32>, vector<512x1xf32> -> vector<512x1xf32>
    %get3A_196 = arith.constant 0 : index
    %get3A_197 = arith.constant 0 : index
    %get3A_198 = vector.load %arg4[%get3A_196, %get3A_197] : memref<64x64xf32, #tpu.memory_space<vmem>>, vector<64x64xf32>
    %dot_general3A_199 = arith.constant dense<0.000000e+00> : vector<512x64xf32>
    %dot_general3A_200 = tpu.matmul %reshape3A_184, %get3A_198, %dot_general3A_199 {dimension_numbers = #tpu.dot_dimension_numbers<[0], [1], [1], [0], [0, 1, 1, 0], [], []>, transpose_lhs_hint = false} : vector<64x512xf32>, vector<64x64xf32>, vector<512x64xf32> -> vector<512x64xf32>
    %broadcast_in_dim3A_201 = arith.constant 0.000000e+00 : f32
    %broadcast_in_dim3A_202 = vector.broadcast %broadcast_in_dim3A_201 : f32 to vector<512x63xf32>
    %concatenate3A_203 = tpu.concatenate %dot_general3A_200, %dot_general3A_195, %broadcast_in_dim3A_202 in 1 : vector<512x64xf32>, vector<512x1xf32>, vector<512x63xf32> -> vector<512x128xf32>
    %reshape3A_204 = vector.shape_cast %concatenate3A_203 : vector<512x128xf32> to vector<1x1x512x128xf32>
    %swap3A_205 = arith.constant 0 : index
    %swap3A_206 = arith.constant 6 : index
    %swap3A_207 = arith.constant 0 : index
    %swap3A_208 = arith.constant 0 : index
    %swap3A_209 = vector.load %arg6[%swap3A_205, %swap3A_206, %swap3A_207, %swap3A_208] : memref<1x8x512x128xf32, #tpu.memory_space<vmem>>, vector<1x1x512x128xf32>
    tpu.vector_store %arg6[%swap3A_205, %swap3A_206, %swap3A_207, %swap3A_208], %reshape3A_204 {strides = array<i32>} : memref<1x8x512x128xf32, #tpu.memory_space<vmem>>, vector<1x1x512x128xf32>,
    %get3A_210 = arith.constant 0 : index
    %get3A_211 = arith.constant 0 : index
    %get3A_212 = arith.constant 7 : index
    %get3A_213 = arith.constant 0 : index
    %get3A_214 = vector.load %arg2[%get3A_210, %get3A_211, %get3A_212, %get3A_213] : memref<1x64x8x512xf32, #tpu.memory_space<vmem>>, vector<1x64x1x512xf32>
    %reshape3A_215 = vector.shape_cast %get3A_214 : vector<1x64x1x512xf32> to vector<64x512xf32>
    %get3A_216 = arith.constant 0 : index
    %get3A_217 = arith.constant 0 : index
    %get3A_218 = vector.load %arg3[%get3A_216, %get3A_217] : memref<64x64xf32, #tpu.memory_space<vmem>>, vector<64x64xf32>
    %dot_general3A_219 = arith.constant dense<0.000000e+00> : vector<512x64xf32>
    %dot_general3A_220 = tpu.matmul %reshape3A_215, %get3A_218, %dot_general3A_219 {dimension_numbers = #tpu.dot_dimension_numbers<[0], [1], [1], [0], [0, 1, 1, 0], [], []>, transpose_lhs_hint = false} : vector<64x512xf32>, vector<64x64xf32>, vector<512x64xf32> -> vector<512x64xf32>
    %tanh3A_221 = math.tanh %dot_general3A_220 : vector<512x64xf32>
    %get3A_222 = arith.constant 0 : index
    %get3A_223 = arith.constant 0 : index
    %get3A_224 = vector.load %arg5[%get3A_222, %get3A_223] : memref<64x1xf32, #tpu.memory_space<vmem>>, vector<64x1xf32>
    %dot_general3A_225 = arith.constant dense<0.000000e+00> : vector<512x1xf32>
    %dot_general3A_226 = tpu.matmul %tanh3A_221, %get3A_224, %dot_general3A_225 {dimension_numbers = #tpu.dot_dimension_numbers<[1], [0], [0], [1], [0, 0, 1, 1], [], []>, transpose_lhs_hint = false} : vector<512x64xf32>, vector<64x1xf32>, vector<512x1xf32> -> vector<512x1xf32>
    %get3A_227 = arith.constant 0 : index
    %get3A_228 = arith.constant 0 : index
    %get3A_229 = vector.load %arg4[%get3A_227, %get3A_228] : memref<64x64xf32, #tpu.memory_space<vmem>>, vector<64x64xf32>
    %dot_general3A_230 = arith.constant dense<0.000000e+00> : vector<512x64xf32>
    %dot_general3A_231 = tpu.matmul %reshape3A_215, %get3A_229, %dot_general3A_230 {dimension_numbers = #tpu.dot_dimension_numbers<[0], [1], [1], [0], [0, 1, 1, 0], [], []>, transpose_lhs_hint = false} : vector<64x512xf32>, vector<64x64xf32>, vector<512x64xf32> -> vector<512x64xf32>
    %broadcast_in_dim3A_232 = arith.constant 0.000000e+00 : f32
    %broadcast_in_dim3A_233 = vector.broadcast %broadcast_in_dim3A_232 : f32 to vector<512x63xf32>
    %concatenate3A_234 = tpu.concatenate %dot_general3A_231, %dot_general3A_226, %broadcast_in_dim3A_233 in 1 : vector<512x64xf32>, vector<512x1xf32>, vector<512x63xf32> -> vector<512x128xf32>
    %reshape3A_235 = vector.shape_cast %concatenate3A_234 : vector<512x128xf32> to vector<1x1x512x128xf32>
    %swap3A_236 = arith.constant 0 : index
    %swap3A_237 = arith.constant 7 : index
    %swap3A_238 = arith.constant 0 : index
    %swap3A_239 = arith.constant 0 : index
    %swap3A_240 = vector.load %arg6[%swap3A_236, %swap3A_237, %swap3A_238, %swap3A_239] : memref<1x8x512x128xf32, #tpu.memory_space<vmem>>, vector<1x1x512x128xf32>
    tpu.vector_store %arg6[%swap3A_236, %swap3A_237, %swap3A_238, %swap3A_239], %reshape3A_235 {strides = array<i32>} : memref<1x8x512x128xf32, #tpu.memory_space<vmem>>, vector<1x1x512x128xf32>,
    return
  }
  func.func @transform_0(%arg0: i32, %arg1: i32) -> (i32, i32, i32, i32) {
    %c0_i32 = arith.constant 0 : i32
    %c0_i32_0 = arith.constant 0 : i32
    %c0_i32_1 = arith.constant 0 : i32
    return %arg0, %c0_i32, %arg1, %c0_i32_0 : i32, i32, i32, i32
  }
  func.func @transform_1(%arg0: i32, %arg1: i32) -> (i32, i32) {
    %c0_i32 = arith.constant 0 : i32
    %c0_i32_0 = arith.constant 0 : i32
    %c0_i32_1 = arith.constant 0 : i32
    return %c0_i32, %c0_i32_0 : i32, i32
  }
  func.func @transform_2(%arg0: i32, %arg1: i32) -> (i32, i32) {
    %c0_i32 = arith.constant 0 : i32
    %c0_i32_0 = arith.constant 0 : i32
    %c0_i32_1 = arith.constant 0 : i32
    return %c0_i32, %c0_i32_0 : i32, i32
  }
  func.func @transform_3(%arg0: i32, %arg1: i32) -> (i32, i32) {
    %c0_i32 = arith.constant 0 : i32
    %c0_i32_0 = arith.constant 0 : i32
    %c0_i32_1 = arith.constant 0 : i32
    return %c0_i32, %c0_i32_0 : i32, i32
  }
  func.func @transform_4(%arg0: i32, %arg1: i32) -> (i32, i32, i32, i32) {
    %c0_i32 = arith.constant 0 : i32
    %c0_i32_0 = arith.constant 0 : i32
    %c0_i32_1 = arith.constant 0 : i32
    return %arg0, %arg1, %c0_i32, %c0_i32_0 : i32, i32, i32, i32
  }
}

module attributes {stable_mosaic.version = 14 : i64} {
  func.func @_trans_body(%arg0: i32, %arg1: i32, %arg2: memref<1x2048x64xf32, #tpu.memory_space<vmem>>, %arg3: memref<1x64x2048xf32, #tpu.memory_space<vmem>>) attributes {dimension_semantics = [#tpu.dimension_semantics<arbitrary>, #tpu.dimension_semantics<arbitrary>], iteration_bounds = array<i64: 2, 32>, scalar_prefetch = 0 : i64, scratch_operands = 0 : i64, tpu.core_type = #tpu.core_type<tc>, window_params = [{transform_indices = @transform_0, window_bounds = array<i64: 1, 2048, 64>}, {transform_indices = @transform_1, window_bounds = array<i64: 1, 64, 2048>}]} {
    %get3A = arith.constant 0 : index
    %get3A_0 = arith.constant 0 : index
    %get3A_1 = arith.constant 0 : index
    %get3A_2 = vector.load %arg2[%get3A, %get3A_0, %get3A_1] : memref<1x2048x64xf32, #tpu.memory_space<vmem>>, vector<1x2048x64xf32>
    %get3A_3 = vector.shape_cast %get3A_2 : vector<1x2048x64xf32> to vector<2048x64xf32>
    %iota3A = tpu.iota {dimensions = array<i32: 0>} : vector<64x64xi32>
    %iota3A_4 = tpu.iota {dimensions = array<i32: 1>} : vector<64x64xi32>
    %eq3A = arith.cmpi eq, %iota3A, %iota3A_4 : vector<64x64xi32>
    %convert_element_type3A = arith.extui %eq3A : vector<64x64xi1> to vector<64x64xi32>
    %convert_element_type3A_5 = arith.sitofp %convert_element_type3A : vector<64x64xi32> to vector<64x64xf32>
    %dot_general3A = arith.constant dense<0.000000e+00> : vector<64x2048xf32>
    %dot_general3A_6 = tpu.matmul %convert_element_type3A_5, %get3A_3, %dot_general3A {dimension_numbers = #tpu.dot_dimension_numbers<[1], [1], [0], [0], [0, 0, 1, 0], [], []>, transpose_lhs_hint = false} : vector<64x64xf32>, vector<2048x64xf32>, vector<64x2048xf32> -> vector<64x2048xf32>
    %swap3A = arith.constant 0 : index
    %swap3A_7 = arith.constant 0 : index
    %swap3A_8 = arith.constant 0 : index
    %swap3A_9 = vector.load %arg3[%swap3A, %swap3A_7, %swap3A_8] : memref<1x64x2048xf32, #tpu.memory_space<vmem>>, vector<1x64x2048xf32>
    %swap3A_10 = vector.shape_cast %swap3A_9 : vector<1x64x2048xf32> to vector<64x2048xf32>
    %swap3A_11 = vector.shape_cast %dot_general3A_6 : vector<64x2048xf32> to vector<1x64x2048xf32>
    tpu.vector_store %arg3[%swap3A, %swap3A_7, %swap3A_8], %swap3A_11 {strides = array<i32>} : memref<1x64x2048xf32, #tpu.memory_space<vmem>>, vector<1x64x2048xf32>,
    return
  }
  func.func @transform_0(%arg0: i32, %arg1: i32) -> (i32, i32, i32) {
    %c0_i32 = arith.constant 0 : i32
    %c0_i32_0 = arith.constant 0 : i32
    return %arg0, %arg1, %c0_i32 : i32, i32, i32
  }
  func.func @transform_1(%arg0: i32, %arg1: i32) -> (i32, i32, i32) {
    %c0_i32 = arith.constant 0 : i32
    %c0_i32_0 = arith.constant 0 : i32
    return %arg0, %c0_i32, %arg1 : i32, i32, i32
  }
}

</mosaic_0001>

<sc_bundles>
// kernel: kernel.10.cloned.1.call-start
scs
__scs_entry_jumppad:
0x0: {  	(pc) =	sbr.rel $0x88, $3  }
0x1: {  	(tag) =	ssettag $0x0;
	lr =	simm.s32 $0x1  }
0x2: {  	[smem:$0x3F97] =	sst lr;
	_ =	strace $0xD0000000  }
0x3: {  	_ = 	snop  }
0x4: {  	_ = 	snop  }
0x5: {  	_ = 	snop  }
0x6: {  	_ = 	snop  }
0x7: {  	_ = 	snop  }
__scs_overlays_trampoline_lowered:
0x8: {  	[smem:$0x3FA6] =	sst s0  }
0x9: {  	[smem:$0x3FA7] =	sst s1  }
0xa: {  	[smem:$0x3FA8] =	sst s2  }
0xb: {  	[smem:$0x3FA9] =	sst s3  }
0xc: {  	[smem:$0x3FAA] =	sst s4  }
0xd: {  	[smem:$0x3FAB] =	sst s5  }
0xe: {  	[smem:$0x3FAC] =	sst s6  }
0xf: {  	[smem:$0x3FAD] =	sst s7  }
0x10: {  	[smem:$0x3FAE] =	sst s8  }
0x11: {  	[smem:$0x3FAF] =	sst s9;
	s0 =	simm.s32 @!p0 $0x0  }
0x12: {  	s1 =	sld [smem:$0x3F95];
	s0 =	simm.s32 @p0 $0x1  }
0x13: {  	[smem:$0x3FB0] =	sst s0;
	s0 =	simm.s32 @!p1 $0x0  }
0x14: {  	s2 =	sld [smem:$0x3F94];
	s0 =	simm.s32 @p1 $0x1  }
0x15: {  	[smem:$0x3FB1] =	sst s0;
	s0 =	simm.s32 @!p2 $0x0  }
0x16: {  	s3 =	sld [smem:$0x3FDB];
	s0 =	simm.s32 @p2 $0x1  }
0x17: {  	s4 =	simm.s32 $0x1BF5;
	[smem:$0x3FB3] =	sst s0  }
0x18: {  	s0 =	sld [smem:$0x3F96];
	_ =	swait.ge [sflag:s4], $0x0  }
0x19: {  	s7 =	sld [smem:$0x3F97]  }
0x1a: {  	s8 =	sadd.s32 $0xFFFFE003, lr  }
0x1b: {  	s9 =	sadd.s32 $0xFFFFFEF7, lr;
	s5 =	simm.s32 $0xFFFFFFFF;
	p2 =	slt.u32 s8, $0xFFFFF086  }
0x1c: {  	p1 =	slt.u32 s9, $0xF7A;
	s5 =	simm.s32 @!p2 $0x0  }
0x1d: {  	s5 =	simm.s32 @p1 $0x1;
	p0 =	seq.s32 s7, s2  }
0x1e: {  	s7 =	smul.u32 @!p0 $0xF7A, s2;
	p2 =	seq.s32 @!p0 s5, $0x0  }
0x1f: {  	s9 =	smul.u32 $0xF7A, s1;
	s8 =	simm.s32 @!p0 $0x1BF5;
	p2 =	por !p2, p0  }
0x20: {  	[sflag:s8] =	ssyncset.s32 @!p0 $0xFFFFF086;
	s6 =	sadd.s32 @!p0 s3, s7;
	s7 =	simm.s32 @!p0 $0x108  }
0x21: {  	s3 =	sadd.s32 s3, s9;
	s6 =	sadd.s32 @!p0 $0x88, s6;
	s7 =	simm.s32 @p2 $0x1082  }
0x22: {  	[simem:s7], [sflag:s8] =	dma.local @!p0 [hbm:s6], $0xF7A  }
0x23: {  	s9 =	sor.u32 $0xD0000000, s2;
	s6 =	simm.s32 $0x108;
	_ =	swait.ge @!p0 [sflag:s8], $0x0  }
0x24: {  	s3 =	sadd.s32 $0x88, s3;
	s6 =	simm.s32 @!p1 $0x1082;
	[sflag:s4] =	ssyncset.s32 $0xFFFFF086  }
0x25: {  	[simem:s6], [sflag:s4] =	dma.local [hbm:s3], $0xF7A  }
0x26: {  	[smem:$0x3F97] =	sst s1;
	(tag) =	ssettag s2;
	_ =	strace s9  }
0x27: {  	s1 =	sld [smem:$0x3FA7]  }
0x28: {  	s2 =	sld [smem:$0x3FA8]  }
0x29: {  	s4 =	sld [smem:$0x3FAA]  }
0x2a: {  	p0 =	seq.s32 s5, $0x0;
	s5 =	sld [smem:$0x3FAB]  }
0x2b: {  	s6 =	sld [smem:$0x3FAC]  }
0x2c: {  	s7 =	sld [smem:$0x3FAD]  }
0x2d: {  	s3 =	simm.s32 $0x108;
	s8 =	sld [smem:$0x3FAE]  }
0x2e: {  	s3 =	simm.s32 @!p0 $0x1082;
	s9 =	sld [smem:$0x3FAF]  }
0x2f: {  	lr =	sadd.s32 s0, s3;
	s0 =	sld [smem:$0x3FA6]  }
0x30: {  	s3 =	sld [smem:$0x3FA9]  }
0x31: {  	[smem:$0x3FB2] =	sst s10  }
0x32: {  	s10 =	sld [smem:$0x3FB0];
	_ =	sdelay $0x3  }
0x33: {  	p0 =	seq.s32 s10, $0x1;
	s10 =	sld [smem:$0x3FB2];
	_ =	sdelay $0x3  }
0x34: {  	[smem:$0x3FB2] =	sst s10  }
0x35: {  	s10 =	sld [smem:$0x3FB1];
	_ =	sdelay $0x3  }
0x36: {  	p1 =	seq.s32 s10, $0x1;
	s10 =	sld [smem:$0x3FB2];
	_ =	sdelay $0x3  }
0x37: {  	[smem:$0x3FB2] =	sst s10  }
0x38: {  	s10 =	sld [smem:$0x3FB3]  }
0x39: {  	_ = 	snop;
	(pc) =	sbr.ind lr, $3  }
0x3a: {  	_ = 	snop  }
0x3b: {  	_ = 	snop  }
0x3c: {  	p2 =	seq.s32 s10, $0x1;
	s10 =	sld [smem:$0x3FB2]  }
0x3d: {  	_ =	shalt  }
0x3e: {  	_ =	shalt  }
0x3f: {  	_ =	shalt  }
0x40: {  	_ =	shalt  }
0x41: {  	_ =	shalt  }
0x42: {  	_ =	shalt  }
0x43: {  	_ =	shalt  }
0x44: {  	_ =	shalt  }
0x45: {  	_ =	shalt  }
0x46: {  	_ =	shalt  }
0x47: {  	_ =	shalt  }
0x48: {  	_ =	shalt  }
0x49: {  	_ =	shalt  }
0x4a: {  	_ =	shalt  }
0x4b: {  	_ =	shalt  }
0x4c: {  	_ =	shalt  }
0x4d: {  	_ =	shalt  }
0x4e: {  	_ =	shalt  }
0x4f: {  	_ =	shalt  }
0x50: {  	_ =	shalt  }
0x51: {  	_ =	shalt  }
0x52: {  	_ =	shalt  }
0x53: {  	_ =	shalt  }
0x54: {  	_ =	shalt  }
0x55: {  	_ =	shalt  }
0x56: {  	_ =	shalt  }
0x57: {  	_ =	shalt  }
0x58: {  	_ =	shalt  }
0x59: {  	_ =	shalt  }
0x5a: {  	_ =	shalt  }
0x5b: {  	_ =	shalt  }
0x5c: {  	_ =	shalt  }
0x5d: {  	_ =	shalt  }
0x5e: {  	_ =	shalt  }
0x5f: {  	_ =	shalt  }
0x60: {  	_ =	shalt  }
0x61: {  	_ =	shalt  }
0x62: {  	_ =	shalt  }
0x63: {  	_ =	shalt  }
0x64: {  	_ =	shalt  }
0x65: {  	_ =	shalt  }
0x66: {  	_ =	shalt  }
0x67: {  	_ =	shalt  }
0x68: {  	_ =	shalt  }
0x69: {  	_ =	shalt  }
0x6a: {  	_ =	shalt  }
0x6b: {  	_ =	shalt  }
0x6c: {  	_ =	shalt  }
0x6d: {  	_ =	shalt  }
0x6e: {  	_ =	shalt  }
0x6f: {  	_ =	shalt  }
0x70: {  	_ =	shalt  }
0x71: {  	_ =	shalt  }
0x72: {  	_ =	shalt  }
0x73: {  	_ =	shalt  }
0x74: {  	_ =	shalt  }
0x75: {  	_ =	shalt  }
0x76: {  	_ =	shalt  }
0x77: {  	_ =	shalt  }
0x78: {  	_ =	shalt  }
0x79: {  	_ =	shalt  }
0x7a: {  	_ =	shalt  }
0x7b: {  	_ =	shalt  }
0x7c: {  	_ =	shalt  }
0x7d: {  	_ =	shalt  }
0x7e: {  	_ =	shalt  }
0x7f: {  	_ =	shalt  }
0x80: {  	_ =	shalt  }
0x81: {  	_ =	shalt  }
0x82: {  	_ =	shalt  }
0x83: {  	_ =	shalt  }
0x84: {  	_ =	shalt  }
0x85: {  	_ =	shalt  }
0x86: {  	_ =	shalt  }
0x87: {  	_ =	shalt  }
.Lfunc_end0:
.L_simem_size_0:
called_computation.2_lowered:
.L_overlay_start_0:
0x88: {  	s2 =	sld [smem:$0x3FD9]  }
0x89: {  	s3 =	sld [smem:$0x3FFE];
	_ =	sdelay $0x1  }
0x8a: {  	s1 =	srdreg.scid  }
0x8b: {  	s0 =	sand.u32 $0x1, s1  }
0x8c: {  	s17 =	sshll.u32 s0, $0xA;
	s2 =	sadd.s32 s3, s2  }
0x8d: {  	s2 =	sadd.s32 s2, s17  }
0x8e: {  	[smem:$0x3FBE] =	sst s2  }
0x8f: {  	_ = 	snop  }
0x90: {  	s2 =	sld [smem:$0x3FD0];
	(tm) =	ssettm $0x1  }
0x91: {  	s18 =	sld [smem:$0x3FFB];
	_ =	sdelay $0x3  }
0x92: {  	_ =	strace s18  }
0x93: {  	s3 =	sld [smem:$0x3FFC];
	_ =	sdelay $0x3  }
0x94: {  	_ =	strace s3  }
0x95: {  	s3 =	sld [smem:$0x3FFD];
	_ =	sdelay $0x3  }
0x96: {  	_ =	strace s3  }
0x97: {  	_ =	strace $0x8FFFFFFF  }
0x98: {  	s19 =	sld [smem:$0x3FDB];
	_ =	sdelay $0x1  }
0x99: {  	s4 =	simm.s32 $_scs_section_size  }
0x9a: {  	s5 =	simm.s32 $_size__tile_overlayer_lowered;
	s6 =	simm.s32 $_tile_overlayer_lowered  }
0x9b: {  	s22 =	simm.s32 $0x1BFF;
	s21 =	sshll.u32 s6, $0x1;
	s3 =	sadd.s32 s4, s19  }
0x9c: {  	s7 =	simm.s32 $0x0;
	s20 =	sshll.u32 s5, $0x1;
	s5 =	sadd.s32 s21, s3  }
0x9d: {  	[timem:s7], [sflag:s22] =	dma.local [hbm:s5], s20  }
0x9e: {  	_ =	swait.ge [sflag:s22], s20  }
0x9f: {  	s4 =	ssub.s32 $0x0, s20;
	[sflag:s22] =	ssyncset.done $0x0  }
0xa0: {  	[sflag:s22] =	ssyncadd.s32 s4;
	_ =	sdelay $0x1  }
0xa1: {  	s23 =	simm.s32 $0x1B8B  }
0xa2: {  	_ =	swait.ge [sflag:s23], $0x1  }
0xa3: {  	[sflag:s23] =	ssyncset.done $0x0  }
0xa4: {  	s25 =	simm.s32 $0x1B8E;
	s24 =	sld [smem:$0x3FFE];
	[sflag:s23] =	ssyncadd.s32 $0xFFFFFFFF  }
0xa5: {  	s26 =	simm.s32 $execute0_lowered;
	[smem:$0x3FD2] =	sst s25  }
0xa6: {  	s5 =	sshll.u32 s26, $0x1;
	_ =	strace $0x80000049;
	[dreg:$0x1] =	wrdreg $0xFFFFFFFF  }
0xa7: {  	s28 =	simm.s32 $_size_execute0_lowered;
	s3 =	sadd.s32 s3, s5;
	[dreg:$0x0] =	wrdreg $0x0  }
0xa8: {  	s5 =	sshll.u32 s28, $0x1;
	[dreg:$0x2] =	wrdreg s3  }
0xa9: {  	[dreg:$0x3] =	wrdreg s5  }
0xaa: {  	[dreg:$0x4] =	wrdreg $0xC0  }
0xab: {  	_ =	task [dreg:s7], $0x5FFFF  }
0xac: {  	[dreg:$0x1] =	wrdreg $0xFFFFFFFF  }
0xad: {  	[dreg:$0x0] =	wrdreg $0x60  }
0xae: {  	[dreg:$0x2] =	wrdreg s24  }
0xaf: {  	[dreg:$0x3] =	wrdreg s2  }
0xb0: {  	[dreg:$0x4] =	wrdreg $0x62000  }
0xb1: {  	[dreg:$0x5] =	wrdreg $0x9  }
0xb2: {  	_ =	task.clear_ibuf [dreg:s7], $0x6FFFF;
	_ =	strace $0x90000049  }
0xb3: {  	s29 =	simm.s32 $0x9;
	_ =	strace $0x8000004B  }
0xb4: {  	_ =	swait.ge [sflag:s29], $0x1  }
0xb5: {  	[sflag:s29] =	ssyncadd.s32 $0xFFFFFFFF  }
0xb6: {  	_ =	strace $0x9000004B  }
0xb7: {  	_ =	sfence  }
0xb8: {  	s30 =	sld [smem:$0x0];
	_ =	sdelay $0x2  }
0xb9: {  	s31 =	sshll.u32 s1, $0xD;
	s1 =	sshrl.u32 s1, $0x2  }
0xba: {  	s3 =	sand.u32 $0x4000, s31;
	s1 =	sadd.s32 s1, s30  }
0xbb: {  	s0 =	sor.u32 s3, s0;
	s1 =	sshll.u32 s1, $0x11  }
0xbc: {  	s0 =	sor.u32 s1, s0  }
0xbd: {  	s0 =	sadd.s32 $0x8F2B, s0  }
0xbe: {  	[sflag:s0] =	ssyncadd.remote.s32 $0x1  }
0xbf: {  	_ =	sfence.sel $0xFFFF  }
0xc0: {  	[dreg:$0x0] =	wrdreg $0xFFFFFFFF;
	(pc) =	sbr.abs _section_cstart, $3  }
0xc1: {  	[dreg:$0x1] =	wrdreg $0xFFFFFFFF  }
0xc2: {  	_ =	task.clear_ibuf [dreg:s7], $0x2FFFF;
	_ =	strace $0x9FFFFFFF  }
0xc3: {  	(tm) =	ssettm $0x7FFFFFFF  }
tec
execute0_lowered:
.L_overlay_start_1:
0x0: {  	(tag) =	ssettag $0x1  }
0x1: {  	s0 =	rddreg [dreg:$0x0]  }
0x2: {  	s2 =	rddreg [dreg:$0x1]  }
0x3: {  	s1 =	rddreg [dreg:$0x2];
	s3 =	simm.s32 $0x0  }
0x4: {  	s4 =	srdreg.scid;
	s24 =	stileid.u32;
	s28 =	simm.s32 $0x200  }
0x5: {  	s29 =	simm.s32 $0x80;
	s30 =	simm.s32 $0x100;
	s31 =	simm.s32 $0x180  }
0x6: {  	[smem:$0x7FF] =	sst s3;
	s17 =	sand.u32 $0x1, s4;
	s18 =	sshll.u32 s24, $0xD  }
0x7: {  	s21 =	smul.u32 $0x3000, s24;
	p0 =	sgt.u32 s24, $0x5;
	_ =	strace $0x8000004A  }
0x8: {  	s4 =	sshll.u32 s17, $0x11;
	s5 =	sshll.u32 s17, $0x14;
	s6 =	ssub.s32 $0x2, s17  }
0x9: {  	s17 =	sshll.u32 s17, $0x13;
	s4 =	sor.u32 s18, s4;
	s19 =	sadd.s32 s5, s0  }
0xa: {  	s22 =	sshrl.u32 s6, $0x1;
	s21 =	sor.u32 s21, s17;
	s17 =	sadd.s32 s17, s2  }
0xb: {  	s4 =	sshrl.u32 s4, $0x3;
	s20 =	ssub.s32 s6, s22;
	s22 =	smul.u32 $0x60000, s24  }
0xc: {  	s26 =	sadd.s32 s2, s21;
	s17 =	sadd.s32 s18, s17;
	s0 =	sadd.s32 s4, s0  }
0xd: {  	s4 =	sadd.s32 s18, s1;
	[dreg:$0x6] =	wrdreg s26;
	s5 =	sadd.s32 $0x30000, s26  }
0xe: {  	s2 =	sadd.s32 $0x60000, s17;
	s18 =	sshll.u32 s24, $0x10;
	s24 =	simm.s32 $0x4200  }
0xf: {  	s23 =	sadd.s32 $0x20000, s4;
	s25 =	sadd.s32 $0x40000, s4;
	s7 =	sadd.s32 $0x60000, s4  }
0x10: {  	s8 =	sadd.s32 $0x80000, s4;
	s9 =	sadd.s32 $0xA0000, s4;
	s10 =	sadd.s32 $0xC0000, s4  }
0x11: {  	s11 =	sadd.s32 $0xE0000, s4;
	s12 =	sadd.s32 $0x100000, s4;
	s13 =	sadd.s32 $0x120000, s4  }
0x12: {  	s14 =	sadd.s32 $0x140000, s4;
	s15 =	sadd.s32 $0x160000, s4;
	[dreg:$0x8] =	wrdreg s5  }
0x13: {  	s16 =	sadd.s32 $0x180000, s4;
	s22 =	sshrl.u32 s22, $0x2;
	[dreg:$0x9] =	wrdreg s2  }
0x14: {  	s21 =	sadd.s32 s18, s1;
	s2 =	sadd.s32 s18, s19;
	[dreg:$0x4] =	wrdreg s23  }
0x15: {  	[dreg:$0x5] =	wrdreg s25;
	s6 =	sadd.s32 s22, s1;
	s25 =	smax.u32 s20, $0x1  }
0x16: {  	s22 =	sadd.s32 $0xA11400, s2;
	s23 =	sadd.s32 $0x1400, s0;
	[dreg:$0x7] =	wrdreg s6  }
0x17: {  	s26 =	sshrl.u32 s21, $0x3;
	s0 =	simm.s32 $0x2200;
	[dreg:$0xa] =	wrdreg s25  }
0x18: {  	v0 =	vimm.f32 $0.0e+00;
	s2 =	simm.s32 $0x0;
	[dreg:$0xb] =	wrdreg s26;
	s26 =	simm.s32 $0x1  }
.LBB2_1:
0x19: {  	s18 =	simm.s32 $0x100;
	s17 =	simm.s32 $0x0  }
.LBB2_2:
0x1a: {  	p1 =	sne.s32 s18, $0x7F00;
	[tilespmem:s17+$0x4230] =	vst v0;
	s19 =	smov.u32 s18;
	s18 =	sadd.s32 $0x100, s18  }
.Ltmp0:
0x1b: {  	[tilespmem:s17+$0x4220] =	vst v0;
	(pc) =	sbr.rel @p1 .LBB2_2-.Ltmp0, $3  }
0x1c: {  	[tilespmem:s17+$0x4200] =	vst v0  }
0x1d: {  	[tilespmem:s17+$0x4210] =	vst v0;
	_ =	sdelay $0x1  }
0x1e: {  	s17 =	sshra.s32 s19, $0x2  }
0x1f: {  	[tilespmem:s17+$0x4230] =	vst v0  }
0x20: {  	[tilespmem:s17+$0x4220] =	vst v0  }
0x21: {  	[tilespmem:s17+$0x4200] =	vst v0  }
0x22: {  	[tilespmem:s17+$0x4210] =	vst v0  }
0x23: {  	[spmem:s4] =	stream.linear.scatter [tilespmem:s24], [sflag:$0x1], $0x2000, $0x38;
	[tilespmem:$0x1EE00] =	vst v63  }
0x24: {  	_ =	swait.ge [sflag:s26], $0x2000  }
0x25: {  	[sflag:s26] =	ssyncset.done $0x0  }
0x26: {  	s5 =	rddreg [dreg:$0x4];
	[sflag:s26] =	ssyncadd.s32 $0xFFFFE000  }
0x27: {  	[spmem:s5] =	stream.linear.scatter [tilespmem:s24], [sflag:$0x1], $0x2000, $0x38;
	[tilespmem:$0x1EE00] =	vst v63  }
0x28: {  	_ =	swait.ge [sflag:s26], $0x2000  }
0x29: {  	[sflag:s26] =	ssyncset.done $0x0  }
0x2a: {  	s21 =	rddreg [dreg:$0x5];
	[sflag:s26] =	ssyncadd.s32 $0xFFFFE000  }
0x2b: {  	[spmem:s21] =	stream.linear.scatter [tilespmem:s24], [sflag:$0x1], $0x2000, $0x38;
	[tilespmem:$0x1EE00] =	vst v63  }
0x2c: {  	_ =	swait.ge [sflag:s26], $0x2000  }
0x2d: {  	[sflag:s26] =	ssyncset.done $0x0  }
0x2e: {  	[sflag:s26] =	ssyncadd.s32 $0xFFFFE000  }
0x2f: {  	[spmem:s7] =	stream.linear.scatter [tilespmem:s24], [sflag:$0x1], $0x2000, $0x38;
	[tilespmem:$0x1EE00] =	vst v63  }
0x30: {  	_ =	swait.ge [sflag:s26], $0x2000  }
0x31: {  	[sflag:s26] =	ssyncset.done $0x0  }
0x32: {  	[sflag:s26] =	ssyncadd.s32 $0xFFFFE000  }
0x33: {  	[spmem:s8] =	stream.linear.scatter [tilespmem:s24], [sflag:$0x1], $0x2000, $0x38;
	[tilespmem:$0x1EE00] =	vst v63  }
0x34: {  	_ =	swait.ge [sflag:s26], $0x2000  }
0x35: {  	[sflag:s26] =	ssyncset.done $0x0  }
0x36: {  	[sflag:s26] =	ssyncadd.s32 $0xFFFFE000  }
0x37: {  	[spmem:s9] =	stream.linear.scatter [tilespmem:s24], [sflag:$0x1], $0x2000, $0x38;
	[tilespmem:$0x1EE00] =	vst v63  }
0x38: {  	_ =	swait.ge [sflag:s26], $0x2000  }
0x39: {  	[sflag:s26] =	ssyncset.done $0x0  }
0x3a: {  	[sflag:s26] =	ssyncadd.s32 $0xFFFFE000  }
0x3b: {  	[spmem:s10] =	stream.linear.scatter [tilespmem:s24], [sflag:$0x1], $0x2000, $0x38;
	[tilespmem:$0x1EE00] =	vst v63  }
0x3c: {  	_ =	swait.ge [sflag:s26], $0x2000  }
0x3d: {  	[sflag:s26] =	ssyncset.done $0x0  }
0x3e: {  	[sflag:s26] =	ssyncadd.s32 $0xFFFFE000  }
0x3f: {  	[spmem:s11] =	stream.linear.scatter [tilespmem:s24], [sflag:$0x1], $0x2000, $0x38;
	[tilespmem:$0x1EE00] =	vst v63  }
0x40: {  	_ =	swait.ge [sflag:s26], $0x2000  }
0x41: {  	[sflag:s26] =	ssyncset.done $0x0  }
0x42: {  	[sflag:s26] =	ssyncadd.s32 $0xFFFFE000  }
0x43: {  	[spmem:s12] =	stream.linear.scatter [tilespmem:s24], [sflag:$0x1], $0x2000, $0x38;
	[tilespmem:$0x1EE00] =	vst v63  }
0x44: {  	_ =	swait.ge [sflag:s26], $0x2000  }
0x45: {  	[sflag:s26] =	ssyncset.done $0x0  }
0x46: {  	[sflag:s26] =	ssyncadd.s32 $0xFFFFE000  }
0x47: {  	[spmem:s13] =	stream.linear.scatter [tilespmem:s24], [sflag:$0x1], $0x2000, $0x38;
	[tilespmem:$0x1EE00] =	vst v63  }
0x48: {  	_ =	swait.ge [sflag:s26], $0x2000  }
0x49: {  	[sflag:s26] =	ssyncset.done $0x0  }
0x4a: {  	[sflag:s26] =	ssyncadd.s32 $0xFFFFE000  }
0x4b: {  	[spmem:s14] =	stream.linear.scatter [tilespmem:s24], [sflag:$0x1], $0x2000, $0x38;
	[tilespmem:$0x1EE00] =	vst v63  }
0x4c: {  	_ =	swait.ge [sflag:s26], $0x2000  }
0x4d: {  	[sflag:s26] =	ssyncset.done $0x0  }
0x4e: {  	[sflag:s26] =	ssyncadd.s32 $0xFFFFE000  }
0x4f: {  	[spmem:s15] =	stream.linear.scatter [tilespmem:s24], [sflag:$0x1], $0x2000, $0x38;
	[tilespmem:$0x1EE00] =	vst v63  }
0x50: {  	_ =	swait.ge [sflag:s26], $0x2000  }
0x51: {  	[sflag:s26] =	ssyncset.done $0x0  }
0x52: {  	s17 =	simm.s32 @!p0 $0x4200;
	[sflag:s26] =	ssyncadd.s32 $0xFFFFE000  }
0x53: {  	[spmem:s16] =	stream.linear.scatter @!p0 [tilespmem:s17], [sflag:$0x1], $0x2000, $0x38;
	[tilespmem:$0x1EE00] =	vst v63  }
0x54: {  	s17 =	simm.s32 @!p0 $0x1  }
0x55: {  	_ =	swait.ge @!p0 [sflag:s17], $0x2000  }
0x56: {  	[sflag:s17] =	ssyncset.done @!p0 $0x0  }
0x57: {  	[sflag:s17] =	ssyncadd.s32 @!p0 $0xFFFFE000  }
0x58: {  	s25 =	sadd.s32 $0x0, s23;
	[bflag:$0x0] =	sbarrier.arrive $0xFFFF  }
0x59: {  	[tilespmem:s3], [sflag:$0x1] =	stream.linear.gather [hbm4b:s25+s3], $0x100, $0x38;
	[tilespmem:$0x1EE00] =	vst v63  }
0x5a: {  	_ =	swait.ge [sflag:s26], $0x100  }
0x5b: {  	[sflag:s26] =	ssyncset.done $0x0  }
0x5c: {  	[sflag:s26] =	ssyncadd.s32 $0xFFFFFF00  }
0x5d: {  	[tilespmem:s28], [sflag:$0x1] =	stream.linear.gather [hbm4b:s22+s3], $0x4000, $0x38;
	[tilespmem:$0x1EE00] =	vst v63  }
0x5e: {  	_ =	swait.ge [sflag:s26], $0x4000  }
0x5f: {  	[sflag:s26] =	ssyncset.done $0x0  }
0x60: {  	[sflag:s26] =	ssyncadd.s32 $0xFFFFC000  }
0x61: {  	v3 =	vld [tilespmem:$0xF0]  }
0x62: {  	v7 =	vld [tilespmem:$0xB0]  }
0x63: {  	v4 =	vld [tilespmem:$0x40]  }
0x64: {  	v9 =	vld [tilespmem:$0x10]  }
0x65: {  	v8 =	vld [tilespmem:$0x0]  }
0x66: {  	v12 =	vld [tilespmem:$0xC0]  }
0x67: {  	v2 =	vld [tilespmem:$0xE0];
	v1 =	vand.u32 $0x7F, v3  }
0x68: {  	vm1 =	vlt.u32 v7, $0x6000;
	v6 =	vand.u32 $0x7F, v7;
	vm2 =	vlt.u32 v3, $0x6000  }
0x69: {  	v5 =	vld [tilespmem:$0x30];
	vm0 =	vlt.u32 v4, $0x6000;
	v10 =	vand.u32 $0x7F, v4;
	v14 =	vand.u32 $0x7F, v9  }
0x6a: {  	vm3 =	vlt.u32 v8, $0x6000;
	vm5 =	vlt.u32 v9, $0x6000;
	v11 =	vor.u32 $0x6000, v1;
	v1 =	vld [tilespmem:$0x20]  }
0x6b: {  	vm6 =	vlt.u32 v12, $0x6000;
	v13 =	vor.u32 $0x6000, v10;
	v10 =	vor.u32 $0x6000, v6;
	v6 =	vld [tilespmem:$0x50]  }
0x6c: {  	v17 =	vand.u32 $0x7F, v2;
	v15 =	vor.u32 $0x6000, v14;
	v11 =	vsel vm2, v3, v11;
	v3 =	vld [tilespmem:$0x60]  }
0x6d: {  	v14 =	vand.u32 $0x7F, v8;
	v16 =	vsel vm1, v7, v10;
	v10 =	vand.u32 $0x7F, v12;
	v7 =	vld [tilespmem:$0x70]  }
0x6e: {  	v18 =	vand.u32 $0x7F, v5;
	v14 =	vor.u32 $0x6000, v14;
	v19 =	vor.u32 $0x6000, v10;
	v10 =	vld [tilespmem:$0x80]  }
0x6f: {  	vm1 =	vlt.u32 v2, $0x6000;
	[tilespmem:$0x1F0] =	vst v11;
	v20 =	vsel vm3, v8, v14;
	vm3 =	vlt.u32 v5, $0x6000;
	v8 =	vld [tilespmem:$0x90]  }
0x70: {  	[tilespmem:$0x1B0] =	vst v16;
	v14 =	vld [tilespmem:$0xA0];
	v19 =	vsel vm6, v12, v19;
	v11 =	vand.u32 $0x7F, v1;
	vm4 =	vlt.u32 v6, $0x6000  }
0x71: {  	s18 =	smov.u32 s22;
	s17 =	simm.s32 $0x20;
	[tilespmem:$0x100] =	vst v20;
	v12 =	vld [tilespmem:$0xD0];
	vm2 =	vlt.u32 v1, $0x6000;
	v16 =	vand.u32 $0x7F, v6;
	v11 =	vor.u32 $0x6000, v11  }
.LBB2_4:
0x72: {  	p1 =	sne.s32 s17, $0x3E0  }
0x73: {  	v9 =	vsel vm5, v9, v15;
	vm5 =	vlt.u32 v3, $0x6000;
	[tilespmem:$0x1C0] =	vst v19;
	v15 =	vor.u32 $0x6000, v17;
	s18 =	sadd.s32 $0x800, s18;
	s19 =	smov.u32 s17;
	s17 =	sadd.s32 $0x20, s17  }
0x74: {  	v4 =	vsel vm0, v4, v13;
	vm0 =	vlt.u32 v7, $0x6000;
	[tilespmem:$0x110] =	vst v9;
	v9 =	vor.u32 $0x6000, v18  }
0x75: {  	v13 =	vand.u32 $0x7F, v10;
	[tilespmem:$0x140] =	vst v4;
	v4 =	vand.u32 $0x7F, v7;
	vm6 =	vlt.u32 v8, $0x6000  }
0x76: {  	v17 =	vand.u32 $0x7F, v3;
	v13 =	vor.u32 $0x6000, v13  }
0x77: {  	vm7 =	vlt.u32 v10, $0x6000;
	v4 =	vor.u32 $0x6000, v4;
	vm8 =	vlt.u32 v14, $0x6000  }
0x78: {  	v5 =	vsel vm3, v5, v9;
	v9 =	vor.u32 $0x6000, v16;
	v10 =	vsel vm7, v10, v13  }
0x79: {  	v2 =	vsel vm1, v2, v15;
	[tilespmem:$0x130] =	vst v5;
	v5 =	vsel vm4, v6, v9;
	v6 =	vand.u32 $0x7F, v14  }
0x7a: {  	v1 =	vsel vm2, v1, v11;
	v9 =	vand.u32 $0x7F, v8;
	v6 =	vor.u32 $0x6000, v6;
	[tilespmem:$0x1E0] =	vst v2  }
0x7b: {  	v2 =	vsel vm0, v7, v4;
	v4 =	vor.u32 $0x6000, v9;
	[tilespmem:$0x150] =	vst v5;
	v5 =	vsel vm8, v14, v6  }
0x7c: {  	v6 =	vor.u32 $0x6000, v17;
	[tilespmem:$0x170] =	vst v2;
	v2 =	vsel vm6, v8, v4;
	v4 =	vand.u32 $0x7F, v12  }
0x7d: {  	vm0 =	vlt.u32 v12, $0x6000;
	v3 =	vsel vm5, v3, v6;
	[tilespmem:$0x1A0] =	vst v5;
	v4 =	vor.u32 $0x6000, v4  }
0x7e: {  	[tilespmem:$0x160] =	vst v3;
	v3 =	vsel vm0, v12, v4  }
0x7f: {  	[tilespmem:$0x1D0] =	vst v3  }
0x80: {  	[tilespmem:$0x190] =	vst v2  }
0x81: {  	[tilespmem:$0x180] =	vst v10  }
0x82: {  	[tilespmem:$0x120] =	vst v1  }
0x83: {  	[spmem:s1] =	stream.indirect.scatter.add.f32 [tilespmem:s28], [sflag:$0x1], $0x40, s30, s29, $0xb8;
	[tilespmem:$0x1EE00] =	vst v63  }
0x84: {  	_ =	swait.ge [sflag:s26], $0x2000  }
0x85: {  	[sflag:s26] =	ssyncset.done $0x0  }
0x86: {  	[sflag:s26] =	ssyncadd.s32 $0xFFFFE000  }
0x87: {  	[spmem:s1] =	stream.indirect.scatter.add.f32 [tilespmem:s0], [sflag:$0x1], $0x40, s31, s29, $0xb8;
	[tilespmem:$0x1EE00] =	vst v63  }
0x88: {  	_ =	swait.ge [sflag:s26], $0x2000  }
0x89: {  	[sflag:s26] =	ssyncset.done $0x0  }
0x8a: {  	s19 =	sadd.s32 s19, s23;
	[sflag:s26] =	ssyncadd.s32 $0xFFFFE000  }
0x8b: {  	[tilespmem:s3], [sflag:$0x1] =	stream.linear.gather [hbm4b:s19+s3], $0x100, $0x38;
	[tilespmem:$0x1EE00] =	vst v63  }
0x8c: {  	_ =	swait.ge [sflag:s26], $0x100  }
0x8d: {  	[sflag:s26] =	ssyncset.done $0x0  }
0x8e: {  	[sflag:s26] =	ssyncadd.s32 $0xFFFFFF00  }
0x8f: {  	[tilespmem:s28], [sflag:$0x1] =	stream.linear.gather [hbm4b:s18+s3], $0x4000, $0x38;
	[tilespmem:$0x1EE00] =	vst v63  }
0x90: {  	_ =	swait.ge [sflag:s26], $0x4000  }
0x91: {  	[sflag:s26] =	ssyncset.done $0x0  }
0x92: {  	[sflag:s26] =	ssyncadd.s32 $0xFFFFC000  }
0x93: {  	v3 =	vld [tilespmem:$0xF0]  }
0x94: {  	v7 =	vld [tilespmem:$0xB0]  }
0x95: {  	v4 =	vld [tilespmem:$0x40]  }
0x96: {  	v9 =	vld [tilespmem:$0x10]  }
0x97: {  	v8 =	vld [tilespmem:$0x0]  }
0x98: {  	v12 =	vld [tilespmem:$0xC0];
	v1 =	vand.u32 $0x7F, v3  }
0x99: {  	vm2 =	vlt.u32 v3, $0x6000;
	vm1 =	vlt.u32 v7, $0x6000;
	v6 =	vand.u32 $0x7F, v7;
	v2 =	vld [tilespmem:$0xE0]  }
0x9a: {  	v11 =	vor.u32 $0x6000, v1;
	v5 =	vld [tilespmem:$0x30];
	vm0 =	vlt.u32 v4, $0x6000;
	v10 =	vand.u32 $0x7F, v4  }
0x9b: {  	v14 =	vand.u32 $0x7F, v9;
	v1 =	vld [tilespmem:$0x20];
	v13 =	vor.u32 $0x6000, v10;
	v10 =	vor.u32 $0x6000, v6  }
0x9c: {  	vm3 =	vlt.u32 v8, $0x6000;
	v6 =	vld [tilespmem:$0x50];
	v10 =	vsel vm1, v7, v10;
	v7 =	vsel vm2, v3, v11  }
0x9d: {  	vm5 =	vlt.u32 v9, $0x6000;
	v15 =	vor.u32 $0x6000, v14;
	v3 =	vld [tilespmem:$0x60];
	v11 =	vand.u32 $0x7F, v12;
	[tilespmem:$0x1F0] =	vst v7  }
.Ltmp1:
0x9e: {  	v14 =	vand.u32 $0x7F, v8;
	v7 =	vld [tilespmem:$0x70];
	[tilespmem:$0x1B0] =	vst v10;
	v19 =	vor.u32 $0x6000, v11;
	vm1 =	vlt.u32 v2, $0x6000;
	(pc) =	sbr.rel @p1 .LBB2_4-.Ltmp1, $4  }
0x9f: {  	vm6 =	vlt.u32 v12, $0x6000;
	v11 =	vor.u32 $0x6000, v14;
	v17 =	vand.u32 $0x7F, v2;
	v10 =	vld [tilespmem:$0x80]  }
0xa0: {  	v11 =	vsel vm3, v8, v11;
	vm3 =	vlt.u32 v5, $0x6000;
	v14 =	vand.u32 $0x7F, v1;
	v8 =	vld [tilespmem:$0x90]  }
0xa1: {  	v18 =	vand.u32 $0x7F, v5;
	[tilespmem:$0x100] =	vst v11;
	v11 =	vor.u32 $0x6000, v14;
	vm4 =	vlt.u32 v6, $0x6000;
	v14 =	vld [tilespmem:$0xA0]  }
0xa2: {  	v19 =	vsel vm6, v12, v19;
	vm2 =	vlt.u32 v1, $0x6000;
	v16 =	vand.u32 $0x7F, v6;
	v12 =	vld [tilespmem:$0xD0]  }
0xa3: {  	v9 =	vsel vm5, v9, v15;
	vm15 =	vlt.u32 v3, $0x6000;
	[tilespmem:$0x1C0] =	vst v19  }
0xa4: {  	v26 =	vor.u32 $0x6000, v17;
	v27 =	vor.u32 $0x6000, v18;
	v4 =	vsel vm0, v4, v13;
	[tilespmem:$0x110] =	vst v9  }
0xa5: {  	vm6 =	vlt.u32 v7, $0x6000;
	v28 =	vand.u32 $0x7F, v7;
	v1 =	vsel vm2, v1, v11;
	[tilespmem:$0x140] =	vst v4  }
0xa6: {  	v30 =	vand.u32 $0x7F, v3;
	v16 =	vor.u32 $0x6000, v16;
	v5 =	vsel vm3, v5, v27;
	[tilespmem:$0x120] =	vst v1  }
0xa7: {  	v29 =	vand.u32 $0x7F, v10;
	v9 =	vor.u32 $0x6000, v28;
	v2 =	vsel vm1, v2, v26;
	[tilespmem:$0x130] =	vst v5  }
0xa8: {  	v31 =	vsel vm4, v6, v16;
	v34 =	vor.u32 $0x6000, v30;
	[tilespmem:$0x1E0] =	vst v2;
	v2 =	vand.u32 $0x7F, v8  }
0xa9: {  	[tilespmem:$0x150] =	vst v31;
	v33 =	vsel vm6, v7, v9;
	v3 =	vsel vm15, v3, v34;
	vm9 =	vlt.u32 v8, $0x6000  }
0xaa: {  	vm7 =	vlt.u32 v14, $0x6000;
	v32 =	vand.u32 $0x7F, v14;
	[tilespmem:$0x170] =	vst v33;
	v2 =	vor.u32 $0x6000, v2  }
0xab: {  	[tilespmem:$0x160] =	vst v3;
	v6 =	vor.u32 $0x6000, v32;
	v35 =	vand.u32 $0x7F, v12;
	v2 =	vsel vm9, v8, v2  }
0xac: {  	vm8 =	vlt.u32 v12, $0x6000;
	v6 =	vsel vm7, v14, v6;
	v5 =	vor.u32 $0x6000, v35;
	[tilespmem:$0x190] =	vst v2  }
0xad: {  	vm10 =	vlt.u32 v10, $0x6000;
	v4 =	vor.u32 $0x6000, v29;
	[tilespmem:$0x1A0] =	vst v6;
	v3 =	vsel vm8, v12, v5  }
0xae: {  	[tilespmem:$0x1D0] =	vst v3;
	v3 =	vsel vm10, v10, v4  }
0xaf: {  	[tilespmem:$0x180] =	vst v3  }
0xb0: {  	[spmem:s1] =	stream.indirect.scatter.add.f32 [tilespmem:s28], [sflag:$0x1], $0x40, s30, s29, $0xb8;
	[tilespmem:$0x1EE00] =	vst v63  }
0xb1: {  	_ =	swait.ge [sflag:s26], $0x2000  }
0xb2: {  	[sflag:s26] =	ssyncset.done $0x0  }
0xb3: {  	[sflag:s26] =	ssyncadd.s32 $0xFFFFE000  }
0xb4: {  	[spmem:s1] =	stream.indirect.scatter.add.f32 [tilespmem:s0], [sflag:$0x1], $0x40, s31, s29, $0xb8;
	[tilespmem:$0x1EE00] =	vst v63  }
0xb5: {  	_ =	swait.ge [sflag:s26], $0x2000  }
0xb6: {  	[sflag:s26] =	ssyncset.done $0x0  }
0xb7: {  	[sflag:s26] =	ssyncadd.s32 $0xFFFFE000  }
0xb8: {  	s5 =	stileid.u32;
	[bflag:$0x0] =	sbarrier.arrive $0xFFFF  }
0xb9: {  	s17 =	sshll.u32 s5, $0x6;
	s6 =	rddreg [dreg:$0x7]  }
0xba: {  	s18 =	sor.u32 $0x1C01, s17;
	s17 =	rddreg [dreg:$0x6];
	s19 =	sshrl.u32 s6, $0x3  }
0xbb: {  	[hbm:s17], [sflag:s18] =	dma.local [spmem:s19], $0x3000  }
0xbc: {  	_ =	swait.ge [sflag:s26], $0x3000  }
0xbd: {  	[sflag:s26] =	ssyncset.done $0x0  }
0xbe: {  	[sflag:s26] =	ssyncadd.s32 $0xFFFFD000  }
0xbf: {  	[bflag:$0x0] =	sbarrier.arrive $0xFFFF  }
0xc0: {  	[spmem:s4] =	stream.linear.scatter [tilespmem:s24], [sflag:$0x1], $0x2000, $0x38;
	[tilespmem:$0x1EE00] =	vst v63  }
0xc1: {  	_ =	swait.ge [sflag:s26], $0x2000  }
0xc2: {  	[sflag:s26] =	ssyncset.done $0x0  }
0xc3: {  	s20 =	rddreg [dreg:$0x4];
	[sflag:s26] =	ssyncadd.s32 $0xFFFFE000  }
0xc4: {  	[spmem:s20] =	stream.linear.scatter [tilespmem:s24], [sflag:$0x1], $0x2000, $0x38;
	[tilespmem:$0x1EE00] =	vst v63  }
0xc5: {  	_ =	swait.ge [sflag:s26], $0x2000  }
0xc6: {  	[sflag:s26] =	ssyncset.done $0x0  }
0xc7: {  	s21 =	rddreg [dreg:$0x5];
	[sflag:s26] =	ssyncadd.s32 $0xFFFFE000  }
0xc8: {  	[spmem:s21] =	stream.linear.scatter [tilespmem:s24], [sflag:$0x1], $0x2000, $0x38;
	[tilespmem:$0x1EE00] =	vst v63  }
0xc9: {  	_ =	swait.ge [sflag:s26], $0x2000  }
0xca: {  	[sflag:s26] =	ssyncset.done $0x0  }
0xcb: {  	[sflag:s26] =	ssyncadd.s32 $0xFFFFE000  }
0xcc: {  	[spmem:s7] =	stream.linear.scatter [tilespmem:s24], [sflag:$0x1], $0x2000, $0x38;
	[tilespmem:$0x1EE00] =	vst v63  }
0xcd: {  	_ =	swait.ge [sflag:s26], $0x2000  }
0xce: {  	[sflag:s26] =	ssyncset.done $0x0  }
0xcf: {  	[sflag:s26] =	ssyncadd.s32 $0xFFFFE000  }
0xd0: {  	[spmem:s8] =	stream.linear.scatter [tilespmem:s24], [sflag:$0x1], $0x2000, $0x38;
	[tilespmem:$0x1EE00] =	vst v63  }
0xd1: {  	_ =	swait.ge [sflag:s26], $0x2000  }
0xd2: {  	[sflag:s26] =	ssyncset.done $0x0  }
0xd3: {  	[sflag:s26] =	ssyncadd.s32 $0xFFFFE000  }
0xd4: {  	[spmem:s9] =	stream.linear.scatter [tilespmem:s24], [sflag:$0x1], $0x2000, $0x38;
	[tilespmem:$0x1EE00] =	vst v63  }
0xd5: {  	_ =	swait.ge [sflag:s26], $0x2000  }
0xd6: {  	[sflag:s26] =	ssyncset.done $0x0  }
0xd7: {  	[sflag:s26] =	ssyncadd.s32 $0xFFFFE000  }
0xd8: {  	[spmem:s10] =	stream.linear.scatter [tilespmem:s24], [sflag:$0x1], $0x2000, $0x38;
	[tilespmem:$0x1EE00] =	vst v63  }
0xd9: {  	_ =	swait.ge [sflag:s26], $0x2000  }
0xda: {  	[sflag:s26] =	ssyncset.done $0x0  }
0xdb: {  	[sflag:s26] =	ssyncadd.s32 $0xFFFFE000  }
0xdc: {  	[spmem:s11] =	stream.linear.scatter [tilespmem:s24], [sflag:$0x1], $0x2000, $0x38;
	[tilespmem:$0x1EE00] =	vst v63  }
0xdd: {  	_ =	swait.ge [sflag:s26], $0x2000  }
0xde: {  	[sflag:s26] =	ssyncset.done $0x0  }
0xdf: {  	[sflag:s26] =	ssyncadd.s32 $0xFFFFE000  }
0xe0: {  	[spmem:s12] =	stream.linear.scatter [tilespmem:s24], [sflag:$0x1], $0x2000, $0x38;
	[tilespmem:$0x1EE00] =	vst v63  }
0xe1: {  	_ =	swait.ge [sflag:s26], $0x2000  }
0xe2: {  	[sflag:s26] =	ssyncset.done $0x0  }
0xe3: {  	[sflag:s26] =	ssyncadd.s32 $0xFFFFE000  }
0xe4: {  	[spmem:s13] =	stream.linear.scatter [tilespmem:s24], [sflag:$0x1], $0x2000, $0x38;
	[tilespmem:$0x1EE00] =	vst v63  }
0xe5: {  	_ =	swait.ge [sflag:s26], $0x2000  }
0xe6: {  	[sflag:s26] =	ssyncset.done $0x0  }
0xe7: {  	[sflag:s26] =	ssyncadd.s32 $0xFFFFE000  }
0xe8: {  	[spmem:s14] =	stream.linear.scatter [tilespmem:s24], [sflag:$0x1], $0x2000, $0x38;
	[tilespmem:$0x1EE00] =	vst v63  }
0xe9: {  	_ =	swait.ge [sflag:s26], $0x2000  }
0xea: {  	[sflag:s26] =	ssyncset.done $0x0  }
0xeb: {  	[sflag:s26] =	ssyncadd.s32 $0xFFFFE000  }
0xec: {  	[spmem:s15] =	stream.linear.scatter [tilespmem:s24], [sflag:$0x1], $0x2000, $0x38;
	[tilespmem:$0x1EE00] =	vst v63  }
0xed: {  	_ =	swait.ge [sflag:s26], $0x2000  }
0xee: {  	[sflag:s26] =	ssyncset.done $0x0  }
0xef: {  	s17 =	simm.s32 @!p0 $0x4200;
	[sflag:s26] =	ssyncadd.s32 $0xFFFFE000  }
0xf0: {  	[spmem:s16] =	stream.linear.scatter @!p0 [tilespmem:s17], [sflag:$0x1], $0x2000, $0x38;
	[tilespmem:$0x1EE00] =	vst v63  }
0xf1: {  	s17 =	simm.s32 @!p0 $0x1  }
0xf2: {  	_ =	swait.ge @!p0 [sflag:s17], $0x2000  }
0xf3: {  	[sflag:s17] =	ssyncset.done @!p0 $0x0  }
0xf4: {  	[sflag:s17] =	ssyncadd.s32 @!p0 $0xFFFFE000  }
0xf5: {  	s25 =	sadd.s32 $0x0, s23;
	[bflag:$0x0] =	sbarrier.arrive $0xFFFF  }
0xf6: {  	[tilespmem:s3], [sflag:$0x1] =	stream.linear.gather [hbm4b:s25+s3], $0x100, $0x38;
	[tilespmem:$0x1EE00] =	vst v63  }
0xf7: {  	_ =	swait.ge [sflag:s26], $0x100  }
0xf8: {  	[sflag:s26] =	ssyncset.done $0x0  }
0xf9: {  	[sflag:s26] =	ssyncadd.s32 $0xFFFFFF00  }
0xfa: {  	[tilespmem:s28], [sflag:$0x1] =	stream.linear.gather [hbm4b:s22+s3], $0x4000, $0x38;
	[tilespmem:$0x1EE00] =	vst v63  }
0xfb: {  	_ =	swait.ge [sflag:s26], $0x4000  }
0xfc: {  	[sflag:s26] =	ssyncset.done $0x0  }
0xfd: {  	[sflag:s26] =	ssyncadd.s32 $0xFFFFC000  }
0xfe: {  	v1 =	vld [tilespmem:$0xE0]  }
0xff: {  	v2 =	vld [tilespmem:$0xC0]  }
0x100: {  	v3 =	vld [tilespmem:$0x60]  }
0x101: {  	v36 =	vld [tilespmem:$0x10]  }
0x102: {  	v37 =	vld [tilespmem:$0x30]  }
0x103: {  	v38 =	vld [tilespmem:$0xD0]  }
0x104: {  	v39 =	vld [tilespmem:$0x40]  }
0x105: {  	v42 =	vld [tilespmem:$0xF0]  }
0x106: {  	v44 =	vld [tilespmem:$0x50]  }
0x107: {  	v45 =	vld [tilespmem:$0x0]  }
0x108: {  	v47 =	vld [tilespmem:$0x20];
	v40 =	vadd.s32 $0xFFFFA000, v1  }
0x109: {  	v49 =	vld [tilespmem:$0x70];
	v1 =	vand.u32 $0x7F, v1;
	v41 =	vadd.s32 $0xFFFFA000, v3;
	v43 =	vand.u32 $0x7F, v36  }
0x10a: {  	v52 =	vld [tilespmem:$0xB0];
	v3 =	vand.u32 $0x7F, v3;
	v4 =	vadd.s32 $0xFFFFA000, v36;
	v46 =	vadd.s32 $0xFFFFA000, v37  }
0x10b: {  	v21 =	vld [tilespmem:$0x80];
	v5 =	vand.u32 $0x7F, v37;
	v48 =	vand.u32 $0x7F, v2;
	v50 =	vand.u32 $0x7F, v38  }
0x10c: {  	v54 =	vld [tilespmem:$0xA0];
	v51 =	vadd.s32 $0xFFFFA000, v39;
	v7 =	vand.u32 $0x7F, v39;
	v6 =	vadd.s32 $0xFFFFA000, v38  }
0x10d: {  	v58 =	vld [tilespmem:$0x90];
	v20 =	vadd.s32 $0xFFFFA000, v42;
	v10 =	vand.u32 $0x7F, v42;
	v22 =	vand.u32 $0x7F, v44  }
0x10e: {  	v23 =	vand.u32 $0x7F, v45;
	v2 =	vadd.s32 $0xFFFFA000, v2;
	v8 =	vadd.s32 $0xFFFFA000, v45  }
0x10f: {  	v53 =	vadd.s32 $0xFFFFA000, v49;
	v24 =	vand.u32 $0x7F, v52;
	v25 =	vadd.s32 $0xFFFFA000, v47  }
0x110: {  	v26 =	vadd.s32 $0xFFFFA000, v21;
	v12 =	vadd.s32 $0xFFFFA000, v44;
	v55 =	vand.u32 $0x7F, v47  }
0x111: {  	v56 =	vadd.s32 $0xFFFFA000, v54;
	v9 =	vand.u32 $0x7F, v54;
	v60 =	vand.u32 $0x7F, v49  }
0x112: {  	v61 =	vadd.s32 $0xFFFFA000, v52;
	v63 =	vadd.s32 $0xFFFFA000, v58;
	vm11 =	vlt.u32 v40, $0x6000  }
0x113: {  	v1 =	vor.u32 $0x6000, v1;
	vm12 =	vlt.u32 v4, $0x6000;
	v3 =	vor.u32 $0x6000, v3  }
0x114: {  	v11 =	vor.u32 $0x6000, v43;
	vm0 =	vlt.u32 v51, $0x6000;
	v1 =	vsel vm11, v40, v1  }
0x115: {  	vm13 =	vlt.u32 v41, $0x6000;
	v23 =	vor.u32 $0x6000, v23;
	v4 =	vsel vm12, v4, v11;
	[tilespmem:$0x1E0] =	vst v1  }
0x116: {  	vm15 =	vlt.u32 v2, $0x6000;
	v15 =	vor.u32 $0x6000, v48;
	v3 =	vsel vm13, v41, v3;
	[tilespmem:$0x110] =	vst v4  }
0x117: {  	v7 =	vor.u32 $0x6000, v7;
	vm14 =	vlt.u32 v25, $0x6000;
	v2 =	vsel vm15, v2, v15;
	[tilespmem:$0x160] =	vst v3  }
0x118: {  	vm7 =	vlt.u32 v56, $0x6000;
	v59 =	vsel vm0, v51, v7;
	v3 =	vor.u32 $0x6000, v55;
	[tilespmem:$0x1C0] =	vst v2  }
0x119: {  	v1 =	vand.u32 $0x7F, v21;
	[tilespmem:$0x140] =	vst v59;
	v2 =	vsel vm14, v25, v3;
	v3 =	vor.u32 $0x6000, v9  }
0x11a: {  	v1 =	vor.u32 $0x6000, v1;
	vm14 =	vlt.u32 v26, $0x6000;
	[tilespmem:$0x120] =	vst v2;
	v2 =	vsel vm7, v56, v3  }
0x11b: {  	vm8 =	vlt.u32 v6, $0x6000;
	v3 =	vor.u32 $0x6000, v50;
	v1 =	vsel vm14, v26, v1;
	[tilespmem:$0x1A0] =	vst v2  }
0x11c: {  	vm9 =	vlt.u32 v46, $0x6000;
	v57 =	vor.u32 $0x6000, v5;
	v2 =	vsel vm8, v6, v3;
	[tilespmem:$0x180] =	vst v1  }
0x11d: {  	vm10 =	vlt.u32 v20, $0x6000;
	v3 =	vsel vm9, v46, v57;
	[tilespmem:$0x1D0] =	vst v2;
	v2 =	vor.u32 $0x6000, v10  }
0x11e: {  	vm6 =	vlt.u32 v53, $0x6000;
	vm12 =	vlt.u32 v8, $0x6000;
	[tilespmem:$0x130] =	vst v3;
	v2 =	vsel vm10, v20, v2  }
0x11f: {  	vm11 =	vlt.u32 v12, $0x6000;
	v3 =	vor.u32 $0x6000, v22;
	[tilespmem:$0x1F0] =	vst v2;
	v2 =	vsel vm12, v8, v23  }
0x120: {  	v62 =	vor.u32 $0x6000, v24;
	v3 =	vsel vm11, v12, v3;
	[tilespmem:$0x100] =	vst v2;
	v2 =	vor.u32 $0x6000, v60  }
0x121: {  	vm13 =	vlt.u32 v61, $0x6000;
	v4 =	vand.u32 $0x7F, v58;
	[tilespmem:$0x150] =	vst v3;
	v2 =	vsel vm6, v53, v2  }
0x122: {  	vm15 =	vlt.u32 v63, $0x6000;
	v3 =	vsel vm13, v61, v62;
	[tilespmem:$0x170] =	vst v2;
	v2 =	vor.u32 $0x6000, v4  }
0x123: {  	[tilespmem:$0x1B0] =	vst v3;
	v1 =	vsel vm15, v63, v2  }
0x124: {  	[tilespmem:$0x190] =	vst v1  }
0x125: {  	[spmem:s1] =	stream.indirect.scatter.add.f32 [tilespmem:s28], [sflag:$0x1], $0x40, s30, s29, $0xb8;
	[tilespmem:$0x1EE00] =	vst v63  }
0x126: {  	_ =	swait.ge [sflag:s26], $0x2000  }
0x127: {  	s21 =	simm.s32 $0x20;
	s25 =	sadd.s32 $0x800, s22;
	[sflag:s26] =	ssyncset.done $0x0  }
0x128: {  	s17 =	simm.s32 $0x40;
	s20 =	smov.u32 s25;
	[sflag:s26] =	ssyncadd.s32 $0xFFFFE000  }
0x129: {  	[spmem:s1] =	stream.indirect.scatter.add.f32 [tilespmem:s0], [sflag:$0x1], $0x40, s31, s29, $0xb8;
	[tilespmem:$0x1EE00] =	vst v63  }
.LBB2_6:
0x12a: {  	p1 =	sne.s32 s17, $0x3E0;
	s25 =	sadd.s32 $0x800, s25;
	_ =	swait.ge [sflag:s26], $0x2000  }
0x12b: {  	s5 =	smov.u32 s17;
	s17 =	sadd.s32 $0x20, s17;
	[sflag:s26] =	ssyncset.done $0x0  }
0x12c: {  	s6 =	sadd.s32 s21, s23;
	s21 =	smov.u32 s5;
	[sflag:s26] =	ssyncadd.s32 $0xFFFFE000  }
0x12d: {  	[tilespmem:s3], [sflag:$0x1] =	stream.linear.gather [hbm4b:s6+s3], $0x100, $0x38;
	[tilespmem:$0x1EE00] =	vst v63  }
0x12e: {  	_ =	swait.ge [sflag:s26], $0x100  }
0x12f: {  	[sflag:s26] =	ssyncset.done $0x0  }
0x130: {  	[sflag:s26] =	ssyncadd.s32 $0xFFFFFF00  }
0x131: {  	[tilespmem:s28], [sflag:$0x1] =	stream.linear.gather [hbm4b:s20+s3], $0x4000, $0x38;
	[tilespmem:$0x1EE00] =	vst v63  }
0x132: {  	s20 =	smov.u32 s25;
	_ =	swait.ge [sflag:s26], $0x4000  }
0x133: {  	[sflag:s26] =	ssyncset.done $0x0  }
0x134: {  	[sflag:s26] =	ssyncadd.s32 $0xFFFFC000  }
0x135: {  	v1 =	vld [tilespmem:$0x20]  }
0x136: {  	v2 =	vld [tilespmem:$0xE0]  }
0x137: {  	v3 =	vld [tilespmem:$0xC0]  }
0x138: {  	v4 =	vld [tilespmem:$0x60]  }
0x139: {  	v5 =	vld [tilespmem:$0x10]  }
0x13a: {  	v6 =	vld [tilespmem:$0x30]  }
0x13b: {  	v7 =	vld [tilespmem:$0xD0]  }
0x13c: {  	v9 =	vadd.s32 $0xFFFFA000, v2;
	v2 =	vand.u32 $0x7F, v2;
	v8 =	vld [tilespmem:$0x40]  }
0x13d: {  	vm0 =	vlt.u32 v9, $0x6000;
	v2 =	vor.u32 $0x6000, v2;
	v10 =	vadd.s32 $0xFFFFA000, v4;
	v11 =	vld [tilespmem:$0xF0]  }
0x13e: {  	v4 =	vand.u32 $0x7F, v4;
	v2 =	vsel vm0, v9, v2;
	v12 =	vand.u32 $0x7F, v5;
	v13 =	vld [tilespmem:$0x50]  }
0x13f: {  	v5 =	vadd.s32 $0xFFFFA000, v5;
	v9 =	vld [tilespmem:$0x0];
	v14 =	vadd.s32 $0xFFFFA000, v6;
	v6 =	vand.u32 $0x7F, v6;
	[tilespmem:$0x1E0] =	vst v2  }
0x140: {  	v15 =	vand.u32 $0x7F, v3;
	vm1 =	vlt.u32 v5, $0x6000;
	v2 =	vld [tilespmem:$0x70];
	v16 =	vand.u32 $0x7F, v7  }
0x141: {  	v7 =	vadd.s32 $0xFFFFA000, v7;
	v17 =	vadd.s32 $0xFFFFA000, v8;
	v8 =	vand.u32 $0x7F, v8;
	v18 =	vld [tilespmem:$0xB0]  }
0x142: {  	v4 =	vor.u32 $0x6000, v4;
	v19 =	vld [tilespmem:$0x80];
	v20 =	vadd.s32 $0xFFFFA000, v11;
	v11 =	vand.u32 $0x7F, v11  }
0x143: {  	v12 =	vor.u32 $0x6000, v12;
	vm0 =	vlt.u32 v17, $0x6000;
	v21 =	vand.u32 $0x7F, v13;
	v22 =	vld [tilespmem:$0x90]  }
0x144: {  	v3 =	vadd.s32 $0xFFFFA000, v3;
	v5 =	vsel vm1, v5, v12;
	v23 =	vand.u32 $0x7F, v9  }
0x145: {  	vm1 =	vlt.u32 v10, $0x6000;
	v9 =	vadd.s32 $0xFFFFA000, v9;
	v12 =	vadd.s32 $0xFFFFA000, v2  }
0x146: {  	v4 =	vsel vm1, v10, v4;
	v23 =	vor.u32 $0x6000, v23;
	[tilespmem:$0x110] =	vst v5;
	v5 =	vld [tilespmem:$0xA0];
	v10 =	vand.u32 $0x7F, v18  }
0x147: {  	v24 =	vadd.s32 $0xFFFFA000, v1;
	v8 =	vor.u32 $0x6000, v8;
	[tilespmem:$0x160] =	vst v4;
	v4 =	vadd.s32 $0xFFFFA000, v19  }
0x148: {  	vm2 =	vlt.u32 v24, $0x6000;
	v13 =	vadd.s32 $0xFFFFA000, v13;
	v19 =	vand.u32 $0x7F, v19  }
0x149: {  	vm3 =	vlt.u32 v3, $0x6000;
	v15 =	vor.u32 $0x6000, v15;
	vm1 =	vlt.u32 v12, $0x6000  }
0x14a: {  	v1 =	vand.u32 $0x7F, v1;
	v3 =	vsel vm3, v3, v15;
	v19 =	vor.u32 $0x6000, v19  }
0x14b: {  	v1 =	vor.u32 $0x6000, v1;
	v15 =	vadd.s32 $0xFFFFA000, v5;
	v5 =	vand.u32 $0x7F, v5;
	[tilespmem:$0x1C0] =	vst v3  }
0x14c: {  	v1 =	vsel vm2, v24, v1;
	vm2 =	vlt.u32 v15, $0x6000;
	v3 =	vor.u32 $0x6000, v5  }
0x14d: {  	[tilespmem:$0x120] =	vst v1;
	v1 =	vsel vm2, v15, v3;
	vm2 =	vlt.u32 v7, $0x6000;
	v3 =	vor.u32 $0x6000, v16  }
0x14e: {  	vm3 =	vlt.u32 v14, $0x6000;
	v5 =	vor.u32 $0x6000, v6;
	[tilespmem:$0x1A0] =	vst v1;
	v1 =	vsel vm2, v7, v3  }
0x14f: {  	v3 =	vsel vm3, v14, v5;
	vm2 =	vlt.u32 v20, $0x6000;
	[tilespmem:$0x1D0] =	vst v1;
	v1 =	vor.u32 $0x6000, v11  }
0x150: {  	vm3 =	vlt.u32 v13, $0x6000;
	[tilespmem:$0x130] =	vst v3;
	v3 =	vor.u32 $0x6000, v21;
	v1 =	vsel vm2, v20, v1  }
0x151: {  	v5 =	vsel vm0, v17, v8;
	vm2 =	vlt.u32 v9, $0x6000;
	v3 =	vsel vm3, v13, v3;
	[tilespmem:$0x1F0] =	vst v1  }
0x152: {  	v2 =	vand.u32 $0x7F, v2;
	v1 =	vsel vm2, v9, v23;
	[tilespmem:$0x140] =	vst v5;
	v5 =	vadd.s32 $0xFFFFA000, v18  }
0x153: {  	[tilespmem:$0x100] =	vst v1;
	v1 =	vor.u32 $0x6000, v2;
	vm0 =	vlt.u32 v5, $0x6000;
	v2 =	vor.u32 $0x6000, v10  }
0x154: {  	[tilespmem:$0x150] =	vst v3;
	v1 =	vsel vm1, v12, v1;
	vm1 =	vlt.u32 v4, $0x6000;
	v2 =	vsel vm0, v5, v2  }
0x155: {  	v5 =	vand.u32 $0x7F, v22;
	v3 =	vsel vm1, v4, v19;
	v4 =	vadd.s32 $0xFFFFA000, v22;
	[tilespmem:$0x1B0] =	vst v2  }
0x156: {  	[tilespmem:$0x170] =	vst v1;
	vm0 =	vlt.u32 v4, $0x6000;
	v1 =	vor.u32 $0x6000, v5  }
0x157: {  	[tilespmem:$0x180] =	vst v3;
	v1 =	vsel vm0, v4, v1  }
0x158: {  	[tilespmem:$0x190] =	vst v1  }
0x159: {  	[spmem:s1] =	stream.indirect.scatter.add.f32 [tilespmem:s28], [sflag:$0x1], $0x40, s30, s29, $0xb8;
	[tilespmem:$0x1EE00] =	vst v63  }
.Ltmp2:
0x15a: {  	_ = 	snop;
	(pc) =	sbr.rel @p1 .LBB2_6-.Ltmp2, $4  }
0x15b: {  	_ =	swait.ge [sflag:s26], $0x2000  }
0x15c: {  	[sflag:s26] =	ssyncset.done $0x0  }
0x15d: {  	[sflag:s26] =	ssyncadd.s32 $0xFFFFE000  }
0x15e: {  	[spmem:s1] =	stream.indirect.scatter.add.f32 [tilespmem:s0], [sflag:$0x1], $0x40, s31, s29, $0xb8;
	[tilespmem:$0x1EE00] =	vst v63  }
0x15f: {  	_ =	swait.ge [sflag:s26], $0x2000  }
0x160: {  	[sflag:s26] =	ssyncset.done $0x0  }
0x161: {  	s5 =	sadd.s32 s21, s23;
	[sflag:s26] =	ssyncadd.s32 $0xFFFFE000  }
0x162: {  	[tilespmem:s3], [sflag:$0x1] =	stream.linear.gather [hbm4b:s5+s3], $0x100, $0x38;
	[tilespmem:$0x1EE00] =	vst v63  }
0x163: {  	_ =	swait.ge [sflag:s26], $0x100  }
0x164: {  	[sflag:s26] =	ssyncset.done $0x0  }
0x165: {  	[sflag:s26] =	ssyncadd.s32 $0xFFFFFF00  }
0x166: {  	[tilespmem:s28], [sflag:$0x1] =	stream.linear.gather [hbm4b:s20+s3], $0x4000, $0x38;
	[tilespmem:$0x1EE00] =	vst v63  }
0x167: {  	_ =	swait.ge [sflag:s26], $0x4000  }
0x168: {  	[sflag:s26] =	ssyncset.done $0x0  }
0x169: {  	[sflag:s26] =	ssyncadd.s32 $0xFFFFC000  }
0x16a: {  	v1 =	vld [tilespmem:$0xE0]  }
0x16b: {  	v2 =	vld [tilespmem:$0xC0]  }
0x16c: {  	v3 =	vld [tilespmem:$0x60]  }
0x16d: {  	v4 =	vld [tilespmem:$0x10]  }
0x16e: {  	v5 =	vld [tilespmem:$0x30]  }
0x16f: {  	v6 =	vld [tilespmem:$0xD0]  }
0x170: {  	v7 =	vld [tilespmem:$0x40]  }
0x171: {  	v10 =	vld [tilespmem:$0xF0]  }
0x172: {  	v12 =	vld [tilespmem:$0x50]  }
0x173: {  	v41 =	vld [tilespmem:$0x0]  }
0x174: {  	v14 =	vld [tilespmem:$0x20]  }
0x175: {  	v16 =	vld [tilespmem:$0x70];
	v8 =	vadd.s32 $0xFFFFA000, v1  }
0x176: {  	v19 =	vld [tilespmem:$0xB0];
	v1 =	vand.u32 $0x7F, v1;
	v9 =	vadd.s32 $0xFFFFA000, v3;
	v11 =	vand.u32 $0x7F, v4  }
0x177: {  	v21 =	vld [tilespmem:$0x80];
	v3 =	vand.u32 $0x7F, v3;
	v4 =	vadd.s32 $0xFFFFA000, v4;
	v13 =	vadd.s32 $0xFFFFA000, v5  }
0x178: {  	v43 =	vld [tilespmem:$0xA0];
	v5 =	vand.u32 $0x7F, v5;
	v15 =	vand.u32 $0x7F, v2;
	v17 =	vand.u32 $0x7F, v6  }
0x179: {  	v47 =	vld [tilespmem:$0x90];
	v18 =	vadd.s32 $0xFFFFA000, v7;
	v7 =	vand.u32 $0x7F, v7;
	v6 =	vadd.s32 $0xFFFFA000, v6  }
0x17a: {  	v20 =	vadd.s32 $0xFFFFA000, v10;
	v10 =	vand.u32 $0x7F, v10;
	v22 =	vand.u32 $0x7F, v12  }
0x17b: {  	v23 =	vand.u32 $0x7F, v41;
	v2 =	vadd.s32 $0xFFFFA000, v2;
	v42 =	vadd.s32 $0xFFFFA000, v16  }
0x17c: {  	v24 =	vand.u32 $0x7F, v19;
	v25 =	vadd.s32 $0xFFFFA000, v14;
	v26 =	vadd.s32 $0xFFFFA000, v21  }
0x17d: {  	v12 =	vadd.s32 $0xFFFFA000, v12;
	v44 =	vand.u32 $0x7F, v14;
	v45 =	vadd.s32 $0xFFFFA000, v43  }
0x17e: {  	v49 =	vand.u32 $0x7F, v16;
	v50 =	vadd.s32 $0xFFFFA000, v19;
	v52 =	vadd.s32 $0xFFFFA000, v47  }
0x17f: {  	vm0 =	vlt.u32 v8, $0x6000;
	v1 =	vor.u32 $0x6000, v1;
	vm1 =	vlt.u32 v4, $0x6000  }
0x180: {  	v3 =	vor.u32 $0x6000, v3;
	v11 =	vor.u32 $0x6000, v11;
	vm10 =	vlt.u32 v18, $0x6000  }
0x181: {  	vm11 =	vlt.u32 v9, $0x6000;
	v23 =	vor.u32 $0x6000, v23;
	v1 =	vsel vm0, v8, v1  }
0x182: {  	v7 =	vor.u32 $0x6000, v7;
	vm2 =	vlt.u32 v25, $0x6000;
	v4 =	vsel vm1, v4, v11;
	[tilespmem:$0x1E0] =	vst v1  }
0x183: {  	vm3 =	vlt.u32 v2, $0x6000;
	v15 =	vor.u32 $0x6000, v15;
	v3 =	vsel vm11, v9, v3;
	[tilespmem:$0x110] =	vst v4  }
0x184: {  	vm13 =	vlt.u32 v45, $0x6000;
	vm14 =	vlt.u32 v6, $0x6000;
	v2 =	vsel vm3, v2, v15;
	[tilespmem:$0x160] =	vst v3  }
0x185: {  	v9 =	vand.u32 $0x7F, v43;
	v48 =	vsel vm10, v18, v7;
	v3 =	vor.u32 $0x6000, v44;
	[tilespmem:$0x1C0] =	vst v2  }
0x186: {  	v1 =	vand.u32 $0x7F, v21;
	[tilespmem:$0x140] =	vst v48;
	v2 =	vsel vm2, v25, v3;
	v3 =	vor.u32 $0x6000, v9  }
0x187: {  	vm10 =	vlt.u32 v26, $0x6000;
	v1 =	vor.u32 $0x6000, v1;
	[tilespmem:$0x120] =	vst v2;
	v2 =	vsel vm13, v45, v3  }
0x188: {  	vm15 =	vlt.u32 v13, $0x6000;
	v3 =	vor.u32 $0x6000, v17;
	v1 =	vsel vm10, v26, v1;
	[tilespmem:$0x1A0] =	vst v2  }
0x189: {  	v46 =	vor.u32 $0x6000, v5;
	vm6 =	vlt.u32 v20, $0x6000;
	v2 =	vsel vm14, v6, v3;
	[tilespmem:$0x180] =	vst v1  }
0x18a: {  	v8 =	vadd.s32 $0xFFFFA000, v41;
	v3 =	vsel vm15, v13, v46;
	[tilespmem:$0x1D0] =	vst v2;
	v2 =	vor.u32 $0x6000, v10  }
0x18b: {  	vm12 =	vlt.u32 v42, $0x6000;
	vm8 =	vlt.u32 v8, $0x6000;
	[tilespmem:$0x130] =	vst v3;
	v2 =	vsel vm6, v20, v2  }
0x18c: {  	vm7 =	vlt.u32 v12, $0x6000;
	v3 =	vor.u32 $0x6000, v22;
	[tilespmem:$0x1F0] =	vst v2;
	v2 =	vsel vm8, v8, v23  }
0x18d: {  	vm9 =	vlt.u32 v50, $0x6000;
	v3 =	vsel vm7, v12, v3;
	[tilespmem:$0x100] =	vst v2;
	v2 =	vor.u32 $0x6000, v49  }
0x18e: {  	v51 =	vor.u32 $0x6000, v24;
	v4 =	vand.u32 $0x7F, v47;
	[tilespmem:$0x150] =	vst v3;
	v2 =	vsel vm12, v42, v2  }
0x18f: {  	vm11 =	vlt.u32 v52, $0x6000;
	v3 =	vsel vm9, v50, v51;
	[tilespmem:$0x170] =	vst v2;
	v2 =	vor.u32 $0x6000, v4  }
0x190: {  	[tilespmem:$0x1B0] =	vst v3;
	v1 =	vsel vm11, v52, v2  }
0x191: {  	[tilespmem:$0x190] =	vst v1  }
0x192: {  	[spmem:s1] =	stream.indirect.scatter.add.f32 [tilespmem:s28], [sflag:$0x1], $0x40, s30, s29, $0xb8;
	[tilespmem:$0x1EE00] =	vst v63  }
0x193: {  	_ =	swait.ge [sflag:s26], $0x2000  }
0x194: {  	[sflag:s26] =	ssyncset.done $0x0  }
0x195: {  	[sflag:s26] =	ssyncadd.s32 $0xFFFFE000  }
0x196: {  	[spmem:s1] =	stream.indirect.scatter.add.f32 [tilespmem:s0], [sflag:$0x1], $0x40, s31, s29, $0xb8;
	[tilespmem:$0x1EE00] =	vst v63  }
0x197: {  	_ =	swait.ge [sflag:s26], $0x2000  }
0x198: {  	[sflag:s26] =	ssyncset.done $0x0  }
0x199: {  	[sflag:s26] =	ssyncadd.s32 $0xFFFFE000  }
0x19a: {  	[bflag:$0x0] =	sbarrier.arrive $0xFFFF  }
0x19b: {  	s17 =	rddreg [dreg:$0x8]  }
0x19c: {  	[hbm:s17], [sflag:s18] =	dma.local [spmem:s19], $0x3000  }
0x19d: {  	_ =	swait.ge [sflag:s26], $0x3000  }
0x19e: {  	[sflag:s26] =	ssyncset.done $0x0  }
0x19f: {  	[sflag:s26] =	ssyncadd.s32 $0xFFFFD000  }
0x1a0: {  	[bflag:$0x0] =	sbarrier.arrive $0xFFFF  }
0x1a1: {  	[spmem:s4] =	stream.linear.scatter [tilespmem:s24], [sflag:$0x1], $0x2000, $0x38;
	[tilespmem:$0x1EE00] =	vst v63  }
0x1a2: {  	_ =	swait.ge [sflag:s26], $0x2000  }
0x1a3: {  	[sflag:s26] =	ssyncset.done $0x0  }
0x1a4: {  	s20 =	rddreg [dreg:$0x4];
	[sflag:s26] =	ssyncadd.s32 $0xFFFFE000  }
0x1a5: {  	[spmem:s20] =	stream.linear.scatter [tilespmem:s24], [sflag:$0x1], $0x2000, $0x38;
	[tilespmem:$0x1EE00] =	vst v63  }
0x1a6: {  	_ =	swait.ge [sflag:s26], $0x2000  }
0x1a7: {  	[sflag:s26] =	ssyncset.done $0x0  }
0x1a8: {  	s21 =	rddreg [dreg:$0x5];
	[sflag:s26] =	ssyncadd.s32 $0xFFFFE000  }
0x1a9: {  	[spmem:s21] =	stream.linear.scatter [tilespmem:s24], [sflag:$0x1], $0x2000, $0x38;
	[tilespmem:$0x1EE00] =	vst v63  }
0x1aa: {  	_ =	swait.ge [sflag:s26], $0x2000  }
0x1ab: {  	[sflag:s26] =	ssyncset.done $0x0  }
0x1ac: {  	[sflag:s26] =	ssyncadd.s32 $0xFFFFE000  }
0x1ad: {  	[spmem:s7] =	stream.linear.scatter [tilespmem:s24], [sflag:$0x1], $0x2000, $0x38;
	[tilespmem:$0x1EE00] =	vst v63  }
0x1ae: {  	_ =	swait.ge [sflag:s26], $0x2000  }
0x1af: {  	[sflag:s26] =	ssyncset.done $0x0  }
0x1b0: {  	[sflag:s26] =	ssyncadd.s32 $0xFFFFE000  }
0x1b1: {  	[spmem:s8] =	stream.linear.scatter [tilespmem:s24], [sflag:$0x1], $0x2000, $0x38;
	[tilespmem:$0x1EE00] =	vst v63  }
0x1b2: {  	_ =	swait.ge [sflag:s26], $0x2000  }
0x1b3: {  	[sflag:s26] =	ssyncset.done $0x0  }
0x1b4: {  	[sflag:s26] =	ssyncadd.s32 $0xFFFFE000  }
0x1b5: {  	[spmem:s9] =	stream.linear.scatter [tilespmem:s24], [sflag:$0x1], $0x2000, $0x38;
	[tilespmem:$0x1EE00] =	vst v63  }
0x1b6: {  	_ =	swait.ge [sflag:s26], $0x2000  }
0x1b7: {  	[sflag:s26] =	ssyncset.done $0x0  }
0x1b8: {  	[sflag:s26] =	ssyncadd.s32 $0xFFFFE000  }
0x1b9: {  	[spmem:s10] =	stream.linear.scatter [tilespmem:s24], [sflag:$0x1], $0x2000, $0x38;
	[tilespmem:$0x1EE00] =	vst v63  }
0x1ba: {  	_ =	swait.ge [sflag:s26], $0x2000  }
0x1bb: {  	[sflag:s26] =	ssyncset.done $0x0  }
0x1bc: {  	[sflag:s26] =	ssyncadd.s32 $0xFFFFE000  }
0x1bd: {  	[spmem:s11] =	stream.linear.scatter [tilespmem:s24], [sflag:$0x1], $0x2000, $0x38;
	[tilespmem:$0x1EE00] =	vst v63  }
0x1be: {  	_ =	swait.ge [sflag:s26], $0x2000  }
0x1bf: {  	[sflag:s26] =	ssyncset.done $0x0  }
0x1c0: {  	[sflag:s26] =	ssyncadd.s32 $0xFFFFE000  }
0x1c1: {  	[spmem:s12] =	stream.linear.scatter [tilespmem:s24], [sflag:$0x1], $0x2000, $0x38;
	[tilespmem:$0x1EE00] =	vst v63  }
0x1c2: {  	_ =	swait.ge [sflag:s26], $0x2000  }
0x1c3: {  	[sflag:s26] =	ssyncset.done $0x0  }
0x1c4: {  	[sflag:s26] =	ssyncadd.s32 $0xFFFFE000  }
0x1c5: {  	[spmem:s13] =	stream.linear.scatter [tilespmem:s24], [sflag:$0x1], $0x2000, $0x38;
	[tilespmem:$0x1EE00] =	vst v63  }
0x1c6: {  	_ =	swait.ge [sflag:s26], $0x2000  }
0x1c7: {  	[sflag:s26] =	ssyncset.done $0x0  }
0x1c8: {  	[sflag:s26] =	ssyncadd.s32 $0xFFFFE000  }
0x1c9: {  	[spmem:s14] =	stream.linear.scatter [tilespmem:s24], [sflag:$0x1], $0x2000, $0x38;
	[tilespmem:$0x1EE00] =	vst v63  }
0x1ca: {  	_ =	swait.ge [sflag:s26], $0x2000  }
0x1cb: {  	[sflag:s26] =	ssyncset.done $0x0  }
0x1cc: {  	[sflag:s26] =	ssyncadd.s32 $0xFFFFE000  }
0x1cd: {  	[spmem:s15] =	stream.linear.scatter [tilespmem:s24], [sflag:$0x1], $0x2000, $0x38;
	[tilespmem:$0x1EE00] =	vst v63  }
0x1ce: {  	_ =	swait.ge [sflag:s26], $0x2000  }
0x1cf: {  	[sflag:s26] =	ssyncset.done $0x0  }
0x1d0: {  	s5 =	simm.s32 @!p0 $0x4200;
	[sflag:s26] =	ssyncadd.s32 $0xFFFFE000  }
0x1d1: {  	[spmem:s16] =	stream.linear.scatter @!p0 [tilespmem:s5], [sflag:$0x1], $0x2000, $0x38;
	[tilespmem:$0x1EE00] =	vst v63  }
0x1d2: {  	s5 =	simm.s32 @!p0 $0x1  }
0x1d3: {  	_ =	swait.ge @!p0 [sflag:s5], $0x2000  }
0x1d4: {  	[sflag:s5] =	ssyncset.done @!p0 $0x0  }
0x1d5: {  	[sflag:s5] =	ssyncadd.s32 @!p0 $0xFFFFE000  }
0x1d6: {  	s25 =	sadd.s32 $0x0, s23;
	[bflag:$0x0] =	sbarrier.arrive $0xFFFF  }
0x1d7: {  	[tilespmem:s3], [sflag:$0x1] =	stream.linear.gather [hbm4b:s25+s3], $0x100, $0x38;
	[tilespmem:$0x1EE00] =	vst v63  }
0x1d8: {  	_ =	swait.ge [sflag:s26], $0x100  }
0x1d9: {  	[sflag:s26] =	ssyncset.done $0x0  }
0x1da: {  	[sflag:s26] =	ssyncadd.s32 $0xFFFFFF00  }
0x1db: {  	[tilespmem:s28], [sflag:$0x1] =	stream.linear.gather [hbm4b:s22+s3], $0x4000, $0x38;
	[tilespmem:$0x1EE00] =	vst v63  }
0x1dc: {  	_ =	swait.ge [sflag:s26], $0x4000  }
0x1dd: {  	[sflag:s26] =	ssyncset.done $0x0  }
0x1de: {  	[sflag:s26] =	ssyncadd.s32 $0xFFFFC000  }
0x1df: {  	v1 =	vld [tilespmem:$0xD0]  }
0x1e0: {  	v2 =	vld [tilespmem:$0x70]  }
0x1e1: {  	v3 =	vld [tilespmem:$0x80]  }
0x1e2: {  	v53 =	vld [tilespmem:$0x60]  }
0x1e3: {  	v54 =	vld [tilespmem:$0x10]  }
0x1e4: {  	v8 =	vld [tilespmem:$0x20]  }
0x1e5: {  	v60 =	vld [tilespmem:$0xE0]  }
0x1e6: {  	v61 =	vld [tilespmem:$0x30]  }
0x1e7: {  	v63 =	vld [tilespmem:$0x0];
	v6 =	vadd.s32 $0xFFFF4000, v1;
	v55 =	vand.u32 $0x7F, v1  }
0x1e8: {  	v38 =	vld [tilespmem:$0x50];
	v56 =	vadd.s32 $0xFFFF4000, v2;
	v57 =	vand.u32 $0xFFFFC000, v2;
	v2 =	vand.u32 $0x7F, v2  }
0x1e9: {  	v40 =	vld [tilespmem:$0xA0];
	v58 =	vand.u32 $0xFFFFC000, v3;
	v59 =	vand.u32 $0x7F, v3;
	v3 =	vadd.s32 $0xFFFF4000, v3  }
0x1ea: {  	v42 =	vld [tilespmem:$0xB0];
	v36 =	vadd.s32 $0xFFFF4000, v53;
	v37 =	vand.u32 $0x7F, v53;
	v4 =	vand.u32 $0xFFFFC000, v53  }
0x1eb: {  	v46 =	vld [tilespmem:$0x90];
	v39 =	vand.u32 $0xFFFFC000, v8;
	v41 =	vand.u32 $0x7F, v54;
	v43 =	vand.u32 $0x7F, v60  }
0x1ec: {  	v49 =	vld [tilespmem:$0x40];
	v44 =	vadd.s32 $0xFFFF4000, v54;
	v5 =	vand.u32 $0xFFFFC000, v54;
	v45 =	vand.u32 $0x7F, v61  }
0x1ed: {  	v48 =	vand.u32 $0xFFFFC000, v61;
	v50 =	vand.u32 $0xFFFFC000, v38;
	v51 =	vand.u32 $0x7F, v38  }
0x1ee: {  	v32 =	vld [tilespmem:$0xF0];
	v52 =	vand.u32 $0xFFFFC000, v60;
	v53 =	vand.u32 $0xFFFFC000, v63;
	v27 =	vand.u32 $0x7F, v40  }
0x1ef: {  	v10 =	vadd.s32 $0xFFFF4000, v38;
	v54 =	vadd.s32 $0xFFFF4000, v42;
	v29 =	vadd.s32 $0xFFFF4000, v8  }
0x1f0: {  	v30 =	vand.u32 $0xFFFFC000, v46;
	v31 =	vand.u32 $0xFFFFC000, v40;
	v12 =	vadd.s32 $0xFFFF4000, v60  }
0x1f1: {  	v8 =	vand.u32 $0x7F, v8;
	v33 =	vand.u32 $0x7F, v49;
	v34 =	vand.u32 $0x7F, v46  }
0x1f2: {  	v28 =	vld [tilespmem:$0xC0];
	v13 =	vadd.s32 $0xFFFF4000, v61;
	v9 =	vand.u32 $0xFFFFC000, v42;
	v1 =	vand.u32 $0xFFFFC000, v1  }
0x1f3: {  	v60 =	vand.u32 $0xFFFFC000, v32;
	vm12 =	veq.s32 v57, $0xC000;
	vm13 =	veq.s32 v58, $0xC000  }
0x1f4: {  	v62 =	vor.u32 $0x6000, v59;
	v15 =	vor.u32 $0x6000, v37;
	v2 =	vor.u32 $0x6000, v2  }
0x1f5: {  	vm14 =	veq.s32 v4, $0xC000;
	v7 =	vor.u32 $0x6000, v55;
	vm15 =	veq.s32 v5, $0xC000  }
0x1f6: {  	v47 =	vor.u32 $0x6000, v41;
	v24 =	vor.u32 $0x6000, v51;
	vm4 =	veq.s32 v50, $0xC000  }
0x1f7: {  	v55 =	vand.u32 $0x7F, v42;
	v57 =	vand.u32 $0x7F, v28;
	vm6 =	veq.s32 v1, $0xC000  }
0x1f8: {  	v1 =	vadd.s32 $0xFFFF4000, v32;
	v58 =	vand.u32 $0x7F, v32;
	v3 =	vsel vm13, v3, v62  }
0x1f9: {  	v59 =	vadd.s32 $0xFFFF4000, v63;
	vm7 =	veq.s32 v53, $0xC000;
	v2 =	vsel vm12, v56, v2;
	[tilespmem:$0x180] =	vst v3  }
0x1fa: {  	vm8 =	veq.s32 v60, $0xC000;
	vm9 =	veq.s32 v30, $0xC000;
	v10 =	vsel vm4, v10, v24;
	[tilespmem:$0x170] =	vst v2  }
0x1fb: {  	v61 =	vor.u32 $0x6000, v34;
	v14 =	vsel vm14, v36, v15;
	v56 =	vand.u32 $0xFFFFC000, v28;
	[tilespmem:$0x150] =	vst v10  }
0x1fc: {  	v15 =	vor.u32 $0x6000, v57;
	v6 =	vsel vm6, v6, v7;
	v7 =	vor.u32 $0x6000, v58;
	[tilespmem:$0x160] =	vst v14  }
0x1fd: {  	vm5 =	veq.s32 v56, $0xC000;
	v3 =	vadd.s32 $0xFFFF4000, v28;
	[tilespmem:$0x1D0] =	vst v6;
	v1 =	vsel vm8, v1, v7  }
0x1fe: {  	vm10 =	veq.s32 v39, $0xC000;
	v2 =	vsel vm5, v3, v15;
	v3 =	vand.u32 $0x7F, v63;
	[tilespmem:$0x1F0] =	vst v1  }
0x1ff: {  	v62 =	vor.u32 $0x6000, v8;
	[tilespmem:$0x1C0] =	vst v2;
	v2 =	vor.u32 $0x6000, v3;
	v3 =	vsel vm15, v44, v47  }
0x200: {  	vm11 =	veq.s32 v52, $0xC000;
	v1 =	vsel vm10, v29, v62;
	[tilespmem:$0x110] =	vst v3;
	v3 =	vadd.s32 $0xFFFF4000, v46  }
0x201: {  	v4 =	vadd.s32 $0xFFFF4000, v40;
	vm12 =	veq.s32 v48, $0xC000;
	[tilespmem:$0x120] =	vst v1;
	v3 =	vsel vm9, v3, v61  }
0x202: {  	v63 =	vand.u32 $0xFFFFC000, v49;
	v2 =	vsel vm7, v59, v2;
	[tilespmem:$0x190] =	vst v3;
	v3 =	vor.u32 $0x6000, v43  }
0x203: {  	v1 =	vor.u32 $0x6000, v45;
	vm13 =	veq.s32 v63, $0xC000;
	[tilespmem:$0x100] =	vst v2;
	v3 =	vsel vm11, v12, v3  }
0x204: {  	v1 =	vsel vm12, v13, v1;
	v2 =	vadd.s32 $0xFFFF4000, v49;
	[tilespmem:$0x1E0] =	vst v3;
	v3 =	vor.u32 $0x6000, v33  }
0x205: {  	vm14 =	veq.s32 v31, $0xC000;
	[tilespmem:$0x130] =	vst v1;
	v1 =	vsel vm13, v2, v3;
	v2 =	vor.u32 $0x6000, v27  }
0x206: {  	vm15 =	veq.s32 v9, $0xC000;
	[tilespmem:$0x140] =	vst v1;
	v1 =	vsel vm14, v4, v2;
	v2 =	vor.u32 $0x6000, v55  }
0x207: {  	[tilespmem:$0x1A0] =	vst v1;
	v1 =	vsel vm15, v54, v2  }
0x208: {  	[tilespmem:$0x1B0] =	vst v1  }
0x209: {  	[spmem:s1] =	stream.indirect.scatter.add.f32 [tilespmem:s28], [sflag:$0x1], $0x40, s30, s29, $0xb8;
	[tilespmem:$0x1EE00] =	vst v63  }
0x20a: {  	_ =	swait.ge [sflag:s26], $0x2000  }
0x20b: {  	s19 =	sadd.s32 $0x800, s22;
	s20 =	simm.s32 $0x20;
	[sflag:s26] =	ssyncset.done $0x0  }
0x20c: {  	s21 =	smov.u32 s19;
	s25 =	simm.s32 $0x40;
	[sflag:s26] =	ssyncadd.s32 $0xFFFFE000  }
0x20d: {  	[spmem:s1] =	stream.indirect.scatter.add.f32 [tilespmem:s0], [sflag:$0x1], $0x40, s31, s29, $0xb8;
	[tilespmem:$0x1EE00] =	vst v63  }
.LBB2_8:
0x20e: {  	p1 =	sne.s32 s25, $0x3E0;
	s19 =	sadd.s32 $0x800, s19;
	_ =	swait.ge [sflag:s26], $0x2000  }
0x20f: {  	s5 =	smov.u32 s25;
	s25 =	sadd.s32 $0x20, s25;
	[sflag:s26] =	ssyncset.done $0x0  }
0x210: {  	s6 =	sadd.s32 s20, s23;
	s20 =	smov.u32 s5;
	[sflag:s26] =	ssyncadd.s32 $0xFFFFE000  }
0x211: {  	[tilespmem:s3], [sflag:$0x1] =	stream.linear.gather [hbm4b:s6+s3], $0x100, $0x38;
	[tilespmem:$0x1EE00] =	vst v63  }
0x212: {  	_ =	swait.ge [sflag:s26], $0x100  }
0x213: {  	[sflag:s26] =	ssyncset.done $0x0  }
0x214: {  	[sflag:s26] =	ssyncadd.s32 $0xFFFFFF00  }
0x215: {  	[tilespmem:s28], [sflag:$0x1] =	stream.linear.gather [hbm4b:s21+s3], $0x4000, $0x38;
	[tilespmem:$0x1EE00] =	vst v63  }
0x216: {  	s21 =	smov.u32 s19;
	_ =	swait.ge [sflag:s26], $0x4000  }
0x217: {  	[sflag:s26] =	ssyncset.done $0x0  }
0x218: {  	[sflag:s26] =	ssyncadd.s32 $0xFFFFC000  }
0x219: {  	v1 =	vld [tilespmem:$0x0]  }
0x21a: {  	v2 =	vld [tilespmem:$0xD0]  }
0x21b: {  	v3 =	vld [tilespmem:$0x70]  }
0x21c: {  	v4 =	vld [tilespmem:$0x80]  }
0x21d: {  	v5 =	vld [tilespmem:$0x10]  }
0x21e: {  	v6 =	vld [tilespmem:$0x60]  }
0x21f: {  	v7 =	vld [tilespmem:$0x90];
	v8 =	vadd.s32 $0xFFFF4000, v2;
	v9 =	vand.u32 $0x7F, v2  }
0x220: {  	v10 =	vld [tilespmem:$0x20];
	v11 =	vadd.s32 $0xFFFF4000, v3;
	v12 =	vand.u32 $0xFFFFC000, v3;
	v3 =	vand.u32 $0x7F, v3  }
0x221: {  	vm0 =	veq.s32 v12, $0xC000;
	v12 =	vand.u32 $0xFFFFC000, v4;
	v13 =	vand.u32 $0x7F, v4;
	v14 =	vld [tilespmem:$0xE0]  }
0x222: {  	v4 =	vadd.s32 $0xFFFF4000, v4;
	v15 =	vld [tilespmem:$0x30];
	vm1 =	veq.s32 v12, $0xC000;
	v12 =	vor.u32 $0x6000, v13  }
0x223: {  	v13 =	vld [tilespmem:$0x40];
	v16 =	vadd.s32 $0xFFFF4000, v6;
	v17 =	vand.u32 $0x7F, v6;
	v4 =	vsel vm1, v4, v12  }
0x224: {  	v3 =	vor.u32 $0x6000, v3;
	v6 =	vand.u32 $0xFFFFC000, v6;
	v12 =	vld [tilespmem:$0x50];
	v17 =	vor.u32 $0x6000, v17;
	[tilespmem:$0x180] =	vst v4  }
0x225: {  	v9 =	vor.u32 $0x6000, v9;
	vm1 =	veq.s32 v6, $0xC000;
	v4 =	vand.u32 $0xFFFFC000, v10;
	v6 =	vld [tilespmem:$0xA0]  }
0x226: {  	v18 =	vand.u32 $0x7F, v5;
	v3 =	vsel vm0, v11, v3;
	v11 =	vld [tilespmem:$0xB0];
	v19 =	vand.u32 $0x7F, v14  }
0x227: {  	v20 =	vadd.s32 $0xFFFF4000, v5;
	v5 =	vand.u32 $0xFFFFC000, v5;
	v21 =	vand.u32 $0x7F, v15;
	[tilespmem:$0x170] =	vst v3  }
0x228: {  	vm0 =	veq.s32 v5, $0xC000;
	v3 =	vor.u32 $0x6000, v18;
	v5 =	vand.u32 $0xFFFFC000, v15  }
0x229: {  	v23 =	vand.u32 $0xFFFFC000, v14;
	v18 =	vand.u32 $0xFFFFC000, v12;
	v22 =	vand.u32 $0x7F, v12  }
0x22a: {  	v24 =	vand.u32 $0xFFFFC000, v1;
	v22 =	vor.u32 $0x6000, v22;
	v25 =	vand.u32 $0x7F, v6;
	v26 =	vld [tilespmem:$0xC0]  }
0x22b: {  	v12 =	vadd.s32 $0xFFFF4000, v12;
	vm2 =	veq.s32 v18, $0xC000;
	v18 =	vadd.s32 $0xFFFF4000, v11  }
0x22c: {  	v27 =	vadd.s32 $0xFFFF4000, v10;
	v12 =	vsel vm2, v12, v22;
	v22 =	vand.u32 $0x7F, v11  }
0x22d: {  	v14 =	vadd.s32 $0xFFFF4000, v14;
	v28 =	vand.u32 $0xFFFFC000, v6;
	[tilespmem:$0x150] =	vst v12;
	v12 =	vand.u32 $0xFFFFC000, v7;
	v29 =	vld [tilespmem:$0xF0]  }
0x22e: {  	v31 =	vand.u32 $0x7F, v7;
	v10 =	vand.u32 $0x7F, v10;
	v30 =	vand.u32 $0x7F, v13  }
0x22f: {  	v15 =	vadd.s32 $0xFFFF4000, v15;
	v11 =	vand.u32 $0xFFFFC000, v11;
	v32 =	vand.u32 $0xFFFFC000, v26  }
0x230: {  	v16 =	vsel vm1, v16, v17;
	v17 =	vadd.s32 $0xFFFF4000, v26;
	v26 =	vand.u32 $0x7F, v26  }
0x231: {  	v2 =	vand.u32 $0xFFFFC000, v2;
	vm1 =	veq.s32 v32, $0xC000;
	[tilespmem:$0x160] =	vst v16;
	v16 =	vor.u32 $0x6000, v26  }
0x232: {  	v16 =	vsel vm1, v17, v16;
	vm1 =	veq.s32 v2, $0xC000;
	v2 =	vadd.s32 $0xFFFF4000, v29  }
0x233: {  	v17 =	vand.u32 $0x7F, v1;
	[tilespmem:$0x1C0] =	vst v16;
	v8 =	vsel vm1, v8, v9;
	v9 =	vand.u32 $0x7F, v29  }
0x234: {  	v1 =	vadd.s32 $0xFFFF4000, v1;
	v16 =	vand.u32 $0xFFFFC000, v29;
	v9 =	vor.u32 $0x6000, v9  }
0x235: {  	vm1 =	veq.s32 v24, $0xC000;
	v17 =	vor.u32 $0x6000, v17;
	vm2 =	veq.s32 v16, $0xC000;
	[tilespmem:$0x1D0] =	vst v8  }
0x236: {  	v3 =	vsel vm0, v20, v3;
	v1 =	vsel vm1, v1, v17;
	v2 =	vsel vm2, v2, v9  }
0x237: {  	vm0 =	veq.s32 v12, $0xC000;
	[tilespmem:$0x110] =	vst v3;
	v3 =	vadd.s32 $0xFFFF4000, v7;
	v7 =	vor.u32 $0x6000, v31  }
0x238: {  	vm1 =	veq.s32 v4, $0xC000;
	v4 =	vor.u32 $0x6000, v10;
	v3 =	vsel vm0, v3, v7;
	[tilespmem:$0x1F0] =	vst v2  }
0x239: {  	v2 =	vsel vm1, v27, v4;
	vm0 =	veq.s32 v23, $0xC000;
	[tilespmem:$0x190] =	vst v3;
	v3 =	vor.u32 $0x6000, v19  }
0x23a: {  	vm1 =	veq.s32 v5, $0xC000;
	[tilespmem:$0x120] =	vst v2;
	v2 =	vor.u32 $0x6000, v21;
	v3 =	vsel vm0, v14, v3  }
0x23b: {  	v4 =	vand.u32 $0xFFFFC000, v13;
	v5 =	vadd.s32 $0xFFFF4000, v6;
	v2 =	vsel vm1, v15, v2;
	[tilespmem:$0x1E0] =	vst v3  }
0x23c: {  	vm0 =	veq.s32 v4, $0xC000;
	v3 =	vor.u32 $0x6000, v30;
	[tilespmem:$0x100] =	vst v1;
	v1 =	vadd.s32 $0xFFFF4000, v13  }
0x23d: {  	[tilespmem:$0x130] =	vst v2;
	v1 =	vsel vm0, v1, v3;
	vm0 =	veq.s32 v28, $0xC000;
	v2 =	vor.u32 $0x6000, v25  }
0x23e: {  	[tilespmem:$0x140] =	vst v1;
	v1 =	vsel vm0, v5, v2;
	vm0 =	veq.s32 v11, $0xC000;
	v2 =	vor.u32 $0x6000, v22  }
0x23f: {  	[tilespmem:$0x1A0] =	vst v1;
	v1 =	vsel vm0, v18, v2  }
0x240: {  	[tilespmem:$0x1B0] =	vst v1  }
0x241: {  	[spmem:s1] =	stream.indirect.scatter.add.f32 [tilespmem:s28], [sflag:$0x1], $0x40, s30, s29, $0xb8;
	[tilespmem:$0x1EE00] =	vst v63  }
.Ltmp3:
0x242: {  	_ = 	snop;
	(pc) =	sbr.rel @p1 .LBB2_8-.Ltmp3, $4  }
0x243: {  	_ =	swait.ge [sflag:s26], $0x2000  }
0x244: {  	[sflag:s26] =	ssyncset.done $0x0  }
0x245: {  	[sflag:s26] =	ssyncadd.s32 $0xFFFFE000  }
0x246: {  	[spmem:s1] =	stream.indirect.scatter.add.f32 [tilespmem:s0], [sflag:$0x1], $0x40, s31, s29, $0xb8;
	[tilespmem:$0x1EE00] =	vst v63  }
0x247: {  	_ =	swait.ge [sflag:s26], $0x2000  }
0x248: {  	[sflag:s26] =	ssyncset.done $0x0  }
0x249: {  	s5 =	sadd.s32 s20, s23;
	[sflag:s26] =	ssyncadd.s32 $0xFFFFE000  }
0x24a: {  	[tilespmem:s3], [sflag:$0x1] =	stream.linear.gather [hbm4b:s5+s3], $0x100, $0x38;
	[tilespmem:$0x1EE00] =	vst v63  }
0x24b: {  	_ =	swait.ge [sflag:s26], $0x100  }
0x24c: {  	[sflag:s26] =	ssyncset.done $0x0  }
0x24d: {  	[sflag:s26] =	ssyncadd.s32 $0xFFFFFF00  }
0x24e: {  	[tilespmem:s28], [sflag:$0x1] =	stream.linear.gather [hbm4b:s21+s3], $0x4000, $0x38;
	[tilespmem:$0x1EE00] =	vst v63  }
0x24f: {  	_ =	swait.ge [sflag:s26], $0x4000  }
0x250: {  	[sflag:s26] =	ssyncset.done $0x0  }
0x251: {  	[sflag:s26] =	ssyncadd.s32 $0xFFFFC000  }
0x252: {  	v1 =	vld [tilespmem:$0xD0]  }
0x253: {  	v2 =	vld [tilespmem:$0x70]  }
0x254: {  	v3 =	vld [tilespmem:$0x80]  }
0x255: {  	v4 =	vld [tilespmem:$0x60]  }
0x256: {  	v5 =	vld [tilespmem:$0x10]  }
0x257: {  	v8 =	vld [tilespmem:$0x20]  }
0x258: {  	v12 =	vld [tilespmem:$0xE0]  }
0x259: {  	v13 =	vld [tilespmem:$0x30]  }
0x25a: {  	v48 =	vld [tilespmem:$0x0];
	v6 =	vadd.s32 $0xFFFF4000, v1;
	v7 =	vand.u32 $0x7F, v1  }
0x25b: {  	v49 =	vld [tilespmem:$0x50];
	v9 =	vadd.s32 $0xFFFF4000, v2;
	v10 =	vand.u32 $0xFFFFC000, v2;
	v2 =	vand.u32 $0x7F, v2  }
0x25c: {  	v50 =	vld [tilespmem:$0xA0];
	v46 =	vand.u32 $0xFFFFC000, v3;
	v11 =	vand.u32 $0x7F, v3;
	v3 =	vadd.s32 $0xFFFF4000, v3  }
0x25d: {  	v51 =	vld [tilespmem:$0xB0];
	v14 =	vadd.s32 $0xFFFF4000, v4;
	v15 =	vand.u32 $0x7F, v4;
	v4 =	vand.u32 $0xFFFFC000, v4  }
0x25e: {  	v21 =	vld [tilespmem:$0x90];
	v16 =	vand.u32 $0xFFFFC000, v8;
	v17 =	vand.u32 $0x7F, v5;
	v18 =	vand.u32 $0x7F, v12  }
0x25f: {  	v22 =	vld [tilespmem:$0x40];
	v19 =	vadd.s32 $0xFFFF4000, v5;
	v5 =	vand.u32 $0xFFFFC000, v5;
	v20 =	vand.u32 $0x7F, v13  }
0x260: {  	v28 =	vld [tilespmem:$0xC0];
	v53 =	vand.u32 $0xFFFFC000, v13;
	v23 =	vand.u32 $0xFFFFC000, v49;
	v24 =	vand.u32 $0x7F, v49  }
0x261: {  	v32 =	vld [tilespmem:$0xF0];
	v25 =	vand.u32 $0xFFFFC000, v12;
	v26 =	vand.u32 $0xFFFFC000, v48;
	v27 =	vand.u32 $0x7F, v50  }
0x262: {  	v54 =	vadd.s32 $0xFFFF4000, v51;
	v29 =	vadd.s32 $0xFFFF4000, v8;
	v55 =	vand.u32 $0x7F, v51  }
0x263: {  	v30 =	vand.u32 $0xFFFFC000, v21;
	v31 =	vand.u32 $0xFFFFC000, v50;
	v12 =	vadd.s32 $0xFFFF4000, v12  }
0x264: {  	v8 =	vand.u32 $0x7F, v8;
	v33 =	vand.u32 $0x7F, v22;
	v34 =	vand.u32 $0x7F, v21  }
0x265: {  	v13 =	vadd.s32 $0xFFFF4000, v13;
	v56 =	vand.u32 $0xFFFFC000, v28;
	v57 =	vand.u32 $0x7F, v28  }
0x266: {  	v1 =	vand.u32 $0xFFFFC000, v1;
	v58 =	vand.u32 $0x7F, v32;
	v59 =	vadd.s32 $0xFFFF4000, v48  }
0x267: {  	v60 =	vand.u32 $0xFFFFC000, v32;
	v63 =	vand.u32 $0xFFFFC000, v22;
	vm0 =	veq.s32 v10, $0xC000  }
0x268: {  	vm1 =	veq.s32 v46, $0xC000;
	v47 =	vor.u32 $0x6000, v11;
	v15 =	vor.u32 $0x6000, v15  }
0x269: {  	v2 =	vor.u32 $0x6000, v2;
	vm15 =	veq.s32 v4, $0xC000;
	v7 =	vor.u32 $0x6000, v7  }
0x26a: {  	vm4 =	veq.s32 v5, $0xC000;
	v52 =	vor.u32 $0x6000, v17;
	v24 =	vor.u32 $0x6000, v24  }
0x26b: {  	v10 =	vadd.s32 $0xFFFF4000, v49;
	vm2 =	veq.s32 v23, $0xC000;
	v3 =	vsel vm1, v3, v47  }
0x26c: {  	vm5 =	veq.s32 v56, $0xC000;
	vm6 =	veq.s32 v1, $0xC000;
	v2 =	vsel vm0, v9, v2;
	[tilespmem:$0x180] =	vst v3  }
0x26d: {  	v1 =	vadd.s32 $0xFFFF4000, v32;
	vm7 =	veq.s32 v26, $0xC000;
	v10 =	vsel vm2, v10, v24;
	[tilespmem:$0x170] =	vst v2  }
0x26e: {  	vm8 =	veq.s32 v60, $0xC000;
	vm9 =	veq.s32 v30, $0xC000;
	v14 =	vsel vm15, v14, v15;
	[tilespmem:$0x150] =	vst v10  }
0x26f: {  	v61 =	vor.u32 $0x6000, v34;
	v6 =	vsel vm6, v6, v7;
	v7 =	vor.u32 $0x6000, v58;
	[tilespmem:$0x160] =	vst v14  }
0x270: {  	v15 =	vor.u32 $0x6000, v57;
	v3 =	vadd.s32 $0xFFFF4000, v28;
	[tilespmem:$0x1D0] =	vst v6;
	v1 =	vsel vm8, v1, v7  }
0x271: {  	vm10 =	veq.s32 v16, $0xC000;
	v2 =	vsel vm5, v3, v15;
	v3 =	vand.u32 $0x7F, v48;
	[tilespmem:$0x1F0] =	vst v1  }
0x272: {  	v62 =	vor.u32 $0x6000, v8;
	[tilespmem:$0x1C0] =	vst v2;
	v2 =	vor.u32 $0x6000, v3;
	v3 =	vsel vm4, v19, v52  }
0x273: {  	vm11 =	veq.s32 v25, $0xC000;
	v1 =	vsel vm10, v29, v62;
	[tilespmem:$0x110] =	vst v3;
	v3 =	vadd.s32 $0xFFFF4000, v21  }
0x274: {  	vm12 =	veq.s32 v53, $0xC000;
	v4 =	vadd.s32 $0xFFFF4000, v50;
	[tilespmem:$0x120] =	vst v1;
	v3 =	vsel vm9, v3, v61  }
0x275: {  	vm13 =	veq.s32 v63, $0xC000;
	v2 =	vsel vm7, v59, v2;
	[tilespmem:$0x190] =	vst v3;
	v3 =	vor.u32 $0x6000, v18  }
0x276: {  	vm14 =	veq.s32 v31, $0xC000;
	v1 =	vor.u32 $0x6000, v20;
	[tilespmem:$0x100] =	vst v2;
	v3 =	vsel vm11, v12, v3  }
0x277: {  	v1 =	vsel vm12, v13, v1;
	v2 =	vadd.s32 $0xFFFF4000, v22;
	[tilespmem:$0x1E0] =	vst v3;
	v3 =	vor.u32 $0x6000, v33  }
0x278: {  	v9 =	vand.u32 $0xFFFFC000, v51;
	[tilespmem:$0x130] =	vst v1;
	v1 =	vsel vm13, v2, v3;
	v2 =	vor.u32 $0x6000, v27  }
0x279: {  	vm15 =	veq.s32 v9, $0xC000;
	[tilespmem:$0x140] =	vst v1;
	v1 =	vsel vm14, v4, v2;
	v2 =	vor.u32 $0x6000, v55  }
0x27a: {  	[tilespmem:$0x1A0] =	vst v1;
	v1 =	vsel vm15, v54, v2  }
0x27b: {  	[tilespmem:$0x1B0] =	vst v1  }
0x27c: {  	[spmem:s1] =	stream.indirect.scatter.add.f32 [tilespmem:s28], [sflag:$0x1], $0x40, s30, s29, $0xb8;
	[tilespmem:$0x1EE00] =	vst v63  }
0x27d: {  	_ =	swait.ge [sflag:s26], $0x2000  }
0x27e: {  	[sflag:s26] =	ssyncset.done $0x0  }
0x27f: {  	[sflag:s26] =	ssyncadd.s32 $0xFFFFE000  }
0x280: {  	[spmem:s1] =	stream.indirect.scatter.add.f32 [tilespmem:s0], [sflag:$0x1], $0x40, s31, s29, $0xb8;
	[tilespmem:$0x1EE00] =	vst v63  }
0x281: {  	_ =	swait.ge [sflag:s26], $0x2000  }
0x282: {  	[sflag:s26] =	ssyncset.done $0x0  }
0x283: {  	[sflag:s26] =	ssyncadd.s32 $0xFFFFE000  }
0x284: {  	[bflag:$0x0] =	sbarrier.arrive $0xFFFF  }
0x285: {  	s21 =	rddreg [dreg:$0x9]  }
0x286: {  	s6 =	rddreg [dreg:$0xb]  }
0x287: {  	[hbm:s21], [sflag:s18] =	dma.local [spmem:s6], $0x2000  }
0x288: {  	_ =	swait.ge [sflag:s26], $0x2000  }
0x289: {  	s2 =	sadd.s32 $0x1, s2;
	s25 =	rddreg [dreg:$0xa]  }
0x28a: {  	p1 =	sne.s32 s2, s25  }
.Ltmp4:
0x28b: {  	_ = 	snop;
	(pc) =	sbr.rel @p1 .LBB2_1-.Ltmp4, $3  }
0x28c: {  	[sflag:s26] =	ssyncset.done $0x0  }
0x28d: {  	[sflag:s26] =	ssyncadd.s32 $0xFFFFE000  }
0x28e: {  	[bflag:$0x0] =	sbarrier.arrive $0xFFFF;
	_ =	sdelay $0x1  }
0x28f: {  	_ =	sfence.sel $0x180000  }
0x290: {  	[bflag:$0x0] =	sbarrier.arrive $0xFFFF  }
0x291: {  	_ =	strace $0x9000004A  }
0x292: {  	s0 =	stileid.u32;
	[bflag:$0x2] =	sbarrier.arrive $0xFFFF  }
0x293: {  	p0 =	sne.s32 s0, $0x0;
	s0 =	rddreg [dreg:$0x3]  }
0x294: {  	s0 =	sadd.s32 @!p0 $0x100000, s0  }
0x295: {  	[sflag:s0] =	ssyncadd.tile.s32 @!p0 $0x1;
	_ =	shalt  }
.Lfunc_end2:
_tile_overlayer_lowered:
.L_overlay_start_2:
0x296: {  	(tag) =	ssettag $0x2  }
0x297: {  	s0 =	rddreg [dreg:$0x0];
	s2 =	stileid.u32  }
0x298: {  	s1 =	rddreg [dreg:$0x1];
	p0 =	sne.s32 s2, $0x0  }
0x299: {  	s3 =	rddreg [dreg:$0x2];
	[bflag:$0x3] =	sbarrier.arrive $0xFFFF;
	s2 =	simm.s32 @!p0 $0x1C01  }
0x29a: {  	[timem:s3], [sflag:s2] =	dma.local @!p0 [hbm:s0], s1  }
0x29b: {  	s0 =	simm.s32 @!p0 $0x1  }
0x29c: {  	_ =	swait.ge @!p0 [sflag:s0], s1  }
0x29d: {  	s1 =	ssub.s32 @!p0 $0x0, s1;
	[sflag:s0] =	ssyncset.done @!p0 $0x0  }
0x29e: {  	[sflag:s0] =	ssyncadd.s32 @!p0 s1  }
0x29f: {  	[bflag:$0x3] =	sbarrier.arrive $0xFFFF  }
0x2a0: {  	_ =	shalt  }

// kernel: kernel.7.cloned.1.call-start
scs
__scs_entry_jumppad:
0x0: {  	(pc) =	sbr.rel $0x88, $3  }
0x1: {  	(tag) =	ssettag $0x0;
	lr =	simm.s32 $0x1  }
0x2: {  	[smem:$0x3F97] =	sst lr;
	_ =	strace $0xD0000000  }
0x3: {  	_ = 	snop  }
0x4: {  	_ = 	snop  }
0x5: {  	_ = 	snop  }
0x6: {  	_ = 	snop  }
0x7: {  	_ = 	snop  }
__scs_overlays_trampoline_lowered:
0x8: {  	[smem:$0x3FA6] =	sst s0  }
0x9: {  	[smem:$0x3FA7] =	sst s1  }
0xa: {  	[smem:$0x3FA8] =	sst s2  }
0xb: {  	[smem:$0x3FA9] =	sst s3  }
0xc: {  	[smem:$0x3FAA] =	sst s4  }
0xd: {  	[smem:$0x3FAB] =	sst s5  }
0xe: {  	[smem:$0x3FAC] =	sst s6  }
0xf: {  	[smem:$0x3FAD] =	sst s7  }
0x10: {  	[smem:$0x3FAE] =	sst s8  }
0x11: {  	[smem:$0x3FAF] =	sst s9;
	s0 =	simm.s32 @!p0 $0x0  }
0x12: {  	s1 =	sld [smem:$0x3F95];
	s0 =	simm.s32 @p0 $0x1  }
0x13: {  	[smem:$0x3FB0] =	sst s0;
	s0 =	simm.s32 @!p1 $0x0  }
0x14: {  	s2 =	sld [smem:$0x3F94];
	s0 =	simm.s32 @p1 $0x1  }
0x15: {  	[smem:$0x3FB1] =	sst s0;
	s0 =	simm.s32 @!p2 $0x0  }
0x16: {  	s3 =	sld [smem:$0x3FDB];
	s0 =	simm.s32 @p2 $0x1  }
0x17: {  	s4 =	simm.s32 $0x1BF5;
	[smem:$0x3FB3] =	sst s0  }
0x18: {  	s0 =	sld [smem:$0x3F96];
	_ =	swait.ge [sflag:s4], $0x0  }
0x19: {  	s7 =	sld [smem:$0x3F97]  }
0x1a: {  	s8 =	sadd.s32 $0xFFFFE003, lr  }
0x1b: {  	s9 =	sadd.s32 $0xFFFFFEF7, lr;
	s5 =	simm.s32 $0xFFFFFFFF;
	p2 =	slt.u32 s8, $0xFFFFF086  }
0x1c: {  	p1 =	slt.u32 s9, $0xF7A;
	s5 =	simm.s32 @!p2 $0x0  }
0x1d: {  	s5 =	simm.s32 @p1 $0x1;
	p0 =	seq.s32 s7, s2  }
0x1e: {  	s7 =	smul.u32 @!p0 $0xF7A, s2;
	p2 =	seq.s32 @!p0 s5, $0x0  }
0x1f: {  	s9 =	smul.u32 $0xF7A, s1;
	s8 =	simm.s32 @!p0 $0x1BF5;
	p2 =	por !p2, p0  }
0x20: {  	[sflag:s8] =	ssyncset.s32 @!p0 $0xFFFFF086;
	s6 =	sadd.s32 @!p0 s3, s7;
	s7 =	simm.s32 @!p0 $0x108  }
0x21: {  	s3 =	sadd.s32 s3, s9;
	s6 =	sadd.s32 @!p0 $0x88, s6;
	s7 =	simm.s32 @p2 $0x1082  }
0x22: {  	[simem:s7], [sflag:s8] =	dma.local @!p0 [hbm:s6], $0xF7A  }
0x23: {  	s9 =	sor.u32 $0xD0000000, s2;
	s6 =	simm.s32 $0x108;
	_ =	swait.ge @!p0 [sflag:s8], $0x0  }
0x24: {  	s3 =	sadd.s32 $0x88, s3;
	s6 =	simm.s32 @!p1 $0x1082;
	[sflag:s4] =	ssyncset.s32 $0xFFFFF086  }
0x25: {  	[simem:s6], [sflag:s4] =	dma.local [hbm:s3], $0xF7A  }
0x26: {  	[smem:$0x3F97] =	sst s1;
	(tag) =	ssettag s2;
	_ =	strace s9  }
0x27: {  	s1 =	sld [smem:$0x3FA7]  }
0x28: {  	s2 =	sld [smem:$0x3FA8]  }
0x29: {  	s4 =	sld [smem:$0x3FAA]  }
0x2a: {  	p0 =	seq.s32 s5, $0x0;
	s5 =	sld [smem:$0x3FAB]  }
0x2b: {  	s6 =	sld [smem:$0x3FAC]  }
0x2c: {  	s7 =	sld [smem:$0x3FAD]  }
0x2d: {  	s3 =	simm.s32 $0x108;
	s8 =	sld [smem:$0x3FAE]  }
0x2e: {  	s3 =	simm.s32 @!p0 $0x1082;
	s9 =	sld [smem:$0x3FAF]  }
0x2f: {  	lr =	sadd.s32 s0, s3;
	s0 =	sld [smem:$0x3FA6]  }
0x30: {  	s3 =	sld [smem:$0x3FA9]  }
0x31: {  	[smem:$0x3FB2] =	sst s10  }
0x32: {  	s10 =	sld [smem:$0x3FB0];
	_ =	sdelay $0x3  }
0x33: {  	p0 =	seq.s32 s10, $0x1;
	s10 =	sld [smem:$0x3FB2];
	_ =	sdelay $0x3  }
0x34: {  	[smem:$0x3FB2] =	sst s10  }
0x35: {  	s10 =	sld [smem:$0x3FB1];
	_ =	sdelay $0x3  }
0x36: {  	p1 =	seq.s32 s10, $0x1;
	s10 =	sld [smem:$0x3FB2];
	_ =	sdelay $0x3  }
0x37: {  	[smem:$0x3FB2] =	sst s10  }
0x38: {  	s10 =	sld [smem:$0x3FB3]  }
0x39: {  	_ = 	snop;
	(pc) =	sbr.ind lr, $3  }
0x3a: {  	_ = 	snop  }
0x3b: {  	_ = 	snop  }
0x3c: {  	p2 =	seq.s32 s10, $0x1;
	s10 =	sld [smem:$0x3FB2]  }
0x3d: {  	_ =	shalt  }
0x3e: {  	_ =	shalt  }
0x3f: {  	_ =	shalt  }
0x40: {  	_ =	shalt  }
0x41: {  	_ =	shalt  }
0x42: {  	_ =	shalt  }
0x43: {  	_ =	shalt  }
0x44: {  	_ =	shalt  }
0x45: {  	_ =	shalt  }
0x46: {  	_ =	shalt  }
0x47: {  	_ =	shalt  }
0x48: {  	_ =	shalt  }
0x49: {  	_ =	shalt  }
0x4a: {  	_ =	shalt  }
0x4b: {  	_ =	shalt  }
0x4c: {  	_ =	shalt  }
0x4d: {  	_ =	shalt  }
0x4e: {  	_ =	shalt  }
0x4f: {  	_ =	shalt  }
0x50: {  	_ =	shalt  }
0x51: {  	_ =	shalt  }
0x52: {  	_ =	shalt  }
0x53: {  	_ =	shalt  }
0x54: {  	_ =	shalt  }
0x55: {  	_ =	shalt  }
0x56: {  	_ =	shalt  }
0x57: {  	_ =	shalt  }
0x58: {  	_ =	shalt  }
0x59: {  	_ =	shalt  }
0x5a: {  	_ =	shalt  }
0x5b: {  	_ =	shalt  }
0x5c: {  	_ =	shalt  }
0x5d: {  	_ =	shalt  }
0x5e: {  	_ =	shalt  }
0x5f: {  	_ =	shalt  }
0x60: {  	_ =	shalt  }
0x61: {  	_ =	shalt  }
0x62: {  	_ =	shalt  }
0x63: {  	_ =	shalt  }
0x64: {  	_ =	shalt  }
0x65: {  	_ =	shalt  }
0x66: {  	_ =	shalt  }
0x67: {  	_ =	shalt  }
0x68: {  	_ =	shalt  }
0x69: {  	_ =	shalt  }
0x6a: {  	_ =	shalt  }
0x6b: {  	_ =	shalt  }
0x6c: {  	_ =	shalt  }
0x6d: {  	_ =	shalt  }
0x6e: {  	_ =	shalt  }
0x6f: {  	_ =	shalt  }
0x70: {  	_ =	shalt  }
0x71: {  	_ =	shalt  }
0x72: {  	_ =	shalt  }
0x73: {  	_ =	shalt  }
0x74: {  	_ =	shalt  }
0x75: {  	_ =	shalt  }
0x76: {  	_ =	shalt  }
0x77: {  	_ =	shalt  }
0x78: {  	_ =	shalt  }
0x79: {  	_ =	shalt  }
0x7a: {  	_ =	shalt  }
0x7b: {  	_ =	shalt  }
0x7c: {  	_ =	shalt  }
0x7d: {  	_ =	shalt  }
0x7e: {  	_ =	shalt  }
0x7f: {  	_ =	shalt  }
0x80: {  	_ =	shalt  }
0x81: {  	_ =	shalt  }
0x82: {  	_ =	shalt  }
0x83: {  	_ =	shalt  }
0x84: {  	_ =	shalt  }
0x85: {  	_ =	shalt  }
0x86: {  	_ =	shalt  }
0x87: {  	_ =	shalt  }
.Lfunc_end0:
.L_simem_size_0:
called_computation.1_lowered:
.L_overlay_start_0:
0x88: {  	s2 =	sld [smem:$0x3FD9]  }
0x89: {  	s3 =	sld [smem:$0x3FFE];
	_ =	sdelay $0x1  }
0x8a: {  	s1 =	srdreg.scid  }
0x8b: {  	s0 =	sand.u32 $0x1, s1  }
0x8c: {  	s17 =	sshll.u32 s0, $0xA;
	s2 =	sadd.s32 s3, s2  }
0x8d: {  	s2 =	sadd.s32 s2, s17  }
0x8e: {  	[smem:$0x3FBE] =	sst s2  }
0x8f: {  	_ = 	snop  }
0x90: {  	s2 =	sld [smem:$0x3FD0];
	(tm) =	ssettm $0x1  }
0x91: {  	s18 =	sld [smem:$0x3FFB];
	_ =	sdelay $0x3  }
0x92: {  	_ =	strace s18  }
0x93: {  	s3 =	sld [smem:$0x3FFC];
	_ =	sdelay $0x3  }
0x94: {  	_ =	strace s3  }
0x95: {  	s3 =	sld [smem:$0x3FFD];
	_ =	sdelay $0x3  }
0x96: {  	_ =	strace s3  }
0x97: {  	_ =	strace $0x8FFFFFFF  }
0x98: {  	s19 =	sld [smem:$0x3FDB];
	_ =	sdelay $0x1  }
0x99: {  	s4 =	simm.s32 $_scs_section_size  }
0x9a: {  	s5 =	simm.s32 $_size__tile_overlayer_lowered;
	s6 =	simm.s32 $_tile_overlayer_lowered  }
0x9b: {  	s22 =	simm.s32 $0x1BFF;
	s21 =	sshll.u32 s6, $0x1;
	s3 =	sadd.s32 s4, s19  }
0x9c: {  	s7 =	simm.s32 $0x0;
	s20 =	sshll.u32 s5, $0x1;
	s5 =	sadd.s32 s21, s3  }
0x9d: {  	[timem:s7], [sflag:s22] =	dma.local [hbm:s5], s20  }
0x9e: {  	_ =	swait.ge [sflag:s22], s20  }
0x9f: {  	s4 =	ssub.s32 $0x0, s20;
	[sflag:s22] =	ssyncset.done $0x0  }
0xa0: {  	[sflag:s22] =	ssyncadd.s32 s4;
	_ =	sdelay $0x1  }
0xa1: {  	s23 =	simm.s32 $0x1B8B  }
0xa2: {  	_ =	swait.ge [sflag:s23], $0x1  }
0xa3: {  	[sflag:s23] =	ssyncset.done $0x0  }
0xa4: {  	s25 =	simm.s32 $0x1B8E;
	s24 =	sld [smem:$0x3FFE];
	[sflag:s23] =	ssyncadd.s32 $0xFFFFFFFF  }
0xa5: {  	s26 =	simm.s32 $execute0_lowered;
	[smem:$0x3FD2] =	sst s25  }
0xa6: {  	s5 =	sshll.u32 s26, $0x1;
	_ =	strace $0x80000046;
	[dreg:$0x1] =	wrdreg $0xFFFFFFFF  }
0xa7: {  	s28 =	simm.s32 $_size_execute0_lowered;
	s3 =	sadd.s32 s3, s5;
	[dreg:$0x0] =	wrdreg $0x0  }
0xa8: {  	s5 =	sshll.u32 s28, $0x1;
	[dreg:$0x2] =	wrdreg s3  }
0xa9: {  	[dreg:$0x3] =	wrdreg s5  }
0xaa: {  	[dreg:$0x4] =	wrdreg $0xC0  }
0xab: {  	_ =	task [dreg:s7], $0x5FFFF  }
0xac: {  	[dreg:$0x1] =	wrdreg $0xFFFFFFFF  }
0xad: {  	[dreg:$0x0] =	wrdreg $0x60  }
0xae: {  	[dreg:$0x2] =	wrdreg s24  }
0xaf: {  	[dreg:$0x3] =	wrdreg s2  }
0xb0: {  	[dreg:$0x4] =	wrdreg $0x9  }
0xb1: {  	_ =	task.clear_ibuf [dreg:s7], $0x5FFFF;
	_ =	strace $0x90000046  }
0xb2: {  	s29 =	simm.s32 $0x9;
	_ =	strace $0x80000048  }
0xb3: {  	_ =	swait.ge [sflag:s29], $0x1  }
0xb4: {  	[sflag:s29] =	ssyncadd.s32 $0xFFFFFFFF  }
0xb5: {  	_ =	strace $0x90000048  }
0xb6: {  	_ =	sfence  }
0xb7: {  	s30 =	sld [smem:$0x0];
	_ =	sdelay $0x2  }
0xb8: {  	s31 =	sshll.u32 s1, $0xD;
	s1 =	sshrl.u32 s1, $0x2  }
0xb9: {  	s3 =	sand.u32 $0x4000, s31;
	s1 =	sadd.s32 s1, s30  }
0xba: {  	s0 =	sor.u32 s3, s0;
	s1 =	sshll.u32 s1, $0x11  }
0xbb: {  	s0 =	sor.u32 s1, s0  }
0xbc: {  	s0 =	sadd.s32 $0x8F2B, s0  }
0xbd: {  	[sflag:s0] =	ssyncadd.remote.s32 $0x1  }
0xbe: {  	_ =	sfence.sel $0xFFFF  }
0xbf: {  	[dreg:$0x0] =	wrdreg $0xFFFFFFFF;
	(pc) =	sbr.abs _section_cstart, $3  }
0xc0: {  	[dreg:$0x1] =	wrdreg $0xFFFFFFFF  }
0xc1: {  	_ =	task.clear_ibuf [dreg:s7], $0x2FFFF;
	_ =	strace $0x9FFFFFFF  }
0xc2: {  	(tm) =	ssettm $0x7FFFFFFF  }
0xc3: {  	_ =	shalt  }
tec
execute0_lowered:
.L_overlay_start_1:
0x0: {  	(tag) =	ssettag $0x1  }
0x1: {  	s0 =	rddreg [dreg:$0x0]  }
0x2: {  	s1 =	rddreg [dreg:$0x1];
	s2 =	simm.s32 $0x0;
	s3 =	srdreg.scid  }
0x3: {  	s6 =	stileid.u32;
	s17 =	simm.s32 $0x3;
	s16 =	simm.s32 $0xC0  }
0x4: {  	s19 =	simm.s32 $0x80;
	s20 =	simm.s32 $0x300;
	s21 =	simm.s32 $0x6300  }
0x5: {  	s22 =	simm.s32 $0x40;
	s28 =	simm.s32 $0x240;
	s29 =	simm.s32 $0xC300  }
0x6: {  	s30 =	simm.s32 $0x12300;
	s23 =	simm.s32 $0x16300;
	[smem:$0x7FF] =	sst s2  }
0x7: {  	s4 =	sadd.s32 $0x211400, s0;
	s3 =	sand.u32 $0x1, s3;
	s5 =	sadd.s32 $0x11400, s0  }
0x8: {  	s8 =	sshll.u32 s6, $0xD;
	s6 =	sadd.s32 $0x9400, s0;
	s7 =	sshll.u32 s3, $0x11  }
0x9: {  	_ =	strace $0x80000047;
	s3 =	ssub.s32 $0x2, s3;
	s7 =	sor.u32 s8, s7  }
0xa: {  	s8 =	sadd.s32 $0xA11400, s0;
	s24 =	sshrl.u32 s3, $0x1;
	s9 =	sshrl.u32 s7, $0x3  }
0xb: {  	s0 =	ssub.s32 s3, s24;
	s26 =	sor.u32 $0x1F80, s7;
	s25 =	sadd.s32 s1, s9  }
0xc: {  	s11 =	sor.u32 $0xC0, s7;
	s9 =	sadd.s32 s6, s9;
	[dreg:$0x3] =	wrdreg s25  }
0xd: {  	s31 =	sshrl.u32 s26, $0x3;
	s0 =	smax.u32 s0, $0x1;
	[dreg:$0x4] =	wrdreg s9  }
0xe: {  	s12 =	sor.u32 $0x180, s7;
	s10 =	sadd.s32 s1, s31;
	[dreg:$0x8] =	wrdreg s0  }
0xf: {  	s3 =	sshll.u32 s26, $0x3;
	s9 =	sadd.s32 s6, s31;
	[dreg:$0x5] =	wrdreg s10  }
0x10: {  	v0 =	vlaneseq.u32;
	s24 =	simm.s32 $0x1;
	s3 =	sadd.s32 s8, s3;
	[dreg:$0x6] =	wrdreg s9  }
0x11: {  	v0 =	vmul.u32 $0x80, v0;
	s26 =	simm.s32 $0x180;
	s25 =	simm.s32 $0x183D0;
	[dreg:$0x7] =	wrdreg s3  }
0x12: {  	s3 =	simm.s32 $0x2C0;
	s9 =	simm.s32 $0x2;
	s10 =	simm.s32 $0x0  }
.LBB2_1:
0x13: {  	[dreg:$0x9] =	wrdreg s10  }
0x14: {  	s0 =	rddreg [dreg:$0x3]  }
0x15: {  	[tilespmem:s2], [sflag:$0x3] =	stream.linear.gather [hbm4b:s0+s2], $0xC0, $0x38;
	[tilespmem:$0x1B3D0] =	vst v63  }
0x16: {  	_ =	swait.ge [sflag:s17], $0xC0  }
0x17: {  	[sflag:s17] =	ssyncset.done $0x0  }
0x18: {  	s15 =	rddreg [dreg:$0x4];
	[sflag:s17] =	ssyncadd.s32 $0xFFFFFF40  }
0x19: {  	[tilespmem:s16], [sflag:$0x3] =	stream.linear.gather [hbm4b:s15+s2], $0xC0, $0x38;
	[tilespmem:$0x1B3D0] =	vst v63  }
0x1a: {  	_ =	swait.ge [sflag:s17], $0xC0  }
0x1b: {  	[sflag:s17] =	ssyncset.done $0x0  }
0x1c: {  	[sflag:s17] =	ssyncadd.s32 $0xFFFFFF40  }
0x1d: {  	[tilespmem:s20], [sflag:$0x1] =	stream.indirect.gather [hbm4b:s4+s19], $0x80, s2, s19, $0xb8;
	[tilespmem:$0x1B3D0] =	vst v63  }
0x1e: {  	_ = 	snop  }
0x1f: {  	[tilespmem:s21], [sflag:$0x1] =	stream.indirect.gather [hbm4b:s5+s19], $0x80, s16, s19, $0xb8;
	[tilespmem:$0x1B3D0] =	vst v63  }
0x20: {  	s16 =	simm.s32 $0x4300  }
0x21: {  	[tilespmem:s16], [sflag:$0x1] =	stream.indirect.gather [hbm4b:s4+s22], $0x80, s19, s22, $0xb8;
	[tilespmem:$0x1B3D0] =	vst v63  }
0x22: {  	s18 =	simm.s32 $0x140;
	s31 =	simm.s32 $0xA300;
	s13 =	simm.s32 $0x0  }
0x23: {  	[tilespmem:s31], [sflag:$0x1] =	stream.indirect.gather [hbm4b:s5+s22], $0x80, s18, s22, $0xb8;
	[tilespmem:$0x1B3D0] =	vst v63  }
.LBB2_2:
0x24: {  	s15 =	smul.u32 $0x180, s13;
	_ =	sdelay $0x1  }
0x25: {  	s14 =	sadd.s32 s15, s11  }
0x26: {  	s0 =	sshrl.u32 s14, $0x3  }
0x27: {  	s16 =	simm.s32 $0x0;
	s10 =	sadd.s32 s1, s0  }
0x28: {  	[tilespmem:s26], [sflag:$0x3] =	stream.linear.gather [hbm4b:s10+s16], $0xC0, $0x38;
	[tilespmem:$0x1B3D0] =	vst v63  }
0x29: {  	_ =	swait.ge [sflag:s17], $0xC0  }
0x2a: {  	[sflag:s17] =	ssyncset.done $0x0  }
0x2b: {  	s0 =	sadd.s32 s6, s0;
	[sflag:s17] =	ssyncadd.s32 $0xFFFFFF40  }
0x2c: {  	[tilespmem:s28], [sflag:$0x3] =	stream.linear.gather [hbm4b:s0+s16], $0xC0, $0x38;
	[tilespmem:$0x1B3D0] =	vst v63  }
0x2d: {  	_ =	swait.ge [sflag:s17], $0xC0  }
0x2e: {  	[sflag:s17] =	ssyncset.done $0x0  }
0x2f: {  	[sflag:s17] =	ssyncadd.s32 $0xFFFFFF40  }
0x30: {  	[tilespmem:s29], [sflag:$0x2] =	stream.indirect.gather [hbm4b:s4+s19], $0x80, s26, s19, $0xb8;
	[tilespmem:$0x1B3D0] =	vst v63  }
0x31: {  	_ = 	snop  }
0x32: {  	[tilespmem:s30], [sflag:$0x2] =	stream.indirect.gather [hbm4b:s5+s19], $0x80, s28, s19, $0xb8;
	[tilespmem:$0x1B3D0] =	vst v63  }
0x33: {  	s18 =	simm.s32 $0x200;
	s31 =	simm.s32 $0x10300  }
0x34: {  	[tilespmem:s31], [sflag:$0x2] =	stream.indirect.gather [hbm4b:s4+s22], $0x80, s18, s22, $0xb8;
	[tilespmem:$0x1B3D0] =	vst v63  }
0x35: {  	v1 =	vmov s16  }
0x36: {  	v1 =	vshll.u32 v1, $0x7;
	[tilespmem:s23], [sflag:$0x2] =	stream.indirect.gather [hbm4b:s5+s22], $0x80, s3, s22, $0xb8;
	[tilespmem:$0x1B3D0] =	vst v63  }
0x37: {  	v1 =	vor.u32 v0, v1;
	_ =	swait.ge [sflag:s24], $0x6000  }
0x38: {  	v1 =	vor.u32 $0x40, v1;
	[sflag:s24] =	ssyncset.done $0x0  }
0x39: {  	[sflag:s24] =	ssyncadd.s32 $0xFFFFA000  }
0x3a: {  	_ =	swait.ge [sflag:s24], $0x6000  }
0x3b: {  	[sflag:s24] =	ssyncset.done $0x0  }
0x3c: {  	[sflag:s24] =	ssyncadd.s32 $0xFFFFA000  }
0x3d: {  	v2 =	vld.idx.msk [tilespmem:v1+s21+$0x0], $0xffff  }
0x3e: {  	v1 =	vld.idx.msk [tilespmem:v1+s20+$0x0], $0xffff;
	_ =	sdelay $0x4  }
0x3f: {  	v1 =	vsub.f32 v2, v1;
	_ =	sdelay $0x1  }
0x40: {  	v1 =	vmul.f32 $1.442695020e+00, v1;
	_ =	sdelay $0x1  }
0x41: {  	(erf) = vpow2.f32 v1;
	_ =	sdelay $0x8  }
0x42: {  	v1 =	vpop (erf)  }
0x43: {  	v1 =	vadd.f32 $1.000000000e+00, v1;
	_ =	sdelay $0x1  }
0x44: {  	(erf) = vrcp.f32 v1;
	_ =	sdelay $0x1  }
0x45: {  	s18 =	simm.s32 $0x10  }
0x46: {  	v1 =	vmov s18  }
0x47: {  	v1 =	vshll.u32 v1, $0x7  }
0x48: {  	v1 =	vor.u32 v0, v1  }
0x49: {  	v1 =	vor.u32 $0x40, v1;
	_ =	sdelay $0x2  }
0x4a: {  	s16 =	simm.s32 $0x18300;
	v2 =	vpop (erf)  }
0x4b: {  	[tilespmem:s16+$0x0] =	vst v2  }
0x4c: {  	v2 =	vld.idx.msk [tilespmem:v1+s21+$0x0], $0xffff  }
0x4d: {  	v1 =	vld.idx.msk [tilespmem:v1+s20+$0x0], $0xffff;
	_ =	sdelay $0x4  }
0x4e: {  	v1 =	vsub.f32 v2, v1;
	_ =	sdelay $0x1  }
0x4f: {  	v1 =	vmul.f32 $1.442695020e+00, v1;
	_ =	sdelay $0x1  }
0x50: {  	(erf) = vpow2.f32 v1;
	_ =	sdelay $0x8  }
0x51: {  	v1 =	vpop (erf)  }
0x52: {  	v1 =	vadd.f32 $1.000000000e+00, v1;
	_ =	sdelay $0x1  }
0x53: {  	(erf) = vrcp.f32 v1;
	_ =	sdelay $0x1  }
0x54: {  	s31 =	simm.s32 $0x20  }
0x55: {  	v2 =	vmov s31  }
0x56: {  	s10 =	simm.s32 $0x30;
	s0 =	simm.s32 $0x18300;
	v1 =	vshll.u32 v2, $0x7  }
.LBB2_3:
0x57: {  	p0 =	sne.s32 s10, $0xB0;
	v1 =	vor.u32 v0, v1  }
0x58: {  	v1 =	vor.u32 $0x40, v1;
	_ =	sdelay $0x2  }
0x59: {  	s0 =	sadd.s32 $0x10, s0;
	v2 =	vpop (erf)  }
0x5a: {  	[tilespmem:s0+$0x0] =	vst v2  }
0x5b: {  	v2 =	vld.idx.msk [tilespmem:v1+s21+$0x0], $0xffff  }
0x5c: {  	v1 =	vld.idx.msk [tilespmem:v1+s20+$0x0], $0xffff;
	_ =	sdelay $0x5  }
0x5d: {  	v1 =	vsub.f32 v2, v1;
	_ =	sdelay $0x1  }
0x5e: {  	v1 =	vmul.f32 $1.442695020e+00, v1;
	_ =	sdelay $0x1  }
0x5f: {  	(erf) = vpow2.f32 v1;
	_ =	sdelay $0x8  }
0x60: {  	v1 =	vpop (erf)  }
0x61: {  	v1 =	vadd.f32 $1.000000000e+00, v1;
	_ =	sdelay $0x1  }
.Ltmp0:
0x62: {  	(erf) = vrcp.f32 v1;
	(pc) =	sbr.rel @p0 .LBB2_3-.Ltmp0, $3  }
0x63: {  	_ =	sdelay $0x1  }
0x64: {  	v1 =	vmov s10  }
0x65: {  	s10 =	sadd.s32 $0x10, s10;
	v1 =	vshll.u32 v1, $0x7  }
0x66: {  	v1 =	vor.u32 v0, v1  }
0x67: {  	v1 =	vor.u32 $0x40, v1;
	_ =	sdelay $0x2  }
0x68: {  	s0 =	sadd.s32 $0x10, s0;
	v2 =	vpop (erf)  }
0x69: {  	[tilespmem:s0+$0x0] =	vst v2  }
0x6a: {  	v2 =	vld.idx.msk [tilespmem:v1+s21+$0x0], $0xffff  }
0x6b: {  	v1 =	vld.idx.msk [tilespmem:v1+s20+$0x0], $0xffff;
	_ =	sdelay $0x4  }
0x6c: {  	v1 =	vsub.f32 v2, v1;
	_ =	sdelay $0x1  }
0x6d: {  	v1 =	vmul.f32 $1.442695020e+00, v1;
	_ =	sdelay $0x1  }
0x6e: {  	(erf) = vpow2.f32 v1;
	_ =	sdelay $0x8  }
0x6f: {  	v1 =	vpop (erf)  }
0x70: {  	v1 =	vadd.f32 $1.000000000e+00, v1;
	_ =	sdelay $0x1  }
0x71: {  	(erf) = vrcp.f32 v1;
	_ =	sdelay $0x8  }
0x72: {  	s0 =	sadd.s32 $0x10, s0;
	v1 =	vpop (erf)  }
0x73: {  	s10 =	simm.s32 $0x0;
	[tilespmem:s0+$0x0] =	vst v1  }
0x74: {  	v2 =	vld [tilespmem:s10+$0x300]  }
0x75: {  	v3 =	vld [tilespmem:s10+$0x6300];
	_ =	sdelay $0x1  }
0x76: {  	v1 =	vld.msk [tilespmem:s16+$0x0 ss:$0x0], $0xffff;
	_ =	sdelay $0x2  }
0x77: {  	v2 =	vsub.f32 v2, v3;
	_ =	sdelay $0x1  }
0x78: {  	v3 =	vadd.f32 v3, v3;
	v2 =	vmul.f32 v2, v1;
	_ =	sdelay $0x1  }
0x79: {  	v2 =	vadd.f32 v2, v3  }
0x7a: {  	s18 =	simm.s32 $0x183F0  }
0x7b: {  	[tilespmem:s18+$0xFFFFFFE0] =	vst v2  }
0x7c: {  	v2 =	vld [tilespmem:s10+$0x310]  }
0x7d: {  	v3 =	vld [tilespmem:s10+$0x6310];
	_ =	sdelay $0x4  }
0x7e: {  	v2 =	vsub.f32 v2, v3;
	_ =	sdelay $0x1  }
0x7f: {  	v3 =	vadd.f32 v3, v3;
	v2 =	vmul.f32 v2, v1;
	_ =	sdelay $0x1  }
0x80: {  	v2 =	vadd.f32 v2, v3;
	_ =	sdelay $0x1  }
0x81: {  	[tilespmem:s18+$0xFFFFFFF0] =	vst v2  }
0x82: {  	v2 =	vld [tilespmem:s10+$0x320]  }
0x83: {  	v3 =	vld [tilespmem:s10+$0x6320];
	_ =	sdelay $0x4  }
0x84: {  	v2 =	vsub.f32 v2, v3;
	_ =	sdelay $0x1  }
0x85: {  	v3 =	vadd.f32 v3, v3;
	v2 =	vmul.f32 v2, v1;
	_ =	sdelay $0x1  }
0x86: {  	v2 =	vadd.f32 v2, v3;
	_ =	sdelay $0x1  }
0x87: {  	[tilespmem:s18+$0x0] =	vst v2  }
0x88: {  	v3 =	vld [tilespmem:s10+$0x330]  }
0x89: {  	v4 =	vld [tilespmem:s10+$0x6330];
	_ =	sdelay $0x4  }
0x8a: {  	s31 =	simm.s32 $0x200;
	s10 =	simm.s32 $0x183F0;
	v2 =	vadd.f32 v4, v4;
	v3 =	vsub.f32 v3, v4  }
.LBB2_5:
0x8b: {  	p0 =	sne.s32 s31, $0x17E00;
	s18 =	sadd.s32 $0x40, s18;
	s16 =	sadd.s32 $0x1, s16  }
0x8c: {  	s0 =	smov.u32 s31;
	s31 =	sadd.s32 $0x200, s31;
	v1 =	vmul.f32 v3, v1;
	_ =	sdelay $0x1  }
0x8d: {  	v1 =	vadd.f32 v1, v2  }
0x8e: {  	s0 =	sshra.s32 s0, $0x2  }
0x8f: {  	[tilespmem:s10+$0x10] =	vst v1;
	s10 =	smov.u32 s18  }
0x90: {  	v2 =	vld [tilespmem:s0+$0x300]  }
0x91: {  	v3 =	vld [tilespmem:s0+$0x6300]  }
0x92: {  	v1 =	vld.msk [tilespmem:s16+$0x0 ss:$0x0], $0xffff;
	_ =	sdelay $0x3  }
0x93: {  	v2 =	vsub.f32 v2, v3;
	_ =	sdelay $0x1  }
0x94: {  	v3 =	vadd.f32 v3, v3;
	v2 =	vmul.f32 v2, v1;
	_ =	sdelay $0x1  }
0x95: {  	v2 =	vadd.f32 v2, v3;
	_ =	sdelay $0x1  }
0x96: {  	[tilespmem:s18+$0xFFFFFFE0] =	vst v2  }
0x97: {  	v2 =	vld [tilespmem:s0+$0x310]  }
0x98: {  	v3 =	vld [tilespmem:s0+$0x6310];
	_ =	sdelay $0x4  }
0x99: {  	v2 =	vsub.f32 v2, v3;
	_ =	sdelay $0x1  }
0x9a: {  	v3 =	vadd.f32 v3, v3;
	v2 =	vmul.f32 v2, v1;
	_ =	sdelay $0x1  }
0x9b: {  	v2 =	vadd.f32 v2, v3;
	_ =	sdelay $0x1  }
0x9c: {  	[tilespmem:s18+$0xFFFFFFF0] =	vst v2  }
0x9d: {  	v2 =	vld [tilespmem:s0+$0x320]  }
0x9e: {  	v3 =	vld [tilespmem:s0+$0x6320];
	_ =	sdelay $0x4  }
0x9f: {  	v2 =	vsub.f32 v2, v3;
	_ =	sdelay $0x1  }
0xa0: {  	v3 =	vadd.f32 v3, v3;
	v2 =	vmul.f32 v2, v1;
	_ =	sdelay $0x1  }
0xa1: {  	v2 =	vadd.f32 v2, v3;
	_ =	sdelay $0x1  }
0xa2: {  	[tilespmem:s18+$0x0] =	vst v2  }
0xa3: {  	v3 =	vld [tilespmem:s0+$0x330]  }
0xa4: {  	v4 =	vld [tilespmem:s0+$0x6330]  }
.Ltmp1:
0xa5: {  	(pc) =	sbr.rel @p0 .LBB2_5-.Ltmp1, $2  }
0xa6: {  	_ =	sdelay $0x2  }
0xa7: {  	v2 =	vadd.f32 v4, v4;
	v3 =	vsub.f32 v3, v4  }
0xa8: {  	_ = 	snop  }
0xa9: {  	v1 =	vmul.f32 v3, v1;
	_ =	sdelay $0x1  }
0xaa: {  	s0 =	sadd.s32 s7, s15;
	v1 =	vadd.f32 v1, v2  }
0xab: {  	s0 =	sshll.u32 s0, $0x3  }
0xac: {  	p0 =	seq.s32 s13, $0x14;
	s0 =	sadd.s32 s8, s0;
	[tilespmem:s10+$0x10] =	vst v1  }
0xad: {  	[hbm4b:s0+s2] =	stream.linear.scatter [tilespmem:s25], [sflag:$0x3], $0x3000, $0x38;
	[tilespmem:$0x1B3D0] =	vst v63  }
0xae: {  	s0 =	sadd.s32 @!p0 s15, s12;
	_ =	swait.ge [sflag:s17], $0x3000  }
0xaf: {  	s0 =	sshrl.u32 @!p0 s0, $0x3;
	[sflag:s17] =	ssyncset.done $0x0  }
0xb0: {  	s15 =	simm.s32 @!p0 $0x0;
	s10 =	sadd.s32 @!p0 s1, s0;
	[sflag:s17] =	ssyncadd.s32 $0xFFFFD000  }
0xb1: {  	[tilespmem:s15], [sflag:$0x3] =	stream.linear.gather @!p0 [hbm4b:s10+s15], $0xC0, $0x38;
	[tilespmem:$0x1B3D0] =	vst v63  }
0xb2: {  	s10 =	simm.s32 @!p0 $0x3  }
0xb3: {  	_ =	swait.ge @!p0 [sflag:s10], $0xC0  }
0xb4: {  	[sflag:s10] =	ssyncset.done @!p0 $0x0  }
0xb5: {  	s16 =	simm.s32 @!p0 $0xC0;
	s0 =	sadd.s32 @!p0 s6, s0;
	[sflag:s10] =	ssyncadd.s32 @!p0 $0xFFFFFF40  }
0xb6: {  	[tilespmem:s16], [sflag:$0x3] =	stream.linear.gather @!p0 [hbm4b:s0+s15], $0xC0, $0x38;
	[tilespmem:$0x1B3D0] =	vst v63  }
0xb7: {  	_ =	swait.ge @!p0 [sflag:s10], $0xC0  }
0xb8: {  	[sflag:s10] =	ssyncset.done @!p0 $0x0  }
0xb9: {  	s0 =	simm.s32 @!p0 $0x80;
	[sflag:s10] =	ssyncadd.s32 @!p0 $0xFFFFFF40;
	s10 =	simm.s32 @!p0 $0x300  }
0xba: {  	[tilespmem:s10], [sflag:$0x1] =	stream.indirect.gather @!p0 [hbm4b:s4+s0], $0x80, s15, s0, $0xb8;
	[tilespmem:$0x1B3D0] =	vst v63  }
0xbb: {  	s10 =	simm.s32 @!p0 $0x6300  }
0xbc: {  	[tilespmem:s10], [sflag:$0x1] =	stream.indirect.gather @!p0 [hbm4b:s5+s0], $0x80, s16, s0, $0xb8;
	[tilespmem:$0x1B3D0] =	vst v63  }
0xbd: {  	s31 =	simm.s32 $0x0;
	s15 =	simm.s32 @!p0 $0x4300;
	s10 =	simm.s32 @!p0 $0x40  }
0xbe: {  	[tilespmem:s15], [sflag:$0x1] =	stream.indirect.gather @!p0 [hbm4b:s4+s10], $0x80, s0, s10, $0xb8;
	[tilespmem:$0x1B3D0] =	vst v63  }
0xbf: {  	v1 =	vmov s31;
	s16 =	simm.s32 @!p0 $0xA300;
	s15 =	simm.s32 @!p0 $0x140  }
0xc0: {  	v1 =	vshll.u32 v1, $0x7;
	[tilespmem:s16], [sflag:$0x1] =	stream.indirect.gather @!p0 [hbm4b:s5+s10], $0x80, s15, s10, $0xb8;
	[tilespmem:$0x1B3D0] =	vst v63  }
0xc1: {  	v1 =	vor.u32 v0, v1;
	_ =	swait.ge [sflag:s9], $0x6000  }
0xc2: {  	v1 =	vor.u32 $0x40, v1;
	[sflag:s9] =	ssyncset.done $0x0  }
0xc3: {  	[sflag:s9] =	ssyncadd.s32 $0xFFFFA000  }
0xc4: {  	_ =	swait.ge [sflag:s9], $0x6000  }
0xc5: {  	[sflag:s9] =	ssyncset.done $0x0  }
0xc6: {  	[sflag:s9] =	ssyncadd.s32 $0xFFFFA000  }
0xc7: {  	v2 =	vld.idx.msk [tilespmem:v1+s30+$0x0], $0xffff  }
0xc8: {  	v1 =	vld.idx.msk [tilespmem:v1+s29+$0x0], $0xffff;
	_ =	sdelay $0x4  }
0xc9: {  	v1 =	vsub.f32 v2, v1;
	_ =	sdelay $0x1  }
0xca: {  	v1 =	vmul.f32 $1.442695020e+00, v1;
	_ =	sdelay $0x1  }
0xcb: {  	(erf) = vpow2.f32 v1;
	_ =	sdelay $0x8  }
0xcc: {  	v1 =	vpop (erf)  }
0xcd: {  	v1 =	vadd.f32 $1.000000000e+00, v1;
	_ =	sdelay $0x1  }
0xce: {  	(erf) = vrcp.f32 v1;
	_ =	sdelay $0x1  }
0xcf: {  	s18 =	simm.s32 $0x10  }
0xd0: {  	v1 =	vmov s18  }
0xd1: {  	v1 =	vshll.u32 v1, $0x7  }
0xd2: {  	v1 =	vor.u32 v0, v1  }
0xd3: {  	v1 =	vor.u32 $0x40, v1;
	_ =	sdelay $0x2  }
0xd4: {  	s15 =	simm.s32 $0x18300;
	v2 =	vpop (erf)  }
0xd5: {  	[tilespmem:s15+$0x0] =	vst v2  }
0xd6: {  	v2 =	vld.idx.msk [tilespmem:v1+s30+$0x0], $0xffff  }
0xd7: {  	v1 =	vld.idx.msk [tilespmem:v1+s29+$0x0], $0xffff;
	_ =	sdelay $0x4  }
0xd8: {  	v1 =	vsub.f32 v2, v1;
	_ =	sdelay $0x1  }
0xd9: {  	v1 =	vmul.f32 $1.442695020e+00, v1;
	_ =	sdelay $0x1  }
0xda: {  	(erf) = vpow2.f32 v1;
	_ =	sdelay $0x8  }
0xdb: {  	v1 =	vpop (erf)  }
0xdc: {  	v1 =	vadd.f32 $1.000000000e+00, v1;
	_ =	sdelay $0x1  }
0xdd: {  	(erf) = vrcp.f32 v1;
	_ =	sdelay $0x1  }
0xde: {  	s31 =	simm.s32 $0x20  }
0xdf: {  	v2 =	vmov s31  }
0xe0: {  	s0 =	simm.s32 $0x18300;
	s10 =	simm.s32 $0x30;
	v1 =	vshll.u32 v2, $0x7  }
.LBB2_7:
0xe1: {  	p0 =	sne.s32 s10, $0xB0;
	v1 =	vor.u32 v0, v1  }
0xe2: {  	v1 =	vor.u32 $0x40, v1;
	_ =	sdelay $0x2  }
0xe3: {  	s0 =	sadd.s32 $0x10, s0;
	v2 =	vpop (erf)  }
0xe4: {  	[tilespmem:s0+$0x0] =	vst v2  }
0xe5: {  	v2 =	vld.idx.msk [tilespmem:v1+s30+$0x0], $0xffff  }
0xe6: {  	v1 =	vld.idx.msk [tilespmem:v1+s29+$0x0], $0xffff;
	_ =	sdelay $0x5  }
0xe7: {  	v1 =	vsub.f32 v2, v1;
	_ =	sdelay $0x1  }
0xe8: {  	v1 =	vmul.f32 $1.442695020e+00, v1;
	_ =	sdelay $0x1  }
0xe9: {  	(erf) = vpow2.f32 v1;
	_ =	sdelay $0x8  }
0xea: {  	v1 =	vpop (erf)  }
0xeb: {  	v1 =	vadd.f32 $1.000000000e+00, v1;
	_ =	sdelay $0x1  }
.Ltmp2:
0xec: {  	(erf) = vrcp.f32 v1;
	(pc) =	sbr.rel @p0 .LBB2_7-.Ltmp2, $3  }
0xed: {  	_ =	sdelay $0x1  }
0xee: {  	v1 =	vmov s10  }
0xef: {  	s10 =	sadd.s32 $0x10, s10;
	v1 =	vshll.u32 v1, $0x7  }
0xf0: {  	v1 =	vor.u32 v0, v1  }
0xf1: {  	v1 =	vor.u32 $0x40, v1;
	_ =	sdelay $0x2  }
0xf2: {  	s0 =	sadd.s32 $0x10, s0;
	v2 =	vpop (erf)  }
0xf3: {  	[tilespmem:s0+$0x0] =	vst v2  }
0xf4: {  	v2 =	vld.idx.msk [tilespmem:v1+s30+$0x0], $0xffff  }
0xf5: {  	v1 =	vld.idx.msk [tilespmem:v1+s29+$0x0], $0xffff;
	_ =	sdelay $0x4  }
0xf6: {  	v1 =	vsub.f32 v2, v1;
	_ =	sdelay $0x1  }
0xf7: {  	v1 =	vmul.f32 $1.442695020e+00, v1;
	_ =	sdelay $0x1  }
0xf8: {  	(erf) = vpow2.f32 v1;
	_ =	sdelay $0x8  }
0xf9: {  	v1 =	vpop (erf)  }
0xfa: {  	v1 =	vadd.f32 $1.000000000e+00, v1;
	_ =	sdelay $0x1  }
0xfb: {  	(erf) = vrcp.f32 v1;
	_ =	sdelay $0x8  }
0xfc: {  	s0 =	sadd.s32 $0x10, s0;
	v1 =	vpop (erf)  }
0xfd: {  	s31 =	simm.s32 $0x0;
	[tilespmem:s0+$0x0] =	vst v1  }
0xfe: {  	v2 =	vld [tilespmem:s31+$0xC300]  }
0xff: {  	v3 =	vld [tilespmem:s31+$0x12300];
	_ =	sdelay $0x1  }
0x100: {  	v1 =	vld.msk [tilespmem:s15+$0x0 ss:$0x0], $0xffff;
	_ =	sdelay $0x2  }
0x101: {  	v2 =	vsub.f32 v2, v3;
	_ =	sdelay $0x1  }
0x102: {  	v3 =	vadd.f32 v3, v3;
	v2 =	vmul.f32 v2, v1;
	_ =	sdelay $0x1  }
0x103: {  	v2 =	vadd.f32 v2, v3  }
0x104: {  	s16 =	simm.s32 $0x183F0  }
0x105: {  	[tilespmem:s16+$0xFFFFFFE0] =	vst v2  }
0x106: {  	v2 =	vld [tilespmem:s31+$0xC310]  }
0x107: {  	v3 =	vld [tilespmem:s31+$0x12310];
	_ =	sdelay $0x4  }
0x108: {  	v2 =	vsub.f32 v2, v3;
	_ =	sdelay $0x1  }
0x109: {  	v3 =	vadd.f32 v3, v3;
	v2 =	vmul.f32 v2, v1;
	_ =	sdelay $0x1  }
0x10a: {  	v2 =	vadd.f32 v2, v3;
	_ =	sdelay $0x1  }
0x10b: {  	[tilespmem:s16+$0xFFFFFFF0] =	vst v2  }
0x10c: {  	v2 =	vld [tilespmem:s31+$0xC320]  }
0x10d: {  	v3 =	vld [tilespmem:s31+$0x12320];
	_ =	sdelay $0x4  }
0x10e: {  	v2 =	vsub.f32 v2, v3;
	_ =	sdelay $0x1  }
0x10f: {  	v3 =	vadd.f32 v3, v3;
	v2 =	vmul.f32 v2, v1;
	_ =	sdelay $0x1  }
0x110: {  	v2 =	vadd.f32 v2, v3;
	_ =	sdelay $0x1  }
0x111: {  	[tilespmem:s16+$0x0] =	vst v2  }
0x112: {  	v3 =	vld [tilespmem:s31+$0xC330]  }
0x113: {  	v4 =	vld [tilespmem:s31+$0x12330];
	_ =	sdelay $0x4  }
0x114: {  	s18 =	simm.s32 $0x200;
	s10 =	simm.s32 $0x183F0;
	v2 =	vadd.f32 v4, v4;
	v3 =	vsub.f32 v3, v4  }
.LBB2_9:
0x115: {  	p0 =	sne.s32 s18, $0x17E00;
	s16 =	sadd.s32 $0x40, s16;
	s15 =	sadd.s32 $0x1, s15  }
0x116: {  	s0 =	smov.u32 s18;
	s18 =	sadd.s32 $0x200, s18;
	v1 =	vmul.f32 v3, v1;
	_ =	sdelay $0x1  }
0x117: {  	v1 =	vadd.f32 v1, v2  }
0x118: {  	s0 =	sshra.s32 s0, $0x2  }
0x119: {  	[tilespmem:s10+$0x10] =	vst v1;
	s10 =	smov.u32 s16  }
0x11a: {  	v2 =	vld [tilespmem:s0+$0xC300]  }
0x11b: {  	v3 =	vld [tilespmem:s0+$0x12300]  }
0x11c: {  	v1 =	vld.msk [tilespmem:s15+$0x0 ss:$0x0], $0xffff;
	_ =	sdelay $0x3  }
0x11d: {  	v2 =	vsub.f32 v2, v3;
	_ =	sdelay $0x1  }
0x11e: {  	v3 =	vadd.f32 v3, v3;
	v2 =	vmul.f32 v2, v1;
	_ =	sdelay $0x1  }
0x11f: {  	v2 =	vadd.f32 v2, v3;
	_ =	sdelay $0x1  }
0x120: {  	[tilespmem:s16+$0xFFFFFFE0] =	vst v2  }
0x121: {  	v2 =	vld [tilespmem:s0+$0xC310]  }
0x122: {  	v3 =	vld [tilespmem:s0+$0x12310];
	_ =	sdelay $0x4  }
0x123: {  	v2 =	vsub.f32 v2, v3;
	_ =	sdelay $0x1  }
0x124: {  	v3 =	vadd.f32 v3, v3;
	v2 =	vmul.f32 v2, v1;
	_ =	sdelay $0x1  }
0x125: {  	v2 =	vadd.f32 v2, v3;
	_ =	sdelay $0x1  }
0x126: {  	[tilespmem:s16+$0xFFFFFFF0] =	vst v2  }
0x127: {  	v2 =	vld [tilespmem:s0+$0xC320]  }
0x128: {  	v3 =	vld [tilespmem:s0+$0x12320];
	_ =	sdelay $0x4  }
0x129: {  	v2 =	vsub.f32 v2, v3;
	_ =	sdelay $0x1  }
0x12a: {  	v3 =	vadd.f32 v3, v3;
	v2 =	vmul.f32 v2, v1;
	_ =	sdelay $0x1  }
0x12b: {  	v2 =	vadd.f32 v2, v3;
	_ =	sdelay $0x1  }
0x12c: {  	[tilespmem:s16+$0x0] =	vst v2  }
0x12d: {  	v3 =	vld [tilespmem:s0+$0xC330]  }
0x12e: {  	v4 =	vld [tilespmem:s0+$0x12330]  }
.Ltmp3:
0x12f: {  	(pc) =	sbr.rel @p0 .LBB2_9-.Ltmp3, $2  }
0x130: {  	_ =	sdelay $0x2  }
0x131: {  	v2 =	vadd.f32 v4, v4;
	v3 =	vsub.f32 v3, v4  }
0x132: {  	_ = 	snop  }
0x133: {  	v1 =	vmul.f32 v3, v1;
	_ =	sdelay $0x1  }
0x134: {  	s13 =	sadd.s32 $0x1, s13;
	v1 =	vadd.f32 v1, v2  }
0x135: {  	s0 =	sshll.u32 s14, $0x3;
	p0 =	sne.s32 s13, $0x15  }
.Ltmp4:
0x136: {  	s0 =	sadd.s32 s8, s0;
	[tilespmem:s10+$0x10] =	vst v1;
	(pc) =	sbr.rel @p0 .LBB2_2-.Ltmp4, $4  }
0x137: {  	[hbm4b:s0+s2] =	stream.linear.scatter [tilespmem:s25], [sflag:$0x3], $0x3000, $0x38;
	[tilespmem:$0x1B3D0] =	vst v63  }
0x138: {  	_ =	swait.ge [sflag:s17], $0x3000  }
0x139: {  	[sflag:s17] =	ssyncset.done $0x0  }
0x13a: {  	[sflag:s17] =	ssyncadd.s32 $0xFFFFD000  }
0x13b: {  	s0 =	simm.s32 $0x0;
	s10 =	rddreg [dreg:$0x5]  }
0x13c: {  	[tilespmem:s0], [sflag:$0x3] =	stream.linear.gather [hbm4b:s10+s0], $0x80, $0x38;
	[tilespmem:$0x1B3D0] =	vst v63  }
0x13d: {  	_ =	swait.ge [sflag:s17], $0x80  }
0x13e: {  	[sflag:s17] =	ssyncset.done $0x0  }
0x13f: {  	s16 =	simm.s32 $0xC0;
	s15 =	rddreg [dreg:$0x6];
	[sflag:s17] =	ssyncadd.s32 $0xFFFFFF80  }
0x140: {  	[tilespmem:s16], [sflag:$0x3] =	stream.linear.gather [hbm4b:s15+s0], $0x80, $0x38;
	[tilespmem:$0x1B3D0] =	vst v63  }
0x141: {  	_ =	swait.ge [sflag:s17], $0x80  }
0x142: {  	[sflag:s17] =	ssyncset.done $0x0  }
0x143: {  	[sflag:s17] =	ssyncadd.s32 $0xFFFFFF80  }
0x144: {  	[tilespmem:s20], [sflag:$0x1] =	stream.indirect.gather [hbm4b:s4+s19], $0x80, s0, s19, $0xb8;
	[tilespmem:$0x1B3D0] =	vst v63  }
0x145: {  	v1 =	vmov s0  }
0x146: {  	v1 =	vshll.u32 v1, $0x7;
	[tilespmem:s21], [sflag:$0x1] =	stream.indirect.gather [hbm4b:s5+s19], $0x80, s16, s19, $0xb8;
	[tilespmem:$0x1B3D0] =	vst v63  }
0x147: {  	v1 =	vor.u32 v0, v1;
	_ =	swait.ge [sflag:s24], $0x4000  }
0x148: {  	v1 =	vor.u32 $0x40, v1;
	[sflag:s24] =	ssyncset.done $0x0  }
0x149: {  	[sflag:s24] =	ssyncadd.s32 $0xFFFFC000  }
0x14a: {  	_ =	swait.ge [sflag:s24], $0x4000  }
0x14b: {  	[sflag:s24] =	ssyncset.done $0x0  }
0x14c: {  	[sflag:s24] =	ssyncadd.s32 $0xFFFFC000  }
0x14d: {  	v2 =	vld.idx.msk [tilespmem:v1+s21+$0x0], $0xffff  }
0x14e: {  	v1 =	vld.idx.msk [tilespmem:v1+s20+$0x0], $0xffff;
	_ =	sdelay $0x4  }
0x14f: {  	v1 =	vsub.f32 v2, v1;
	_ =	sdelay $0x1  }
0x150: {  	v1 =	vmul.f32 $1.442695020e+00, v1;
	_ =	sdelay $0x1  }
0x151: {  	(erf) = vpow2.f32 v1;
	_ =	sdelay $0x8  }
0x152: {  	v1 =	vpop (erf)  }
0x153: {  	v1 =	vadd.f32 $1.000000000e+00, v1;
	_ =	sdelay $0x1  }
0x154: {  	(erf) = vrcp.f32 v1;
	_ =	sdelay $0x1  }
0x155: {  	s18 =	simm.s32 $0x10  }
0x156: {  	v1 =	vmov s18  }
0x157: {  	v1 =	vshll.u32 v1, $0x7  }
0x158: {  	v1 =	vor.u32 v0, v1  }
0x159: {  	v1 =	vor.u32 $0x40, v1;
	_ =	sdelay $0x2  }
0x15a: {  	s13 =	simm.s32 $0x18300;
	v2 =	vpop (erf)  }
0x15b: {  	[tilespmem:s13+$0x0] =	vst v2  }
0x15c: {  	v2 =	vld.idx.msk [tilespmem:v1+s21+$0x0], $0xffff  }
0x15d: {  	v1 =	vld.idx.msk [tilespmem:v1+s20+$0x0], $0xffff;
	_ =	sdelay $0x4  }
0x15e: {  	v1 =	vsub.f32 v2, v1;
	_ =	sdelay $0x1  }
0x15f: {  	v1 =	vmul.f32 $1.442695020e+00, v1;
	_ =	sdelay $0x1  }
0x160: {  	(erf) = vpow2.f32 v1;
	_ =	sdelay $0x8  }
0x161: {  	v1 =	vpop (erf)  }
0x162: {  	v1 =	vadd.f32 $1.000000000e+00, v1;
	_ =	sdelay $0x1  }
0x163: {  	(erf) = vrcp.f32 v1;
	_ =	sdelay $0x1  }
0x164: {  	s31 =	simm.s32 $0x20  }
0x165: {  	v2 =	vmov s31  }
0x166: {  	s10 =	simm.s32 $0x30;
	s0 =	simm.s32 $0x18300;
	v1 =	vshll.u32 v2, $0x7  }
.LBB2_12:
0x167: {  	p0 =	sne.s32 s10, $0x70;
	v1 =	vor.u32 v0, v1  }
0x168: {  	v1 =	vor.u32 $0x40, v1;
	_ =	sdelay $0x2  }
0x169: {  	s0 =	sadd.s32 $0x10, s0;
	v2 =	vpop (erf)  }
0x16a: {  	[tilespmem:s0+$0x0] =	vst v2  }
0x16b: {  	v2 =	vld.idx.msk [tilespmem:v1+s21+$0x0], $0xffff  }
0x16c: {  	v1 =	vld.idx.msk [tilespmem:v1+s20+$0x0], $0xffff;
	_ =	sdelay $0x5  }
0x16d: {  	v1 =	vsub.f32 v2, v1;
	_ =	sdelay $0x1  }
0x16e: {  	v1 =	vmul.f32 $1.442695020e+00, v1;
	_ =	sdelay $0x1  }
0x16f: {  	(erf) = vpow2.f32 v1;
	_ =	sdelay $0x8  }
0x170: {  	v1 =	vpop (erf)  }
0x171: {  	v1 =	vadd.f32 $1.000000000e+00, v1;
	_ =	sdelay $0x1  }
.Ltmp5:
0x172: {  	(erf) = vrcp.f32 v1;
	(pc) =	sbr.rel @p0 .LBB2_12-.Ltmp5, $3  }
0x173: {  	_ =	sdelay $0x1  }
0x174: {  	v1 =	vmov s10  }
0x175: {  	s10 =	sadd.s32 $0x10, s10;
	v1 =	vshll.u32 v1, $0x7  }
0x176: {  	v1 =	vor.u32 v0, v1  }
0x177: {  	v1 =	vor.u32 $0x40, v1;
	_ =	sdelay $0x2  }
0x178: {  	s0 =	sadd.s32 $0x10, s0;
	v2 =	vpop (erf)  }
0x179: {  	[tilespmem:s0+$0x0] =	vst v2  }
0x17a: {  	v2 =	vld.idx.msk [tilespmem:v1+s21+$0x0], $0xffff  }
0x17b: {  	v1 =	vld.idx.msk [tilespmem:v1+s20+$0x0], $0xffff;
	_ =	sdelay $0x4  }
0x17c: {  	v1 =	vsub.f32 v2, v1;
	_ =	sdelay $0x1  }
0x17d: {  	v1 =	vmul.f32 $1.442695020e+00, v1;
	_ =	sdelay $0x1  }
0x17e: {  	(erf) = vpow2.f32 v1;
	_ =	sdelay $0x8  }
0x17f: {  	v1 =	vpop (erf)  }
0x180: {  	v1 =	vadd.f32 $1.000000000e+00, v1;
	_ =	sdelay $0x1  }
0x181: {  	(erf) = vrcp.f32 v1;
	_ =	sdelay $0x8  }
0x182: {  	s0 =	sadd.s32 $0x10, s0;
	v1 =	vpop (erf)  }
0x183: {  	s31 =	simm.s32 $0x0;
	[tilespmem:s0+$0x0] =	vst v1  }
0x184: {  	v2 =	vld [tilespmem:s31+$0x300]  }
0x185: {  	v3 =	vld [tilespmem:s31+$0x6300];
	_ =	sdelay $0x1  }
0x186: {  	v1 =	vld.msk [tilespmem:s13+$0x0 ss:$0x0], $0xffff;
	_ =	sdelay $0x2  }
0x187: {  	v2 =	vsub.f32 v2, v3;
	_ =	sdelay $0x1  }
0x188: {  	v3 =	vadd.f32 v3, v3;
	v2 =	vmul.f32 v2, v1;
	_ =	sdelay $0x1  }
0x189: {  	v2 =	vadd.f32 v2, v3  }
0x18a: {  	s14 =	simm.s32 $0x183F0  }
0x18b: {  	[tilespmem:s14+$0xFFFFFFE0] =	vst v2  }
0x18c: {  	v2 =	vld [tilespmem:s31+$0x310]  }
0x18d: {  	v3 =	vld [tilespmem:s31+$0x6310];
	_ =	sdelay $0x4  }
0x18e: {  	v2 =	vsub.f32 v2, v3;
	_ =	sdelay $0x1  }
0x18f: {  	v3 =	vadd.f32 v3, v3;
	v2 =	vmul.f32 v2, v1;
	_ =	sdelay $0x1  }
0x190: {  	v2 =	vadd.f32 v2, v3;
	_ =	sdelay $0x1  }
0x191: {  	[tilespmem:s14+$0xFFFFFFF0] =	vst v2  }
0x192: {  	v2 =	vld [tilespmem:s31+$0x320]  }
0x193: {  	v3 =	vld [tilespmem:s31+$0x6320];
	_ =	sdelay $0x4  }
0x194: {  	v2 =	vsub.f32 v2, v3;
	_ =	sdelay $0x1  }
0x195: {  	v3 =	vadd.f32 v3, v3;
	v2 =	vmul.f32 v2, v1;
	_ =	sdelay $0x1  }
0x196: {  	v2 =	vadd.f32 v2, v3;
	_ =	sdelay $0x1  }
0x197: {  	[tilespmem:s14+$0x0] =	vst v2  }
0x198: {  	v3 =	vld [tilespmem:s31+$0x330]  }
0x199: {  	v4 =	vld [tilespmem:s31+$0x6330];
	_ =	sdelay $0x4  }
0x19a: {  	s10 =	simm.s32 $0x200;
	s15 =	simm.s32 $0x183F0;
	v2 =	vadd.f32 v4, v4;
	v3 =	vsub.f32 v3, v4  }
.LBB2_14:
0x19b: {  	p0 =	sne.s32 s10, $0xFE00;
	s14 =	sadd.s32 $0x40, s14;
	s13 =	sadd.s32 $0x1, s13  }
0x19c: {  	s0 =	smov.u32 s10;
	s10 =	sadd.s32 $0x200, s10;
	v1 =	vmul.f32 v3, v1;
	_ =	sdelay $0x1  }
0x19d: {  	v1 =	vadd.f32 v1, v2  }
0x19e: {  	s0 =	sshra.s32 s0, $0x2  }
0x19f: {  	[tilespmem:s15+$0x10] =	vst v1;
	s15 =	smov.u32 s14  }
0x1a0: {  	v2 =	vld [tilespmem:s0+$0x300]  }
0x1a1: {  	v3 =	vld [tilespmem:s0+$0x6300]  }
0x1a2: {  	v1 =	vld.msk [tilespmem:s13+$0x0 ss:$0x0], $0xffff;
	_ =	sdelay $0x3  }
0x1a3: {  	v2 =	vsub.f32 v2, v3;
	_ =	sdelay $0x1  }
0x1a4: {  	v3 =	vadd.f32 v3, v3;
	v2 =	vmul.f32 v2, v1;
	_ =	sdelay $0x1  }
0x1a5: {  	v2 =	vadd.f32 v2, v3;
	_ =	sdelay $0x1  }
0x1a6: {  	[tilespmem:s14+$0xFFFFFFE0] =	vst v2  }
0x1a7: {  	v2 =	vld [tilespmem:s0+$0x310]  }
0x1a8: {  	v3 =	vld [tilespmem:s0+$0x6310];
	_ =	sdelay $0x4  }
0x1a9: {  	v2 =	vsub.f32 v2, v3;
	_ =	sdelay $0x1  }
0x1aa: {  	v3 =	vadd.f32 v3, v3;
	v2 =	vmul.f32 v2, v1;
	_ =	sdelay $0x1  }
0x1ab: {  	v2 =	vadd.f32 v2, v3;
	_ =	sdelay $0x1  }
0x1ac: {  	[tilespmem:s14+$0xFFFFFFF0] =	vst v2  }
0x1ad: {  	v2 =	vld [tilespmem:s0+$0x320]  }
0x1ae: {  	v3 =	vld [tilespmem:s0+$0x6320];
	_ =	sdelay $0x4  }
0x1af: {  	v2 =	vsub.f32 v2, v3;
	_ =	sdelay $0x1  }
0x1b0: {  	v3 =	vadd.f32 v3, v3;
	v2 =	vmul.f32 v2, v1;
	_ =	sdelay $0x1  }
0x1b1: {  	v2 =	vadd.f32 v2, v3;
	_ =	sdelay $0x1  }
0x1b2: {  	[tilespmem:s14+$0x0] =	vst v2  }
0x1b3: {  	v3 =	vld [tilespmem:s0+$0x330]  }
0x1b4: {  	v4 =	vld [tilespmem:s0+$0x6330]  }
.Ltmp6:
0x1b5: {  	(pc) =	sbr.rel @p0 .LBB2_14-.Ltmp6, $2  }
0x1b6: {  	_ =	sdelay $0x2  }
0x1b7: {  	v2 =	vadd.f32 v4, v4;
	v3 =	vsub.f32 v3, v4  }
0x1b8: {  	_ = 	snop  }
0x1b9: {  	v1 =	vmul.f32 v3, v1;
	_ =	sdelay $0x1  }
0x1ba: {  	v1 =	vadd.f32 v1, v2;
	_ =	sdelay $0x1  }
0x1bb: {  	s0 =	rddreg [dreg:$0x7];
	[tilespmem:s15+$0x10] =	vst v1  }
0x1bc: {  	[hbm4b:s0+s2] =	stream.linear.scatter [tilespmem:s25], [sflag:$0x3], $0x2000, $0x38;
	[tilespmem:$0x1B3D0] =	vst v63  }
0x1bd: {  	_ =	swait.ge [sflag:s17], $0x2000  }
0x1be: {  	s10 =	rddreg [dreg:$0x9]  }
0x1bf: {  	s31 =	rddreg [dreg:$0x8];
	s10 =	sadd.s32 $0x1, s10  }
0x1c0: {  	p0 =	sne.s32 s10, s31  }
.Ltmp7:
0x1c1: {  	_ = 	snop;
	(pc) =	sbr.rel @p0 .LBB2_1-.Ltmp7, $3  }
0x1c2: {  	_ =	sdelay $0x1  }
0x1c3: {  	[sflag:s17] =	ssyncset.done $0x0  }
0x1c4: {  	[sflag:s17] =	ssyncadd.s32 $0xFFFFE000  }
0x1c5: {  	_ =	sfence.sel $0x180000  }
0x1c6: {  	[bflag:$0x0] =	sbarrier.arrive $0xFFFF  }
0x1c7: {  	_ =	strace $0x90000047  }
0x1c8: {  	s0 =	stileid.u32;
	[bflag:$0x2] =	sbarrier.arrive $0xFFFF  }
0x1c9: {  	p0 =	sne.s32 s0, $0x0;
	s0 =	rddreg [dreg:$0x2]  }
0x1ca: {  	s0 =	sadd.s32 @!p0 $0x100000, s0  }
0x1cb: {  	[sflag:s0] =	ssyncadd.tile.s32 @!p0 $0x1;
	_ =	shalt  }
.Lfunc_end2:
_tile_overlayer_lowered:
.L_overlay_start_2:
0x1cc: {  	(tag) =	ssettag $0x2  }
0x1cd: {  	s0 =	rddreg [dreg:$0x0];
	s2 =	stileid.u32  }
0x1ce: {  	s1 =	rddreg [dreg:$0x1];
	p0 =	sne.s32 s2, $0x0  }
0x1cf: {  	s3 =	rddreg [dreg:$0x2];
	[bflag:$0x3] =	sbarrier.arrive $0xFFFF;
	s2 =	simm.s32 @!p0 $0x1C03  }
0x1d0: {  	[timem:s3], [sflag:s2] =	dma.local @!p0 [hbm:s0], s1  }
0x1d1: {  	s0 =	simm.s32 @!p0 $0x3  }
0x1d2: {  	_ =	swait.ge @!p0 [sflag:s0], s1  }
0x1d3: {  	s1 =	ssub.s32 @!p0 $0x0, s1;
	[sflag:s0] =	ssyncset.done @!p0 $0x0  }
0x1d4: {  	[sflag:s0] =	ssyncadd.s32 @!p0 s1  }
0x1d5: {  	[bflag:$0x3] =	sbarrier.arrive $0xFFFF  }
0x1d6: {  	_ =	shalt  }

// kernel: sparse-core-data-format-call.cloned.1.call-start
scs
called_computation_lowered:
.L_overlay_start_0:
0x0: {  	s2 =	sld [smem:$0x3FD9]  }
0x1: {  	s3 =	sld [smem:$0x3FFE];
	_ =	sdelay $0x1  }
0x2: {  	s1 =	srdreg.scid  }
0x3: {  	s0 =	sand.u32 $0x1, s1  }
0x4: {  	s18 =	sshll.u32 s0, $0xA;
	s2 =	sadd.s32 s3, s2  }
0x5: {  	s2 =	sadd.s32 s2, s18  }
0x6: {  	[smem:$0x3FBE] =	sst s2  }
0x7: {  	_ = 	snop  }
0x8: {  	s2 =	sld [smem:$0x3FD0];
	(tm) =	ssettm $0x1  }
0x9: {  	s19 =	sld [smem:$0x3FFB];
	_ =	sdelay $0x3  }
0xa: {  	_ =	strace s19  }
0xb: {  	s3 =	sld [smem:$0x3FFC];
	_ =	sdelay $0x3  }
0xc: {  	_ =	strace s3  }
0xd: {  	s3 =	sld [smem:$0x3FFD];
	_ =	sdelay $0x3  }
0xe: {  	_ =	strace s3  }
0xf: {  	_ =	strace $0x8FFFFFFF  }
0x10: {  	s20 =	sld [smem:$0x3FDB];
	_ =	sdelay $0x1  }
0x11: {  	s4 =	simm.s32 $_scs_section_size  }
0x12: {  	s5 =	simm.s32 $_size__tile_overlayer_lowered;
	s6 =	simm.s32 $_tile_overlayer_lowered  }
0x13: {  	s23 =	simm.s32 $0x1BFF;
	s22 =	sshll.u32 s6, $0x1;
	s3 =	sadd.s32 s4, s20  }
0x14: {  	s7 =	simm.s32 $0x0;
	s21 =	sshll.u32 s5, $0x1;
	s5 =	sadd.s32 s22, s3  }
0x15: {  	[timem:s7], [sflag:s23] =	dma.local [hbm:s5], s21  }
0x16: {  	_ =	swait.ge [sflag:s23], s21  }
0x17: {  	s4 =	ssub.s32 $0x0, s21;
	[sflag:s23] =	ssyncset.done $0x0  }
0x18: {  	[sflag:s23] =	ssyncadd.s32 s4;
	_ =	sdelay $0x1  }
0x19: {  	s24 =	simm.s32 $0x1B8B  }
0x1a: {  	_ =	swait.ge [sflag:s24], $0x1  }
0x1b: {  	[sflag:s24] =	ssyncset.done $0x0  }
0x1c: {  	s26 =	simm.s32 $0x1B8E;
	s25 =	sld [smem:$0x3FFE];
	[sflag:s24] =	ssyncadd.s32 $0xFFFFFFFF  }
0x1d: {  	s27 =	simm.s32 $execute0_lowered;
	[smem:$0x3FD2] =	sst s26  }
0x1e: {  	s5 =	sshll.u32 s27, $0x1;
	_ =	strace $0x8000004C;
	[dreg:$0x1] =	wrdreg $0xFFFFFFFF  }
0x1f: {  	s28 =	simm.s32 $_size_execute0_lowered;
	s3 =	sadd.s32 s3, s5;
	[dreg:$0x0] =	wrdreg $0x0  }
0x20: {  	s5 =	sshll.u32 s28, $0x1;
	[dreg:$0x2] =	wrdreg s3  }
0x21: {  	[dreg:$0x3] =	wrdreg s5  }
0x22: {  	[dreg:$0x4] =	wrdreg $0xC0  }
0x23: {  	_ =	task [dreg:s7], $0x5FFFF  }
0x24: {  	[dreg:$0x1] =	wrdreg $0xFFFFFFFF  }
0x25: {  	[dreg:$0x0] =	wrdreg $0x60  }
0x26: {  	[dreg:$0x2] =	wrdreg s25  }
0x27: {  	[dreg:$0x3] =	wrdreg s2  }
0x28: {  	[dreg:$0x4] =	wrdreg $0x9  }
0x29: {  	_ =	task.clear_ibuf [dreg:s7], $0x5FFFF;
	_ =	strace $0x9000004C  }
0x2a: {  	s29 =	simm.s32 $0x9;
	_ =	strace $0x8000004E  }
0x2b: {  	_ =	swait.ge [sflag:s29], $0x1  }
0x2c: {  	[sflag:s29] =	ssyncadd.s32 $0xFFFFFFFF  }
0x2d: {  	_ =	strace $0x9000004E  }
0x2e: {  	_ =	sfence  }
0x2f: {  	s30 =	sld [smem:$0x0];
	_ =	sdelay $0x2  }
0x30: {  	s31 =	sshll.u32 s1, $0xD;
	s1 =	sshrl.u32 s1, $0x2  }
0x31: {  	s3 =	sand.u32 $0x4000, s31;
	s1 =	sadd.s32 s1, s30  }
0x32: {  	s0 =	sor.u32 s3, s0;
	s1 =	sshll.u32 s1, $0x11  }
0x33: {  	s0 =	sor.u32 s1, s0  }
0x34: {  	s0 =	sadd.s32 $0x8F2B, s0  }
0x35: {  	[sflag:s0] =	ssyncadd.remote.s32 $0x1  }
0x36: {  	_ =	sfence.sel $0xFFFF  }
0x37: {  	[dreg:$0x0] =	wrdreg $0xFFFFFFFF;
	(pc) =	sbr.abs _section_cstart, $3  }
0x38: {  	[dreg:$0x1] =	wrdreg $0xFFFFFFFF  }
0x39: {  	_ =	task.clear_ibuf [dreg:s7], $0x2FFFF;
	_ =	strace $0x9FFFFFFF  }
0x3a: {  	(tm) =	ssettm $0x7FFFFFFF  }
0x3b: {  	_ =	shalt  }
tec
execute0_lowered:
.L_overlay_start_1:
0x0: {  	(tag) =	ssettag $0x1  }
0x1: {  	s1 =	rddreg [dreg:$0x0];
	s0 =	srdreg.scid  }
0x2: {  	s2 =	rddreg [dreg:$0x1];
	s5 =	simm.s32 $0x1;
	s8 =	simm.s32 $0x2  }
0x3: {  	s14 =	simm.s32 $0x0;
	s9 =	simm.s32 $0x10000;
	s10 =	simm.s32 $0x0  }
0x4: {  	s15 =	simm.s32 $0x0;
	s12 =	stileid.u32;
	s3 =	sshll.u32 s0, $0x3  }
0x5: {  	s13 =	simm.s32 $0x0;
	s21 =	simm.s32 $0x0;
	s3 =	sand.u32 $0x8, s3  }
.Ltmp0:
0x6: {  	s0 =	rddreg [dreg:$0x2];
	s6 =	ssub.s32 $0x100, s3;
	(pc) =	sbr.rel .LBB1_1-.Ltmp0, $4  }
0x7: {  	_ =	strace $0x8000004D;
	s4 =	sadd.s32 $0x201400, s1;
	s7 =	sshrl.u32 s6, $0x3  }
0x8: {  	[sflag:s5] =	ssyncpa.u1 $0x0;
	s6 =	sshrl.u32 s6, $0x4;
	s7 =	sand.u32 $0x1, s7  }
0x9: {  	s1 =	stileid.u32;
	[sflag:s8] =	ssyncpa.u1 $0x0;
	s6 =	sadd.s32 s6, s7  }
0xa: {  	s8 =	simm.s32 $0x800;
	s11 =	smov.u32 s3;
	s7 =	sadd.s32 $0x1, s6  }
.LBB1_7:
0xb: {  	s16 =	sadd.s32 $0x10, s11  }
0xc: {  	s14 =	sadd.s32 $0x10, s12;
	s18 =	smov.u32 s12;
	p1 =	sgt.s32 s16, $0xFF  }
0xd: {  	s18 =	smov.u32 @p1 s14  }
0xe: {  	s16 =	smov.u32 @p1 s3;
	p1 =	sgt.s32 s18, $0xF  }
0xf: {  	s18 =	smov.u32 @p1 s1;
	p1 =	sne.s32 s13, s7  }
.Ltmp1:
0x10: {  	p0 =	slt.u32 s13, $0x2;
	(pc) =	sbr.rel @!p1 .LBB1_8-.Ltmp1, $4  }
0x11: {  	s17 =	simm.s32 @!p0 $0x2  }
0x12: {  	s15 =	smov.u32 s12;
	s10 =	sadd.s32 $0x4000, s10;
	_ =	swait.ge @!p0 [sflag:s17], $0x4000  }
0x13: {  	s14 =	smov.u32 s11;
	[sflag:s17] =	ssyncset.done @!p0 $0x0;
	s11 =	smov.u32 s16  }
0x14: {  	s13 =	sadd.s32 $0x1, s13;
	[sflag:s17] =	ssyncadd.s32 @!p0 $0xFFFFC000;
	s12 =	smov.u32 s18  }
.LBB1_1:
0x15: {  	p0 =	sge.u32 s13, s6  }
0x16: {  	s31 =	sadd.s32 $0xFFFFFFFF, s13;
	s16 =	sxor.u32 @!p0 $0xFFFFFFFF, s13;
	s17 =	sshll.u32 @!p0 s12, $0x10  }
0x17: {  	s18 =	sshll.u32 @!p0 s11, $0x8;
	s16 =	sshll.u32 @!p0 s16, $0xE;
	s17 =	sadd.s32 @!p0 s4, s17  }
0x18: {  	s16 =	sand.u32 @!p0 $0x4000, s16;
	s17 =	sadd.s32 @!p0 s18, s17;
	s18 =	simm.s32 @!p0 $0x0  }
0x19: {  	[tilespmem:s16], [sflag:$0x1] =	stream.linear.gather @!p0 [hbm4b:s17+s18], $0x4000, $0x38;
	[tilespmem:$0x10000] =	vst v63  }
0x1a: {  	p0 =	sge.u32 s31, s6  }
.Ltmp2:
0x1b: {  	_ = 	snop;
	(pc) =	sbr.rel @p0 .LBB1_7-.Ltmp2, $1  }
0x1c: {  	_ =	sdelay $0x3  }
0x1d: {  	s16 =	sshll.u32 s10, $0x2;
	_ =	swait.ge [sflag:s5], $0x4000;
	s31 =	sshll.u32 s13, $0xE  }
0x1e: {  	p0 =	por $0x0, $0x0;
	s22 =	simm.s32 $0x0;
	s23 =	simm.s32 $0x0  }
0x1f: {  	s16 =	sand.u32 $0x10000, s16;
	[sflag:s5] =	ssyncset.done $0x0;
	s19 =	sand.u32 $0x4000, s31  }
0x20: {  	s20 =	sshrl.u32 s16, $0x2;
	[sflag:s5] =	ssyncadd.s32 $0xFFFFC000;
	s16 =	sor.u32 $0x8000, s19  }
0x21: {  	s17 =	sor.u32 $0x40, s20;
	s18 =	sor.u32 $0x8410, s20;
	s20 =	sadd.s32 $0x8400, s20  }
.LBB1_3:
0x22: {  	v1 =	vld [tilespmem:s17+$0xFFFFFFD0]  }
0x23: {  	v2 =	vld [tilespmem:s17+$0x430]  }
0x24: {  	s24 =	sshll.u32 s23, $0xB;
	v4 =	vld [tilespmem:s17+$0xFFFFFFE0]  }
0x25: {  	v7 =	vld [tilespmem:s17+$0xFFFFFFF0];
	v0 =	vmov s24  }
0x26: {  	v8 =	vld [tilespmem:s17+$0x0]  }
0x27: {  	s30 =	sand.u32 $0x300, s21;
	v9 =	vld [tilespmem:s17+$0x10]  }
0x28: {  	s25 =	sand.u32 $0x80, s21;
	v10 =	vld [tilespmem:s17+$0x20];
	s24 =	sadd.s32 s30, s19  }
0x29: {  	v11 =	vld [tilespmem:s17+$0x30];
	s24 =	sadd.s32 s25, s24;
	s25 =	simm.s32 $0x1;
	[tilespmem:s18+$0x60] =	vst v2  }
0x2a: {  	s31 =	sshll.u32 s22, $0x2;
	s25 =	simm.s32 @!p0 $0x0;
	[tilespmem:s18+$0xFFFFFC00] =	vst v1;
	v3 =	vld.idx.msk [tilespmem:v0+s24+$0x400 ss:$0x1], $0xffff  }
0x2b: {  	v6 =	vld [tilespmem:s17+$0x3D0];
	s25 =	sshll.u32 s25, $0x9;
	[tilespmem:s18+$0xFFFFFC10] =	vst v4;
	s24 =	sand.u32 $0xFFFFFC00, s31  }
0x2c: {  	v5 =	vld [tilespmem:s17+$0x3E0];
	[tilespmem:s18+$0xFFFFFC20] =	vst v7;
	s24 =	sor.u32 s25, s24  }
0x2d: {  	[tilespmem:s18+$0xFFFFFC30] =	vst v8;
	v4 =	vld [tilespmem:s17+$0x400];
	s24 =	sshrl.u32 s24, $0x2  }
0x2e: {  	[tilespmem:s18+$0xFFFFFC40] =	vst v9;
	v1 =	vld [tilespmem:s17+$0x410];
	s24 =	sadd.s32 s24, s20  }
0x2f: {  	[tilespmem:s24+$0x0] =	vst v3;
	v3 =	vld [tilespmem:s17+$0x3F0]  }
0x30: {  	s28 =	simm.s32 $0x80;
	s27 =	simm.s32 $0x100;
	[tilespmem:s18+$0xFFFFFC50] =	vst v10;
	v2 =	vld [tilespmem:s17+$0x420]  }
0x31: {  	s26 =	smov.u32 s18;
	s29 =	sand.u32 $0x300, s28;
	v7 =	vld [tilespmem:s17+$0xFFFFFFC0];
	[tilespmem:s18+$0xFFFFFC60] =	vst v11;
	s25 =	sadd.s32 $0x80, s17  }
.LBB1_4:
0x32: {  	p1 =	sne.s32 s27, $0x380;
	v8 =	vld [tilespmem:s25+$0xFFFFFFD0];
	s28 =	sand.u32 $0x80, s28;
	s29 =	sadd.s32 s29, s19;
	[tilespmem:s26+$0x0] =	vst v6  }
0x33: {  	s29 =	sadd.s32 s28, s29;
	v6 =	vld [tilespmem:s25+$0x430];
	[tilespmem:s26+$0x10] =	vst v5;
	s28 =	smov.u32 s27  }
0x34: {  	v5 =	vld.idx.msk [tilespmem:v0+s29+$0x400 ss:$0x1], $0xffff;
	[tilespmem:s26+$0x20] =	vst v3  }
0x35: {  	v3 =	vld [tilespmem:s25+$0xFFFFFFE0];
	[tilespmem:s26+$0x30] =	vst v4  }
0x36: {  	v4 =	vld [tilespmem:s25+$0xFFFFFFF0];
	[tilespmem:s26+$0xFFFFFBF0] =	vst v7  }
0x37: {  	v7 =	vld [tilespmem:s25+$0x0];
	[tilespmem:s26+$0x40] =	vst v1  }
0x38: {  	v1 =	vld [tilespmem:s25+$0x10];
	[tilespmem:s26+$0x50] =	vst v2;
	s26 =	sadd.s32 $0x800, s26  }
0x39: {  	s24 =	sadd.s32 $0x800, s24;
	v2 =	vld [tilespmem:s25+$0x20];
	[tilespmem:s26+$0x60] =	vst v6  }
0x3a: {  	v9 =	vld [tilespmem:s25+$0x30];
	[tilespmem:s24+$0x0] =	vst v5  }
0x3b: {  	[tilespmem:s26+$0xFFFFFC00] =	vst v8;
	v6 =	vld [tilespmem:s25+$0x3D0]  }
0x3c: {  	[tilespmem:s26+$0xFFFFFC10] =	vst v3;
	v5 =	vld [tilespmem:s25+$0x3E0]  }
.Ltmp3:
0x3d: {  	[tilespmem:s26+$0xFFFFFC20] =	vst v4;
	v3 =	vld [tilespmem:s25+$0x3F0];
	(pc) =	sbr.rel @p1 .LBB1_4-.Ltmp3, $4  }
0x3e: {  	[tilespmem:s26+$0xFFFFFC30] =	vst v7;
	v4 =	vld [tilespmem:s25+$0x400]  }
0x3f: {  	[tilespmem:s26+$0xFFFFFC40] =	vst v1;
	v1 =	vld [tilespmem:s25+$0x410]  }
0x40: {  	[tilespmem:s26+$0xFFFFFC50] =	vst v2;
	v2 =	vld [tilespmem:s25+$0x420]  }
0x41: {  	s27 =	sadd.s32 $0x80, s27;
	s29 =	sand.u32 $0x300, s28;
	v7 =	vld [tilespmem:s25+$0xFFFFFFC0];
	[tilespmem:s26+$0xFFFFFC60] =	vst v9;
	s25 =	sadd.s32 $0x80, s25  }
0x42: {  	[tilespmem:s26+$0x0] =	vst v6  }
0x43: {  	[tilespmem:s26+$0x10] =	vst v5  }
0x44: {  	v49 =	vld [tilespmem:s25+$0x430];
	[tilespmem:s26+$0x20] =	vst v3  }
0x45: {  	v50 =	vld [tilespmem:s25+$0xFFFFFFD0];
	[tilespmem:s26+$0x30] =	vst v4  }
0x46: {  	v51 =	vld [tilespmem:s25+$0xFFFFFFE0];
	[tilespmem:s26+$0x40] =	vst v1  }
0x47: {  	v52 =	vld [tilespmem:s25+$0xFFFFFFF0];
	[tilespmem:s26+$0x50] =	vst v2  }
0x48: {  	s31 =	sadd.s32 $0x800, s26;
	v53 =	vld [tilespmem:s25+$0x0];
	[tilespmem:s26+$0xFFFFFBF0] =	vst v7  }
0x49: {  	v54 =	vld [tilespmem:s25+$0x10];
	[tilespmem:s31+$0x60] =	vst v49  }
0x4a: {  	v55 =	vld [tilespmem:s25+$0x20];
	[tilespmem:s31+$0xFFFFFC00] =	vst v50  }
0x4b: {  	v56 =	vld [tilespmem:s25+$0x30];
	[tilespmem:s31+$0xFFFFFC10] =	vst v51  }
0x4c: {  	v57 =	vld [tilespmem:s25+$0x3D0];
	[tilespmem:s31+$0xFFFFFC20] =	vst v52  }
0x4d: {  	v58 =	vld [tilespmem:s25+$0x3E0];
	[tilespmem:s31+$0xFFFFFC30] =	vst v53  }
0x4e: {  	v59 =	vld [tilespmem:s25+$0x3F0];
	[tilespmem:s31+$0xFFFFFC40] =	vst v54  }
0x4f: {  	v60 =	vld [tilespmem:s25+$0x400];
	[tilespmem:s31+$0xFFFFFC50] =	vst v55  }
0x50: {  	v61 =	vld [tilespmem:s25+$0xFFFFFFC0];
	[tilespmem:s31+$0xFFFFFC60] =	vst v56  }
0x51: {  	s27 =	sand.u32 $0x80, s28;
	s30 =	sadd.s32 s29, s19;
	v62 =	vld [tilespmem:s25+$0x410];
	[tilespmem:s31+$0x0] =	vst v57  }
0x52: {  	v63 =	vld [tilespmem:s25+$0x420];
	s23 =	sadd.s32 $0x1, s23;
	s27 =	sadd.s32 s27, s30;
	[tilespmem:s31+$0x10] =	vst v58  }
0x53: {  	p1 =	sne.s32 s23, $0x8;
	v0 =	vld.idx.msk [tilespmem:v0+s27+$0x400 ss:$0x1], $0xffff;
	[tilespmem:s31+$0x20] =	vst v59  }
.Ltmp4:
0x54: {  	[tilespmem:s31+$0x30] =	vst v60;
	(pc) =	sbr.rel @p1 .LBB1_3-.Ltmp4, $4  }
0x55: {  	[tilespmem:s31+$0xFFFFFBF0] =	vst v61  }
0x56: {  	[tilespmem:s31+$0x40] =	vst v62  }
0x57: {  	s24 =	sadd.s32 $0x800, s24;
	s17 =	sadd.s32 $0x800, s17;
	[tilespmem:s31+$0x50] =	vst v63  }
0x58: {  	s22 =	sadd.s32 $0x80, s22;
	p0 =	por !p0, !p0;
	s18 =	sadd.s32 $0x80, s18;
	[tilespmem:s24+$0x0] =	vst v0  }
0x59: {  	s17 =	sshll.u32 s14, $0x8;
	s31 =	sshll.u32 s14, $0x7  }
.Ltmp5:
0x5a: {  	s17 =	sand.u32 $0xF800, s17;
	s14 =	sand.u32 $0x380, s31;
	(pc) =	sbr.rel .LBB1_7-.Ltmp5, $4  }
0x5b: {  	s15 =	sshll.u32 s15, $0x10;
	s14 =	sor.u32 s14, s17  }
0x5c: {  	s15 =	sadd.s32 s2, s15;
	s14 =	sshrl.u32 s14, $0x3  }
0x5d: {  	s14 =	sadd.s32 s14, s15  }
0x5e: {  	[hbm4b:s14+s8] =	stream.strided.scatter [tilespmem:s16], [sflag:$0x2], $0x4000, s9, s8, $0x38;
	[tilespmem:$0x10000] =	vst v63  }
.LBB1_8:
0x5f: {  	_ =	sfence.sel $0x180000  }
0x60: {  	s2 =	simm.s32 $0x1;
	[bflag:$0x0] =	sbarrier.arrive $0xFFFF  }
0x61: {  	s31 =	simm.s32 $0x2;
	[sflag:s2] =	ssyncpa.u1 $0x1  }
0x62: {  	[sflag:s31] =	ssyncpa.u1 $0x1  }
0x63: {  	p0 =	sne.s32 s1, $0x0;
	_ =	strace $0x9000004D  }
0x64: {  	s0 =	sadd.s32 @!p0 $0x100000, s0;
	[bflag:$0x2] =	sbarrier.arrive $0xFFFF  }
0x65: {  	[sflag:s0] =	ssyncadd.tile.s32 @!p0 $0x1;
	_ =	shalt  }
.Lfunc_end1:
_tile_overlayer_lowered:
.L_overlay_start_2:
0x66: {  	(tag) =	ssettag $0x2  }
0x67: {  	s0 =	rddreg [dreg:$0x0];
	s2 =	stileid.u32  }
0x68: {  	s1 =	rddreg [dreg:$0x1];
	p0 =	sne.s32 s2, $0x0  }
0x69: {  	s3 =	rddreg [dreg:$0x2];
	[bflag:$0x3] =	sbarrier.arrive $0xFFFF;
	s2 =	simm.s32 @!p0 $0x1C01  }
0x6a: {  	[timem:s3], [sflag:s2] =	dma.local @!p0 [hbm:s0], s1  }
0x6b: {  	s0 =	simm.s32 @!p0 $0x1  }
0x6c: {  	_ =	swait.ge @!p0 [sflag:s0], s1  }
0x6d: {  	s1 =	ssub.s32 @!p0 $0x0, s1;
	[sflag:s0] =	ssyncset.done @!p0 $0x0  }
0x6e: {  	[sflag:s0] =	ssyncadd.s32 @!p0 s1  }
0x6f: {  	[bflag:$0x3] =	sbarrier.arrive $0xFFFF  }
0x70: {  	_ =	shalt  }

</sc_bundles>
